<compile_context>
chip_gen: v7x
topology: tpu7x:2x2x1
jax: 0.10.2.dev20260603
libtpu: 0.0.44.dev20260713+nightly
codegen_flags: <defaults>
</compile_context>

<pallas_src>
import functools

import jax
import jax.numpy as jnp
from jax import lax
from jax.experimental import pallas as pl
from jax.experimental.pallas import tpu as pltpu
from jax.experimental.pallas import tpu_sc as plsc

_Q = 0.1
_CB = 512
_RC = 512

_TOPBIT = -2**31
_MAXI32 = 2**31 - 1


def _trim_kernel(n_ref, klo_ref, khi_ref, x_ref, o_ref, key_ref):
    b = pl.program_id(0)
    n = n_ref[b]
    klo = klo_ref[b]
    khi = khi_ref[b]

    S = x_ref.shape[1]
    CB = x_ref.shape[2]
    NCMAX = S // _RC
    nchunks = (n + (_RC - 1)) // _RC

    crow = jax.lax.broadcasted_iota(jnp.int32, (_RC, CB), 0)

    ones = jnp.ones((1, _RC), jnp.float32)
    klo_f = klo.astype(jnp.float32)
    khi_f = khi.astype(jnp.float32)
    dot = functools.partial(
        jax.lax.dot_general,
        dimension_numbers=(((1,), (0,)), ((), ())),
        preferred_element_type=jnp.float32,
    )

    def run(nc):
        for ci in range(nc):
            x = x_ref[0, pl.ds(ci * _RC, _RC), :]
            i = jax.lax.bitcast_convert_type(x, jnp.int32)
            skey = jnp.where(i < 0, i ^ _MAXI32, i)
            skey = jnp.where(crow + ci * _RC < n, skey, _MAXI32)
            key_ref[pl.ds(ci * _RC, _RC), :] = skey

        def step(t, carry):
            p_lo, p_hi = carry
            bitv = jnp.left_shift(jnp.int32(1), 31 - t)
            t_lo = (p_lo | bitv) ^ _TOPBIT
            t_hi = (p_hi | bitv) ^ _TOPBIT
            c_lo = jnp.zeros((1, CB), jnp.float32)
            c_hi = c_lo
            for ci in range(nc):
                k = key_ref[pl.ds(ci * _RC, _RC), :]
                c_lo = c_lo + dot(ones, jnp.where(k < t_lo, 1.0, 0.0))
                c_hi = c_hi + dot(ones, jnp.where(k < t_hi, 1.0, 0.0))
            p_lo = jnp.where(c_lo <= klo_f, p_lo | bitv, p_lo)
            p_hi = jnp.where(c_hi <= khi_f, p_hi | bitv, p_hi)
            return p_lo, p_hi

        zero = jnp.zeros((1, CB), jnp.int32)
        p_lo, p_hi = jax.lax.fori_loop(0, 32, step, (zero, zero))

        bits_lo = jnp.where(p_lo < 0, p_lo & _MAXI32, ~p_lo)
        bits_hi = jnp.where(p_hi < 0, p_hi & _MAXI32, ~p_hi)
        a_min = jax.lax.bitcast_convert_type(bits_lo, jnp.float32)
        a_max = jax.lax.bitcast_convert_type(bits_hi, jnp.float32)

        ssum = jnp.zeros((1, CB), jnp.float32)
        scnt = ssum
        for ci in range(nc):
            x = x_ref[0, pl.ds(ci * _RC, _RC), :]
            valid = crow + ci * _RC < n
            kept = valid & (x >= a_min) & (x <= a_max)
            ssum = ssum + jnp.sum(jnp.where(kept, x, 0.0), axis=0, keepdims=True)
            scnt = scnt + jnp.sum(jnp.where(kept, 1.0, 0.0), axis=0, keepdims=True)
        o_ref[0, 0, 0, :] = (ssum / scnt)[0]

    jax.lax.switch(nchunks - 1, [functools.partial(run, nc)
                                 for nc in range(1, NCMAX + 1)])


_DSC = 32
_SRC = 1024


def _sc_trim_kernel(x_hbm, n_hbm, klo_hbm, khi_hbm, out_hbm,
                    xc_ref, key_ref, nv_ref, klov_ref, khiv_ref, res_ref):
    cid = lax.axis_index("c")
    sid = lax.axis_index("s")
    wid = sid * 2 + cid
    ncg = _DSC // 16
    b = wid // ncg
    c0 = (wid % ncg) * 16

    pltpu.sync_copy(n_hbm, nv_ref)
    pltpu.sync_copy(klo_hbm, klov_ref)
    pltpu.sync_copy(khi_hbm, khiv_ref)

    lane = lax.iota(jnp.int32, 16)
    bmask = lane == b
    nb = jnp.max(jnp.where(bmask, nv_ref[...], 0))
    klov = jnp.broadcast_to(jnp.max(jnp.where(bmask, klov_ref[...], 0)), (16,))
    khiv = jnp.broadcast_to(jnp.max(jnp.where(bmask, khiv_ref[...], 0)), (16,))
    nbv = jnp.broadcast_to(nb, (16,))
    nc = (nb + (_SRC - 1)) // _SRC

    S = x_hbm.shape[1]
    for rc in range(S // _SRC):
        @pl.when(rc < nc)
        def _():
            pltpu.sync_copy(
                x_hbm.at[b, pl.ds(rc * _SRC, _SRC), pl.ds(c0, 16)], xc_ref)
            base = rc * _SRC

            def prep8(j, _):
                r0 = j * 8
                for u in range(8):
                    i = plsc.bitcast(xc_ref[r0 + u], jnp.int32)
                    k = jnp.where(i < 0, i ^ _MAXI32, i)
                    rv = jnp.broadcast_to(base + r0 + u, (16,))
                    k = jnp.where(rv < nbv, k, _MAXI32)
                    key_ref[base + r0 + u] = k
                return 0

            lax.fori_loop(0, _SRC // 8, prep8, 0)

    zero = jnp.zeros((16,), jnp.int32)
    npad8 = (nc * _SRC) // 8

    def step(t, carry):
        plo, phi = carry
        bitv = lax.shift_left(1, 31 - t)
        tlo = (plo | bitv) ^ _TOPBIT
        thi = (phi | bitv) ^ _TOPBIT

        def cnt8(j, acc):
            clo, chi = acc
            r0 = j * 8
            for u in range(8):
                k = key_ref[r0 + u]
                clo = clo + jnp.where(k < tlo, 1, 0)
                chi = chi + jnp.where(k < thi, 1, 0)
            return clo, chi

        clo, chi = lax.fori_loop(0, npad8, cnt8, (zero, zero))
        plo = jnp.where(clo <= klov, plo | bitv, plo)
        phi = jnp.where(chi <= khiv, phi | bitv, phi)
        return plo, phi

    plo, phi = lax.fori_loop(0, 32, step, (zero, zero))

    a_min = plsc.bitcast(jnp.where(plo < 0, plo & _MAXI32, ~plo), jnp.float32)
    a_max = plsc.bitcast(jnp.where(phi < 0, phi & _MAXI32, ~phi), jnp.float32)

    zf = jnp.zeros((16,), jnp.float32)

    def fin8(j, acc):
        ssum, scnt = acc
        r0 = j * 8
        for u in range(8):
            k = key_ref[r0 + u]
            f = plsc.bitcast(jnp.where(k < 0, k ^ _MAXI32, k), jnp.float32)
            kept = (f >= a_min) & (f <= a_max)
            ssum = ssum + jnp.where(kept, f, 0.0)
            scnt = scnt + jnp.where(kept, 1.0, 0.0)
        return ssum, scnt

    ssum, scnt = lax.fori_loop(0, npad8, fin8, (zf, zf))
    res_ref[...] = ssum / scnt
    pltpu.sync_copy(res_ref, out_hbm.at[b, 0, 0, pl.ds(c0, 16)])


def _sc_trim(outputs, n, k_lo, k_hi):
    B = outputs.shape[0]
    mesh = plsc.VectorSubcoreMesh(core_axis_name="c", subcore_axis_name="s")
    return pl.kernel(
        _sc_trim_kernel,
        mesh=mesh,
        compiler_params=pltpu.CompilerParams(
            use_tc_tiling_on_sc=False, needs_layout_passes=False),
        out_type=jax.ShapeDtypeStruct((B, 1, 1, _DSC), jnp.float32),
        scratch_types=[
            pltpu.VMEM((_SRC, 16), jnp.float32),
            pltpu.VMEM((4096, 16), jnp.int32),
            pltpu.VMEM((16,), jnp.int32),
            pltpu.VMEM((16,), jnp.int32),
            pltpu.VMEM((16,), jnp.int32),
            pltpu.VMEM((16,), jnp.float32),
        ],
    )(outputs, n, k_lo, k_hi)


def _quantile_index(nf, q):
    qv = jnp.float32(q) * (nf - 1.0)
    low = jnp.floor(qv)
    high = jnp.ceil(qv)
    hw = qv - low
    low = jnp.clip(low, 0.0, nf - 1.0)
    high = jnp.clip(high, 0.0, nf - 1.0)
    return jnp.where(hw <= 0.5, low, high).astype(jnp.int32)


@jax.jit
def kernel(outputs, lens):
    B, S, D = outputs.shape
    length = lens * S
    n = jnp.where(length != 1, jnp.floor(length).astype(jnp.int32) + 1, S)
    nf = n.astype(jnp.float32)
    k_lo = _quantile_index(nf, _Q)
    k_hi = _quantile_index(nf, 1.0 - _Q)

    grid_spec = pltpu.PrefetchScalarGridSpec(
        num_scalar_prefetch=3,
        grid=(B, D // _CB),
        in_specs=[
            pl.BlockSpec((1, S, _CB), lambda b, c, *_: (b, 0, c)),
        ],
        out_specs=pl.BlockSpec((1, 1, 1, _CB), lambda b, c, *_: (b, 0, 0, c)),
        scratch_shapes=[pltpu.VMEM((S, _CB), jnp.int32)],
    )
    out = pl.pallas_call(
        _trim_kernel,
        grid_spec=grid_spec,
        out_shape=jax.ShapeDtypeStruct((B, 1, 1, D), jnp.float32),
        compiler_params=pltpu.CompilerParams(
            dimension_semantics=("parallel", "parallel"),
        ),
    )(n, k_lo, k_hi, outputs)
    sc_out = _sc_trim(outputs, n, k_lo, k_hi)
    return jnp.concatenate([sc_out, out[:, :, :, _DSC:]], axis=-1)

# --- scband reference (transcript-rebuilt; emitter-appended) ---
"""Pipeline reference for scband-len-trim-avg-77403900608622 (READ-ONLY COPY).

The authoritative reference and input builder live on the scoring server;
editing this copy changes nothing except your own understanding.
"""

import jax, jax.numpy as jnp
import numpy as np

Q = 0.1


def _trim(x, q):
    # x: [L, d]; trimmed (winsorized-style) mean along axis 0, matching torch module's trim()
    a_max = jnp.quantile(x, 1.0 - q, axis=0, keepdims=True, method='nearest')
    a_min = jnp.quantile(x, q, axis=0, keepdims=True, method='nearest')
    n_max = (x > a_max).sum(axis=0)
    n_min = (x < a_min).sum(axis=0)
    xc = jnp.clip(x, a_min, a_max)
    x_sum = jnp.sum(xc, axis=0) - a_max * n_max - a_min * n_min
    x_mean = x_sum / (x.shape[0] - (n_max + n_min))
    return x_mean  # shape [1, d] due to keepdims broadcast


def _trim_masked(x, n, q):
    # x: [S, d]; trimmed mean over the first n rows (n traced), fixed-shape.
    S = x.shape[0]
    mask = (jnp.arange(S) < n)[:, None]
    xm = jnp.where(mask, x, jnp.nan)
    a_max = jnp.nanquantile(xm, 1.0 - q, axis=0, keepdims=True, method='nearest')
    a_min = jnp.nanquantile(xm, q, axis=0, keepdims=True, method='nearest')
    n_max = ((x > a_max) & mask).sum(axis=0)
    n_min = ((x < a_min) & mask).sum(axis=0)
    xc = jnp.clip(x, a_min, a_max)
    x_sum = jnp.sum(jnp.where(mask, xc, 0.0), axis=0) - a_max * n_max - a_min * n_min
    x_mean = x_sum / (n - (n_max + n_min))
    return x_mean  # shape [1, d] due to keepdims broadcast


def setup_inputs(seed: int = 0) -> dict:
    key = jax.random.key(seed)
    k1, k2 = jax.random.split(key)
    outputs = jax.random.normal(k1, (16, 4096, 1024), dtype=jnp.float32)
    lens = jax.random.uniform(k2, (16,), dtype=jnp.float32)
    return {"outputs": outputs, "lens": lens}


def reference(outputs, lens):
    q = Q
    B, S = outputs.shape[0], outputs.shape[1]
    mean_data = []
    for idx in range(B):
        length = lens[idx] * S
        n = jnp.where(length != 1, jnp.floor(length).astype(jnp.int32) + 1, S)
        mean_data.append(_trim_masked(outputs[idx], n, q))
    mean_data = jnp.stack(mean_data)  # [B, 1, d]
    x_mean = mean_data[:, None]       # unsqueeze(1) -> [B, 1, 1, d]
    return x_mean

if __name__ == "__main__":
    import jax
    _d = setup_inputs()
    print(jax.jit(kernel)(*tuple(_d.values())))

</pallas_src>

<mosaic_0001>
#map = affine_map<(d0, d1) -> (0, 0, 0)>
#map1 = affine_map<(d0, d1) -> (0)>
#map2 = affine_map<(d0, d1) -> (0, 0, 0, 0)>
module attributes {stable_mosaic.version = 14 : i64} {
  func.func @_sc_trim_kernel(%arg0: i32, %arg1: i32, %arg2: memref<16x4096x1024xf32, #tpu.memory_space<hbm>>, %arg3: memref<16xi32, #tpu.memory_space<hbm>>, %arg4: memref<16xi32, #tpu.memory_space<hbm>>, %arg5: memref<16xi32, #tpu.memory_space<hbm>>, %arg6: memref<16x1x1x32xf32, #tpu.memory_space<hbm>>, %arg7: memref<1024x16xf32, #tpu.memory_space<vmem>>, %arg8: memref<4096x16xi32, #tpu.memory_space<vmem>>, %arg9: memref<16xi32, #tpu.memory_space<vmem>>, %arg10: memref<16xi32, #tpu.memory_space<vmem>>, %arg11: memref<16xi32, #tpu.memory_space<vmem>>, %arg12: memref<16xf32, #tpu.memory_space<vmem>>) attributes {dimension_semantics = [#tpu.dimension_semantics<core_parallel>, #tpu.dimension_semantics<subcore_parallel>], iteration_bounds = array<i64: 2, 16>, scalar_prefetch = 0 : i64, scratch_operands = 6 : i64, tpu.core_type = #tpu.core_type<sc_vector_subcore>, window_params = [{transform_indices = #map}, {transform_indices = #map1}, {transform_indices = #map1}, {transform_indices = #map1}, {transform_indices = #map2}]} {
    %mul3A = arith.constant 2 : i32
    %mul3A_0 = arith.muli %arg1, %mul3A : i32
    %add3A = arith.addi %mul3A_0, %arg0 : i32
    %jit3A = arith.constant 2 : i32
    %div3A = arith.divsi %add3A, %jit3A : i32
    %sign3A = arith.constant 0 : i32
    %sign3A_1 = arith.cmpi sgt, %add3A, %sign3A : i32
    %sign3A_2 = arith.extui %sign3A_1 : i1 to i32
    %sign3A_3 = arith.constant 0 : i32
    %sign3A_4 = arith.cmpi slt, %add3A, %sign3A_3 : i32
    %sign3A_5 = arith.extui %sign3A_4 : i1 to i32
    %sign3A_6 = arith.subi %sign3A_2, %sign3A_5 : i32
    %sign3A_7 = arith.constant 0 : i32
    %sign3A_8 = arith.cmpi sgt, %jit3A, %sign3A_7 : i32
    %sign3A_9 = arith.extui %sign3A_8 : i1 to i32
    %sign3A_10 = arith.constant 0 : i32
    %sign3A_11 = arith.cmpi slt, %jit3A, %sign3A_10 : i32
    %sign3A_12 = arith.extui %sign3A_11 : i1 to i32
    %sign3A_13 = arith.subi %sign3A_9, %sign3A_12 : i32
    %ne3A = arith.cmpi ne, %sign3A_6, %sign3A_13 : i32
    %rem3A = arith.remsi %add3A, %jit3A : i32
    %ne3A_14 = arith.constant 0 : i32
    %ne3A_15 = arith.cmpi ne, %rem3A, %ne3A_14 : i32
    %and3A = arith.andi %ne3A, %ne3A_15 : i1
    %sub3A = arith.constant 1 : i32
    %sub3A_16 = arith.subi %div3A, %sub3A : i32
    %select_n3A = arith.select %and3A, %sub3A_16, %div3A : i32
    %jit3A_17 = arith.constant 2 : i32
    %eq3A = arith.constant 0 : i32
    %eq3A_18 = arith.cmpi eq, %jit3A_17, %eq3A : i32
    %jit3A_19 = arith.constant 1 : i32
    %select_n3A_20 = arith.select %eq3A_18, %jit3A_19, %jit3A_17 : i32
    %rem3A_21 = arith.remsi %add3A, %select_n3A_20 : i32
    %ne3A_22 = arith.constant 0 : i32
    %ne3A_23 = arith.cmpi ne, %rem3A_21, %ne3A_22 : i32
    %lt3A = arith.constant 0 : i32
    %lt3A_24 = arith.cmpi slt, %rem3A_21, %lt3A : i32
    %lt3A_25 = arith.constant 0 : i32
    %lt3A_26 = arith.cmpi slt, %select_n3A_20, %lt3A_25 : i32
    %ne3A_27 = arith.xori %lt3A_24, %lt3A_26 : i1
    %and3A_28 = arith.andi %ne3A_27, %ne3A_23 : i1
    %add3A_29 = arith.addi %rem3A_21, %select_n3A_20 : i32
    %select_n3A_30 = arith.select %and3A_28, %add3A_29, %rem3A_21 : i32
    %mul3A_31 = arith.constant 16 : i32
    %mul3A_32 = arith.muli %select_n3A_30, %mul3A_31 : i32
    "tpu.region"() ({
      %run_scoped3A_183 = tpu.sem_alloc : memref<!tpu.dma_semaphore, #tpu.memory_space<semaphore_mem>>
      tpu.enqueue_dma source(%arg3 : memref<16xi32, #tpu.memory_space<hbm>>) target(%arg9 : memref<16xi32, #tpu.memory_space<vmem>>) target_semaphore(%run_scoped3A_183 : memref<!tpu.dma_semaphore, #tpu.memory_space<semaphore_mem>>)
      tpu.wait_dma2 semaphore(%run_scoped3A_183 : memref<!tpu.dma_semaphore, #tpu.memory_space<semaphore_mem>>) src(%arg3 : memref<16xi32, #tpu.memory_space<hbm>>) dst(%arg9 : memref<16xi32, #tpu.memory_space<vmem>>)
      tpu.yield
    }) : () -> ()
    "tpu.region"() ({
      %run_scoped3A_183 = tpu.sem_alloc : memref<!tpu.dma_semaphore, #tpu.memory_space<semaphore_mem>>
      tpu.enqueue_dma source(%arg4 : memref<16xi32, #tpu.memory_space<hbm>>) target(%arg10 : memref<16xi32, #tpu.memory_space<vmem>>) target_semaphore(%run_scoped3A_183 : memref<!tpu.dma_semaphore, #tpu.memory_space<semaphore_mem>>)
      tpu.wait_dma2 semaphore(%run_scoped3A_183 : memref<!tpu.dma_semaphore, #tpu.memory_space<semaphore_mem>>) src(%arg4 : memref<16xi32, #tpu.memory_space<hbm>>) dst(%arg10 : memref<16xi32, #tpu.memory_space<vmem>>)
      tpu.yield
    }) : () -> ()
    "tpu.region"() ({
      %run_scoped3A_183 = tpu.sem_alloc : memref<!tpu.dma_semaphore, #tpu.memory_space<semaphore_mem>>
      tpu.enqueue_dma source(%arg5 : memref<16xi32, #tpu.memory_space<hbm>>) target(%arg11 : memref<16xi32, #tpu.memory_space<vmem>>) target_semaphore(%run_scoped3A_183 : memref<!tpu.dma_semaphore, #tpu.memory_space<semaphore_mem>>)
      tpu.wait_dma2 semaphore(%run_scoped3A_183 : memref<!tpu.dma_semaphore, #tpu.memory_space<semaphore_mem>>) src(%arg5 : memref<16xi32, #tpu.memory_space<hbm>>) dst(%arg11 : memref<16xi32, #tpu.memory_space<vmem>>)
      tpu.yield
    }) : () -> ()
    %iota3A = tpu.iota {dimensions = array<i32: 0>} : vector<16xi32>
    %eq3A_33 = vector.broadcast %select_n3A : i32 to vector<16xi32>
    %eq3A_34 = arith.cmpi eq, %iota3A, %eq3A_33 : vector<16xi32>
    %get3A = arith.constant 0 : index
    %get3A_35 = tpu.vector_load %arg9[%get3A] {strides = array<i32>} : memref<16xi32, #tpu.memory_space<vmem>>, vector<16xi32>,
    %jit3A_36 = arith.constant 0 : i32
    %broadcast_in_dim3A = vector.broadcast %jit3A_36 : i32 to vector<16xi32>
    %select_n3A_37 = arith.select %eq3A_34, %get3A_35, %broadcast_in_dim3A : vector<16xi1>, vector<16xi32>
    %reduce_max3A = arith.constant true
    %reduce_max3A_38 = vector.broadcast %reduce_max3A : i1 to vector<16xi1>
    %reduce_max3A_39 = arith.constant -2147483648 : i32
    %reduce_max3A_40 = vector.broadcast %reduce_max3A_39 : i32 to vector<16xi32>
    %reduce_max3A_41 = arith.xori %select_n3A_37, %reduce_max3A_40 : vector<16xi32>
    %reduce_max3A_42 = tpu.scan <max>, %reduce_max3A_41 masked %reduce_max3A_38 : vector<16xi32>, vector<16xi1> -> vector<16xi32>
    %reduce_max3A_43 = arith.xori %reduce_max3A_42, %reduce_max3A_40 : vector<16xi32>
    %reduce_max3A_44 = vector.extract %reduce_max3A_43[15] : i32 from vector<16xi32>
    %get3A_45 = arith.constant 0 : index
    %get3A_46 = tpu.vector_load %arg10[%get3A_45] {strides = array<i32>} : memref<16xi32, #tpu.memory_space<vmem>>, vector<16xi32>,
    %jit3A_47 = arith.constant 0 : i32
    %broadcast_in_dim3A_48 = vector.broadcast %jit3A_47 : i32 to vector<16xi32>
    %select_n3A_49 = arith.select %eq3A_34, %get3A_46, %broadcast_in_dim3A_48 : vector<16xi1>, vector<16xi32>
    %reduce_max3A_50 = arith.constant true
    %reduce_max3A_51 = vector.broadcast %reduce_max3A_50 : i1 to vector<16xi1>
    %reduce_max3A_52 = arith.constant -2147483648 : i32
    %reduce_max3A_53 = vector.broadcast %reduce_max3A_52 : i32 to vector<16xi32>
    %reduce_max3A_54 = arith.xori %select_n3A_49, %reduce_max3A_53 : vector<16xi32>
    %reduce_max3A_55 = tpu.scan <max>, %reduce_max3A_54 masked %reduce_max3A_51 : vector<16xi32>, vector<16xi1> -> vector<16xi32>
    %reduce_max3A_56 = arith.xori %reduce_max3A_55, %reduce_max3A_53 : vector<16xi32>
    %reduce_max3A_57 = vector.extract %reduce_max3A_56[15] : i32 from vector<16xi32>
    %broadcast_in_dim3A_58 = vector.broadcast %reduce_max3A_57 : i32 to vector<16xi32>
    %get3A_59 = arith.constant 0 : index
    %get3A_60 = tpu.vector_load %arg11[%get3A_59] {strides = array<i32>} : memref<16xi32, #tpu.memory_space<vmem>>, vector<16xi32>,
    %jit3A_61 = arith.constant 0 : i32
    %broadcast_in_dim3A_62 = vector.broadcast %jit3A_61 : i32 to vector<16xi32>
    %select_n3A_63 = arith.select %eq3A_34, %get3A_60, %broadcast_in_dim3A_62 : vector<16xi1>, vector<16xi32>
    %reduce_max3A_64 = arith.constant true
    %reduce_max3A_65 = vector.broadcast %reduce_max3A_64 : i1 to vector<16xi1>
    %reduce_max3A_66 = arith.constant -2147483648 : i32
    %reduce_max3A_67 = vector.broadcast %reduce_max3A_66 : i32 to vector<16xi32>
    %reduce_max3A_68 = arith.xori %select_n3A_63, %reduce_max3A_67 : vector<16xi32>
    %reduce_max3A_69 = tpu.scan <max>, %reduce_max3A_68 masked %reduce_max3A_65 : vector<16xi32>, vector<16xi1> -> vector<16xi32>
    %reduce_max3A_70 = arith.xori %reduce_max3A_69, %reduce_max3A_67 : vector<16xi32>
    %reduce_max3A_71 = vector.extract %reduce_max3A_70[15] : i32 from vector<16xi32>
    %broadcast_in_dim3A_72 = vector.broadcast %reduce_max3A_71 : i32 to vector<16xi32>
    %broadcast_in_dim3A_73 = vector.broadcast %reduce_max3A_44 : i32 to vector<16xi32>
    %add3A_74 = arith.constant 1023 : i32
    %add3A_75 = arith.addi %reduce_max3A_44, %add3A_74 : i32
    %jit3A_76 = arith.constant 1024 : i32
    %div3A_77 = arith.divsi %add3A_75, %jit3A_76 : i32
    %sign3A_78 = arith.constant 0 : i32
    %sign3A_79 = arith.cmpi sgt, %add3A_75, %sign3A_78 : i32
    %sign3A_80 = arith.extui %sign3A_79 : i1 to i32
    %sign3A_81 = arith.constant 0 : i32
    %sign3A_82 = arith.cmpi slt, %add3A_75, %sign3A_81 : i32
    %sign3A_83 = arith.extui %sign3A_82 : i1 to i32
    %sign3A_84 = arith.subi %sign3A_80, %sign3A_83 : i32
    %sign3A_85 = arith.constant 0 : i32
    %sign3A_86 = arith.cmpi sgt, %jit3A_76, %sign3A_85 : i32
    %sign3A_87 = arith.extui %sign3A_86 : i1 to i32
    %sign3A_88 = arith.constant 0 : i32
    %sign3A_89 = arith.cmpi slt, %jit3A_76, %sign3A_88 : i32
    %sign3A_90 = arith.extui %sign3A_89 : i1 to i32
    %sign3A_91 = arith.subi %sign3A_87, %sign3A_90 : i32
    %ne3A_92 = arith.cmpi ne, %sign3A_84, %sign3A_91 : i32
    %rem3A_93 = arith.remsi %add3A_75, %jit3A_76 : i32
    %ne3A_94 = arith.constant 0 : i32
    %ne3A_95 = arith.cmpi ne, %rem3A_93, %ne3A_94 : i32
    %and3A_96 = arith.andi %ne3A_92, %ne3A_95 : i1
    %sub3A_97 = arith.constant 1 : i32
    %sub3A_98 = arith.subi %div3A_77, %sub3A_97 : i32
    %select_n3A_99 = arith.select %and3A_96, %sub3A_98, %div3A_77 : i32
    %gt3A = arith.constant 0 : i32
    %gt3A_100 = arith.cmpi sgt, %select_n3A_99, %gt3A : i32
    %convert_element_type3A = arith.extui %gt3A_100 : i1 to i32
    %cond3A = arith.constant 0 : i32
    %cond3A_101 = arith.cmpi ne, %convert_element_type3A, %cond3A : i32
    scf.if %cond3A_101 {
      "tpu.region"() ({
        %run_scoped3A_190 = tpu.sem_alloc : memref<!tpu.dma_semaphore, #tpu.memory_space<semaphore_mem>>
        %dma_start3A = arith.constant 0 : i32
        %dma_start3A_191 = tpu.memref_slice %arg2[%select_n3A, %dma_start3A, %mul3A_32] : memref<16x4096x1024xf32, #tpu.memory_space<hbm>> -> memref<1x1024x16xf32, #tpu.memory_space<hbm>>
        %dma_start3A_192 = tpu.memref_squeeze %dma_start3A_191 : memref<1x1024x16xf32, #tpu.memory_space<hbm>> -> memref<1024x16xf32, #tpu.memory_space<hbm>>
        %dma_start3A_193 = arith.constant 0 : i32
        %dma_start3A_194 = tpu.memref_slice %arg2[%select_n3A, %dma_start3A_193, %mul3A_32] : memref<16x4096x1024xf32, #tpu.memory_space<hbm>> -> memref<1x1024x16xf32, #tpu.memory_space<hbm>>
        %dma_start3A_195 = tpu.memref_squeeze %dma_start3A_194 : memref<1x1024x16xf32, #tpu.memory_space<hbm>> -> memref<1024x16xf32, #tpu.memory_space<hbm>>
        tpu.enqueue_dma source(%dma_start3A_195 : memref<1024x16xf32, #tpu.memory_space<hbm>>) target(%arg7 : memref<1024x16xf32, #tpu.memory_space<vmem>>) target_semaphore(%run_scoped3A_190 : memref<!tpu.dma_semaphore, #tpu.memory_space<semaphore_mem>>)
        %dma_wait3A = arith.constant 0 : i32
        %dma_wait3A_196 = tpu.memref_slice %arg2[%select_n3A, %dma_wait3A, %mul3A_32] : memref<16x4096x1024xf32, #tpu.memory_space<hbm>> -> memref<1x1024x16xf32, #tpu.memory_space<hbm>>
        %dma_wait3A_197 = tpu.memref_squeeze %dma_wait3A_196 : memref<1x1024x16xf32, #tpu.memory_space<hbm>> -> memref<1024x16xf32, #tpu.memory_space<hbm>>
        %dma_wait3A_198 = arith.constant 0 : i32
        %dma_wait3A_199 = tpu.memref_slice %arg2[%select_n3A, %dma_wait3A_198, %mul3A_32] : memref<16x4096x1024xf32, #tpu.memory_space<hbm>> -> memref<1x1024x16xf32, #tpu.memory_space<hbm>>
        %dma_wait3A_200 = tpu.memref_squeeze %dma_wait3A_199 : memref<1x1024x16xf32, #tpu.memory_space<hbm>> -> memref<1024x16xf32, #tpu.memory_space<hbm>>
        tpu.wait_dma2 semaphore(%run_scoped3A_190 : memref<!tpu.dma_semaphore, #tpu.memory_space<semaphore_mem>>) src(%dma_wait3A_200 : memref<1024x16xf32, #tpu.memory_space<hbm>>) dst(%arg7 : memref<1024x16xf32, #tpu.memory_space<vmem>>)
        tpu.yield
      }) : () -> ()
      %scan3A_183 = arith.constant 0 : i32
      %scan3A_184 = arith.constant 0 : i32
      %scan3A_185 = arith.constant 128 : i32
      %scan3A_186 = arith.addi %scan3A_184, %scan3A_185 : i32
      %scan3A_187 = arith.constant 1 : i32
      %scan3A_188 = scf.for %scan3A_190 = %scan3A_184 to %scan3A_186 step %scan3A_187 iter_args(%scan3A_191 = %scan3A_183) -> (i32)  : i32 {
        %mul3A_192 = arith.constant 8 : i32
        %mul3A_193 = arith.muli %scan3A_190, %mul3A_192 : i32
        %add3A_194 = arith.constant 0 : i32
        %add3A_195 = arith.addi %mul3A_193, %add3A_194 : i32
        %get3A_196 = arith.index_cast %add3A_195 : i32 to index
        %get3A_197 = arith.constant 0 : index
        %get3A_198 = tpu.vector_load %arg7[%get3A_196, %get3A_197] {strides = array<i32>} : memref<1024x16xf32, #tpu.memory_space<vmem>>, vector<16xf32>,
        %bitcast3A_199 = vector.bitcast %get3A_198 : vector<16xf32> to vector<16xi32>
        %lt3A_200 = arith.constant 0 : i32
        %lt3A_201 = vector.broadcast %lt3A_200 : i32 to vector<16xi32>
        %lt3A_202 = arith.cmpi slt, %bitcast3A_199, %lt3A_201 : vector<16xi32>
        %xor3A = arith.constant 2147483647 : i32
        %xor3A_203 = vector.broadcast %xor3A : i32 to vector<16xi32>
        %xor3A_204 = arith.xori %bitcast3A_199, %xor3A_203 : vector<16xi32>
        %select_n3A_205 = arith.select %lt3A_202, %xor3A_204, %bitcast3A_199 : vector<16xi1>, vector<16xi32>
        %add3A_206 = arith.constant 0 : i32
        %add3A_207 = arith.addi %add3A_206, %mul3A_193 : i32
        %add3A_208 = arith.constant 0 : i32
        %add3A_209 = arith.addi %add3A_207, %add3A_208 : i32
        %broadcast_in_dim3A_210 = vector.broadcast %add3A_209 : i32 to vector<16xi32>
        %lt3A_211 = arith.cmpi slt, %broadcast_in_dim3A_210, %broadcast_in_dim3A_73 : vector<16xi32>
        %jit3A_212 = arith.constant 2147483647 : i32
        %broadcast_in_dim3A_213 = vector.broadcast %jit3A_212 : i32 to vector<16xi32>
        %select_n3A_214 = arith.select %lt3A_211, %select_n3A_205, %broadcast_in_dim3A_213 : vector<16xi1>, vector<16xi32>
        %add3A_215 = arith.constant 0 : i32
        %add3A_216 = arith.addi %add3A_215, %mul3A_193 : i32
        %add3A_217 = arith.constant 0 : i32
        %add3A_218 = arith.addi %add3A_216, %add3A_217 : i32
        %swap3A_219 = arith.index_cast %add3A_218 : i32 to index
        %swap3A_220 = arith.constant 0 : index
        %swap3A_221 = tpu.vector_load %arg8[%swap3A_219, %swap3A_220] {strides = array<i32>} : memref<4096x16xi32, #tpu.memory_space<vmem>>, vector<16xi32>,
        tpu.vector_store %arg8[%swap3A_219, %swap3A_220], %select_n3A_214 {strides = array<i32>} : memref<4096x16xi32, #tpu.memory_space<vmem>>, vector<16xi32>,
        %add3A_222 = arith.constant 1 : i32
        %add3A_223 = arith.addi %mul3A_193, %add3A_222 : i32
        %get3A_224 = arith.index_cast %add3A_223 : i32 to index
        %get3A_225 = arith.constant 0 : index
        %get3A_226 = tpu.vector_load %arg7[%get3A_224, %get3A_225] {strides = array<i32>} : memref<1024x16xf32, #tpu.memory_space<vmem>>, vector<16xf32>,
        %bitcast3A_227 = vector.bitcast %get3A_226 : vector<16xf32> to vector<16xi32>
        %lt3A_228 = arith.constant 0 : i32
        %lt3A_229 = vector.broadcast %lt3A_228 : i32 to vector<16xi32>
        %lt3A_230 = arith.cmpi slt, %bitcast3A_227, %lt3A_229 : vector<16xi32>
        %xor3A_231 = arith.constant 2147483647 : i32
        %xor3A_232 = vector.broadcast %xor3A_231 : i32 to vector<16xi32>
        %xor3A_233 = arith.xori %bitcast3A_227, %xor3A_232 : vector<16xi32>
        %select_n3A_234 = arith.select %lt3A_230, %xor3A_233, %bitcast3A_227 : vector<16xi1>, vector<16xi32>
        %add3A_235 = arith.constant 0 : i32
        %add3A_236 = arith.addi %add3A_235, %mul3A_193 : i32
        %add3A_237 = arith.constant 1 : i32
        %add3A_238 = arith.addi %add3A_236, %add3A_237 : i32
        %broadcast_in_dim3A_239 = vector.broadcast %add3A_238 : i32 to vector<16xi32>
        %lt3A_240 = arith.cmpi slt, %broadcast_in_dim3A_239, %broadcast_in_dim3A_73 : vector<16xi32>
        %jit3A_241 = arith.constant 2147483647 : i32
        %broadcast_in_dim3A_242 = vector.broadcast %jit3A_241 : i32 to vector<16xi32>
        %select_n3A_243 = arith.select %lt3A_240, %select_n3A_234, %broadcast_in_dim3A_242 : vector<16xi1>, vector<16xi32>
        %add3A_244 = arith.constant 0 : i32
        %add3A_245 = arith.addi %add3A_244, %mul3A_193 : i32
        %add3A_246 = arith.constant 1 : i32
        %add3A_247 = arith.addi %add3A_245, %add3A_246 : i32
        %swap3A_248 = arith.index_cast %add3A_247 : i32 to index
        %swap3A_249 = arith.constant 0 : index
        %swap3A_250 = tpu.vector_load %arg8[%swap3A_248, %swap3A_249] {strides = array<i32>} : memref<4096x16xi32, #tpu.memory_space<vmem>>, vector<16xi32>,
        tpu.vector_store %arg8[%swap3A_248, %swap3A_249], %select_n3A_243 {strides = array<i32>} : memref<4096x16xi32, #tpu.memory_space<vmem>>, vector<16xi32>,
        %add3A_251 = arith.constant 2 : i32
        %add3A_252 = arith.addi %mul3A_193, %add3A_251 : i32
        %get3A_253 = arith.index_cast %add3A_252 : i32 to index
        %get3A_254 = arith.constant 0 : index
        %get3A_255 = tpu.vector_load %arg7[%get3A_253, %get3A_254] {strides = array<i32>} : memref<1024x16xf32, #tpu.memory_space<vmem>>, vector<16xf32>,
        %bitcast3A_256 = vector.bitcast %get3A_255 : vector<16xf32> to vector<16xi32>
        %lt3A_257 = arith.constant 0 : i32
        %lt3A_258 = vector.broadcast %lt3A_257 : i32 to vector<16xi32>
        %lt3A_259 = arith.cmpi slt, %bitcast3A_256, %lt3A_258 : vector<16xi32>
        %xor3A_260 = arith.constant 2147483647 : i32
        %xor3A_261 = vector.broadcast %xor3A_260 : i32 to vector<16xi32>
        %xor3A_262 = arith.xori %bitcast3A_256, %xor3A_261 : vector<16xi32>
        %select_n3A_263 = arith.select %lt3A_259, %xor3A_262, %bitcast3A_256 : vector<16xi1>, vector<16xi32>
        %add3A_264 = arith.constant 0 : i32
        %add3A_265 = arith.addi %add3A_264, %mul3A_193 : i32
        %add3A_266 = arith.constant 2 : i32
        %add3A_267 = arith.addi %add3A_265, %add3A_266 : i32
        %broadcast_in_dim3A_268 = vector.broadcast %add3A_267 : i32 to vector<16xi32>
        %lt3A_269 = arith.cmpi slt, %broadcast_in_dim3A_268, %broadcast_in_dim3A_73 : vector<16xi32>
        %jit3A_270 = arith.constant 2147483647 : i32
        %broadcast_in_dim3A_271 = vector.broadcast %jit3A_270 : i32 to vector<16xi32>
        %select_n3A_272 = arith.select %lt3A_269, %select_n3A_263, %broadcast_in_dim3A_271 : vector<16xi1>, vector<16xi32>
        %add3A_273 = arith.constant 0 : i32
        %add3A_274 = arith.addi %add3A_273, %mul3A_193 : i32
        %add3A_275 = arith.constant 2 : i32
        %add3A_276 = arith.addi %add3A_274, %add3A_275 : i32
        %swap3A_277 = arith.index_cast %add3A_276 : i32 to index
        %swap3A_278 = arith.constant 0 : index
        %swap3A_279 = tpu.vector_load %arg8[%swap3A_277, %swap3A_278] {strides = array<i32>} : memref<4096x16xi32, #tpu.memory_space<vmem>>, vector<16xi32>,
        tpu.vector_store %arg8[%swap3A_277, %swap3A_278], %select_n3A_272 {strides = array<i32>} : memref<4096x16xi32, #tpu.memory_space<vmem>>, vector<16xi32>,
        %add3A_280 = arith.constant 3 : i32
        %add3A_281 = arith.addi %mul3A_193, %add3A_280 : i32
        %get3A_282 = arith.index_cast %add3A_281 : i32 to index
        %get3A_283 = arith.constant 0 : index
        %get3A_284 = tpu.vector_load %arg7[%get3A_282, %get3A_283] {strides = array<i32>} : memref<1024x16xf32, #tpu.memory_space<vmem>>, vector<16xf32>,
        %bitcast3A_285 = vector.bitcast %get3A_284 : vector<16xf32> to vector<16xi32>
        %lt3A_286 = arith.constant 0 : i32
        %lt3A_287 = vector.broadcast %lt3A_286 : i32 to vector<16xi32>
        %lt3A_288 = arith.cmpi slt, %bitcast3A_285, %lt3A_287 : vector<16xi32>
        %xor3A_289 = arith.constant 2147483647 : i32
        %xor3A_290 = vector.broadcast %xor3A_289 : i32 to vector<16xi32>
        %xor3A_291 = arith.xori %bitcast3A_285, %xor3A_290 : vector<16xi32>
        %select_n3A_292 = arith.select %lt3A_288, %xor3A_291, %bitcast3A_285 : vector<16xi1>, vector<16xi32>
        %add3A_293 = arith.constant 0 : i32
        %add3A_294 = arith.addi %add3A_293, %mul3A_193 : i32
        %add3A_295 = arith.constant 3 : i32
        %add3A_296 = arith.addi %add3A_294, %add3A_295 : i32
        %broadcast_in_dim3A_297 = vector.broadcast %add3A_296 : i32 to vector<16xi32>
        %lt3A_298 = arith.cmpi slt, %broadcast_in_dim3A_297, %broadcast_in_dim3A_73 : vector<16xi32>
        %jit3A_299 = arith.constant 2147483647 : i32
        %broadcast_in_dim3A_300 = vector.broadcast %jit3A_299 : i32 to vector<16xi32>
        %select_n3A_301 = arith.select %lt3A_298, %select_n3A_292, %broadcast_in_dim3A_300 : vector<16xi1>, vector<16xi32>
        %add3A_302 = arith.constant 0 : i32
        %add3A_303 = arith.addi %add3A_302, %mul3A_193 : i32
        %add3A_304 = arith.constant 3 : i32
        %add3A_305 = arith.addi %add3A_303, %add3A_304 : i32
        %swap3A_306 = arith.index_cast %add3A_305 : i32 to index
        %swap3A_307 = arith.constant 0 : index
        %swap3A_308 = tpu.vector_load %arg8[%swap3A_306, %swap3A_307] {strides = array<i32>} : memref<4096x16xi32, #tpu.memory_space<vmem>>, vector<16xi32>,
        tpu.vector_store %arg8[%swap3A_306, %swap3A_307], %select_n3A_301 {strides = array<i32>} : memref<4096x16xi32, #tpu.memory_space<vmem>>, vector<16xi32>,
        %add3A_309 = arith.constant 4 : i32
        %add3A_310 = arith.addi %mul3A_193, %add3A_309 : i32
        %get3A_311 = arith.index_cast %add3A_310 : i32 to index
        %get3A_312 = arith.constant 0 : index
        %get3A_313 = tpu.vector_load %arg7[%get3A_311, %get3A_312] {strides = array<i32>} : memref<1024x16xf32, #tpu.memory_space<vmem>>, vector<16xf32>,
        %bitcast3A_314 = vector.bitcast %get3A_313 : vector<16xf32> to vector<16xi32>
        %lt3A_315 = arith.constant 0 : i32
        %lt3A_316 = vector.broadcast %lt3A_315 : i32 to vector<16xi32>
        %lt3A_317 = arith.cmpi slt, %bitcast3A_314, %lt3A_316 : vector<16xi32>
        %xor3A_318 = arith.constant 2147483647 : i32
        %xor3A_319 = vector.broadcast %xor3A_318 : i32 to vector<16xi32>
        %xor3A_320 = arith.xori %bitcast3A_314, %xor3A_319 : vector<16xi32>
        %select_n3A_321 = arith.select %lt3A_317, %xor3A_320, %bitcast3A_314 : vector<16xi1>, vector<16xi32>
        %add3A_322 = arith.constant 0 : i32
        %add3A_323 = arith.addi %add3A_322, %mul3A_193 : i32
        %add3A_324 = arith.constant 4 : i32
        %add3A_325 = arith.addi %add3A_323, %add3A_324 : i32
        %broadcast_in_dim3A_326 = vector.broadcast %add3A_325 : i32 to vector<16xi32>
        %lt3A_327 = arith.cmpi slt, %broadcast_in_dim3A_326, %broadcast_in_dim3A_73 : vector<16xi32>
        %jit3A_328 = arith.constant 2147483647 : i32
        %broadcast_in_dim3A_329 = vector.broadcast %jit3A_328 : i32 to vector<16xi32>
        %select_n3A_330 = arith.select %lt3A_327, %select_n3A_321, %broadcast_in_dim3A_329 : vector<16xi1>, vector<16xi32>
        %add3A_331 = arith.constant 0 : i32
        %add3A_332 = arith.addi %add3A_331, %mul3A_193 : i32
        %add3A_333 = arith.constant 4 : i32
        %add3A_334 = arith.addi %add3A_332, %add3A_333 : i32
        %swap3A_335 = arith.index_cast %add3A_334 : i32 to index
        %swap3A_336 = arith.constant 0 : index
        %swap3A_337 = tpu.vector_load %arg8[%swap3A_335, %swap3A_336] {strides = array<i32>} : memref<4096x16xi32, #tpu.memory_space<vmem>>, vector<16xi32>,
        tpu.vector_store %arg8[%swap3A_335, %swap3A_336], %select_n3A_330 {strides = array<i32>} : memref<4096x16xi32, #tpu.memory_space<vmem>>, vector<16xi32>,
        %add3A_338 = arith.constant 5 : i32
        %add3A_339 = arith.addi %mul3A_193, %add3A_338 : i32
        %get3A_340 = arith.index_cast %add3A_339 : i32 to index
        %get3A_341 = arith.constant 0 : index
        %get3A_342 = tpu.vector_load %arg7[%get3A_340, %get3A_341] {strides = array<i32>} : memref<1024x16xf32, #tpu.memory_space<vmem>>, vector<16xf32>,
        %bitcast3A_343 = vector.bitcast %get3A_342 : vector<16xf32> to vector<16xi32>
        %lt3A_344 = arith.constant 0 : i32
        %lt3A_345 = vector.broadcast %lt3A_344 : i32 to vector<16xi32>
        %lt3A_346 = arith.cmpi slt, %bitcast3A_343, %lt3A_345 : vector<16xi32>
        %xor3A_347 = arith.constant 2147483647 : i32
        %xor3A_348 = vector.broadcast %xor3A_347 : i32 to vector<16xi32>
        %xor3A_349 = arith.xori %bitcast3A_343, %xor3A_348 : vector<16xi32>
        %select_n3A_350 = arith.select %lt3A_346, %xor3A_349, %bitcast3A_343 : vector<16xi1>, vector<16xi32>
        %add3A_351 = arith.constant 0 : i32
        %add3A_352 = arith.addi %add3A_351, %mul3A_193 : i32
        %add3A_353 = arith.constant 5 : i32
        %add3A_354 = arith.addi %add3A_352, %add3A_353 : i32
        %broadcast_in_dim3A_355 = vector.broadcast %add3A_354 : i32 to vector<16xi32>
        %lt3A_356 = arith.cmpi slt, %broadcast_in_dim3A_355, %broadcast_in_dim3A_73 : vector<16xi32>
        %jit3A_357 = arith.constant 2147483647 : i32
        %broadcast_in_dim3A_358 = vector.broadcast %jit3A_357 : i32 to vector<16xi32>
        %select_n3A_359 = arith.select %lt3A_356, %select_n3A_350, %broadcast_in_dim3A_358 : vector<16xi1>, vector<16xi32>
        %add3A_360 = arith.constant 0 : i32
        %add3A_361 = arith.addi %add3A_360, %mul3A_193 : i32
        %add3A_362 = arith.constant 5 : i32
        %add3A_363 = arith.addi %add3A_361, %add3A_362 : i32
        %swap3A_364 = arith.index_cast %add3A_363 : i32 to index
        %swap3A_365 = arith.constant 0 : index
        %swap3A_366 = tpu.vector_load %arg8[%swap3A_364, %swap3A_365] {strides = array<i32>} : memref<4096x16xi32, #tpu.memory_space<vmem>>, vector<16xi32>,
        tpu.vector_store %arg8[%swap3A_364, %swap3A_365], %select_n3A_359 {strides = array<i32>} : memref<4096x16xi32, #tpu.memory_space<vmem>>, vector<16xi32>,
        %add3A_367 = arith.constant 6 : i32
        %add3A_368 = arith.addi %mul3A_193, %add3A_367 : i32
        %get3A_369 = arith.index_cast %add3A_368 : i32 to index
        %get3A_370 = arith.constant 0 : index
        %get3A_371 = tpu.vector_load %arg7[%get3A_369, %get3A_370] {strides = array<i32>} : memref<1024x16xf32, #tpu.memory_space<vmem>>, vector<16xf32>,
        %bitcast3A_372 = vector.bitcast %get3A_371 : vector<16xf32> to vector<16xi32>
        %lt3A_373 = arith.constant 0 : i32
        %lt3A_374 = vector.broadcast %lt3A_373 : i32 to vector<16xi32>
        %lt3A_375 = arith.cmpi slt, %bitcast3A_372, %lt3A_374 : vector<16xi32>
        %xor3A_376 = arith.constant 2147483647 : i32
        %xor3A_377 = vector.broadcast %xor3A_376 : i32 to vector<16xi32>
        %xor3A_378 = arith.xori %bitcast3A_372, %xor3A_377 : vector<16xi32>
        %select_n3A_379 = arith.select %lt3A_375, %xor3A_378, %bitcast3A_372 : vector<16xi1>, vector<16xi32>
        %add3A_380 = arith.constant 0 : i32
        %add3A_381 = arith.addi %add3A_380, %mul3A_193 : i32
        %add3A_382 = arith.constant 6 : i32
        %add3A_383 = arith.addi %add3A_381, %add3A_382 : i32
        %broadcast_in_dim3A_384 = vector.broadcast %add3A_383 : i32 to vector<16xi32>
        %lt3A_385 = arith.cmpi slt, %broadcast_in_dim3A_384, %broadcast_in_dim3A_73 : vector<16xi32>
        %jit3A_386 = arith.constant 2147483647 : i32
        %broadcast_in_dim3A_387 = vector.broadcast %jit3A_386 : i32 to vector<16xi32>
        %select_n3A_388 = arith.select %lt3A_385, %select_n3A_379, %broadcast_in_dim3A_387 : vector<16xi1>, vector<16xi32>
        %add3A_389 = arith.constant 0 : i32
        %add3A_390 = arith.addi %add3A_389, %mul3A_193 : i32
        %add3A_391 = arith.constant 6 : i32
        %add3A_392 = arith.addi %add3A_390, %add3A_391 : i32
        %swap3A_393 = arith.index_cast %add3A_392 : i32 to index
        %swap3A_394 = arith.constant 0 : index
        %swap3A_395 = tpu.vector_load %arg8[%swap3A_393, %swap3A_394] {strides = array<i32>} : memref<4096x16xi32, #tpu.memory_space<vmem>>, vector<16xi32>,
        tpu.vector_store %arg8[%swap3A_393, %swap3A_394], %select_n3A_388 {strides = array<i32>} : memref<4096x16xi32, #tpu.memory_space<vmem>>, vector<16xi32>,
        %add3A_396 = arith.constant 7 : i32
        %add3A_397 = arith.addi %mul3A_193, %add3A_396 : i32
        %get3A_398 = arith.index_cast %add3A_397 : i32 to index
        %get3A_399 = arith.constant 0 : index
        %get3A_400 = tpu.vector_load %arg7[%get3A_398, %get3A_399] {strides = array<i32>} : memref<1024x16xf32, #tpu.memory_space<vmem>>, vector<16xf32>,
        %bitcast3A_401 = vector.bitcast %get3A_400 : vector<16xf32> to vector<16xi32>
        %lt3A_402 = arith.constant 0 : i32
        %lt3A_403 = vector.broadcast %lt3A_402 : i32 to vector<16xi32>
        %lt3A_404 = arith.cmpi slt, %bitcast3A_401, %lt3A_403 : vector<16xi32>
        %xor3A_405 = arith.constant 2147483647 : i32
        %xor3A_406 = vector.broadcast %xor3A_405 : i32 to vector<16xi32>
        %xor3A_407 = arith.xori %bitcast3A_401, %xor3A_406 : vector<16xi32>
        %select_n3A_408 = arith.select %lt3A_404, %xor3A_407, %bitcast3A_401 : vector<16xi1>, vector<16xi32>
        %add3A_409 = arith.constant 0 : i32
        %add3A_410 = arith.addi %add3A_409, %mul3A_193 : i32
        %add3A_411 = arith.constant 7 : i32
        %add3A_412 = arith.addi %add3A_410, %add3A_411 : i32
        %broadcast_in_dim3A_413 = vector.broadcast %add3A_412 : i32 to vector<16xi32>
        %lt3A_414 = arith.cmpi slt, %broadcast_in_dim3A_413, %broadcast_in_dim3A_73 : vector<16xi32>
        %jit3A_415 = arith.constant 2147483647 : i32
        %broadcast_in_dim3A_416 = vector.broadcast %jit3A_415 : i32 to vector<16xi32>
        %select_n3A_417 = arith.select %lt3A_414, %select_n3A_408, %broadcast_in_dim3A_416 : vector<16xi1>, vector<16xi32>
        %add3A_418 = arith.constant 0 : i32
        %add3A_419 = arith.addi %add3A_418, %mul3A_193 : i32
        %add3A_420 = arith.constant 7 : i32
        %add3A_421 = arith.addi %add3A_419, %add3A_420 : i32
        %swap3A_422 = arith.index_cast %add3A_421 : i32 to index
        %swap3A_423 = arith.constant 0 : index
        %swap3A_424 = tpu.vector_load %arg8[%swap3A_422, %swap3A_423] {strides = array<i32>} : memref<4096x16xi32, #tpu.memory_space<vmem>>, vector<16xi32>,
        tpu.vector_store %arg8[%swap3A_422, %swap3A_423], %select_n3A_417 {strides = array<i32>} : memref<4096x16xi32, #tpu.memory_space<vmem>>, vector<16xi32>,
        %scan3A_425 = arith.constant 0 : i32
        scf.yield %scan3A_425 : i32
      }
      %scan3A_189 = arith.constant 128 : i32
    } else {
    }
    %gt3A_102 = arith.constant 1 : i32
    %gt3A_103 = arith.cmpi sgt, %select_n3A_99, %gt3A_102 : i32
    %convert_element_type3A_104 = arith.extui %gt3A_103 : i1 to i32
    %cond3A_105 = arith.constant 0 : i32
    %cond3A_106 = arith.cmpi ne, %convert_element_type3A_104, %cond3A_105 : i32
    scf.if %cond3A_106 {
      "tpu.region"() ({
        %run_scoped3A_190 = tpu.sem_alloc : memref<!tpu.dma_semaphore, #tpu.memory_space<semaphore_mem>>
        %dma_start3A = arith.constant 1024 : i32
        %dma_start3A_191 = tpu.memref_slice %arg2[%select_n3A, %dma_start3A, %mul3A_32] : memref<16x4096x1024xf32, #tpu.memory_space<hbm>> -> memref<1x1024x16xf32, #tpu.memory_space<hbm>>
        %dma_start3A_192 = tpu.memref_squeeze %dma_start3A_191 : memref<1x1024x16xf32, #tpu.memory_space<hbm>> -> memref<1024x16xf32, #tpu.memory_space<hbm>>
        %dma_start3A_193 = arith.constant 1024 : i32
        %dma_start3A_194 = tpu.memref_slice %arg2[%select_n3A, %dma_start3A_193, %mul3A_32] : memref<16x4096x1024xf32, #tpu.memory_space<hbm>> -> memref<1x1024x16xf32, #tpu.memory_space<hbm>>
        %dma_start3A_195 = tpu.memref_squeeze %dma_start3A_194 : memref<1x1024x16xf32, #tpu.memory_space<hbm>> -> memref<1024x16xf32, #tpu.memory_space<hbm>>
        tpu.enqueue_dma source(%dma_start3A_195 : memref<1024x16xf32, #tpu.memory_space<hbm>>) target(%arg7 : memref<1024x16xf32, #tpu.memory_space<vmem>>) target_semaphore(%run_scoped3A_190 : memref<!tpu.dma_semaphore, #tpu.memory_space<semaphore_mem>>)
        %dma_wait3A = arith.constant 1024 : i32
        %dma_wait3A_196 = tpu.memref_slice %arg2[%select_n3A, %dma_wait3A, %mul3A_32] : memref<16x4096x1024xf32, #tpu.memory_space<hbm>> -> memref<1x1024x16xf32, #tpu.memory_space<hbm>>
        %dma_wait3A_197 = tpu.memref_squeeze %dma_wait3A_196 : memref<1x1024x16xf32, #tpu.memory_space<hbm>> -> memref<1024x16xf32, #tpu.memory_space<hbm>>
        %dma_wait3A_198 = arith.constant 1024 : i32
        %dma_wait3A_199 = tpu.memref_slice %arg2[%select_n3A, %dma_wait3A_198, %mul3A_32] : memref<16x4096x1024xf32, #tpu.memory_space<hbm>> -> memref<1x1024x16xf32, #tpu.memory_space<hbm>>
        %dma_wait3A_200 = tpu.memref_squeeze %dma_wait3A_199 : memref<1x1024x16xf32, #tpu.memory_space<hbm>> -> memref<1024x16xf32, #tpu.memory_space<hbm>>
        tpu.wait_dma2 semaphore(%run_scoped3A_190 : memref<!tpu.dma_semaphore, #tpu.memory_space<semaphore_mem>>) src(%dma_wait3A_200 : memref<1024x16xf32, #tpu.memory_space<hbm>>) dst(%arg7 : memref<1024x16xf32, #tpu.memory_space<vmem>>)
        tpu.yield
      }) : () -> ()
      %scan3A_183 = arith.constant 0 : i32
      %scan3A_184 = arith.constant 0 : i32
      %scan3A_185 = arith.constant 128 : i32
      %scan3A_186 = arith.addi %scan3A_184, %scan3A_185 : i32
      %scan3A_187 = arith.constant 1 : i32
      %scan3A_188 = scf.for %scan3A_190 = %scan3A_184 to %scan3A_186 step %scan3A_187 iter_args(%scan3A_191 = %scan3A_183) -> (i32)  : i32 {
        %mul3A_192 = arith.constant 8 : i32
        %mul3A_193 = arith.muli %scan3A_190, %mul3A_192 : i32
        %add3A_194 = arith.constant 0 : i32
        %add3A_195 = arith.addi %mul3A_193, %add3A_194 : i32
        %get3A_196 = arith.index_cast %add3A_195 : i32 to index
        %get3A_197 = arith.constant 0 : index
        %get3A_198 = tpu.vector_load %arg7[%get3A_196, %get3A_197] {strides = array<i32>} : memref<1024x16xf32, #tpu.memory_space<vmem>>, vector<16xf32>,
        %bitcast3A_199 = vector.bitcast %get3A_198 : vector<16xf32> to vector<16xi32>
        %lt3A_200 = arith.constant 0 : i32
        %lt3A_201 = vector.broadcast %lt3A_200 : i32 to vector<16xi32>
        %lt3A_202 = arith.cmpi slt, %bitcast3A_199, %lt3A_201 : vector<16xi32>
        %xor3A = arith.constant 2147483647 : i32
        %xor3A_203 = vector.broadcast %xor3A : i32 to vector<16xi32>
        %xor3A_204 = arith.xori %bitcast3A_199, %xor3A_203 : vector<16xi32>
        %select_n3A_205 = arith.select %lt3A_202, %xor3A_204, %bitcast3A_199 : vector<16xi1>, vector<16xi32>
        %add3A_206 = arith.constant 1024 : i32
        %add3A_207 = arith.addi %add3A_206, %mul3A_193 : i32
        %add3A_208 = arith.constant 0 : i32
        %add3A_209 = arith.addi %add3A_207, %add3A_208 : i32
        %broadcast_in_dim3A_210 = vector.broadcast %add3A_209 : i32 to vector<16xi32>
        %lt3A_211 = arith.cmpi slt, %broadcast_in_dim3A_210, %broadcast_in_dim3A_73 : vector<16xi32>
        %jit3A_212 = arith.constant 2147483647 : i32
        %broadcast_in_dim3A_213 = vector.broadcast %jit3A_212 : i32 to vector<16xi32>
        %select_n3A_214 = arith.select %lt3A_211, %select_n3A_205, %broadcast_in_dim3A_213 : vector<16xi1>, vector<16xi32>
        %add3A_215 = arith.constant 1024 : i32
        %add3A_216 = arith.addi %add3A_215, %mul3A_193 : i32
        %add3A_217 = arith.constant 0 : i32
        %add3A_218 = arith.addi %add3A_216, %add3A_217 : i32
        %swap3A_219 = arith.index_cast %add3A_218 : i32 to index
        %swap3A_220 = arith.constant 0 : index
        %swap3A_221 = tpu.vector_load %arg8[%swap3A_219, %swap3A_220] {strides = array<i32>} : memref<4096x16xi32, #tpu.memory_space<vmem>>, vector<16xi32>,
        tpu.vector_store %arg8[%swap3A_219, %swap3A_220], %select_n3A_214 {strides = array<i32>} : memref<4096x16xi32, #tpu.memory_space<vmem>>, vector<16xi32>,
        %add3A_222 = arith.constant 1 : i32
        %add3A_223 = arith.addi %mul3A_193, %add3A_222 : i32
        %get3A_224 = arith.index_cast %add3A_223 : i32 to index
        %get3A_225 = arith.constant 0 : index
        %get3A_226 = tpu.vector_load %arg7[%get3A_224, %get3A_225] {strides = array<i32>} : memref<1024x16xf32, #tpu.memory_space<vmem>>, vector<16xf32>,
        %bitcast3A_227 = vector.bitcast %get3A_226 : vector<16xf32> to vector<16xi32>
        %lt3A_228 = arith.constant 0 : i32
        %lt3A_229 = vector.broadcast %lt3A_228 : i32 to vector<16xi32>
        %lt3A_230 = arith.cmpi slt, %bitcast3A_227, %lt3A_229 : vector<16xi32>
        %xor3A_231 = arith.constant 2147483647 : i32
        %xor3A_232 = vector.broadcast %xor3A_231 : i32 to vector<16xi32>
        %xor3A_233 = arith.xori %bitcast3A_227, %xor3A_232 : vector<16xi32>
        %select_n3A_234 = arith.select %lt3A_230, %xor3A_233, %bitcast3A_227 : vector<16xi1>, vector<16xi32>
        %add3A_235 = arith.constant 1024 : i32
        %add3A_236 = arith.addi %add3A_235, %mul3A_193 : i32
        %add3A_237 = arith.constant 1 : i32
        %add3A_238 = arith.addi %add3A_236, %add3A_237 : i32
        %broadcast_in_dim3A_239 = vector.broadcast %add3A_238 : i32 to vector<16xi32>
        %lt3A_240 = arith.cmpi slt, %broadcast_in_dim3A_239, %broadcast_in_dim3A_73 : vector<16xi32>
        %jit3A_241 = arith.constant 2147483647 : i32
        %broadcast_in_dim3A_242 = vector.broadcast %jit3A_241 : i32 to vector<16xi32>
        %select_n3A_243 = arith.select %lt3A_240, %select_n3A_234, %broadcast_in_dim3A_242 : vector<16xi1>, vector<16xi32>
        %add3A_244 = arith.constant 1024 : i32
        %add3A_245 = arith.addi %add3A_244, %mul3A_193 : i32
        %add3A_246 = arith.constant 1 : i32
        %add3A_247 = arith.addi %add3A_245, %add3A_246 : i32
        %swap3A_248 = arith.index_cast %add3A_247 : i32 to index
        %swap3A_249 = arith.constant 0 : index
        %swap3A_250 = tpu.vector_load %arg8[%swap3A_248, %swap3A_249] {strides = array<i32>} : memref<4096x16xi32, #tpu.memory_space<vmem>>, vector<16xi32>,
        tpu.vector_store %arg8[%swap3A_248, %swap3A_249], %select_n3A_243 {strides = array<i32>} : memref<4096x16xi32, #tpu.memory_space<vmem>>, vector<16xi32>,
        %add3A_251 = arith.constant 2 : i32
        %add3A_252 = arith.addi %mul3A_193, %add3A_251 : i32
        %get3A_253 = arith.index_cast %add3A_252 : i32 to index
        %get3A_254 = arith.constant 0 : index
        %get3A_255 = tpu.vector_load %arg7[%get3A_253, %get3A_254] {strides = array<i32>} : memref<1024x16xf32, #tpu.memory_space<vmem>>, vector<16xf32>,
        %bitcast3A_256 = vector.bitcast %get3A_255 : vector<16xf32> to vector<16xi32>
        %lt3A_257 = arith.constant 0 : i32
        %lt3A_258 = vector.broadcast %lt3A_257 : i32 to vector<16xi32>
        %lt3A_259 = arith.cmpi slt, %bitcast3A_256, %lt3A_258 : vector<16xi32>
        %xor3A_260 = arith.constant 2147483647 : i32
        %xor3A_261 = vector.broadcast %xor3A_260 : i32 to vector<16xi32>
        %xor3A_262 = arith.xori %bitcast3A_256, %xor3A_261 : vector<16xi32>
        %select_n3A_263 = arith.select %lt3A_259, %xor3A_262, %bitcast3A_256 : vector<16xi1>, vector<16xi32>
        %add3A_264 = arith.constant 1024 : i32
        %add3A_265 = arith.addi %add3A_264, %mul3A_193 : i32
        %add3A_266 = arith.constant 2 : i32
        %add3A_267 = arith.addi %add3A_265, %add3A_266 : i32
        %broadcast_in_dim3A_268 = vector.broadcast %add3A_267 : i32 to vector<16xi32>
        %lt3A_269 = arith.cmpi slt, %broadcast_in_dim3A_268, %broadcast_in_dim3A_73 : vector<16xi32>
        %jit3A_270 = arith.constant 2147483647 : i32
        %broadcast_in_dim3A_271 = vector.broadcast %jit3A_270 : i32 to vector<16xi32>
        %select_n3A_272 = arith.select %lt3A_269, %select_n3A_263, %broadcast_in_dim3A_271 : vector<16xi1>, vector<16xi32>
        %add3A_273 = arith.constant 1024 : i32
        %add3A_274 = arith.addi %add3A_273, %mul3A_193 : i32
        %add3A_275 = arith.constant 2 : i32
        %add3A_276 = arith.addi %add3A_274, %add3A_275 : i32
        %swap3A_277 = arith.index_cast %add3A_276 : i32 to index
        %swap3A_278 = arith.constant 0 : index
        %swap3A_279 = tpu.vector_load %arg8[%swap3A_277, %swap3A_278] {strides = array<i32>} : memref<4096x16xi32, #tpu.memory_space<vmem>>, vector<16xi32>,
        tpu.vector_store %arg8[%swap3A_277, %swap3A_278], %select_n3A_272 {strides = array<i32>} : memref<4096x16xi32, #tpu.memory_space<vmem>>, vector<16xi32>,
        %add3A_280 = arith.constant 3 : i32
        %add3A_281 = arith.addi %mul3A_193, %add3A_280 : i32
        %get3A_282 = arith.index_cast %add3A_281 : i32 to index
        %get3A_283 = arith.constant 0 : index
        %get3A_284 = tpu.vector_load %arg7[%get3A_282, %get3A_283] {strides = array<i32>} : memref<1024x16xf32, #tpu.memory_space<vmem>>, vector<16xf32>,
        %bitcast3A_285 = vector.bitcast %get3A_284 : vector<16xf32> to vector<16xi32>
        %lt3A_286 = arith.constant 0 : i32
        %lt3A_287 = vector.broadcast %lt3A_286 : i32 to vector<16xi32>
        %lt3A_288 = arith.cmpi slt, %bitcast3A_285, %lt3A_287 : vector<16xi32>
        %xor3A_289 = arith.constant 2147483647 : i32
        %xor3A_290 = vector.broadcast %xor3A_289 : i32 to vector<16xi32>
        %xor3A_291 = arith.xori %bitcast3A_285, %xor3A_290 : vector<16xi32>
        %select_n3A_292 = arith.select %lt3A_288, %xor3A_291, %bitcast3A_285 : vector<16xi1>, vector<16xi32>
        %add3A_293 = arith.constant 1024 : i32
        %add3A_294 = arith.addi %add3A_293, %mul3A_193 : i32
        %add3A_295 = arith.constant 3 : i32
        %add3A_296 = arith.addi %add3A_294, %add3A_295 : i32
        %broadcast_in_dim3A_297 = vector.broadcast %add3A_296 : i32 to vector<16xi32>
        %lt3A_298 = arith.cmpi slt, %broadcast_in_dim3A_297, %broadcast_in_dim3A_73 : vector<16xi32>
        %jit3A_299 = arith.constant 2147483647 : i32
        %broadcast_in_dim3A_300 = vector.broadcast %jit3A_299 : i32 to vector<16xi32>
        %select_n3A_301 = arith.select %lt3A_298, %select_n3A_292, %broadcast_in_dim3A_300 : vector<16xi1>, vector<16xi32>
        %add3A_302 = arith.constant 1024 : i32
        %add3A_303 = arith.addi %add3A_302, %mul3A_193 : i32
        %add3A_304 = arith.constant 3 : i32
        %add3A_305 = arith.addi %add3A_303, %add3A_304 : i32
        %swap3A_306 = arith.index_cast %add3A_305 : i32 to index
        %swap3A_307 = arith.constant 0 : index
        %swap3A_308 = tpu.vector_load %arg8[%swap3A_306, %swap3A_307] {strides = array<i32>} : memref<4096x16xi32, #tpu.memory_space<vmem>>, vector<16xi32>,
        tpu.vector_store %arg8[%swap3A_306, %swap3A_307], %select_n3A_301 {strides = array<i32>} : memref<4096x16xi32, #tpu.memory_space<vmem>>, vector<16xi32>,
        %add3A_309 = arith.constant 4 : i32
        %add3A_310 = arith.addi %mul3A_193, %add3A_309 : i32
        %get3A_311 = arith.index_cast %add3A_310 : i32 to index
        %get3A_312 = arith.constant 0 : index
        %get3A_313 = tpu.vector_load %arg7[%get3A_311, %get3A_312] {strides = array<i32>} : memref<1024x16xf32, #tpu.memory_space<vmem>>, vector<16xf32>,
        %bitcast3A_314 = vector.bitcast %get3A_313 : vector<16xf32> to vector<16xi32>
        %lt3A_315 = arith.constant 0 : i32
        %lt3A_316 = vector.broadcast %lt3A_315 : i32 to vector<16xi32>
        %lt3A_317 = arith.cmpi slt, %bitcast3A_314, %lt3A_316 : vector<16xi32>
        %xor3A_318 = arith.constant 2147483647 : i32
        %xor3A_319 = vector.broadcast %xor3A_318 : i32 to vector<16xi32>
        %xor3A_320 = arith.xori %bitcast3A_314, %xor3A_319 : vector<16xi32>
        %select_n3A_321 = arith.select %lt3A_317, %xor3A_320, %bitcast3A_314 : vector<16xi1>, vector<16xi32>
        %add3A_322 = arith.constant 1024 : i32
        %add3A_323 = arith.addi %add3A_322, %mul3A_193 : i32
        %add3A_324 = arith.constant 4 : i32
        %add3A_325 = arith.addi %add3A_323, %add3A_324 : i32
        %broadcast_in_dim3A_326 = vector.broadcast %add3A_325 : i32 to vector<16xi32>
        %lt3A_327 = arith.cmpi slt, %broadcast_in_dim3A_326, %broadcast_in_dim3A_73 : vector<16xi32>
        %jit3A_328 = arith.constant 2147483647 : i32
        %broadcast_in_dim3A_329 = vector.broadcast %jit3A_328 : i32 to vector<16xi32>
        %select_n3A_330 = arith.select %lt3A_327, %select_n3A_321, %broadcast_in_dim3A_329 : vector<16xi1>, vector<16xi32>
        %add3A_331 = arith.constant 1024 : i32
        %add3A_332 = arith.addi %add3A_331, %mul3A_193 : i32
        %add3A_333 = arith.constant 4 : i32
        %add3A_334 = arith.addi %add3A_332, %add3A_333 : i32
        %swap3A_335 = arith.index_cast %add3A_334 : i32 to index
        %swap3A_336 = arith.constant 0 : index
        %swap3A_337 = tpu.vector_load %arg8[%swap3A_335, %swap3A_336] {strides = array<i32>} : memref<4096x16xi32, #tpu.memory_space<vmem>>, vector<16xi32>,
        tpu.vector_store %arg8[%swap3A_335, %swap3A_336], %select_n3A_330 {strides = array<i32>} : memref<4096x16xi32, #tpu.memory_space<vmem>>, vector<16xi32>,
        %add3A_338 = arith.constant 5 : i32
        %add3A_339 = arith.addi %mul3A_193, %add3A_338 : i32
        %get3A_340 = arith.index_cast %add3A_339 : i32 to index
        %get3A_341 = arith.constant 0 : index
        %get3A_342 = tpu.vector_load %arg7[%get3A_340, %get3A_341] {strides = array<i32>} : memref<1024x16xf32, #tpu.memory_space<vmem>>, vector<16xf32>,
        %bitcast3A_343 = vector.bitcast %get3A_342 : vector<16xf32> to vector<16xi32>
        %lt3A_344 = arith.constant 0 : i32
        %lt3A_345 = vector.broadcast %lt3A_344 : i32 to vector<16xi32>
        %lt3A_346 = arith.cmpi slt, %bitcast3A_343, %lt3A_345 : vector<16xi32>
        %xor3A_347 = arith.constant 2147483647 : i32
        %xor3A_348 = vector.broadcast %xor3A_347 : i32 to vector<16xi32>
        %xor3A_349 = arith.xori %bitcast3A_343, %xor3A_348 : vector<16xi32>
        %select_n3A_350 = arith.select %lt3A_346, %xor3A_349, %bitcast3A_343 : vector<16xi1>, vector<16xi32>
        %add3A_351 = arith.constant 1024 : i32
        %add3A_352 = arith.addi %add3A_351, %mul3A_193 : i32
        %add3A_353 = arith.constant 5 : i32
        %add3A_354 = arith.addi %add3A_352, %add3A_353 : i32
        %broadcast_in_dim3A_355 = vector.broadcast %add3A_354 : i32 to vector<16xi32>
        %lt3A_356 = arith.cmpi slt, %broadcast_in_dim3A_355, %broadcast_in_dim3A_73 : vector<16xi32>
        %jit3A_357 = arith.constant 2147483647 : i32
        %broadcast_in_dim3A_358 = vector.broadcast %jit3A_357 : i32 to vector<16xi32>
        %select_n3A_359 = arith.select %lt3A_356, %select_n3A_350, %broadcast_in_dim3A_358 : vector<16xi1>, vector<16xi32>
        %add3A_360 = arith.constant 1024 : i32
        %add3A_361 = arith.addi %add3A_360, %mul3A_193 : i32
        %add3A_362 = arith.constant 5 : i32
        %add3A_363 = arith.addi %add3A_361, %add3A_362 : i32
        %swap3A_364 = arith.index_cast %add3A_363 : i32 to index
        %swap3A_365 = arith.constant 0 : index
        %swap3A_366 = tpu.vector_load %arg8[%swap3A_364, %swap3A_365] {strides = array<i32>} : memref<4096x16xi32, #tpu.memory_space<vmem>>, vector<16xi32>,
        tpu.vector_store %arg8[%swap3A_364, %swap3A_365], %select_n3A_359 {strides = array<i32>} : memref<4096x16xi32, #tpu.memory_space<vmem>>, vector<16xi32>,
        %add3A_367 = arith.constant 6 : i32
        %add3A_368 = arith.addi %mul3A_193, %add3A_367 : i32
        %get3A_369 = arith.index_cast %add3A_368 : i32 to index
        %get3A_370 = arith.constant 0 : index
        %get3A_371 = tpu.vector_load %arg7[%get3A_369, %get3A_370] {strides = array<i32>} : memref<1024x16xf32, #tpu.memory_space<vmem>>, vector<16xf32>,
        %bitcast3A_372 = vector.bitcast %get3A_371 : vector<16xf32> to vector<16xi32>
        %lt3A_373 = arith.constant 0 : i32
        %lt3A_374 = vector.broadcast %lt3A_373 : i32 to vector<16xi32>
        %lt3A_375 = arith.cmpi slt, %bitcast3A_372, %lt3A_374 : vector<16xi32>
        %xor3A_376 = arith.constant 2147483647 : i32
        %xor3A_377 = vector.broadcast %xor3A_376 : i32 to vector<16xi32>
        %xor3A_378 = arith.xori %bitcast3A_372, %xor3A_377 : vector<16xi32>
        %select_n3A_379 = arith.select %lt3A_375, %xor3A_378, %bitcast3A_372 : vector<16xi1>, vector<16xi32>
        %add3A_380 = arith.constant 1024 : i32
        %add3A_381 = arith.addi %add3A_380, %mul3A_193 : i32
        %add3A_382 = arith.constant 6 : i32
        %add3A_383 = arith.addi %add3A_381, %add3A_382 : i32
        %broadcast_in_dim3A_384 = vector.broadcast %add3A_383 : i32 to vector<16xi32>
        %lt3A_385 = arith.cmpi slt, %broadcast_in_dim3A_384, %broadcast_in_dim3A_73 : vector<16xi32>
        %jit3A_386 = arith.constant 2147483647 : i32
        %broadcast_in_dim3A_387 = vector.broadcast %jit3A_386 : i32 to vector<16xi32>
        %select_n3A_388 = arith.select %lt3A_385, %select_n3A_379, %broadcast_in_dim3A_387 : vector<16xi1>, vector<16xi32>
        %add3A_389 = arith.constant 1024 : i32
        %add3A_390 = arith.addi %add3A_389, %mul3A_193 : i32
        %add3A_391 = arith.constant 6 : i32
        %add3A_392 = arith.addi %add3A_390, %add3A_391 : i32
        %swap3A_393 = arith.index_cast %add3A_392 : i32 to index
        %swap3A_394 = arith.constant 0 : index
        %swap3A_395 = tpu.vector_load %arg8[%swap3A_393, %swap3A_394] {strides = array<i32>} : memref<4096x16xi32, #tpu.memory_space<vmem>>, vector<16xi32>,
        tpu.vector_store %arg8[%swap3A_393, %swap3A_394], %select_n3A_388 {strides = array<i32>} : memref<4096x16xi32, #tpu.memory_space<vmem>>, vector<16xi32>,
        %add3A_396 = arith.constant 7 : i32
        %add3A_397 = arith.addi %mul3A_193, %add3A_396 : i32
        %get3A_398 = arith.index_cast %add3A_397 : i32 to index
        %get3A_399 = arith.constant 0 : index
        %get3A_400 = tpu.vector_load %arg7[%get3A_398, %get3A_399] {strides = array<i32>} : memref<1024x16xf32, #tpu.memory_space<vmem>>, vector<16xf32>,
        %bitcast3A_401 = vector.bitcast %get3A_400 : vector<16xf32> to vector<16xi32>
        %lt3A_402 = arith.constant 0 : i32
        %lt3A_403 = vector.broadcast %lt3A_402 : i32 to vector<16xi32>
        %lt3A_404 = arith.cmpi slt, %bitcast3A_401, %lt3A_403 : vector<16xi32>
        %xor3A_405 = arith.constant 2147483647 : i32
        %xor3A_406 = vector.broadcast %xor3A_405 : i32 to vector<16xi32>
        %xor3A_407 = arith.xori %bitcast3A_401, %xor3A_406 : vector<16xi32>
        %select_n3A_408 = arith.select %lt3A_404, %xor3A_407, %bitcast3A_401 : vector<16xi1>, vector<16xi32>
        %add3A_409 = arith.constant 1024 : i32
        %add3A_410 = arith.addi %add3A_409, %mul3A_193 : i32
        %add3A_411 = arith.constant 7 : i32
        %add3A_412 = arith.addi %add3A_410, %add3A_411 : i32
        %broadcast_in_dim3A_413 = vector.broadcast %add3A_412 : i32 to vector<16xi32>
        %lt3A_414 = arith.cmpi slt, %broadcast_in_dim3A_413, %broadcast_in_dim3A_73 : vector<16xi32>
        %jit3A_415 = arith.constant 2147483647 : i32
        %broadcast_in_dim3A_416 = vector.broadcast %jit3A_415 : i32 to vector<16xi32>
        %select_n3A_417 = arith.select %lt3A_414, %select_n3A_408, %broadcast_in_dim3A_416 : vector<16xi1>, vector<16xi32>
        %add3A_418 = arith.constant 1024 : i32
        %add3A_419 = arith.addi %add3A_418, %mul3A_193 : i32
        %add3A_420 = arith.constant 7 : i32
        %add3A_421 = arith.addi %add3A_419, %add3A_420 : i32
        %swap3A_422 = arith.index_cast %add3A_421 : i32 to index
        %swap3A_423 = arith.constant 0 : index
        %swap3A_424 = tpu.vector_load %arg8[%swap3A_422, %swap3A_423] {strides = array<i32>} : memref<4096x16xi32, #tpu.memory_space<vmem>>, vector<16xi32>,
        tpu.vector_store %arg8[%swap3A_422, %swap3A_423], %select_n3A_417 {strides = array<i32>} : memref<4096x16xi32, #tpu.memory_space<vmem>>, vector<16xi32>,
        %scan3A_425 = arith.constant 0 : i32
        scf.yield %scan3A_425 : i32
      }
      %scan3A_189 = arith.constant 128 : i32
    } else {
    }
    %gt3A_107 = arith.constant 2 : i32
    %gt3A_108 = arith.cmpi sgt, %select_n3A_99, %gt3A_107 : i32
    %convert_element_type3A_109 = arith.extui %gt3A_108 : i1 to i32
    %cond3A_110 = arith.constant 0 : i32
    %cond3A_111 = arith.cmpi ne, %convert_element_type3A_109, %cond3A_110 : i32
    scf.if %cond3A_111 {
      "tpu.region"() ({
        %run_scoped3A_190 = tpu.sem_alloc : memref<!tpu.dma_semaphore, #tpu.memory_space<semaphore_mem>>
        %dma_start3A = arith.constant 2048 : i32
        %dma_start3A_191 = tpu.memref_slice %arg2[%select_n3A, %dma_start3A, %mul3A_32] : memref<16x4096x1024xf32, #tpu.memory_space<hbm>> -> memref<1x1024x16xf32, #tpu.memory_space<hbm>>
        %dma_start3A_192 = tpu.memref_squeeze %dma_start3A_191 : memref<1x1024x16xf32, #tpu.memory_space<hbm>> -> memref<1024x16xf32, #tpu.memory_space<hbm>>
        %dma_start3A_193 = arith.constant 2048 : i32
        %dma_start3A_194 = tpu.memref_slice %arg2[%select_n3A, %dma_start3A_193, %mul3A_32] : memref<16x4096x1024xf32, #tpu.memory_space<hbm>> -> memref<1x1024x16xf32, #tpu.memory_space<hbm>>
        %dma_start3A_195 = tpu.memref_squeeze %dma_start3A_194 : memref<1x1024x16xf32, #tpu.memory_space<hbm>> -> memref<1024x16xf32, #tpu.memory_space<hbm>>
        tpu.enqueue_dma source(%dma_start3A_195 : memref<1024x16xf32, #tpu.memory_space<hbm>>) target(%arg7 : memref<1024x16xf32, #tpu.memory_space<vmem>>) target_semaphore(%run_scoped3A_190 : memref<!tpu.dma_semaphore, #tpu.memory_space<semaphore_mem>>)
        %dma_wait3A = arith.constant 2048 : i32
        %dma_wait3A_196 = tpu.memref_slice %arg2[%select_n3A, %dma_wait3A, %mul3A_32] : memref<16x4096x1024xf32, #tpu.memory_space<hbm>> -> memref<1x1024x16xf32, #tpu.memory_space<hbm>>
        %dma_wait3A_197 = tpu.memref_squeeze %dma_wait3A_196 : memref<1x1024x16xf32, #tpu.memory_space<hbm>> -> memref<1024x16xf32, #tpu.memory_space<hbm>>
        %dma_wait3A_198 = arith.constant 2048 : i32
        %dma_wait3A_199 = tpu.memref_slice %arg2[%select_n3A, %dma_wait3A_198, %mul3A_32] : memref<16x4096x1024xf32, #tpu.memory_space<hbm>> -> memref<1x1024x16xf32, #tpu.memory_space<hbm>>
        %dma_wait3A_200 = tpu.memref_squeeze %dma_wait3A_199 : memref<1x1024x16xf32, #tpu.memory_space<hbm>> -> memref<1024x16xf32, #tpu.memory_space<hbm>>
        tpu.wait_dma2 semaphore(%run_scoped3A_190 : memref<!tpu.dma_semaphore, #tpu.memory_space<semaphore_mem>>) src(%dma_wait3A_200 : memref<1024x16xf32, #tpu.memory_space<hbm>>) dst(%arg7 : memref<1024x16xf32, #tpu.memory_space<vmem>>)
        tpu.yield
      }) : () -> ()
      %scan3A_183 = arith.constant 0 : i32
      %scan3A_184 = arith.constant 0 : i32
      %scan3A_185 = arith.constant 128 : i32
      %scan3A_186 = arith.addi %scan3A_184, %scan3A_185 : i32
      %scan3A_187 = arith.constant 1 : i32
      %scan3A_188 = scf.for %scan3A_190 = %scan3A_184 to %scan3A_186 step %scan3A_187 iter_args(%scan3A_191 = %scan3A_183) -> (i32)  : i32 {
        %mul3A_192 = arith.constant 8 : i32
        %mul3A_193 = arith.muli %scan3A_190, %mul3A_192 : i32
        %add3A_194 = arith.constant 0 : i32
        %add3A_195 = arith.addi %mul3A_193, %add3A_194 : i32
        %get3A_196 = arith.index_cast %add3A_195 : i32 to index
        %get3A_197 = arith.constant 0 : index
        %get3A_198 = tpu.vector_load %arg7[%get3A_196, %get3A_197] {strides = array<i32>} : memref<1024x16xf32, #tpu.memory_space<vmem>>, vector<16xf32>,
        %bitcast3A_199 = vector.bitcast %get3A_198 : vector<16xf32> to vector<16xi32>
        %lt3A_200 = arith.constant 0 : i32
        %lt3A_201 = vector.broadcast %lt3A_200 : i32 to vector<16xi32>
        %lt3A_202 = arith.cmpi slt, %bitcast3A_199, %lt3A_201 : vector<16xi32>
        %xor3A = arith.constant 2147483647 : i32
        %xor3A_203 = vector.broadcast %xor3A : i32 to vector<16xi32>
        %xor3A_204 = arith.xori %bitcast3A_199, %xor3A_203 : vector<16xi32>
        %select_n3A_205 = arith.select %lt3A_202, %xor3A_204, %bitcast3A_199 : vector<16xi1>, vector<16xi32>
        %add3A_206 = arith.constant 2048 : i32
        %add3A_207 = arith.addi %add3A_206, %mul3A_193 : i32
        %add3A_208 = arith.constant 0 : i32
        %add3A_209 = arith.addi %add3A_207, %add3A_208 : i32
        %broadcast_in_dim3A_210 = vector.broadcast %add3A_209 : i32 to vector<16xi32>
        %lt3A_211 = arith.cmpi slt, %broadcast_in_dim3A_210, %broadcast_in_dim3A_73 : vector<16xi32>
        %jit3A_212 = arith.constant 2147483647 : i32
        %broadcast_in_dim3A_213 = vector.broadcast %jit3A_212 : i32 to vector<16xi32>
        %select_n3A_214 = arith.select %lt3A_211, %select_n3A_205, %broadcast_in_dim3A_213 : vector<16xi1>, vector<16xi32>
        %add3A_215 = arith.constant 2048 : i32
        %add3A_216 = arith.addi %add3A_215, %mul3A_193 : i32
        %add3A_217 = arith.constant 0 : i32
        %add3A_218 = arith.addi %add3A_216, %add3A_217 : i32
        %swap3A_219 = arith.index_cast %add3A_218 : i32 to index
        %swap3A_220 = arith.constant 0 : index
        %swap3A_221 = tpu.vector_load %arg8[%swap3A_219, %swap3A_220] {strides = array<i32>} : memref<4096x16xi32, #tpu.memory_space<vmem>>, vector<16xi32>,
        tpu.vector_store %arg8[%swap3A_219, %swap3A_220], %select_n3A_214 {strides = array<i32>} : memref<4096x16xi32, #tpu.memory_space<vmem>>, vector<16xi32>,
        %add3A_222 = arith.constant 1 : i32
        %add3A_223 = arith.addi %mul3A_193, %add3A_222 : i32
        %get3A_224 = arith.index_cast %add3A_223 : i32 to index
        %get3A_225 = arith.constant 0 : index
        %get3A_226 = tpu.vector_load %arg7[%get3A_224, %get3A_225] {strides = array<i32>} : memref<1024x16xf32, #tpu.memory_space<vmem>>, vector<16xf32>,
        %bitcast3A_227 = vector.bitcast %get3A_226 : vector<16xf32> to vector<16xi32>
        %lt3A_228 = arith.constant 0 : i32
        %lt3A_229 = vector.broadcast %lt3A_228 : i32 to vector<16xi32>
        %lt3A_230 = arith.cmpi slt, %bitcast3A_227, %lt3A_229 : vector<16xi32>
        %xor3A_231 = arith.constant 2147483647 : i32
        %xor3A_232 = vector.broadcast %xor3A_231 : i32 to vector<16xi32>
        %xor3A_233 = arith.xori %bitcast3A_227, %xor3A_232 : vector<16xi32>
        %select_n3A_234 = arith.select %lt3A_230, %xor3A_233, %bitcast3A_227 : vector<16xi1>, vector<16xi32>
        %add3A_235 = arith.constant 2048 : i32
        %add3A_236 = arith.addi %add3A_235, %mul3A_193 : i32
        %add3A_237 = arith.constant 1 : i32
        %add3A_238 = arith.addi %add3A_236, %add3A_237 : i32
        %broadcast_in_dim3A_239 = vector.broadcast %add3A_238 : i32 to vector<16xi32>
        %lt3A_240 = arith.cmpi slt, %broadcast_in_dim3A_239, %broadcast_in_dim3A_73 : vector<16xi32>
        %jit3A_241 = arith.constant 2147483647 : i32
        %broadcast_in_dim3A_242 = vector.broadcast %jit3A_241 : i32 to vector<16xi32>
        %select_n3A_243 = arith.select %lt3A_240, %select_n3A_234, %broadcast_in_dim3A_242 : vector<16xi1>, vector<16xi32>
        %add3A_244 = arith.constant 2048 : i32
        %add3A_245 = arith.addi %add3A_244, %mul3A_193 : i32
        %add3A_246 = arith.constant 1 : i32
        %add3A_247 = arith.addi %add3A_245, %add3A_246 : i32
        %swap3A_248 = arith.index_cast %add3A_247 : i32 to index
        %swap3A_249 = arith.constant 0 : index
        %swap3A_250 = tpu.vector_load %arg8[%swap3A_248, %swap3A_249] {strides = array<i32>} : memref<4096x16xi32, #tpu.memory_space<vmem>>, vector<16xi32>,
        tpu.vector_store %arg8[%swap3A_248, %swap3A_249], %select_n3A_243 {strides = array<i32>} : memref<4096x16xi32, #tpu.memory_space<vmem>>, vector<16xi32>,
        %add3A_251 = arith.constant 2 : i32
        %add3A_252 = arith.addi %mul3A_193, %add3A_251 : i32
        %get3A_253 = arith.index_cast %add3A_252 : i32 to index
        %get3A_254 = arith.constant 0 : index
        %get3A_255 = tpu.vector_load %arg7[%get3A_253, %get3A_254] {strides = array<i32>} : memref<1024x16xf32, #tpu.memory_space<vmem>>, vector<16xf32>,
        %bitcast3A_256 = vector.bitcast %get3A_255 : vector<16xf32> to vector<16xi32>
        %lt3A_257 = arith.constant 0 : i32
        %lt3A_258 = vector.broadcast %lt3A_257 : i32 to vector<16xi32>
        %lt3A_259 = arith.cmpi slt, %bitcast3A_256, %lt3A_258 : vector<16xi32>
        %xor3A_260 = arith.constant 2147483647 : i32
        %xor3A_261 = vector.broadcast %xor3A_260 : i32 to vector<16xi32>
        %xor3A_262 = arith.xori %bitcast3A_256, %xor3A_261 : vector<16xi32>
        %select_n3A_263 = arith.select %lt3A_259, %xor3A_262, %bitcast3A_256 : vector<16xi1>, vector<16xi32>
        %add3A_264 = arith.constant 2048 : i32
        %add3A_265 = arith.addi %add3A_264, %mul3A_193 : i32
        %add3A_266 = arith.constant 2 : i32
        %add3A_267 = arith.addi %add3A_265, %add3A_266 : i32
        %broadcast_in_dim3A_268 = vector.broadcast %add3A_267 : i32 to vector<16xi32>
        %lt3A_269 = arith.cmpi slt, %broadcast_in_dim3A_268, %broadcast_in_dim3A_73 : vector<16xi32>
        %jit3A_270 = arith.constant 2147483647 : i32
        %broadcast_in_dim3A_271 = vector.broadcast %jit3A_270 : i32 to vector<16xi32>
        %select_n3A_272 = arith.select %lt3A_269, %select_n3A_263, %broadcast_in_dim3A_271 : vector<16xi1>, vector<16xi32>
        %add3A_273 = arith.constant 2048 : i32
        %add3A_274 = arith.addi %add3A_273, %mul3A_193 : i32
        %add3A_275 = arith.constant 2 : i32
        %add3A_276 = arith.addi %add3A_274, %add3A_275 : i32
        %swap3A_277 = arith.index_cast %add3A_276 : i32 to index
        %swap3A_278 = arith.constant 0 : index
        %swap3A_279 = tpu.vector_load %arg8[%swap3A_277, %swap3A_278] {strides = array<i32>} : memref<4096x16xi32, #tpu.memory_space<vmem>>, vector<16xi32>,
        tpu.vector_store %arg8[%swap3A_277, %swap3A_278], %select_n3A_272 {strides = array<i32>} : memref<4096x16xi32, #tpu.memory_space<vmem>>, vector<16xi32>,
        %add3A_280 = arith.constant 3 : i32
        %add3A_281 = arith.addi %mul3A_193, %add3A_280 : i32
        %get3A_282 = arith.index_cast %add3A_281 : i32 to index
        %get3A_283 = arith.constant 0 : index
        %get3A_284 = tpu.vector_load %arg7[%get3A_282, %get3A_283] {strides = array<i32>} : memref<1024x16xf32, #tpu.memory_space<vmem>>, vector<16xf32>,
        %bitcast3A_285 = vector.bitcast %get3A_284 : vector<16xf32> to vector<16xi32>
        %lt3A_286 = arith.constant 0 : i32
        %lt3A_287 = vector.broadcast %lt3A_286 : i32 to vector<16xi32>
        %lt3A_288 = arith.cmpi slt, %bitcast3A_285, %lt3A_287 : vector<16xi32>
        %xor3A_289 = arith.constant 2147483647 : i32
        %xor3A_290 = vector.broadcast %xor3A_289 : i32 to vector<16xi32>
        %xor3A_291 = arith.xori %bitcast3A_285, %xor3A_290 : vector<16xi32>
        %select_n3A_292 = arith.select %lt3A_288, %xor3A_291, %bitcast3A_285 : vector<16xi1>, vector<16xi32>
        %add3A_293 = arith.constant 2048 : i32
        %add3A_294 = arith.addi %add3A_293, %mul3A_193 : i32
        %add3A_295 = arith.constant 3 : i32
        %add3A_296 = arith.addi %add3A_294, %add3A_295 : i32
        %broadcast_in_dim3A_297 = vector.broadcast %add3A_296 : i32 to vector<16xi32>
        %lt3A_298 = arith.cmpi slt, %broadcast_in_dim3A_297, %broadcast_in_dim3A_73 : vector<16xi32>
        %jit3A_299 = arith.constant 2147483647 : i32
        %broadcast_in_dim3A_300 = vector.broadcast %jit3A_299 : i32 to vector<16xi32>
        %select_n3A_301 = arith.select %lt3A_298, %select_n3A_292, %broadcast_in_dim3A_300 : vector<16xi1>, vector<16xi32>
        %add3A_302 = arith.constant 2048 : i32
        %add3A_303 = arith.addi %add3A_302, %mul3A_193 : i32
        %add3A_304 = arith.constant 3 : i32
        %add3A_305 = arith.addi %add3A_303, %add3A_304 : i32
        %swap3A_306 = arith.index_cast %add3A_305 : i32 to index
        %swap3A_307 = arith.constant 0 : index
        %swap3A_308 = tpu.vector_load %arg8[%swap3A_306, %swap3A_307] {strides = array<i32>} : memref<4096x16xi32, #tpu.memory_space<vmem>>, vector<16xi32>,
        tpu.vector_store %arg8[%swap3A_306, %swap3A_307], %select_n3A_301 {strides = array<i32>} : memref<4096x16xi32, #tpu.memory_space<vmem>>, vector<16xi32>,
        %add3A_309 = arith.constant 4 : i32
        %add3A_310 = arith.addi %mul3A_193, %add3A_309 : i32
        %get3A_311 = arith.index_cast %add3A_310 : i32 to index
        %get3A_312 = arith.constant 0 : index
        %get3A_313 = tpu.vector_load %arg7[%get3A_311, %get3A_312] {strides = array<i32>} : memref<1024x16xf32, #tpu.memory_space<vmem>>, vector<16xf32>,
        %bitcast3A_314 = vector.bitcast %get3A_313 : vector<16xf32> to vector<16xi32>
        %lt3A_315 = arith.constant 0 : i32
        %lt3A_316 = vector.broadcast %lt3A_315 : i32 to vector<16xi32>
        %lt3A_317 = arith.cmpi slt, %bitcast3A_314, %lt3A_316 : vector<16xi32>
        %xor3A_318 = arith.constant 2147483647 : i32
        %xor3A_319 = vector.broadcast %xor3A_318 : i32 to vector<16xi32>
        %xor3A_320 = arith.xori %bitcast3A_314, %xor3A_319 : vector<16xi32>
        %select_n3A_321 = arith.select %lt3A_317, %xor3A_320, %bitcast3A_314 : vector<16xi1>, vector<16xi32>
        %add3A_322 = arith.constant 2048 : i32
        %add3A_323 = arith.addi %add3A_322, %mul3A_193 : i32
        %add3A_324 = arith.constant 4 : i32
        %add3A_325 = arith.addi %add3A_323, %add3A_324 : i32
        %broadcast_in_dim3A_326 = vector.broadcast %add3A_325 : i32 to vector<16xi32>
        %lt3A_327 = arith.cmpi slt, %broadcast_in_dim3A_326, %broadcast_in_dim3A_73 : vector<16xi32>
        %jit3A_328 = arith.constant 2147483647 : i32
        %broadcast_in_dim3A_329 = vector.broadcast %jit3A_328 : i32 to vector<16xi32>
        %select_n3A_330 = arith.select %lt3A_327, %select_n3A_321, %broadcast_in_dim3A_329 : vector<16xi1>, vector<16xi32>
        %add3A_331 = arith.constant 2048 : i32
        %add3A_332 = arith.addi %add3A_331, %mul3A_193 : i32
        %add3A_333 = arith.constant 4 : i32
        %add3A_334 = arith.addi %add3A_332, %add3A_333 : i32
        %swap3A_335 = arith.index_cast %add3A_334 : i32 to index
        %swap3A_336 = arith.constant 0 : index
        %swap3A_337 = tpu.vector_load %arg8[%swap3A_335, %swap3A_336] {strides = array<i32>} : memref<4096x16xi32, #tpu.memory_space<vmem>>, vector<16xi32>,
        tpu.vector_store %arg8[%swap3A_335, %swap3A_336], %select_n3A_330 {strides = array<i32>} : memref<4096x16xi32, #tpu.memory_space<vmem>>, vector<16xi32>,
        %add3A_338 = arith.constant 5 : i32
        %add3A_339 = arith.addi %mul3A_193, %add3A_338 : i32
        %get3A_340 = arith.index_cast %add3A_339 : i32 to index
        %get3A_341 = arith.constant 0 : index
        %get3A_342 = tpu.vector_load %arg7[%get3A_340, %get3A_341] {strides = array<i32>} : memref<1024x16xf32, #tpu.memory_space<vmem>>, vector<16xf32>,
        %bitcast3A_343 = vector.bitcast %get3A_342 : vector<16xf32> to vector<16xi32>
        %lt3A_344 = arith.constant 0 : i32
        %lt3A_345 = vector.broadcast %lt3A_344 : i32 to vector<16xi32>
        %lt3A_346 = arith.cmpi slt, %bitcast3A_343, %lt3A_345 : vector<16xi32>
        %xor3A_347 = arith.constant 2147483647 : i32
        %xor3A_348 = vector.broadcast %xor3A_347 : i32 to vector<16xi32>
        %xor3A_349 = arith.xori %bitcast3A_343, %xor3A_348 : vector<16xi32>
        %select_n3A_350 = arith.select %lt3A_346, %xor3A_349, %bitcast3A_343 : vector<16xi1>, vector<16xi32>
        %add3A_351 = arith.constant 2048 : i32
        %add3A_352 = arith.addi %add3A_351, %mul3A_193 : i32
        %add3A_353 = arith.constant 5 : i32
        %add3A_354 = arith.addi %add3A_352, %add3A_353 : i32
        %broadcast_in_dim3A_355 = vector.broadcast %add3A_354 : i32 to vector<16xi32>
        %lt3A_356 = arith.cmpi slt, %broadcast_in_dim3A_355, %broadcast_in_dim3A_73 : vector<16xi32>
        %jit3A_357 = arith.constant 2147483647 : i32
        %broadcast_in_dim3A_358 = vector.broadcast %jit3A_357 : i32 to vector<16xi32>
        %select_n3A_359 = arith.select %lt3A_356, %select_n3A_350, %broadcast_in_dim3A_358 : vector<16xi1>, vector<16xi32>
        %add3A_360 = arith.constant 2048 : i32
        %add3A_361 = arith.addi %add3A_360, %mul3A_193 : i32
        %add3A_362 = arith.constant 5 : i32
        %add3A_363 = arith.addi %add3A_361, %add3A_362 : i32
        %swap3A_364 = arith.index_cast %add3A_363 : i32 to index
        %swap3A_365 = arith.constant 0 : index
        %swap3A_366 = tpu.vector_load %arg8[%swap3A_364, %swap3A_365] {strides = array<i32>} : memref<4096x16xi32, #tpu.memory_space<vmem>>, vector<16xi32>,
        tpu.vector_store %arg8[%swap3A_364, %swap3A_365], %select_n3A_359 {strides = array<i32>} : memref<4096x16xi32, #tpu.memory_space<vmem>>, vector<16xi32>,
        %add3A_367 = arith.constant 6 : i32
        %add3A_368 = arith.addi %mul3A_193, %add3A_367 : i32
        %get3A_369 = arith.index_cast %add3A_368 : i32 to index
        %get3A_370 = arith.constant 0 : index
        %get3A_371 = tpu.vector_load %arg7[%get3A_369, %get3A_370] {strides = array<i32>} : memref<1024x16xf32, #tpu.memory_space<vmem>>, vector<16xf32>,
        %bitcast3A_372 = vector.bitcast %get3A_371 : vector<16xf32> to vector<16xi32>
        %lt3A_373 = arith.constant 0 : i32
        %lt3A_374 = vector.broadcast %lt3A_373 : i32 to vector<16xi32>
        %lt3A_375 = arith.cmpi slt, %bitcast3A_372, %lt3A_374 : vector<16xi32>
        %xor3A_376 = arith.constant 2147483647 : i32
        %xor3A_377 = vector.broadcast %xor3A_376 : i32 to vector<16xi32>
        %xor3A_378 = arith.xori %bitcast3A_372, %xor3A_377 : vector<16xi32>
        %select_n3A_379 = arith.select %lt3A_375, %xor3A_378, %bitcast3A_372 : vector<16xi1>, vector<16xi32>
        %add3A_380 = arith.constant 2048 : i32
        %add3A_381 = arith.addi %add3A_380, %mul3A_193 : i32
        %add3A_382 = arith.constant 6 : i32
        %add3A_383 = arith.addi %add3A_381, %add3A_382 : i32
        %broadcast_in_dim3A_384 = vector.broadcast %add3A_383 : i32 to vector<16xi32>
        %lt3A_385 = arith.cmpi slt, %broadcast_in_dim3A_384, %broadcast_in_dim3A_73 : vector<16xi32>
        %jit3A_386 = arith.constant 2147483647 : i32
        %broadcast_in_dim3A_387 = vector.broadcast %jit3A_386 : i32 to vector<16xi32>
        %select_n3A_388 = arith.select %lt3A_385, %select_n3A_379, %broadcast_in_dim3A_387 : vector<16xi1>, vector<16xi32>
        %add3A_389 = arith.constant 2048 : i32
        %add3A_390 = arith.addi %add3A_389, %mul3A_193 : i32
        %add3A_391 = arith.constant 6 : i32
        %add3A_392 = arith.addi %add3A_390, %add3A_391 : i32
        %swap3A_393 = arith.index_cast %add3A_392 : i32 to index
        %swap3A_394 = arith.constant 0 : index
        %swap3A_395 = tpu.vector_load %arg8[%swap3A_393, %swap3A_394] {strides = array<i32>} : memref<4096x16xi32, #tpu.memory_space<vmem>>, vector<16xi32>,
        tpu.vector_store %arg8[%swap3A_393, %swap3A_394], %select_n3A_388 {strides = array<i32>} : memref<4096x16xi32, #tpu.memory_space<vmem>>, vector<16xi32>,
        %add3A_396 = arith.constant 7 : i32
        %add3A_397 = arith.addi %mul3A_193, %add3A_396 : i32
        %get3A_398 = arith.index_cast %add3A_397 : i32 to index
        %get3A_399 = arith.constant 0 : index
        %get3A_400 = tpu.vector_load %arg7[%get3A_398, %get3A_399] {strides = array<i32>} : memref<1024x16xf32, #tpu.memory_space<vmem>>, vector<16xf32>,
        %bitcast3A_401 = vector.bitcast %get3A_400 : vector<16xf32> to vector<16xi32>
        %lt3A_402 = arith.constant 0 : i32
        %lt3A_403 = vector.broadcast %lt3A_402 : i32 to vector<16xi32>
        %lt3A_404 = arith.cmpi slt, %bitcast3A_401, %lt3A_403 : vector<16xi32>
        %xor3A_405 = arith.constant 2147483647 : i32
        %xor3A_406 = vector.broadcast %xor3A_405 : i32 to vector<16xi32>
        %xor3A_407 = arith.xori %bitcast3A_401, %xor3A_406 : vector<16xi32>
        %select_n3A_408 = arith.select %lt3A_404, %xor3A_407, %bitcast3A_401 : vector<16xi1>, vector<16xi32>
        %add3A_409 = arith.constant 2048 : i32
        %add3A_410 = arith.addi %add3A_409, %mul3A_193 : i32
        %add3A_411 = arith.constant 7 : i32
        %add3A_412 = arith.addi %add3A_410, %add3A_411 : i32
        %broadcast_in_dim3A_413 = vector.broadcast %add3A_412 : i32 to vector<16xi32>
        %lt3A_414 = arith.cmpi slt, %broadcast_in_dim3A_413, %broadcast_in_dim3A_73 : vector<16xi32>
        %jit3A_415 = arith.constant 2147483647 : i32
        %broadcast_in_dim3A_416 = vector.broadcast %jit3A_415 : i32 to vector<16xi32>
        %select_n3A_417 = arith.select %lt3A_414, %select_n3A_408, %broadcast_in_dim3A_416 : vector<16xi1>, vector<16xi32>
        %add3A_418 = arith.constant 2048 : i32
        %add3A_419 = arith.addi %add3A_418, %mul3A_193 : i32
        %add3A_420 = arith.constant 7 : i32
        %add3A_421 = arith.addi %add3A_419, %add3A_420 : i32
        %swap3A_422 = arith.index_cast %add3A_421 : i32 to index
        %swap3A_423 = arith.constant 0 : index
        %swap3A_424 = tpu.vector_load %arg8[%swap3A_422, %swap3A_423] {strides = array<i32>} : memref<4096x16xi32, #tpu.memory_space<vmem>>, vector<16xi32>,
        tpu.vector_store %arg8[%swap3A_422, %swap3A_423], %select_n3A_417 {strides = array<i32>} : memref<4096x16xi32, #tpu.memory_space<vmem>>, vector<16xi32>,
        %scan3A_425 = arith.constant 0 : i32
        scf.yield %scan3A_425 : i32
      }
      %scan3A_189 = arith.constant 128 : i32
    } else {
    }
    %gt3A_112 = arith.constant 3 : i32
    %gt3A_113 = arith.cmpi sgt, %select_n3A_99, %gt3A_112 : i32
    %convert_element_type3A_114 = arith.extui %gt3A_113 : i1 to i32
    %cond3A_115 = arith.constant 0 : i32
    %cond3A_116 = arith.cmpi ne, %convert_element_type3A_114, %cond3A_115 : i32
    scf.if %cond3A_116 {
      "tpu.region"() ({
        %run_scoped3A_190 = tpu.sem_alloc : memref<!tpu.dma_semaphore, #tpu.memory_space<semaphore_mem>>
        %dma_start3A = arith.constant 3072 : i32
        %dma_start3A_191 = tpu.memref_slice %arg2[%select_n3A, %dma_start3A, %mul3A_32] : memref<16x4096x1024xf32, #tpu.memory_space<hbm>> -> memref<1x1024x16xf32, #tpu.memory_space<hbm>>
        %dma_start3A_192 = tpu.memref_squeeze %dma_start3A_191 : memref<1x1024x16xf32, #tpu.memory_space<hbm>> -> memref<1024x16xf32, #tpu.memory_space<hbm>>
        %dma_start3A_193 = arith.constant 3072 : i32
        %dma_start3A_194 = tpu.memref_slice %arg2[%select_n3A, %dma_start3A_193, %mul3A_32] : memref<16x4096x1024xf32, #tpu.memory_space<hbm>> -> memref<1x1024x16xf32, #tpu.memory_space<hbm>>
        %dma_start3A_195 = tpu.memref_squeeze %dma_start3A_194 : memref<1x1024x16xf32, #tpu.memory_space<hbm>> -> memref<1024x16xf32, #tpu.memory_space<hbm>>
        tpu.enqueue_dma source(%dma_start3A_195 : memref<1024x16xf32, #tpu.memory_space<hbm>>) target(%arg7 : memref<1024x16xf32, #tpu.memory_space<vmem>>) target_semaphore(%run_scoped3A_190 : memref<!tpu.dma_semaphore, #tpu.memory_space<semaphore_mem>>)
        %dma_wait3A = arith.constant 3072 : i32
        %dma_wait3A_196 = tpu.memref_slice %arg2[%select_n3A, %dma_wait3A, %mul3A_32] : memref<16x4096x1024xf32, #tpu.memory_space<hbm>> -> memref<1x1024x16xf32, #tpu.memory_space<hbm>>
        %dma_wait3A_197 = tpu.memref_squeeze %dma_wait3A_196 : memref<1x1024x16xf32, #tpu.memory_space<hbm>> -> memref<1024x16xf32, #tpu.memory_space<hbm>>
        %dma_wait3A_198 = arith.constant 3072 : i32
        %dma_wait3A_199 = tpu.memref_slice %arg2[%select_n3A, %dma_wait3A_198, %mul3A_32] : memref<16x4096x1024xf32, #tpu.memory_space<hbm>> -> memref<1x1024x16xf32, #tpu.memory_space<hbm>>
        %dma_wait3A_200 = tpu.memref_squeeze %dma_wait3A_199 : memref<1x1024x16xf32, #tpu.memory_space<hbm>> -> memref<1024x16xf32, #tpu.memory_space<hbm>>
        tpu.wait_dma2 semaphore(%run_scoped3A_190 : memref<!tpu.dma_semaphore, #tpu.memory_space<semaphore_mem>>) src(%dma_wait3A_200 : memref<1024x16xf32, #tpu.memory_space<hbm>>) dst(%arg7 : memref<1024x16xf32, #tpu.memory_space<vmem>>)
        tpu.yield
      }) : () -> ()
      %scan3A_183 = arith.constant 0 : i32
      %scan3A_184 = arith.constant 0 : i32
      %scan3A_185 = arith.constant 128 : i32
      %scan3A_186 = arith.addi %scan3A_184, %scan3A_185 : i32
      %scan3A_187 = arith.constant 1 : i32
      %scan3A_188 = scf.for %scan3A_190 = %scan3A_184 to %scan3A_186 step %scan3A_187 iter_args(%scan3A_191 = %scan3A_183) -> (i32)  : i32 {
        %mul3A_192 = arith.constant 8 : i32
        %mul3A_193 = arith.muli %scan3A_190, %mul3A_192 : i32
        %add3A_194 = arith.constant 0 : i32
        %add3A_195 = arith.addi %mul3A_193, %add3A_194 : i32
        %get3A_196 = arith.index_cast %add3A_195 : i32 to index
        %get3A_197 = arith.constant 0 : index
        %get3A_198 = tpu.vector_load %arg7[%get3A_196, %get3A_197] {strides = array<i32>} : memref<1024x16xf32, #tpu.memory_space<vmem>>, vector<16xf32>,
        %bitcast3A_199 = vector.bitcast %get3A_198 : vector<16xf32> to vector<16xi32>
        %lt3A_200 = arith.constant 0 : i32
        %lt3A_201 = vector.broadcast %lt3A_200 : i32 to vector<16xi32>
        %lt3A_202 = arith.cmpi slt, %bitcast3A_199, %lt3A_201 : vector<16xi32>
        %xor3A = arith.constant 2147483647 : i32
        %xor3A_203 = vector.broadcast %xor3A : i32 to vector<16xi32>
        %xor3A_204 = arith.xori %bitcast3A_199, %xor3A_203 : vector<16xi32>
        %select_n3A_205 = arith.select %lt3A_202, %xor3A_204, %bitcast3A_199 : vector<16xi1>, vector<16xi32>
        %add3A_206 = arith.constant 3072 : i32
        %add3A_207 = arith.addi %add3A_206, %mul3A_193 : i32
        %add3A_208 = arith.constant 0 : i32
        %add3A_209 = arith.addi %add3A_207, %add3A_208 : i32
        %broadcast_in_dim3A_210 = vector.broadcast %add3A_209 : i32 to vector<16xi32>
        %lt3A_211 = arith.cmpi slt, %broadcast_in_dim3A_210, %broadcast_in_dim3A_73 : vector<16xi32>
        %jit3A_212 = arith.constant 2147483647 : i32
        %broadcast_in_dim3A_213 = vector.broadcast %jit3A_212 : i32 to vector<16xi32>
        %select_n3A_214 = arith.select %lt3A_211, %select_n3A_205, %broadcast_in_dim3A_213 : vector<16xi1>, vector<16xi32>
        %add3A_215 = arith.constant 3072 : i32
        %add3A_216 = arith.addi %add3A_215, %mul3A_193 : i32
        %add3A_217 = arith.constant 0 : i32
        %add3A_218 = arith.addi %add3A_216, %add3A_217 : i32
        %swap3A_219 = arith.index_cast %add3A_218 : i32 to index
        %swap3A_220 = arith.constant 0 : index
        %swap3A_221 = tpu.vector_load %arg8[%swap3A_219, %swap3A_220] {strides = array<i32>} : memref<4096x16xi32, #tpu.memory_space<vmem>>, vector<16xi32>,
        tpu.vector_store %arg8[%swap3A_219, %swap3A_220], %select_n3A_214 {strides = array<i32>} : memref<4096x16xi32, #tpu.memory_space<vmem>>, vector<16xi32>,
        %add3A_222 = arith.constant 1 : i32
        %add3A_223 = arith.addi %mul3A_193, %add3A_222 : i32
        %get3A_224 = arith.index_cast %add3A_223 : i32 to index
        %get3A_225 = arith.constant 0 : index
        %get3A_226 = tpu.vector_load %arg7[%get3A_224, %get3A_225] {strides = array<i32>} : memref<1024x16xf32, #tpu.memory_space<vmem>>, vector<16xf32>,
        %bitcast3A_227 = vector.bitcast %get3A_226 : vector<16xf32> to vector<16xi32>
        %lt3A_228 = arith.constant 0 : i32
        %lt3A_229 = vector.broadcast %lt3A_228 : i32 to vector<16xi32>
        %lt3A_230 = arith.cmpi slt, %bitcast3A_227, %lt3A_229 : vector<16xi32>
        %xor3A_231 = arith.constant 2147483647 : i32
        %xor3A_232 = vector.broadcast %xor3A_231 : i32 to vector<16xi32>
        %xor3A_233 = arith.xori %bitcast3A_227, %xor3A_232 : vector<16xi32>
        %select_n3A_234 = arith.select %lt3A_230, %xor3A_233, %bitcast3A_227 : vector<16xi1>, vector<16xi32>
        %add3A_235 = arith.constant 3072 : i32
        %add3A_236 = arith.addi %add3A_235, %mul3A_193 : i32
        %add3A_237 = arith.constant 1 : i32
        %add3A_238 = arith.addi %add3A_236, %add3A_237 : i32
        %broadcast_in_dim3A_239 = vector.broadcast %add3A_238 : i32 to vector<16xi32>
        %lt3A_240 = arith.cmpi slt, %broadcast_in_dim3A_239, %broadcast_in_dim3A_73 : vector<16xi32>
        %jit3A_241 = arith.constant 2147483647 : i32
        %broadcast_in_dim3A_242 = vector.broadcast %jit3A_241 : i32 to vector<16xi32>
        %select_n3A_243 = arith.select %lt3A_240, %select_n3A_234, %broadcast_in_dim3A_242 : vector<16xi1>, vector<16xi32>
        %add3A_244 = arith.constant 3072 : i32
        %add3A_245 = arith.addi %add3A_244, %mul3A_193 : i32
        %add3A_246 = arith.constant 1 : i32
        %add3A_247 = arith.addi %add3A_245, %add3A_246 : i32
        %swap3A_248 = arith.index_cast %add3A_247 : i32 to index
        %swap3A_249 = arith.constant 0 : index
        %swap3A_250 = tpu.vector_load %arg8[%swap3A_248, %swap3A_249] {strides = array<i32>} : memref<4096x16xi32, #tpu.memory_space<vmem>>, vector<16xi32>,
        tpu.vector_store %arg8[%swap3A_248, %swap3A_249], %select_n3A_243 {strides = array<i32>} : memref<4096x16xi32, #tpu.memory_space<vmem>>, vector<16xi32>,
        %add3A_251 = arith.constant 2 : i32
        %add3A_252 = arith.addi %mul3A_193, %add3A_251 : i32
        %get3A_253 = arith.index_cast %add3A_252 : i32 to index
        %get3A_254 = arith.constant 0 : index
        %get3A_255 = tpu.vector_load %arg7[%get3A_253, %get3A_254] {strides = array<i32>} : memref<1024x16xf32, #tpu.memory_space<vmem>>, vector<16xf32>,
        %bitcast3A_256 = vector.bitcast %get3A_255 : vector<16xf32> to vector<16xi32>
        %lt3A_257 = arith.constant 0 : i32
        %lt3A_258 = vector.broadcast %lt3A_257 : i32 to vector<16xi32>
        %lt3A_259 = arith.cmpi slt, %bitcast3A_256, %lt3A_258 : vector<16xi32>
        %xor3A_260 = arith.constant 2147483647 : i32
        %xor3A_261 = vector.broadcast %xor3A_260 : i32 to vector<16xi32>
        %xor3A_262 = arith.xori %bitcast3A_256, %xor3A_261 : vector<16xi32>
        %select_n3A_263 = arith.select %lt3A_259, %xor3A_262, %bitcast3A_256 : vector<16xi1>, vector<16xi32>
        %add3A_264 = arith.constant 3072 : i32
        %add3A_265 = arith.addi %add3A_264, %mul3A_193 : i32
        %add3A_266 = arith.constant 2 : i32
        %add3A_267 = arith.addi %add3A_265, %add3A_266 : i32
        %broadcast_in_dim3A_268 = vector.broadcast %add3A_267 : i32 to vector<16xi32>
        %lt3A_269 = arith.cmpi slt, %broadcast_in_dim3A_268, %broadcast_in_dim3A_73 : vector<16xi32>
        %jit3A_270 = arith.constant 2147483647 : i32
        %broadcast_in_dim3A_271 = vector.broadcast %jit3A_270 : i32 to vector<16xi32>
        %select_n3A_272 = arith.select %lt3A_269, %select_n3A_263, %broadcast_in_dim3A_271 : vector<16xi1>, vector<16xi32>
        %add3A_273 = arith.constant 3072 : i32
        %add3A_274 = arith.addi %add3A_273, %mul3A_193 : i32
        %add3A_275 = arith.constant 2 : i32
        %add3A_276 = arith.addi %add3A_274, %add3A_275 : i32
        %swap3A_277 = arith.index_cast %add3A_276 : i32 to index
        %swap3A_278 = arith.constant 0 : index
        %swap3A_279 = tpu.vector_load %arg8[%swap3A_277, %swap3A_278] {strides = array<i32>} : memref<4096x16xi32, #tpu.memory_space<vmem>>, vector<16xi32>,
        tpu.vector_store %arg8[%swap3A_277, %swap3A_278], %select_n3A_272 {strides = array<i32>} : memref<4096x16xi32, #tpu.memory_space<vmem>>, vector<16xi32>,
        %add3A_280 = arith.constant 3 : i32
        %add3A_281 = arith.addi %mul3A_193, %add3A_280 : i32
        %get3A_282 = arith.index_cast %add3A_281 : i32 to index
        %get3A_283 = arith.constant 0 : index
        %get3A_284 = tpu.vector_load %arg7[%get3A_282, %get3A_283] {strides = array<i32>} : memref<1024x16xf32, #tpu.memory_space<vmem>>, vector<16xf32>,
        %bitcast3A_285 = vector.bitcast %get3A_284 : vector<16xf32> to vector<16xi32>
        %lt3A_286 = arith.constant 0 : i32
        %lt3A_287 = vector.broadcast %lt3A_286 : i32 to vector<16xi32>
        %lt3A_288 = arith.cmpi slt, %bitcast3A_285, %lt3A_287 : vector<16xi32>
        %xor3A_289 = arith.constant 2147483647 : i32
        %xor3A_290 = vector.broadcast %xor3A_289 : i32 to vector<16xi32>
        %xor3A_291 = arith.xori %bitcast3A_285, %xor3A_290 : vector<16xi32>
        %select_n3A_292 = arith.select %lt3A_288, %xor3A_291, %bitcast3A_285 : vector<16xi1>, vector<16xi32>
        %add3A_293 = arith.constant 3072 : i32
        %add3A_294 = arith.addi %add3A_293, %mul3A_193 : i32
        %add3A_295 = arith.constant 3 : i32
        %add3A_296 = arith.addi %add3A_294, %add3A_295 : i32
        %broadcast_in_dim3A_297 = vector.broadcast %add3A_296 : i32 to vector<16xi32>
        %lt3A_298 = arith.cmpi slt, %broadcast_in_dim3A_297, %broadcast_in_dim3A_73 : vector<16xi32>
        %jit3A_299 = arith.constant 2147483647 : i32
        %broadcast_in_dim3A_300 = vector.broadcast %jit3A_299 : i32 to vector<16xi32>
        %select_n3A_301 = arith.select %lt3A_298, %select_n3A_292, %broadcast_in_dim3A_300 : vector<16xi1>, vector<16xi32>
        %add3A_302 = arith.constant 3072 : i32
        %add3A_303 = arith.addi %add3A_302, %mul3A_193 : i32
        %add3A_304 = arith.constant 3 : i32
        %add3A_305 = arith.addi %add3A_303, %add3A_304 : i32
        %swap3A_306 = arith.index_cast %add3A_305 : i32 to index
        %swap3A_307 = arith.constant 0 : index
        %swap3A_308 = tpu.vector_load %arg8[%swap3A_306, %swap3A_307] {strides = array<i32>} : memref<4096x16xi32, #tpu.memory_space<vmem>>, vector<16xi32>,
        tpu.vector_store %arg8[%swap3A_306, %swap3A_307], %select_n3A_301 {strides = array<i32>} : memref<4096x16xi32, #tpu.memory_space<vmem>>, vector<16xi32>,
        %add3A_309 = arith.constant 4 : i32
        %add3A_310 = arith.addi %mul3A_193, %add3A_309 : i32
        %get3A_311 = arith.index_cast %add3A_310 : i32 to index
        %get3A_312 = arith.constant 0 : index
        %get3A_313 = tpu.vector_load %arg7[%get3A_311, %get3A_312] {strides = array<i32>} : memref<1024x16xf32, #tpu.memory_space<vmem>>, vector<16xf32>,
        %bitcast3A_314 = vector.bitcast %get3A_313 : vector<16xf32> to vector<16xi32>
        %lt3A_315 = arith.constant 0 : i32
        %lt3A_316 = vector.broadcast %lt3A_315 : i32 to vector<16xi32>
        %lt3A_317 = arith.cmpi slt, %bitcast3A_314, %lt3A_316 : vector<16xi32>
        %xor3A_318 = arith.constant 2147483647 : i32
        %xor3A_319 = vector.broadcast %xor3A_318 : i32 to vector<16xi32>
        %xor3A_320 = arith.xori %bitcast3A_314, %xor3A_319 : vector<16xi32>
        %select_n3A_321 = arith.select %lt3A_317, %xor3A_320, %bitcast3A_314 : vector<16xi1>, vector<16xi32>
        %add3A_322 = arith.constant 3072 : i32
        %add3A_323 = arith.addi %add3A_322, %mul3A_193 : i32
        %add3A_324 = arith.constant 4 : i32
        %add3A_325 = arith.addi %add3A_323, %add3A_324 : i32
        %broadcast_in_dim3A_326 = vector.broadcast %add3A_325 : i32 to vector<16xi32>
        %lt3A_327 = arith.cmpi slt, %broadcast_in_dim3A_326, %broadcast_in_dim3A_73 : vector<16xi32>
        %jit3A_328 = arith.constant 2147483647 : i32
        %broadcast_in_dim3A_329 = vector.broadcast %jit3A_328 : i32 to vector<16xi32>
        %select_n3A_330 = arith.select %lt3A_327, %select_n3A_321, %broadcast_in_dim3A_329 : vector<16xi1>, vector<16xi32>
        %add3A_331 = arith.constant 3072 : i32
        %add3A_332 = arith.addi %add3A_331, %mul3A_193 : i32
        %add3A_333 = arith.constant 4 : i32
        %add3A_334 = arith.addi %add3A_332, %add3A_333 : i32
        %swap3A_335 = arith.index_cast %add3A_334 : i32 to index
        %swap3A_336 = arith.constant 0 : index
        %swap3A_337 = tpu.vector_load %arg8[%swap3A_335, %swap3A_336] {strides = array<i32>} : memref<4096x16xi32, #tpu.memory_space<vmem>>, vector<16xi32>,
        tpu.vector_store %arg8[%swap3A_335, %swap3A_336], %select_n3A_330 {strides = array<i32>} : memref<4096x16xi32, #tpu.memory_space<vmem>>, vector<16xi32>,
        %add3A_338 = arith.constant 5 : i32
        %add3A_339 = arith.addi %mul3A_193, %add3A_338 : i32
        %get3A_340 = arith.index_cast %add3A_339 : i32 to index
        %get3A_341 = arith.constant 0 : index
        %get3A_342 = tpu.vector_load %arg7[%get3A_340, %get3A_341] {strides = array<i32>} : memref<1024x16xf32, #tpu.memory_space<vmem>>, vector<16xf32>,
        %bitcast3A_343 = vector.bitcast %get3A_342 : vector<16xf32> to vector<16xi32>
        %lt3A_344 = arith.constant 0 : i32
        %lt3A_345 = vector.broadcast %lt3A_344 : i32 to vector<16xi32>
        %lt3A_346 = arith.cmpi slt, %bitcast3A_343, %lt3A_345 : vector<16xi32>
        %xor3A_347 = arith.constant 2147483647 : i32
        %xor3A_348 = vector.broadcast %xor3A_347 : i32 to vector<16xi32>
        %xor3A_349 = arith.xori %bitcast3A_343, %xor3A_348 : vector<16xi32>
        %select_n3A_350 = arith.select %lt3A_346, %xor3A_349, %bitcast3A_343 : vector<16xi1>, vector<16xi32>
        %add3A_351 = arith.constant 3072 : i32
        %add3A_352 = arith.addi %add3A_351, %mul3A_193 : i32
        %add3A_353 = arith.constant 5 : i32
        %add3A_354 = arith.addi %add3A_352, %add3A_353 : i32
        %broadcast_in_dim3A_355 = vector.broadcast %add3A_354 : i32 to vector<16xi32>
        %lt3A_356 = arith.cmpi slt, %broadcast_in_dim3A_355, %broadcast_in_dim3A_73 : vector<16xi32>
        %jit3A_357 = arith.constant 2147483647 : i32
        %broadcast_in_dim3A_358 = vector.broadcast %jit3A_357 : i32 to vector<16xi32>
        %select_n3A_359 = arith.select %lt3A_356, %select_n3A_350, %broadcast_in_dim3A_358 : vector<16xi1>, vector<16xi32>
        %add3A_360 = arith.constant 3072 : i32
        %add3A_361 = arith.addi %add3A_360, %mul3A_193 : i32
        %add3A_362 = arith.constant 5 : i32
        %add3A_363 = arith.addi %add3A_361, %add3A_362 : i32
        %swap3A_364 = arith.index_cast %add3A_363 : i32 to index
        %swap3A_365 = arith.constant 0 : index
        %swap3A_366 = tpu.vector_load %arg8[%swap3A_364, %swap3A_365] {strides = array<i32>} : memref<4096x16xi32, #tpu.memory_space<vmem>>, vector<16xi32>,
        tpu.vector_store %arg8[%swap3A_364, %swap3A_365], %select_n3A_359 {strides = array<i32>} : memref<4096x16xi32, #tpu.memory_space<vmem>>, vector<16xi32>,
        %add3A_367 = arith.constant 6 : i32
        %add3A_368 = arith.addi %mul3A_193, %add3A_367 : i32
        %get3A_369 = arith.index_cast %add3A_368 : i32 to index
        %get3A_370 = arith.constant 0 : index
        %get3A_371 = tpu.vector_load %arg7[%get3A_369, %get3A_370] {strides = array<i32>} : memref<1024x16xf32, #tpu.memory_space<vmem>>, vector<16xf32>,
        %bitcast3A_372 = vector.bitcast %get3A_371 : vector<16xf32> to vector<16xi32>
        %lt3A_373 = arith.constant 0 : i32
        %lt3A_374 = vector.broadcast %lt3A_373 : i32 to vector<16xi32>
        %lt3A_375 = arith.cmpi slt, %bitcast3A_372, %lt3A_374 : vector<16xi32>
        %xor3A_376 = arith.constant 2147483647 : i32
        %xor3A_377 = vector.broadcast %xor3A_376 : i32 to vector<16xi32>
        %xor3A_378 = arith.xori %bitcast3A_372, %xor3A_377 : vector<16xi32>
        %select_n3A_379 = arith.select %lt3A_375, %xor3A_378, %bitcast3A_372 : vector<16xi1>, vector<16xi32>
        %add3A_380 = arith.constant 3072 : i32
        %add3A_381 = arith.addi %add3A_380, %mul3A_193 : i32
        %add3A_382 = arith.constant 6 : i32
        %add3A_383 = arith.addi %add3A_381, %add3A_382 : i32
        %broadcast_in_dim3A_384 = vector.broadcast %add3A_383 : i32 to vector<16xi32>
        %lt3A_385 = arith.cmpi slt, %broadcast_in_dim3A_384, %broadcast_in_dim3A_73 : vector<16xi32>
        %jit3A_386 = arith.constant 2147483647 : i32
        %broadcast_in_dim3A_387 = vector.broadcast %jit3A_386 : i32 to vector<16xi32>
        %select_n3A_388 = arith.select %lt3A_385, %select_n3A_379, %broadcast_in_dim3A_387 : vector<16xi1>, vector<16xi32>
        %add3A_389 = arith.constant 3072 : i32
        %add3A_390 = arith.addi %add3A_389, %mul3A_193 : i32
        %add3A_391 = arith.constant 6 : i32
        %add3A_392 = arith.addi %add3A_390, %add3A_391 : i32
        %swap3A_393 = arith.index_cast %add3A_392 : i32 to index
        %swap3A_394 = arith.constant 0 : index
        %swap3A_395 = tpu.vector_load %arg8[%swap3A_393, %swap3A_394] {strides = array<i32>} : memref<4096x16xi32, #tpu.memory_space<vmem>>, vector<16xi32>,
        tpu.vector_store %arg8[%swap3A_393, %swap3A_394], %select_n3A_388 {strides = array<i32>} : memref<4096x16xi32, #tpu.memory_space<vmem>>, vector<16xi32>,
        %add3A_396 = arith.constant 7 : i32
        %add3A_397 = arith.addi %mul3A_193, %add3A_396 : i32
        %get3A_398 = arith.index_cast %add3A_397 : i32 to index
        %get3A_399 = arith.constant 0 : index
        %get3A_400 = tpu.vector_load %arg7[%get3A_398, %get3A_399] {strides = array<i32>} : memref<1024x16xf32, #tpu.memory_space<vmem>>, vector<16xf32>,
        %bitcast3A_401 = vector.bitcast %get3A_400 : vector<16xf32> to vector<16xi32>
        %lt3A_402 = arith.constant 0 : i32
        %lt3A_403 = vector.broadcast %lt3A_402 : i32 to vector<16xi32>
        %lt3A_404 = arith.cmpi slt, %bitcast3A_401, %lt3A_403 : vector<16xi32>
        %xor3A_405 = arith.constant 2147483647 : i32
        %xor3A_406 = vector.broadcast %xor3A_405 : i32 to vector<16xi32>
        %xor3A_407 = arith.xori %bitcast3A_401, %xor3A_406 : vector<16xi32>
        %select_n3A_408 = arith.select %lt3A_404, %xor3A_407, %bitcast3A_401 : vector<16xi1>, vector<16xi32>
        %add3A_409 = arith.constant 3072 : i32
        %add3A_410 = arith.addi %add3A_409, %mul3A_193 : i32
        %add3A_411 = arith.constant 7 : i32
        %add3A_412 = arith.addi %add3A_410, %add3A_411 : i32
        %broadcast_in_dim3A_413 = vector.broadcast %add3A_412 : i32 to vector<16xi32>
        %lt3A_414 = arith.cmpi slt, %broadcast_in_dim3A_413, %broadcast_in_dim3A_73 : vector<16xi32>
        %jit3A_415 = arith.constant 2147483647 : i32
        %broadcast_in_dim3A_416 = vector.broadcast %jit3A_415 : i32 to vector<16xi32>
        %select_n3A_417 = arith.select %lt3A_414, %select_n3A_408, %broadcast_in_dim3A_416 : vector<16xi1>, vector<16xi32>
        %add3A_418 = arith.constant 3072 : i32
        %add3A_419 = arith.addi %add3A_418, %mul3A_193 : i32
        %add3A_420 = arith.constant 7 : i32
        %add3A_421 = arith.addi %add3A_419, %add3A_420 : i32
        %swap3A_422 = arith.index_cast %add3A_421 : i32 to index
        %swap3A_423 = arith.constant 0 : index
        %swap3A_424 = tpu.vector_load %arg8[%swap3A_422, %swap3A_423] {strides = array<i32>} : memref<4096x16xi32, #tpu.memory_space<vmem>>, vector<16xi32>,
        tpu.vector_store %arg8[%swap3A_422, %swap3A_423], %select_n3A_417 {strides = array<i32>} : memref<4096x16xi32, #tpu.memory_space<vmem>>, vector<16xi32>,
        %scan3A_425 = arith.constant 0 : i32
        scf.yield %scan3A_425 : i32
      }
      %scan3A_189 = arith.constant 128 : i32
    } else {
    }
    %broadcast_in_dim3A_117 = arith.constant 0 : i32
    %broadcast_in_dim3A_118 = vector.broadcast %broadcast_in_dim3A_117 : i32 to vector<16xi32>
    %mul3A_119 = arith.constant 1024 : i32
    %mul3A_120 = arith.muli %select_n3A_99, %mul3A_119 : i32
    %jit3A_121 = arith.constant 8 : i32
    %div3A_122 = arith.divsi %mul3A_120, %jit3A_121 : i32
    %sign3A_123 = arith.constant 0 : i32
    %sign3A_124 = arith.cmpi sgt, %mul3A_120, %sign3A_123 : i32
    %sign3A_125 = arith.extui %sign3A_124 : i1 to i32
    %sign3A_126 = arith.constant 0 : i32
    %sign3A_127 = arith.cmpi slt, %mul3A_120, %sign3A_126 : i32
    %sign3A_128 = arith.extui %sign3A_127 : i1 to i32
    %sign3A_129 = arith.subi %sign3A_125, %sign3A_128 : i32
    %sign3A_130 = arith.constant 0 : i32
    %sign3A_131 = arith.cmpi sgt, %jit3A_121, %sign3A_130 : i32
    %sign3A_132 = arith.extui %sign3A_131 : i1 to i32
    %sign3A_133 = arith.constant 0 : i32
    %sign3A_134 = arith.cmpi slt, %jit3A_121, %sign3A_133 : i32
    %sign3A_135 = arith.extui %sign3A_134 : i1 to i32
    %sign3A_136 = arith.subi %sign3A_132, %sign3A_135 : i32
    %ne3A_137 = arith.cmpi ne, %sign3A_129, %sign3A_136 : i32
    %rem3A_138 = arith.remsi %mul3A_120, %jit3A_121 : i32
    %ne3A_139 = arith.constant 0 : i32
    %ne3A_140 = arith.cmpi ne, %rem3A_138, %ne3A_139 : i32
    %and3A_141 = arith.andi %ne3A_137, %ne3A_140 : i1
    %sub3A_142 = arith.constant 1 : i32
    %sub3A_143 = arith.subi %div3A_122, %sub3A_142 : i32
    %select_n3A_144 = arith.select %and3A_141, %sub3A_143, %div3A_122 : i32
    %scan3A = arith.constant 0 : i32
    %scan3A_145 = arith.constant 32 : i32
    %scan3A_146 = arith.addi %scan3A, %scan3A_145 : i32
    %scan3A_147 = arith.constant 1 : i32
    %scan3A_148:2 = scf.for %scan3A_183 = %scan3A to %scan3A_146 step %scan3A_147 iter_args(%scan3A_184 = %broadcast_in_dim3A_118, %scan3A_185 = %broadcast_in_dim3A_118) -> (vector<16xi32>, vector<16xi32>)  : i32 {
      %sub3A_186 = arith.constant 31 : i32
      %sub3A_187 = arith.subi %sub3A_186, %scan3A_183 : i32
      %shift_left3A = arith.constant 1 : i32
      %shift_left3A_188 = arith.shli %shift_left3A, %sub3A_187 : i32
      %or3A = vector.broadcast %shift_left3A_188 : i32 to vector<16xi32>
      %or3A_189 = arith.ori %scan3A_184, %or3A : vector<16xi32>
      %xor3A = arith.constant -2147483648 : i32
      %xor3A_190 = vector.broadcast %xor3A : i32 to vector<16xi32>
      %xor3A_191 = arith.xori %or3A_189, %xor3A_190 : vector<16xi32>
      %or3A_192 = vector.broadcast %shift_left3A_188 : i32 to vector<16xi32>
      %or3A_193 = arith.ori %scan3A_185, %or3A_192 : vector<16xi32>
      %xor3A_194 = arith.constant -2147483648 : i32
      %xor3A_195 = vector.broadcast %xor3A_194 : i32 to vector<16xi32>
      %xor3A_196 = arith.xori %or3A_193, %xor3A_195 : vector<16xi32>
      %while3A_197 = arith.constant 0 : i32
      %while3A_198 = arith.subi %select_n3A_144, %while3A_197 : i32
      %while3A_199 = arith.addi %while3A_197, %while3A_198 : i32
      %while3A_200 = arith.constant 1 : i32
      %while3A_201 = arith.divsi %while3A_198, %while3A_200 : i32
      %while3A_202 = arith.muli %while3A_201, %while3A_200 : i32
      %while3A_203 = arith.addi %while3A_197, %while3A_202 : i32
      %while3A_204 = arith.constant 1 : i32
      %while3A_205:2 = scf.for %while3A_215 = %while3A_197 to %while3A_203 step %while3A_204 iter_args(%while3A_216 = %broadcast_in_dim3A_118, %while3A_217 = %broadcast_in_dim3A_118) -> (vector<16xi32>, vector<16xi32>)  : i32 {
        %mul3A_218 = arith.constant 8 : i32
        %mul3A_219 = arith.muli %while3A_215, %mul3A_218 : i32
        %add3A_220 = arith.constant 0 : i32
        %add3A_221 = arith.addi %mul3A_219, %add3A_220 : i32
        %get3A_222 = arith.index_cast %add3A_221 : i32 to index
        %get3A_223 = arith.constant 0 : index
        %get3A_224 = tpu.vector_load %arg8[%get3A_222, %get3A_223] {strides = array<i32>} : memref<4096x16xi32, #tpu.memory_space<vmem>>, vector<16xi32>,
        %lt3A_225 = arith.cmpi slt, %get3A_224, %xor3A_191 : vector<16xi32>
        %jit3A_226 = arith.constant 1 : i32
        %jit3A_227 = arith.constant 0 : i32
        %broadcast_in_dim3A_228 = vector.broadcast %jit3A_226 : i32 to vector<16xi32>
        %broadcast_in_dim3A_229 = vector.broadcast %jit3A_227 : i32 to vector<16xi32>
        %select_n3A_230 = arith.select %lt3A_225, %broadcast_in_dim3A_228, %broadcast_in_dim3A_229 : vector<16xi1>, vector<16xi32>
        %add3A_231 = arith.addi %while3A_216, %select_n3A_230 : vector<16xi32>
        %lt3A_232 = arith.cmpi slt, %get3A_224, %xor3A_196 : vector<16xi32>
        %jit3A_233 = arith.constant 1 : i32
        %jit3A_234 = arith.constant 0 : i32
        %broadcast_in_dim3A_235 = vector.broadcast %jit3A_233 : i32 to vector<16xi32>
        %broadcast_in_dim3A_236 = vector.broadcast %jit3A_234 : i32 to vector<16xi32>
        %select_n3A_237 = arith.select %lt3A_232, %broadcast_in_dim3A_235, %broadcast_in_dim3A_236 : vector<16xi1>, vector<16xi32>
        %add3A_238 = arith.addi %while3A_217, %select_n3A_237 : vector<16xi32>
        %add3A_239 = arith.constant 1 : i32
        %add3A_240 = arith.addi %mul3A_219, %add3A_239 : i32
        %get3A_241 = arith.index_cast %add3A_240 : i32 to index
        %get3A_242 = arith.constant 0 : index
        %get3A_243 = tpu.vector_load %arg8[%get3A_241, %get3A_242] {strides = array<i32>} : memref<4096x16xi32, #tpu.memory_space<vmem>>, vector<16xi32>,
        %lt3A_244 = arith.cmpi slt, %get3A_243, %xor3A_191 : vector<16xi32>
        %jit3A_245 = arith.constant 1 : i32
        %jit3A_246 = arith.constant 0 : i32
        %broadcast_in_dim3A_247 = vector.broadcast %jit3A_245 : i32 to vector<16xi32>
        %broadcast_in_dim3A_248 = vector.broadcast %jit3A_246 : i32 to vector<16xi32>
        %select_n3A_249 = arith.select %lt3A_244, %broadcast_in_dim3A_247, %broadcast_in_dim3A_248 : vector<16xi1>, vector<16xi32>
        %add3A_250 = arith.addi %add3A_231, %select_n3A_249 : vector<16xi32>
        %lt3A_251 = arith.cmpi slt, %get3A_243, %xor3A_196 : vector<16xi32>
        %jit3A_252 = arith.constant 1 : i32
        %jit3A_253 = arith.constant 0 : i32
        %broadcast_in_dim3A_254 = vector.broadcast %jit3A_252 : i32 to vector<16xi32>
        %broadcast_in_dim3A_255 = vector.broadcast %jit3A_253 : i32 to vector<16xi32>
        %select_n3A_256 = arith.select %lt3A_251, %broadcast_in_dim3A_254, %broadcast_in_dim3A_255 : vector<16xi1>, vector<16xi32>
        %add3A_257 = arith.addi %add3A_238, %select_n3A_256 : vector<16xi32>
        %add3A_258 = arith.constant 2 : i32
        %add3A_259 = arith.addi %mul3A_219, %add3A_258 : i32
        %get3A_260 = arith.index_cast %add3A_259 : i32 to index
        %get3A_261 = arith.constant 0 : index
        %get3A_262 = tpu.vector_load %arg8[%get3A_260, %get3A_261] {strides = array<i32>} : memref<4096x16xi32, #tpu.memory_space<vmem>>, vector<16xi32>,
        %lt3A_263 = arith.cmpi slt, %get3A_262, %xor3A_191 : vector<16xi32>
        %jit3A_264 = arith.constant 1 : i32
        %jit3A_265 = arith.constant 0 : i32
        %broadcast_in_dim3A_266 = vector.broadcast %jit3A_264 : i32 to vector<16xi32>
        %broadcast_in_dim3A_267 = vector.broadcast %jit3A_265 : i32 to vector<16xi32>
        %select_n3A_268 = arith.select %lt3A_263, %broadcast_in_dim3A_266, %broadcast_in_dim3A_267 : vector<16xi1>, vector<16xi32>
        %add3A_269 = arith.addi %add3A_250, %select_n3A_268 : vector<16xi32>
        %lt3A_270 = arith.cmpi slt, %get3A_262, %xor3A_196 : vector<16xi32>
        %jit3A_271 = arith.constant 1 : i32
        %jit3A_272 = arith.constant 0 : i32
        %broadcast_in_dim3A_273 = vector.broadcast %jit3A_271 : i32 to vector<16xi32>
        %broadcast_in_dim3A_274 = vector.broadcast %jit3A_272 : i32 to vector<16xi32>
        %select_n3A_275 = arith.select %lt3A_270, %broadcast_in_dim3A_273, %broadcast_in_dim3A_274 : vector<16xi1>, vector<16xi32>
        %add3A_276 = arith.addi %add3A_257, %select_n3A_275 : vector<16xi32>
        %add3A_277 = arith.constant 3 : i32
        %add3A_278 = arith.addi %mul3A_219, %add3A_277 : i32
        %get3A_279 = arith.index_cast %add3A_278 : i32 to index
        %get3A_280 = arith.constant 0 : index
        %get3A_281 = tpu.vector_load %arg8[%get3A_279, %get3A_280] {strides = array<i32>} : memref<4096x16xi32, #tpu.memory_space<vmem>>, vector<16xi32>,
        %lt3A_282 = arith.cmpi slt, %get3A_281, %xor3A_191 : vector<16xi32>
        %jit3A_283 = arith.constant 1 : i32
        %jit3A_284 = arith.constant 0 : i32
        %broadcast_in_dim3A_285 = vector.broadcast %jit3A_283 : i32 to vector<16xi32>
        %broadcast_in_dim3A_286 = vector.broadcast %jit3A_284 : i32 to vector<16xi32>
        %select_n3A_287 = arith.select %lt3A_282, %broadcast_in_dim3A_285, %broadcast_in_dim3A_286 : vector<16xi1>, vector<16xi32>
        %add3A_288 = arith.addi %add3A_269, %select_n3A_287 : vector<16xi32>
        %lt3A_289 = arith.cmpi slt, %get3A_281, %xor3A_196 : vector<16xi32>
        %jit3A_290 = arith.constant 1 : i32
        %jit3A_291 = arith.constant 0 : i32
        %broadcast_in_dim3A_292 = vector.broadcast %jit3A_290 : i32 to vector<16xi32>
        %broadcast_in_dim3A_293 = vector.broadcast %jit3A_291 : i32 to vector<16xi32>
        %select_n3A_294 = arith.select %lt3A_289, %broadcast_in_dim3A_292, %broadcast_in_dim3A_293 : vector<16xi1>, vector<16xi32>
        %add3A_295 = arith.addi %add3A_276, %select_n3A_294 : vector<16xi32>
        %add3A_296 = arith.constant 4 : i32
        %add3A_297 = arith.addi %mul3A_219, %add3A_296 : i32
        %get3A_298 = arith.index_cast %add3A_297 : i32 to index
        %get3A_299 = arith.constant 0 : index
        %get3A_300 = tpu.vector_load %arg8[%get3A_298, %get3A_299] {strides = array<i32>} : memref<4096x16xi32, #tpu.memory_space<vmem>>, vector<16xi32>,
        %lt3A_301 = arith.cmpi slt, %get3A_300, %xor3A_191 : vector<16xi32>
        %jit3A_302 = arith.constant 1 : i32
        %jit3A_303 = arith.constant 0 : i32
        %broadcast_in_dim3A_304 = vector.broadcast %jit3A_302 : i32 to vector<16xi32>
        %broadcast_in_dim3A_305 = vector.broadcast %jit3A_303 : i32 to vector<16xi32>
        %select_n3A_306 = arith.select %lt3A_301, %broadcast_in_dim3A_304, %broadcast_in_dim3A_305 : vector<16xi1>, vector<16xi32>
        %add3A_307 = arith.addi %add3A_288, %select_n3A_306 : vector<16xi32>
        %lt3A_308 = arith.cmpi slt, %get3A_300, %xor3A_196 : vector<16xi32>
        %jit3A_309 = arith.constant 1 : i32
        %jit3A_310 = arith.constant 0 : i32
        %broadcast_in_dim3A_311 = vector.broadcast %jit3A_309 : i32 to vector<16xi32>
        %broadcast_in_dim3A_312 = vector.broadcast %jit3A_310 : i32 to vector<16xi32>
        %select_n3A_313 = arith.select %lt3A_308, %broadcast_in_dim3A_311, %broadcast_in_dim3A_312 : vector<16xi1>, vector<16xi32>
        %add3A_314 = arith.addi %add3A_295, %select_n3A_313 : vector<16xi32>
        %add3A_315 = arith.constant 5 : i32
        %add3A_316 = arith.addi %mul3A_219, %add3A_315 : i32
        %get3A_317 = arith.index_cast %add3A_316 : i32 to index
        %get3A_318 = arith.constant 0 : index
        %get3A_319 = tpu.vector_load %arg8[%get3A_317, %get3A_318] {strides = array<i32>} : memref<4096x16xi32, #tpu.memory_space<vmem>>, vector<16xi32>,
        %lt3A_320 = arith.cmpi slt, %get3A_319, %xor3A_191 : vector<16xi32>
        %jit3A_321 = arith.constant 1 : i32
        %jit3A_322 = arith.constant 0 : i32
        %broadcast_in_dim3A_323 = vector.broadcast %jit3A_321 : i32 to vector<16xi32>
        %broadcast_in_dim3A_324 = vector.broadcast %jit3A_322 : i32 to vector<16xi32>
        %select_n3A_325 = arith.select %lt3A_320, %broadcast_in_dim3A_323, %broadcast_in_dim3A_324 : vector<16xi1>, vector<16xi32>
        %add3A_326 = arith.addi %add3A_307, %select_n3A_325 : vector<16xi32>
        %lt3A_327 = arith.cmpi slt, %get3A_319, %xor3A_196 : vector<16xi32>
        %jit3A_328 = arith.constant 1 : i32
        %jit3A_329 = arith.constant 0 : i32
        %broadcast_in_dim3A_330 = vector.broadcast %jit3A_328 : i32 to vector<16xi32>
        %broadcast_in_dim3A_331 = vector.broadcast %jit3A_329 : i32 to vector<16xi32>
        %select_n3A_332 = arith.select %lt3A_327, %broadcast_in_dim3A_330, %broadcast_in_dim3A_331 : vector<16xi1>, vector<16xi32>
        %add3A_333 = arith.addi %add3A_314, %select_n3A_332 : vector<16xi32>
        %add3A_334 = arith.constant 6 : i32
        %add3A_335 = arith.addi %mul3A_219, %add3A_334 : i32
        %get3A_336 = arith.index_cast %add3A_335 : i32 to index
        %get3A_337 = arith.constant 0 : index
        %get3A_338 = tpu.vector_load %arg8[%get3A_336, %get3A_337] {strides = array<i32>} : memref<4096x16xi32, #tpu.memory_space<vmem>>, vector<16xi32>,
        %lt3A_339 = arith.cmpi slt, %get3A_338, %xor3A_191 : vector<16xi32>
        %jit3A_340 = arith.constant 1 : i32
        %jit3A_341 = arith.constant 0 : i32
        %broadcast_in_dim3A_342 = vector.broadcast %jit3A_340 : i32 to vector<16xi32>
        %broadcast_in_dim3A_343 = vector.broadcast %jit3A_341 : i32 to vector<16xi32>
        %select_n3A_344 = arith.select %lt3A_339, %broadcast_in_dim3A_342, %broadcast_in_dim3A_343 : vector<16xi1>, vector<16xi32>
        %add3A_345 = arith.addi %add3A_326, %select_n3A_344 : vector<16xi32>
        %lt3A_346 = arith.cmpi slt, %get3A_338, %xor3A_196 : vector<16xi32>
        %jit3A_347 = arith.constant 1 : i32
        %jit3A_348 = arith.constant 0 : i32
        %broadcast_in_dim3A_349 = vector.broadcast %jit3A_347 : i32 to vector<16xi32>
        %broadcast_in_dim3A_350 = vector.broadcast %jit3A_348 : i32 to vector<16xi32>
        %select_n3A_351 = arith.select %lt3A_346, %broadcast_in_dim3A_349, %broadcast_in_dim3A_350 : vector<16xi1>, vector<16xi32>
        %add3A_352 = arith.addi %add3A_333, %select_n3A_351 : vector<16xi32>
        %add3A_353 = arith.constant 7 : i32
        %add3A_354 = arith.addi %mul3A_219, %add3A_353 : i32
        %get3A_355 = arith.index_cast %add3A_354 : i32 to index
        %get3A_356 = arith.constant 0 : index
        %get3A_357 = tpu.vector_load %arg8[%get3A_355, %get3A_356] {strides = array<i32>} : memref<4096x16xi32, #tpu.memory_space<vmem>>, vector<16xi32>,
        %lt3A_358 = arith.cmpi slt, %get3A_357, %xor3A_191 : vector<16xi32>
        %jit3A_359 = arith.constant 1 : i32
        %jit3A_360 = arith.constant 0 : i32
        %broadcast_in_dim3A_361 = vector.broadcast %jit3A_359 : i32 to vector<16xi32>
        %broadcast_in_dim3A_362 = vector.broadcast %jit3A_360 : i32 to vector<16xi32>
        %select_n3A_363 = arith.select %lt3A_358, %broadcast_in_dim3A_361, %broadcast_in_dim3A_362 : vector<16xi1>, vector<16xi32>
        %add3A_364 = arith.addi %add3A_345, %select_n3A_363 : vector<16xi32>
        %lt3A_365 = arith.cmpi slt, %get3A_357, %xor3A_196 : vector<16xi32>
        %jit3A_366 = arith.constant 1 : i32
        %jit3A_367 = arith.constant 0 : i32
        %broadcast_in_dim3A_368 = vector.broadcast %jit3A_366 : i32 to vector<16xi32>
        %broadcast_in_dim3A_369 = vector.broadcast %jit3A_367 : i32 to vector<16xi32>
        %select_n3A_370 = arith.select %lt3A_365, %broadcast_in_dim3A_368, %broadcast_in_dim3A_369 : vector<16xi1>, vector<16xi32>
        %add3A_371 = arith.addi %add3A_352, %select_n3A_370 : vector<16xi32>
        scf.yield %add3A_364, %add3A_371 : vector<16xi32>, vector<16xi32>
      }
      %while3A_206 = arith.constant 1 : i32
      %while3A_207:2 = scf.for %while3A_215 = %while3A_203 to %while3A_199 step %while3A_206 iter_args(%while3A_216 = %while3A_205#0, %while3A_217 = %while3A_205#1) -> (vector<16xi32>, vector<16xi32>)  : i32 {
        %mul3A_218 = arith.constant 8 : i32
        %mul3A_219 = arith.muli %while3A_215, %mul3A_218 : i32
        %add3A_220 = arith.constant 0 : i32
        %add3A_221 = arith.addi %mul3A_219, %add3A_220 : i32
        %get3A_222 = arith.index_cast %add3A_221 : i32 to index
        %get3A_223 = arith.constant 0 : index
        %get3A_224 = tpu.vector_load %arg8[%get3A_222, %get3A_223] {strides = array<i32>} : memref<4096x16xi32, #tpu.memory_space<vmem>>, vector<16xi32>,
        %lt3A_225 = arith.cmpi slt, %get3A_224, %xor3A_191 : vector<16xi32>
        %jit3A_226 = arith.constant 1 : i32
        %jit3A_227 = arith.constant 0 : i32
        %broadcast_in_dim3A_228 = vector.broadcast %jit3A_226 : i32 to vector<16xi32>
        %broadcast_in_dim3A_229 = vector.broadcast %jit3A_227 : i32 to vector<16xi32>
        %select_n3A_230 = arith.select %lt3A_225, %broadcast_in_dim3A_228, %broadcast_in_dim3A_229 : vector<16xi1>, vector<16xi32>
        %add3A_231 = arith.addi %while3A_216, %select_n3A_230 : vector<16xi32>
        %lt3A_232 = arith.cmpi slt, %get3A_224, %xor3A_196 : vector<16xi32>
        %jit3A_233 = arith.constant 1 : i32
        %jit3A_234 = arith.constant 0 : i32
        %broadcast_in_dim3A_235 = vector.broadcast %jit3A_233 : i32 to vector<16xi32>
        %broadcast_in_dim3A_236 = vector.broadcast %jit3A_234 : i32 to vector<16xi32>
        %select_n3A_237 = arith.select %lt3A_232, %broadcast_in_dim3A_235, %broadcast_in_dim3A_236 : vector<16xi1>, vector<16xi32>
        %add3A_238 = arith.addi %while3A_217, %select_n3A_237 : vector<16xi32>
        %add3A_239 = arith.constant 1 : i32
        %add3A_240 = arith.addi %mul3A_219, %add3A_239 : i32
        %get3A_241 = arith.index_cast %add3A_240 : i32 to index
        %get3A_242 = arith.constant 0 : index
        %get3A_243 = tpu.vector_load %arg8[%get3A_241, %get3A_242] {strides = array<i32>} : memref<4096x16xi32, #tpu.memory_space<vmem>>, vector<16xi32>,
        %lt3A_244 = arith.cmpi slt, %get3A_243, %xor3A_191 : vector<16xi32>
        %jit3A_245 = arith.constant 1 : i32
        %jit3A_246 = arith.constant 0 : i32
        %broadcast_in_dim3A_247 = vector.broadcast %jit3A_245 : i32 to vector<16xi32>
        %broadcast_in_dim3A_248 = vector.broadcast %jit3A_246 : i32 to vector<16xi32>
        %select_n3A_249 = arith.select %lt3A_244, %broadcast_in_dim3A_247, %broadcast_in_dim3A_248 : vector<16xi1>, vector<16xi32>
        %add3A_250 = arith.addi %add3A_231, %select_n3A_249 : vector<16xi32>
        %lt3A_251 = arith.cmpi slt, %get3A_243, %xor3A_196 : vector<16xi32>
        %jit3A_252 = arith.constant 1 : i32
        %jit3A_253 = arith.constant 0 : i32
        %broadcast_in_dim3A_254 = vector.broadcast %jit3A_252 : i32 to vector<16xi32>
        %broadcast_in_dim3A_255 = vector.broadcast %jit3A_253 : i32 to vector<16xi32>
        %select_n3A_256 = arith.select %lt3A_251, %broadcast_in_dim3A_254, %broadcast_in_dim3A_255 : vector<16xi1>, vector<16xi32>
        %add3A_257 = arith.addi %add3A_238, %select_n3A_256 : vector<16xi32>
        %add3A_258 = arith.constant 2 : i32
        %add3A_259 = arith.addi %mul3A_219, %add3A_258 : i32
        %get3A_260 = arith.index_cast %add3A_259 : i32 to index
        %get3A_261 = arith.constant 0 : index
        %get3A_262 = tpu.vector_load %arg8[%get3A_260, %get3A_261] {strides = array<i32>} : memref<4096x16xi32, #tpu.memory_space<vmem>>, vector<16xi32>,
        %lt3A_263 = arith.cmpi slt, %get3A_262, %xor3A_191 : vector<16xi32>
        %jit3A_264 = arith.constant 1 : i32
        %jit3A_265 = arith.constant 0 : i32
        %broadcast_in_dim3A_266 = vector.broadcast %jit3A_264 : i32 to vector<16xi32>
        %broadcast_in_dim3A_267 = vector.broadcast %jit3A_265 : i32 to vector<16xi32>
        %select_n3A_268 = arith.select %lt3A_263, %broadcast_in_dim3A_266, %broadcast_in_dim3A_267 : vector<16xi1>, vector<16xi32>
        %add3A_269 = arith.addi %add3A_250, %select_n3A_268 : vector<16xi32>
        %lt3A_270 = arith.cmpi slt, %get3A_262, %xor3A_196 : vector<16xi32>
        %jit3A_271 = arith.constant 1 : i32
        %jit3A_272 = arith.constant 0 : i32
        %broadcast_in_dim3A_273 = vector.broadcast %jit3A_271 : i32 to vector<16xi32>
        %broadcast_in_dim3A_274 = vector.broadcast %jit3A_272 : i32 to vector<16xi32>
        %select_n3A_275 = arith.select %lt3A_270, %broadcast_in_dim3A_273, %broadcast_in_dim3A_274 : vector<16xi1>, vector<16xi32>
        %add3A_276 = arith.addi %add3A_257, %select_n3A_275 : vector<16xi32>
        %add3A_277 = arith.constant 3 : i32
        %add3A_278 = arith.addi %mul3A_219, %add3A_277 : i32
        %get3A_279 = arith.index_cast %add3A_278 : i32 to index
        %get3A_280 = arith.constant 0 : index
        %get3A_281 = tpu.vector_load %arg8[%get3A_279, %get3A_280] {strides = array<i32>} : memref<4096x16xi32, #tpu.memory_space<vmem>>, vector<16xi32>,
        %lt3A_282 = arith.cmpi slt, %get3A_281, %xor3A_191 : vector<16xi32>
        %jit3A_283 = arith.constant 1 : i32
        %jit3A_284 = arith.constant 0 : i32
        %broadcast_in_dim3A_285 = vector.broadcast %jit3A_283 : i32 to vector<16xi32>
        %broadcast_in_dim3A_286 = vector.broadcast %jit3A_284 : i32 to vector<16xi32>
        %select_n3A_287 = arith.select %lt3A_282, %broadcast_in_dim3A_285, %broadcast_in_dim3A_286 : vector<16xi1>, vector<16xi32>
        %add3A_288 = arith.addi %add3A_269, %select_n3A_287 : vector<16xi32>
        %lt3A_289 = arith.cmpi slt, %get3A_281, %xor3A_196 : vector<16xi32>
        %jit3A_290 = arith.constant 1 : i32
        %jit3A_291 = arith.constant 0 : i32
        %broadcast_in_dim3A_292 = vector.broadcast %jit3A_290 : i32 to vector<16xi32>
        %broadcast_in_dim3A_293 = vector.broadcast %jit3A_291 : i32 to vector<16xi32>
        %select_n3A_294 = arith.select %lt3A_289, %broadcast_in_dim3A_292, %broadcast_in_dim3A_293 : vector<16xi1>, vector<16xi32>
        %add3A_295 = arith.addi %add3A_276, %select_n3A_294 : vector<16xi32>
        %add3A_296 = arith.constant 4 : i32
        %add3A_297 = arith.addi %mul3A_219, %add3A_296 : i32
        %get3A_298 = arith.index_cast %add3A_297 : i32 to index
        %get3A_299 = arith.constant 0 : index
        %get3A_300 = tpu.vector_load %arg8[%get3A_298, %get3A_299] {strides = array<i32>} : memref<4096x16xi32, #tpu.memory_space<vmem>>, vector<16xi32>,
        %lt3A_301 = arith.cmpi slt, %get3A_300, %xor3A_191 : vector<16xi32>
        %jit3A_302 = arith.constant 1 : i32
        %jit3A_303 = arith.constant 0 : i32
        %broadcast_in_dim3A_304 = vector.broadcast %jit3A_302 : i32 to vector<16xi32>
        %broadcast_in_dim3A_305 = vector.broadcast %jit3A_303 : i32 to vector<16xi32>
        %select_n3A_306 = arith.select %lt3A_301, %broadcast_in_dim3A_304, %broadcast_in_dim3A_305 : vector<16xi1>, vector<16xi32>
        %add3A_307 = arith.addi %add3A_288, %select_n3A_306 : vector<16xi32>
        %lt3A_308 = arith.cmpi slt, %get3A_300, %xor3A_196 : vector<16xi32>
        %jit3A_309 = arith.constant 1 : i32
        %jit3A_310 = arith.constant 0 : i32
        %broadcast_in_dim3A_311 = vector.broadcast %jit3A_309 : i32 to vector<16xi32>
        %broadcast_in_dim3A_312 = vector.broadcast %jit3A_310 : i32 to vector<16xi32>
        %select_n3A_313 = arith.select %lt3A_308, %broadcast_in_dim3A_311, %broadcast_in_dim3A_312 : vector<16xi1>, vector<16xi32>
        %add3A_314 = arith.addi %add3A_295, %select_n3A_313 : vector<16xi32>
        %add3A_315 = arith.constant 5 : i32
        %add3A_316 = arith.addi %mul3A_219, %add3A_315 : i32
        %get3A_317 = arith.index_cast %add3A_316 : i32 to index
        %get3A_318 = arith.constant 0 : index
        %get3A_319 = tpu.vector_load %arg8[%get3A_317, %get3A_318] {strides = array<i32>} : memref<4096x16xi32, #tpu.memory_space<vmem>>, vector<16xi32>,
        %lt3A_320 = arith.cmpi slt, %get3A_319, %xor3A_191 : vector<16xi32>
        %jit3A_321 = arith.constant 1 : i32
        %jit3A_322 = arith.constant 0 : i32
        %broadcast_in_dim3A_323 = vector.broadcast %jit3A_321 : i32 to vector<16xi32>
        %broadcast_in_dim3A_324 = vector.broadcast %jit3A_322 : i32 to vector<16xi32>
        %select_n3A_325 = arith.select %lt3A_320, %broadcast_in_dim3A_323, %broadcast_in_dim3A_324 : vector<16xi1>, vector<16xi32>
        %add3A_326 = arith.addi %add3A_307, %select_n3A_325 : vector<16xi32>
        %lt3A_327 = arith.cmpi slt, %get3A_319, %xor3A_196 : vector<16xi32>
        %jit3A_328 = arith.constant 1 : i32
        %jit3A_329 = arith.constant 0 : i32
        %broadcast_in_dim3A_330 = vector.broadcast %jit3A_328 : i32 to vector<16xi32>
        %broadcast_in_dim3A_331 = vector.broadcast %jit3A_329 : i32 to vector<16xi32>
        %select_n3A_332 = arith.select %lt3A_327, %broadcast_in_dim3A_330, %broadcast_in_dim3A_331 : vector<16xi1>, vector<16xi32>
        %add3A_333 = arith.addi %add3A_314, %select_n3A_332 : vector<16xi32>
        %add3A_334 = arith.constant 6 : i32
        %add3A_335 = arith.addi %mul3A_219, %add3A_334 : i32
        %get3A_336 = arith.index_cast %add3A_335 : i32 to index
        %get3A_337 = arith.constant 0 : index
        %get3A_338 = tpu.vector_load %arg8[%get3A_336, %get3A_337] {strides = array<i32>} : memref<4096x16xi32, #tpu.memory_space<vmem>>, vector<16xi32>,
        %lt3A_339 = arith.cmpi slt, %get3A_338, %xor3A_191 : vector<16xi32>
        %jit3A_340 = arith.constant 1 : i32
        %jit3A_341 = arith.constant 0 : i32
        %broadcast_in_dim3A_342 = vector.broadcast %jit3A_340 : i32 to vector<16xi32>
        %broadcast_in_dim3A_343 = vector.broadcast %jit3A_341 : i32 to vector<16xi32>
        %select_n3A_344 = arith.select %lt3A_339, %broadcast_in_dim3A_342, %broadcast_in_dim3A_343 : vector<16xi1>, vector<16xi32>
        %add3A_345 = arith.addi %add3A_326, %select_n3A_344 : vector<16xi32>
        %lt3A_346 = arith.cmpi slt, %get3A_338, %xor3A_196 : vector<16xi32>
        %jit3A_347 = arith.constant 1 : i32
        %jit3A_348 = arith.constant 0 : i32
        %broadcast_in_dim3A_349 = vector.broadcast %jit3A_347 : i32 to vector<16xi32>
        %broadcast_in_dim3A_350 = vector.broadcast %jit3A_348 : i32 to vector<16xi32>
        %select_n3A_351 = arith.select %lt3A_346, %broadcast_in_dim3A_349, %broadcast_in_dim3A_350 : vector<16xi1>, vector<16xi32>
        %add3A_352 = arith.addi %add3A_333, %select_n3A_351 : vector<16xi32>
        %add3A_353 = arith.constant 7 : i32
        %add3A_354 = arith.addi %mul3A_219, %add3A_353 : i32
        %get3A_355 = arith.index_cast %add3A_354 : i32 to index
        %get3A_356 = arith.constant 0 : index
        %get3A_357 = tpu.vector_load %arg8[%get3A_355, %get3A_356] {strides = array<i32>} : memref<4096x16xi32, #tpu.memory_space<vmem>>, vector<16xi32>,
        %lt3A_358 = arith.cmpi slt, %get3A_357, %xor3A_191 : vector<16xi32>
        %jit3A_359 = arith.constant 1 : i32
        %jit3A_360 = arith.constant 0 : i32
        %broadcast_in_dim3A_361 = vector.broadcast %jit3A_359 : i32 to vector<16xi32>
        %broadcast_in_dim3A_362 = vector.broadcast %jit3A_360 : i32 to vector<16xi32>
        %select_n3A_363 = arith.select %lt3A_358, %broadcast_in_dim3A_361, %broadcast_in_dim3A_362 : vector<16xi1>, vector<16xi32>
        %add3A_364 = arith.addi %add3A_345, %select_n3A_363 : vector<16xi32>
        %lt3A_365 = arith.cmpi slt, %get3A_357, %xor3A_196 : vector<16xi32>
        %jit3A_366 = arith.constant 1 : i32
        %jit3A_367 = arith.constant 0 : i32
        %broadcast_in_dim3A_368 = vector.broadcast %jit3A_366 : i32 to vector<16xi32>
        %broadcast_in_dim3A_369 = vector.broadcast %jit3A_367 : i32 to vector<16xi32>
        %select_n3A_370 = arith.select %lt3A_365, %broadcast_in_dim3A_368, %broadcast_in_dim3A_369 : vector<16xi1>, vector<16xi32>
        %add3A_371 = arith.addi %add3A_352, %select_n3A_370 : vector<16xi32>
        scf.yield %add3A_364, %add3A_371 : vector<16xi32>, vector<16xi32>
      }
      %le3A = arith.cmpi sle, %while3A_207#0, %broadcast_in_dim3A_58 : vector<16xi32>
      %or3A_208 = vector.broadcast %shift_left3A_188 : i32 to vector<16xi32>
      %or3A_209 = arith.ori %scan3A_184, %or3A_208 : vector<16xi32>
      %select_n3A_210 = arith.select %le3A, %or3A_209, %scan3A_184 : vector<16xi1>, vector<16xi32>
      %le3A_211 = arith.cmpi sle, %while3A_207#1, %broadcast_in_dim3A_72 : vector<16xi32>
      %or3A_212 = vector.broadcast %shift_left3A_188 : i32 to vector<16xi32>
      %or3A_213 = arith.ori %scan3A_185, %or3A_212 : vector<16xi32>
      %select_n3A_214 = arith.select %le3A_211, %or3A_213, %scan3A_185 : vector<16xi1>, vector<16xi32>
      scf.yield %select_n3A_210, %select_n3A_214 : vector<16xi32>, vector<16xi32>
    }
    %scan3A_149 = arith.constant 32 : i32
    %lt3A_150 = arith.constant 0 : i32
    %lt3A_151 = vector.broadcast %lt3A_150 : i32 to vector<16xi32>
    %lt3A_152 = arith.cmpi slt, %scan3A_148#0, %lt3A_151 : vector<16xi32>
    %and3A_153 = arith.constant 2147483647 : i32
    %and3A_154 = vector.broadcast %and3A_153 : i32 to vector<16xi32>
    %and3A_155 = arith.andi %scan3A_148#0, %and3A_154 : vector<16xi32>
    %not3A = arith.constant dense<-1> : vector<16xi32>
    %not3A_156 = arith.xori %scan3A_148#0, %not3A : vector<16xi32>
    %select_n3A_157 = arith.select %lt3A_152, %and3A_155, %not3A_156 : vector<16xi1>, vector<16xi32>
    %bitcast3A = vector.bitcast %select_n3A_157 : vector<16xi32> to vector<16xf32>
    %lt3A_158 = arith.constant 0 : i32
    %lt3A_159 = vector.broadcast %lt3A_158 : i32 to vector<16xi32>
    %lt3A_160 = arith.cmpi slt, %scan3A_148#1, %lt3A_159 : vector<16xi32>
    %and3A_161 = arith.constant 2147483647 : i32
    %and3A_162 = vector.broadcast %and3A_161 : i32 to vector<16xi32>
    %and3A_163 = arith.andi %scan3A_148#1, %and3A_162 : vector<16xi32>
    %not3A_164 = arith.constant dense<-1> : vector<16xi32>
    %not3A_165 = arith.xori %scan3A_148#1, %not3A_164 : vector<16xi32>
    %select_n3A_166 = arith.select %lt3A_160, %and3A_163, %not3A_165 : vector<16xi1>, vector<16xi32>
    %bitcast3A_167 = vector.bitcast %select_n3A_166 : vector<16xi32> to vector<16xf32>
    %broadcast_in_dim3A_168 = arith.constant 0.000000e+00 : f32
    %broadcast_in_dim3A_169 = vector.broadcast %broadcast_in_dim3A_168 : f32 to vector<16xf32>
    %while3A = arith.constant 0 : i32
    %while3A_170 = arith.subi %select_n3A_144, %while3A : i32
    %while3A_171 = arith.addi %while3A, %while3A_170 : i32
    %while3A_172 = arith.constant 1 : i32
    %while3A_173 = arith.divsi %while3A_170, %while3A_172 : i32
    %while3A_174 = arith.muli %while3A_173, %while3A_172 : i32
    %while3A_175 = arith.addi %while3A, %while3A_174 : i32
    %while3A_176 = arith.constant 1 : i32
    %while3A_177:2 = scf.for %while3A_183 = %while3A to %while3A_175 step %while3A_176 iter_args(%while3A_184 = %broadcast_in_dim3A_169, %while3A_185 = %broadcast_in_dim3A_169) -> (vector<16xf32>, vector<16xf32>)  : i32 {
      %mul3A_186 = arith.constant 8 : i32
      %mul3A_187 = arith.muli %while3A_183, %mul3A_186 : i32
      %add3A_188 = arith.constant 0 : i32
      %add3A_189 = arith.addi %mul3A_187, %add3A_188 : i32
      %get3A_190 = arith.index_cast %add3A_189 : i32 to index
      %get3A_191 = arith.constant 0 : index
      %get3A_192 = tpu.vector_load %arg8[%get3A_190, %get3A_191] {strides = array<i32>} : memref<4096x16xi32, #tpu.memory_space<vmem>>, vector<16xi32>,
      %lt3A_193 = arith.constant 0 : i32
      %lt3A_194 = vector.broadcast %lt3A_193 : i32 to vector<16xi32>
      %lt3A_195 = arith.cmpi slt, %get3A_192, %lt3A_194 : vector<16xi32>
      %xor3A = arith.constant 2147483647 : i32
      %xor3A_196 = vector.broadcast %xor3A : i32 to vector<16xi32>
      %xor3A_197 = arith.xori %get3A_192, %xor3A_196 : vector<16xi32>
      %select_n3A_198 = arith.select %lt3A_195, %xor3A_197, %get3A_192 : vector<16xi1>, vector<16xi32>
      %bitcast3A_199 = vector.bitcast %select_n3A_198 : vector<16xi32> to vector<16xf32>
      %ge3A = arith.cmpf oge, %bitcast3A_199, %bitcast3A : vector<16xf32>
      %le3A = arith.cmpf ole, %bitcast3A_199, %bitcast3A_167 : vector<16xf32>
      %and3A_200 = arith.andi %ge3A, %le3A : vector<16xi1>
      %jit3A_201 = arith.constant 0.000000e+00 : f32
      %broadcast_in_dim3A_202 = vector.broadcast %jit3A_201 : f32 to vector<16xf32>
      %select_n3A_203 = arith.select %and3A_200, %bitcast3A_199, %broadcast_in_dim3A_202 : vector<16xi1>, vector<16xf32>
      %add3A_204 = arith.addf %while3A_184, %select_n3A_203 : vector<16xf32>
      %jit3A_205 = arith.constant 1.000000e+00 : f32
      %jit3A_206 = arith.constant 0.000000e+00 : f32
      %broadcast_in_dim3A_207 = vector.broadcast %jit3A_205 : f32 to vector<16xf32>
      %broadcast_in_dim3A_208 = vector.broadcast %jit3A_206 : f32 to vector<16xf32>
      %select_n3A_209 = arith.select %and3A_200, %broadcast_in_dim3A_207, %broadcast_in_dim3A_208 : vector<16xi1>, vector<16xf32>
      %add3A_210 = arith.addf %while3A_185, %select_n3A_209 : vector<16xf32>
      %add3A_211 = arith.constant 1 : i32
      %add3A_212 = arith.addi %mul3A_187, %add3A_211 : i32
      %get3A_213 = arith.index_cast %add3A_212 : i32 to index
      %get3A_214 = arith.constant 0 : index
      %get3A_215 = tpu.vector_load %arg8[%get3A_213, %get3A_214] {strides = array<i32>} : memref<4096x16xi32, #tpu.memory_space<vmem>>, vector<16xi32>,
      %lt3A_216 = arith.constant 0 : i32
      %lt3A_217 = vector.broadcast %lt3A_216 : i32 to vector<16xi32>
      %lt3A_218 = arith.cmpi slt, %get3A_215, %lt3A_217 : vector<16xi32>
      %xor3A_219 = arith.constant 2147483647 : i32
      %xor3A_220 = vector.broadcast %xor3A_219 : i32 to vector<16xi32>
      %xor3A_221 = arith.xori %get3A_215, %xor3A_220 : vector<16xi32>
      %select_n3A_222 = arith.select %lt3A_218, %xor3A_221, %get3A_215 : vector<16xi1>, vector<16xi32>
      %bitcast3A_223 = vector.bitcast %select_n3A_222 : vector<16xi32> to vector<16xf32>
      %ge3A_224 = arith.cmpf oge, %bitcast3A_223, %bitcast3A : vector<16xf32>
      %le3A_225 = arith.cmpf ole, %bitcast3A_223, %bitcast3A_167 : vector<16xf32>
      %and3A_226 = arith.andi %ge3A_224, %le3A_225 : vector<16xi1>
      %jit3A_227 = arith.constant 0.000000e+00 : f32
      %broadcast_in_dim3A_228 = vector.broadcast %jit3A_227 : f32 to vector<16xf32>
      %select_n3A_229 = arith.select %and3A_226, %bitcast3A_223, %broadcast_in_dim3A_228 : vector<16xi1>, vector<16xf32>
      %add3A_230 = arith.addf %add3A_204, %select_n3A_229 : vector<16xf32>
      %jit3A_231 = arith.constant 1.000000e+00 : f32
      %jit3A_232 = arith.constant 0.000000e+00 : f32
      %broadcast_in_dim3A_233 = vector.broadcast %jit3A_231 : f32 to vector<16xf32>
      %broadcast_in_dim3A_234 = vector.broadcast %jit3A_232 : f32 to vector<16xf32>
      %select_n3A_235 = arith.select %and3A_226, %broadcast_in_dim3A_233, %broadcast_in_dim3A_234 : vector<16xi1>, vector<16xf32>
      %add3A_236 = arith.addf %add3A_210, %select_n3A_235 : vector<16xf32>
      %add3A_237 = arith.constant 2 : i32
      %add3A_238 = arith.addi %mul3A_187, %add3A_237 : i32
      %get3A_239 = arith.index_cast %add3A_238 : i32 to index
      %get3A_240 = arith.constant 0 : index
      %get3A_241 = tpu.vector_load %arg8[%get3A_239, %get3A_240] {strides = array<i32>} : memref<4096x16xi32, #tpu.memory_space<vmem>>, vector<16xi32>,
      %lt3A_242 = arith.constant 0 : i32
      %lt3A_243 = vector.broadcast %lt3A_242 : i32 to vector<16xi32>
      %lt3A_244 = arith.cmpi slt, %get3A_241, %lt3A_243 : vector<16xi32>
      %xor3A_245 = arith.constant 2147483647 : i32
      %xor3A_246 = vector.broadcast %xor3A_245 : i32 to vector<16xi32>
      %xor3A_247 = arith.xori %get3A_241, %xor3A_246 : vector<16xi32>
      %select_n3A_248 = arith.select %lt3A_244, %xor3A_247, %get3A_241 : vector<16xi1>, vector<16xi32>
      %bitcast3A_249 = vector.bitcast %select_n3A_248 : vector<16xi32> to vector<16xf32>
      %ge3A_250 = arith.cmpf oge, %bitcast3A_249, %bitcast3A : vector<16xf32>
      %le3A_251 = arith.cmpf ole, %bitcast3A_249, %bitcast3A_167 : vector<16xf32>
      %and3A_252 = arith.andi %ge3A_250, %le3A_251 : vector<16xi1>
      %jit3A_253 = arith.constant 0.000000e+00 : f32
      %broadcast_in_dim3A_254 = vector.broadcast %jit3A_253 : f32 to vector<16xf32>
      %select_n3A_255 = arith.select %and3A_252, %bitcast3A_249, %broadcast_in_dim3A_254 : vector<16xi1>, vector<16xf32>
      %add3A_256 = arith.addf %add3A_230, %select_n3A_255 : vector<16xf32>
      %jit3A_257 = arith.constant 1.000000e+00 : f32
      %jit3A_258 = arith.constant 0.000000e+00 : f32
      %broadcast_in_dim3A_259 = vector.broadcast %jit3A_257 : f32 to vector<16xf32>
      %broadcast_in_dim3A_260 = vector.broadcast %jit3A_258 : f32 to vector<16xf32>
      %select_n3A_261 = arith.select %and3A_252, %broadcast_in_dim3A_259, %broadcast_in_dim3A_260 : vector<16xi1>, vector<16xf32>
      %add3A_262 = arith.addf %add3A_236, %select_n3A_261 : vector<16xf32>
      %add3A_263 = arith.constant 3 : i32
      %add3A_264 = arith.addi %mul3A_187, %add3A_263 : i32
      %get3A_265 = arith.index_cast %add3A_264 : i32 to index
      %get3A_266 = arith.constant 0 : index
      %get3A_267 = tpu.vector_load %arg8[%get3A_265, %get3A_266] {strides = array<i32>} : memref<4096x16xi32, #tpu.memory_space<vmem>>, vector<16xi32>,
      %lt3A_268 = arith.constant 0 : i32
      %lt3A_269 = vector.broadcast %lt3A_268 : i32 to vector<16xi32>
      %lt3A_270 = arith.cmpi slt, %get3A_267, %lt3A_269 : vector<16xi32>
      %xor3A_271 = arith.constant 2147483647 : i32
      %xor3A_272 = vector.broadcast %xor3A_271 : i32 to vector<16xi32>
      %xor3A_273 = arith.xori %get3A_267, %xor3A_272 : vector<16xi32>
      %select_n3A_274 = arith.select %lt3A_270, %xor3A_273, %get3A_267 : vector<16xi1>, vector<16xi32>
      %bitcast3A_275 = vector.bitcast %select_n3A_274 : vector<16xi32> to vector<16xf32>
      %ge3A_276 = arith.cmpf oge, %bitcast3A_275, %bitcast3A : vector<16xf32>
      %le3A_277 = arith.cmpf ole, %bitcast3A_275, %bitcast3A_167 : vector<16xf32>
      %and3A_278 = arith.andi %ge3A_276, %le3A_277 : vector<16xi1>
      %jit3A_279 = arith.constant 0.000000e+00 : f32
      %broadcast_in_dim3A_280 = vector.broadcast %jit3A_279 : f32 to vector<16xf32>
      %select_n3A_281 = arith.select %and3A_278, %bitcast3A_275, %broadcast_in_dim3A_280 : vector<16xi1>, vector<16xf32>
      %add3A_282 = arith.addf %add3A_256, %select_n3A_281 : vector<16xf32>
      %jit3A_283 = arith.constant 1.000000e+00 : f32
      %jit3A_284 = arith.constant 0.000000e+00 : f32
      %broadcast_in_dim3A_285 = vector.broadcast %jit3A_283 : f32 to vector<16xf32>
      %broadcast_in_dim3A_286 = vector.broadcast %jit3A_284 : f32 to vector<16xf32>
      %select_n3A_287 = arith.select %and3A_278, %broadcast_in_dim3A_285, %broadcast_in_dim3A_286 : vector<16xi1>, vector<16xf32>
      %add3A_288 = arith.addf %add3A_262, %select_n3A_287 : vector<16xf32>
      %add3A_289 = arith.constant 4 : i32
      %add3A_290 = arith.addi %mul3A_187, %add3A_289 : i32
      %get3A_291 = arith.index_cast %add3A_290 : i32 to index
      %get3A_292 = arith.constant 0 : index
      %get3A_293 = tpu.vector_load %arg8[%get3A_291, %get3A_292] {strides = array<i32>} : memref<4096x16xi32, #tpu.memory_space<vmem>>, vector<16xi32>,
      %lt3A_294 = arith.constant 0 : i32
      %lt3A_295 = vector.broadcast %lt3A_294 : i32 to vector<16xi32>
      %lt3A_296 = arith.cmpi slt, %get3A_293, %lt3A_295 : vector<16xi32>
      %xor3A_297 = arith.constant 2147483647 : i32
      %xor3A_298 = vector.broadcast %xor3A_297 : i32 to vector<16xi32>
      %xor3A_299 = arith.xori %get3A_293, %xor3A_298 : vector<16xi32>
      %select_n3A_300 = arith.select %lt3A_296, %xor3A_299, %get3A_293 : vector<16xi1>, vector<16xi32>
      %bitcast3A_301 = vector.bitcast %select_n3A_300 : vector<16xi32> to vector<16xf32>
      %ge3A_302 = arith.cmpf oge, %bitcast3A_301, %bitcast3A : vector<16xf32>
      %le3A_303 = arith.cmpf ole, %bitcast3A_301, %bitcast3A_167 : vector<16xf32>
      %and3A_304 = arith.andi %ge3A_302, %le3A_303 : vector<16xi1>
      %jit3A_305 = arith.constant 0.000000e+00 : f32
      %broadcast_in_dim3A_306 = vector.broadcast %jit3A_305 : f32 to vector<16xf32>
      %select_n3A_307 = arith.select %and3A_304, %bitcast3A_301, %broadcast_in_dim3A_306 : vector<16xi1>, vector<16xf32>
      %add3A_308 = arith.addf %add3A_282, %select_n3A_307 : vector<16xf32>
      %jit3A_309 = arith.constant 1.000000e+00 : f32
      %jit3A_310 = arith.constant 0.000000e+00 : f32
      %broadcast_in_dim3A_311 = vector.broadcast %jit3A_309 : f32 to vector<16xf32>
      %broadcast_in_dim3A_312 = vector.broadcast %jit3A_310 : f32 to vector<16xf32>
      %select_n3A_313 = arith.select %and3A_304, %broadcast_in_dim3A_311, %broadcast_in_dim3A_312 : vector<16xi1>, vector<16xf32>
      %add3A_314 = arith.addf %add3A_288, %select_n3A_313 : vector<16xf32>
      %add3A_315 = arith.constant 5 : i32
      %add3A_316 = arith.addi %mul3A_187, %add3A_315 : i32
      %get3A_317 = arith.index_cast %add3A_316 : i32 to index
      %get3A_318 = arith.constant 0 : index
      %get3A_319 = tpu.vector_load %arg8[%get3A_317, %get3A_318] {strides = array<i32>} : memref<4096x16xi32, #tpu.memory_space<vmem>>, vector<16xi32>,
      %lt3A_320 = arith.constant 0 : i32
      %lt3A_321 = vector.broadcast %lt3A_320 : i32 to vector<16xi32>
      %lt3A_322 = arith.cmpi slt, %get3A_319, %lt3A_321 : vector<16xi32>
      %xor3A_323 = arith.constant 2147483647 : i32
      %xor3A_324 = vector.broadcast %xor3A_323 : i32 to vector<16xi32>
      %xor3A_325 = arith.xori %get3A_319, %xor3A_324 : vector<16xi32>
      %select_n3A_326 = arith.select %lt3A_322, %xor3A_325, %get3A_319 : vector<16xi1>, vector<16xi32>
      %bitcast3A_327 = vector.bitcast %select_n3A_326 : vector<16xi32> to vector<16xf32>
      %ge3A_328 = arith.cmpf oge, %bitcast3A_327, %bitcast3A : vector<16xf32>
      %le3A_329 = arith.cmpf ole, %bitcast3A_327, %bitcast3A_167 : vector<16xf32>
      %and3A_330 = arith.andi %ge3A_328, %le3A_329 : vector<16xi1>
      %jit3A_331 = arith.constant 0.000000e+00 : f32
      %broadcast_in_dim3A_332 = vector.broadcast %jit3A_331 : f32 to vector<16xf32>
      %select_n3A_333 = arith.select %and3A_330, %bitcast3A_327, %broadcast_in_dim3A_332 : vector<16xi1>, vector<16xf32>
      %add3A_334 = arith.addf %add3A_308, %select_n3A_333 : vector<16xf32>
      %jit3A_335 = arith.constant 1.000000e+00 : f32
      %jit3A_336 = arith.constant 0.000000e+00 : f32
      %broadcast_in_dim3A_337 = vector.broadcast %jit3A_335 : f32 to vector<16xf32>
      %broadcast_in_dim3A_338 = vector.broadcast %jit3A_336 : f32 to vector<16xf32>
      %select_n3A_339 = arith.select %and3A_330, %broadcast_in_dim3A_337, %broadcast_in_dim3A_338 : vector<16xi1>, vector<16xf32>
      %add3A_340 = arith.addf %add3A_314, %select_n3A_339 : vector<16xf32>
      %add3A_341 = arith.constant 6 : i32
      %add3A_342 = arith.addi %mul3A_187, %add3A_341 : i32
      %get3A_343 = arith.index_cast %add3A_342 : i32 to index
      %get3A_344 = arith.constant 0 : index
      %get3A_345 = tpu.vector_load %arg8[%get3A_343, %get3A_344] {strides = array<i32>} : memref<4096x16xi32, #tpu.memory_space<vmem>>, vector<16xi32>,
      %lt3A_346 = arith.constant 0 : i32
      %lt3A_347 = vector.broadcast %lt3A_346 : i32 to vector<16xi32>
      %lt3A_348 = arith.cmpi slt, %get3A_345, %lt3A_347 : vector<16xi32>
      %xor3A_349 = arith.constant 2147483647 : i32
      %xor3A_350 = vector.broadcast %xor3A_349 : i32 to vector<16xi32>
      %xor3A_351 = arith.xori %get3A_345, %xor3A_350 : vector<16xi32>
      %select_n3A_352 = arith.select %lt3A_348, %xor3A_351, %get3A_345 : vector<16xi1>, vector<16xi32>
      %bitcast3A_353 = vector.bitcast %select_n3A_352 : vector<16xi32> to vector<16xf32>
      %ge3A_354 = arith.cmpf oge, %bitcast3A_353, %bitcast3A : vector<16xf32>
      %le3A_355 = arith.cmpf ole, %bitcast3A_353, %bitcast3A_167 : vector<16xf32>
      %and3A_356 = arith.andi %ge3A_354, %le3A_355 : vector<16xi1>
      %jit3A_357 = arith.constant 0.000000e+00 : f32
      %broadcast_in_dim3A_358 = vector.broadcast %jit3A_357 : f32 to vector<16xf32>
      %select_n3A_359 = arith.select %and3A_356, %bitcast3A_353, %broadcast_in_dim3A_358 : vector<16xi1>, vector<16xf32>
      %add3A_360 = arith.addf %add3A_334, %select_n3A_359 : vector<16xf32>
      %jit3A_361 = arith.constant 1.000000e+00 : f32
      %jit3A_362 = arith.constant 0.000000e+00 : f32
      %broadcast_in_dim3A_363 = vector.broadcast %jit3A_361 : f32 to vector<16xf32>
      %broadcast_in_dim3A_364 = vector.broadcast %jit3A_362 : f32 to vector<16xf32>
      %select_n3A_365 = arith.select %and3A_356, %broadcast_in_dim3A_363, %broadcast_in_dim3A_364 : vector<16xi1>, vector<16xf32>
      %add3A_366 = arith.addf %add3A_340, %select_n3A_365 : vector<16xf32>
      %add3A_367 = arith.constant 7 : i32
      %add3A_368 = arith.addi %mul3A_187, %add3A_367 : i32
      %get3A_369 = arith.index_cast %add3A_368 : i32 to index
      %get3A_370 = arith.constant 0 : index
      %get3A_371 = tpu.vector_load %arg8[%get3A_369, %get3A_370] {strides = array<i32>} : memref<4096x16xi32, #tpu.memory_space<vmem>>, vector<16xi32>,
      %lt3A_372 = arith.constant 0 : i32
      %lt3A_373 = vector.broadcast %lt3A_372 : i32 to vector<16xi32>
      %lt3A_374 = arith.cmpi slt, %get3A_371, %lt3A_373 : vector<16xi32>
      %xor3A_375 = arith.constant 2147483647 : i32
      %xor3A_376 = vector.broadcast %xor3A_375 : i32 to vector<16xi32>
      %xor3A_377 = arith.xori %get3A_371, %xor3A_376 : vector<16xi32>
      %select_n3A_378 = arith.select %lt3A_374, %xor3A_377, %get3A_371 : vector<16xi1>, vector<16xi32>
      %bitcast3A_379 = vector.bitcast %select_n3A_378 : vector<16xi32> to vector<16xf32>
      %ge3A_380 = arith.cmpf oge, %bitcast3A_379, %bitcast3A : vector<16xf32>
      %le3A_381 = arith.cmpf ole, %bitcast3A_379, %bitcast3A_167 : vector<16xf32>
      %and3A_382 = arith.andi %ge3A_380, %le3A_381 : vector<16xi1>
      %jit3A_383 = arith.constant 0.000000e+00 : f32
      %broadcast_in_dim3A_384 = vector.broadcast %jit3A_383 : f32 to vector<16xf32>
      %select_n3A_385 = arith.select %and3A_382, %bitcast3A_379, %broadcast_in_dim3A_384 : vector<16xi1>, vector<16xf32>
      %add3A_386 = arith.addf %add3A_360, %select_n3A_385 : vector<16xf32>
      %jit3A_387 = arith.constant 1.000000e+00 : f32
      %jit3A_388 = arith.constant 0.000000e+00 : f32
      %broadcast_in_dim3A_389 = vector.broadcast %jit3A_387 : f32 to vector<16xf32>
      %broadcast_in_dim3A_390 = vector.broadcast %jit3A_388 : f32 to vector<16xf32>
      %select_n3A_391 = arith.select %and3A_382, %broadcast_in_dim3A_389, %broadcast_in_dim3A_390 : vector<16xi1>, vector<16xf32>
      %add3A_392 = arith.addf %add3A_366, %select_n3A_391 : vector<16xf32>
      scf.yield %add3A_386, %add3A_392 : vector<16xf32>, vector<16xf32>
    }
    %while3A_178 = arith.constant 1 : i32
    %while3A_179:2 = scf.for %while3A_183 = %while3A_175 to %while3A_171 step %while3A_178 iter_args(%while3A_184 = %while3A_177#0, %while3A_185 = %while3A_177#1) -> (vector<16xf32>, vector<16xf32>)  : i32 {
      %mul3A_186 = arith.constant 8 : i32
      %mul3A_187 = arith.muli %while3A_183, %mul3A_186 : i32
      %add3A_188 = arith.constant 0 : i32
      %add3A_189 = arith.addi %mul3A_187, %add3A_188 : i32
      %get3A_190 = arith.index_cast %add3A_189 : i32 to index
      %get3A_191 = arith.constant 0 : index
      %get3A_192 = tpu.vector_load %arg8[%get3A_190, %get3A_191] {strides = array<i32>} : memref<4096x16xi32, #tpu.memory_space<vmem>>, vector<16xi32>,
      %lt3A_193 = arith.constant 0 : i32
      %lt3A_194 = vector.broadcast %lt3A_193 : i32 to vector<16xi32>
      %lt3A_195 = arith.cmpi slt, %get3A_192, %lt3A_194 : vector<16xi32>
      %xor3A = arith.constant 2147483647 : i32
      %xor3A_196 = vector.broadcast %xor3A : i32 to vector<16xi32>
      %xor3A_197 = arith.xori %get3A_192, %xor3A_196 : vector<16xi32>
      %select_n3A_198 = arith.select %lt3A_195, %xor3A_197, %get3A_192 : vector<16xi1>, vector<16xi32>
      %bitcast3A_199 = vector.bitcast %select_n3A_198 : vector<16xi32> to vector<16xf32>
      %ge3A = arith.cmpf oge, %bitcast3A_199, %bitcast3A : vector<16xf32>
      %le3A = arith.cmpf ole, %bitcast3A_199, %bitcast3A_167 : vector<16xf32>
      %and3A_200 = arith.andi %ge3A, %le3A : vector<16xi1>
      %jit3A_201 = arith.constant 0.000000e+00 : f32
      %broadcast_in_dim3A_202 = vector.broadcast %jit3A_201 : f32 to vector<16xf32>
      %select_n3A_203 = arith.select %and3A_200, %bitcast3A_199, %broadcast_in_dim3A_202 : vector<16xi1>, vector<16xf32>
      %add3A_204 = arith.addf %while3A_184, %select_n3A_203 : vector<16xf32>
      %jit3A_205 = arith.constant 1.000000e+00 : f32
      %jit3A_206 = arith.constant 0.000000e+00 : f32
      %broadcast_in_dim3A_207 = vector.broadcast %jit3A_205 : f32 to vector<16xf32>
      %broadcast_in_dim3A_208 = vector.broadcast %jit3A_206 : f32 to vector<16xf32>
      %select_n3A_209 = arith.select %and3A_200, %broadcast_in_dim3A_207, %broadcast_in_dim3A_208 : vector<16xi1>, vector<16xf32>
      %add3A_210 = arith.addf %while3A_185, %select_n3A_209 : vector<16xf32>
      %add3A_211 = arith.constant 1 : i32
      %add3A_212 = arith.addi %mul3A_187, %add3A_211 : i32
      %get3A_213 = arith.index_cast %add3A_212 : i32 to index
      %get3A_214 = arith.constant 0 : index
      %get3A_215 = tpu.vector_load %arg8[%get3A_213, %get3A_214] {strides = array<i32>} : memref<4096x16xi32, #tpu.memory_space<vmem>>, vector<16xi32>,
      %lt3A_216 = arith.constant 0 : i32
      %lt3A_217 = vector.broadcast %lt3A_216 : i32 to vector<16xi32>
      %lt3A_218 = arith.cmpi slt, %get3A_215, %lt3A_217 : vector<16xi32>
      %xor3A_219 = arith.constant 2147483647 : i32
      %xor3A_220 = vector.broadcast %xor3A_219 : i32 to vector<16xi32>
      %xor3A_221 = arith.xori %get3A_215, %xor3A_220 : vector<16xi32>
      %select_n3A_222 = arith.select %lt3A_218, %xor3A_221, %get3A_215 : vector<16xi1>, vector<16xi32>
      %bitcast3A_223 = vector.bitcast %select_n3A_222 : vector<16xi32> to vector<16xf32>
      %ge3A_224 = arith.cmpf oge, %bitcast3A_223, %bitcast3A : vector<16xf32>
      %le3A_225 = arith.cmpf ole, %bitcast3A_223, %bitcast3A_167 : vector<16xf32>
      %and3A_226 = arith.andi %ge3A_224, %le3A_225 : vector<16xi1>
      %jit3A_227 = arith.constant 0.000000e+00 : f32
      %broadcast_in_dim3A_228 = vector.broadcast %jit3A_227 : f32 to vector<16xf32>
      %select_n3A_229 = arith.select %and3A_226, %bitcast3A_223, %broadcast_in_dim3A_228 : vector<16xi1>, vector<16xf32>
      %add3A_230 = arith.addf %add3A_204, %select_n3A_229 : vector<16xf32>
      %jit3A_231 = arith.constant 1.000000e+00 : f32
      %jit3A_232 = arith.constant 0.000000e+00 : f32
      %broadcast_in_dim3A_233 = vector.broadcast %jit3A_231 : f32 to vector<16xf32>
      %broadcast_in_dim3A_234 = vector.broadcast %jit3A_232 : f32 to vector<16xf32>
      %select_n3A_235 = arith.select %and3A_226, %broadcast_in_dim3A_233, %broadcast_in_dim3A_234 : vector<16xi1>, vector<16xf32>
      %add3A_236 = arith.addf %add3A_210, %select_n3A_235 : vector<16xf32>
      %add3A_237 = arith.constant 2 : i32
      %add3A_238 = arith.addi %mul3A_187, %add3A_237 : i32
      %get3A_239 = arith.index_cast %add3A_238 : i32 to index
      %get3A_240 = arith.constant 0 : index
      %get3A_241 = tpu.vector_load %arg8[%get3A_239, %get3A_240] {strides = array<i32>} : memref<4096x16xi32, #tpu.memory_space<vmem>>, vector<16xi32>,
      %lt3A_242 = arith.constant 0 : i32
      %lt3A_243 = vector.broadcast %lt3A_242 : i32 to vector<16xi32>
      %lt3A_244 = arith.cmpi slt, %get3A_241, %lt3A_243 : vector<16xi32>
      %xor3A_245 = arith.constant 2147483647 : i32
      %xor3A_246 = vector.broadcast %xor3A_245 : i32 to vector<16xi32>
      %xor3A_247 = arith.xori %get3A_241, %xor3A_246 : vector<16xi32>
      %select_n3A_248 = arith.select %lt3A_244, %xor3A_247, %get3A_241 : vector<16xi1>, vector<16xi32>
      %bitcast3A_249 = vector.bitcast %select_n3A_248 : vector<16xi32> to vector<16xf32>
      %ge3A_250 = arith.cmpf oge, %bitcast3A_249, %bitcast3A : vector<16xf32>
      %le3A_251 = arith.cmpf ole, %bitcast3A_249, %bitcast3A_167 : vector<16xf32>
      %and3A_252 = arith.andi %ge3A_250, %le3A_251 : vector<16xi1>
      %jit3A_253 = arith.constant 0.000000e+00 : f32
      %broadcast_in_dim3A_254 = vector.broadcast %jit3A_253 : f32 to vector<16xf32>
      %select_n3A_255 = arith.select %and3A_252, %bitcast3A_249, %broadcast_in_dim3A_254 : vector<16xi1>, vector<16xf32>
      %add3A_256 = arith.addf %add3A_230, %select_n3A_255 : vector<16xf32>
      %jit3A_257 = arith.constant 1.000000e+00 : f32
      %jit3A_258 = arith.constant 0.000000e+00 : f32
      %broadcast_in_dim3A_259 = vector.broadcast %jit3A_257 : f32 to vector<16xf32>
      %broadcast_in_dim3A_260 = vector.broadcast %jit3A_258 : f32 to vector<16xf32>
      %select_n3A_261 = arith.select %and3A_252, %broadcast_in_dim3A_259, %broadcast_in_dim3A_260 : vector<16xi1>, vector<16xf32>
      %add3A_262 = arith.addf %add3A_236, %select_n3A_261 : vector<16xf32>
      %add3A_263 = arith.constant 3 : i32
      %add3A_264 = arith.addi %mul3A_187, %add3A_263 : i32
      %get3A_265 = arith.index_cast %add3A_264 : i32 to index
      %get3A_266 = arith.constant 0 : index
      %get3A_267 = tpu.vector_load %arg8[%get3A_265, %get3A_266] {strides = array<i32>} : memref<4096x16xi32, #tpu.memory_space<vmem>>, vector<16xi32>,
      %lt3A_268 = arith.constant 0 : i32
      %lt3A_269 = vector.broadcast %lt3A_268 : i32 to vector<16xi32>
      %lt3A_270 = arith.cmpi slt, %get3A_267, %lt3A_269 : vector<16xi32>
      %xor3A_271 = arith.constant 2147483647 : i32
      %xor3A_272 = vector.broadcast %xor3A_271 : i32 to vector<16xi32>
      %xor3A_273 = arith.xori %get3A_267, %xor3A_272 : vector<16xi32>
      %select_n3A_274 = arith.select %lt3A_270, %xor3A_273, %get3A_267 : vector<16xi1>, vector<16xi32>
      %bitcast3A_275 = vector.bitcast %select_n3A_274 : vector<16xi32> to vector<16xf32>
      %ge3A_276 = arith.cmpf oge, %bitcast3A_275, %bitcast3A : vector<16xf32>
      %le3A_277 = arith.cmpf ole, %bitcast3A_275, %bitcast3A_167 : vector<16xf32>
      %and3A_278 = arith.andi %ge3A_276, %le3A_277 : vector<16xi1>
      %jit3A_279 = arith.constant 0.000000e+00 : f32
      %broadcast_in_dim3A_280 = vector.broadcast %jit3A_279 : f32 to vector<16xf32>
      %select_n3A_281 = arith.select %and3A_278, %bitcast3A_275, %broadcast_in_dim3A_280 : vector<16xi1>, vector<16xf32>
      %add3A_282 = arith.addf %add3A_256, %select_n3A_281 : vector<16xf32>
      %jit3A_283 = arith.constant 1.000000e+00 : f32
      %jit3A_284 = arith.constant 0.000000e+00 : f32
      %broadcast_in_dim3A_285 = vector.broadcast %jit3A_283 : f32 to vector<16xf32>
      %broadcast_in_dim3A_286 = vector.broadcast %jit3A_284 : f32 to vector<16xf32>
      %select_n3A_287 = arith.select %and3A_278, %broadcast_in_dim3A_285, %broadcast_in_dim3A_286 : vector<16xi1>, vector<16xf32>
      %add3A_288 = arith.addf %add3A_262, %select_n3A_287 : vector<16xf32>
      %add3A_289 = arith.constant 4 : i32
      %add3A_290 = arith.addi %mul3A_187, %add3A_289 : i32
      %get3A_291 = arith.index_cast %add3A_290 : i32 to index
      %get3A_292 = arith.constant 0 : index
      %get3A_293 = tpu.vector_load %arg8[%get3A_291, %get3A_292] {strides = array<i32>} : memref<4096x16xi32, #tpu.memory_space<vmem>>, vector<16xi32>,
      %lt3A_294 = arith.constant 0 : i32
      %lt3A_295 = vector.broadcast %lt3A_294 : i32 to vector<16xi32>
      %lt3A_296 = arith.cmpi slt, %get3A_293, %lt3A_295 : vector<16xi32>
      %xor3A_297 = arith.constant 2147483647 : i32
      %xor3A_298 = vector.broadcast %xor3A_297 : i32 to vector<16xi32>
      %xor3A_299 = arith.xori %get3A_293, %xor3A_298 : vector<16xi32>
      %select_n3A_300 = arith.select %lt3A_296, %xor3A_299, %get3A_293 : vector<16xi1>, vector<16xi32>
      %bitcast3A_301 = vector.bitcast %select_n3A_300 : vector<16xi32> to vector<16xf32>
      %ge3A_302 = arith.cmpf oge, %bitcast3A_301, %bitcast3A : vector<16xf32>
      %le3A_303 = arith.cmpf ole, %bitcast3A_301, %bitcast3A_167 : vector<16xf32>
      %and3A_304 = arith.andi %ge3A_302, %le3A_303 : vector<16xi1>
      %jit3A_305 = arith.constant 0.000000e+00 : f32
      %broadcast_in_dim3A_306 = vector.broadcast %jit3A_305 : f32 to vector<16xf32>
      %select_n3A_307 = arith.select %and3A_304, %bitcast3A_301, %broadcast_in_dim3A_306 : vector<16xi1>, vector<16xf32>
      %add3A_308 = arith.addf %add3A_282, %select_n3A_307 : vector<16xf32>
      %jit3A_309 = arith.constant 1.000000e+00 : f32
      %jit3A_310 = arith.constant 0.000000e+00 : f32
      %broadcast_in_dim3A_311 = vector.broadcast %jit3A_309 : f32 to vector<16xf32>
      %broadcast_in_dim3A_312 = vector.broadcast %jit3A_310 : f32 to vector<16xf32>
      %select_n3A_313 = arith.select %and3A_304, %broadcast_in_dim3A_311, %broadcast_in_dim3A_312 : vector<16xi1>, vector<16xf32>
      %add3A_314 = arith.addf %add3A_288, %select_n3A_313 : vector<16xf32>
      %add3A_315 = arith.constant 5 : i32
      %add3A_316 = arith.addi %mul3A_187, %add3A_315 : i32
      %get3A_317 = arith.index_cast %add3A_316 : i32 to index
      %get3A_318 = arith.constant 0 : index
      %get3A_319 = tpu.vector_load %arg8[%get3A_317, %get3A_318] {strides = array<i32>} : memref<4096x16xi32, #tpu.memory_space<vmem>>, vector<16xi32>,
      %lt3A_320 = arith.constant 0 : i32
      %lt3A_321 = vector.broadcast %lt3A_320 : i32 to vector<16xi32>
      %lt3A_322 = arith.cmpi slt, %get3A_319, %lt3A_321 : vector<16xi32>
      %xor3A_323 = arith.constant 2147483647 : i32
      %xor3A_324 = vector.broadcast %xor3A_323 : i32 to vector<16xi32>
      %xor3A_325 = arith.xori %get3A_319, %xor3A_324 : vector<16xi32>
      %select_n3A_326 = arith.select %lt3A_322, %xor3A_325, %get3A_319 : vector<16xi1>, vector<16xi32>
      %bitcast3A_327 = vector.bitcast %select_n3A_326 : vector<16xi32> to vector<16xf32>
      %ge3A_328 = arith.cmpf oge, %bitcast3A_327, %bitcast3A : vector<16xf32>
      %le3A_329 = arith.cmpf ole, %bitcast3A_327, %bitcast3A_167 : vector<16xf32>
      %and3A_330 = arith.andi %ge3A_328, %le3A_329 : vector<16xi1>
      %jit3A_331 = arith.constant 0.000000e+00 : f32
      %broadcast_in_dim3A_332 = vector.broadcast %jit3A_331 : f32 to vector<16xf32>
      %select_n3A_333 = arith.select %and3A_330, %bitcast3A_327, %broadcast_in_dim3A_332 : vector<16xi1>, vector<16xf32>
      %add3A_334 = arith.addf %add3A_308, %select_n3A_333 : vector<16xf32>
      %jit3A_335 = arith.constant 1.000000e+00 : f32
      %jit3A_336 = arith.constant 0.000000e+00 : f32
      %broadcast_in_dim3A_337 = vector.broadcast %jit3A_335 : f32 to vector<16xf32>
      %broadcast_in_dim3A_338 = vector.broadcast %jit3A_336 : f32 to vector<16xf32>
      %select_n3A_339 = arith.select %and3A_330, %broadcast_in_dim3A_337, %broadcast_in_dim3A_338 : vector<16xi1>, vector<16xf32>
      %add3A_340 = arith.addf %add3A_314, %select_n3A_339 : vector<16xf32>
      %add3A_341 = arith.constant 6 : i32
      %add3A_342 = arith.addi %mul3A_187, %add3A_341 : i32
      %get3A_343 = arith.index_cast %add3A_342 : i32 to index
      %get3A_344 = arith.constant 0 : index
      %get3A_345 = tpu.vector_load %arg8[%get3A_343, %get3A_344] {strides = array<i32>} : memref<4096x16xi32, #tpu.memory_space<vmem>>, vector<16xi32>,
      %lt3A_346 = arith.constant 0 : i32
      %lt3A_347 = vector.broadcast %lt3A_346 : i32 to vector<16xi32>
      %lt3A_348 = arith.cmpi slt, %get3A_345, %lt3A_347 : vector<16xi32>
      %xor3A_349 = arith.constant 2147483647 : i32
      %xor3A_350 = vector.broadcast %xor3A_349 : i32 to vector<16xi32>
      %xor3A_351 = arith.xori %get3A_345, %xor3A_350 : vector<16xi32>
      %select_n3A_352 = arith.select %lt3A_348, %xor3A_351, %get3A_345 : vector<16xi1>, vector<16xi32>
      %bitcast3A_353 = vector.bitcast %select_n3A_352 : vector<16xi32> to vector<16xf32>
      %ge3A_354 = arith.cmpf oge, %bitcast3A_353, %bitcast3A : vector<16xf32>
      %le3A_355 = arith.cmpf ole, %bitcast3A_353, %bitcast3A_167 : vector<16xf32>
      %and3A_356 = arith.andi %ge3A_354, %le3A_355 : vector<16xi1>
      %jit3A_357 = arith.constant 0.000000e+00 : f32
      %broadcast_in_dim3A_358 = vector.broadcast %jit3A_357 : f32 to vector<16xf32>
      %select_n3A_359 = arith.select %and3A_356, %bitcast3A_353, %broadcast_in_dim3A_358 : vector<16xi1>, vector<16xf32>
      %add3A_360 = arith.addf %add3A_334, %select_n3A_359 : vector<16xf32>
      %jit3A_361 = arith.constant 1.000000e+00 : f32
      %jit3A_362 = arith.constant 0.000000e+00 : f32
      %broadcast_in_dim3A_363 = vector.broadcast %jit3A_361 : f32 to vector<16xf32>
      %broadcast_in_dim3A_364 = vector.broadcast %jit3A_362 : f32 to vector<16xf32>
      %select_n3A_365 = arith.select %and3A_356, %broadcast_in_dim3A_363, %broadcast_in_dim3A_364 : vector<16xi1>, vector<16xf32>
      %add3A_366 = arith.addf %add3A_340, %select_n3A_365 : vector<16xf32>
      %add3A_367 = arith.constant 7 : i32
      %add3A_368 = arith.addi %mul3A_187, %add3A_367 : i32
      %get3A_369 = arith.index_cast %add3A_368 : i32 to index
      %get3A_370 = arith.constant 0 : index
      %get3A_371 = tpu.vector_load %arg8[%get3A_369, %get3A_370] {strides = array<i32>} : memref<4096x16xi32, #tpu.memory_space<vmem>>, vector<16xi32>,
      %lt3A_372 = arith.constant 0 : i32
      %lt3A_373 = vector.broadcast %lt3A_372 : i32 to vector<16xi32>
      %lt3A_374 = arith.cmpi slt, %get3A_371, %lt3A_373 : vector<16xi32>
      %xor3A_375 = arith.constant 2147483647 : i32
      %xor3A_376 = vector.broadcast %xor3A_375 : i32 to vector<16xi32>
      %xor3A_377 = arith.xori %get3A_371, %xor3A_376 : vector<16xi32>
      %select_n3A_378 = arith.select %lt3A_374, %xor3A_377, %get3A_371 : vector<16xi1>, vector<16xi32>
      %bitcast3A_379 = vector.bitcast %select_n3A_378 : vector<16xi32> to vector<16xf32>
      %ge3A_380 = arith.cmpf oge, %bitcast3A_379, %bitcast3A : vector<16xf32>
      %le3A_381 = arith.cmpf ole, %bitcast3A_379, %bitcast3A_167 : vector<16xf32>
      %and3A_382 = arith.andi %ge3A_380, %le3A_381 : vector<16xi1>
      %jit3A_383 = arith.constant 0.000000e+00 : f32
      %broadcast_in_dim3A_384 = vector.broadcast %jit3A_383 : f32 to vector<16xf32>
      %select_n3A_385 = arith.select %and3A_382, %bitcast3A_379, %broadcast_in_dim3A_384 : vector<16xi1>, vector<16xf32>
      %add3A_386 = arith.addf %add3A_360, %select_n3A_385 : vector<16xf32>
      %jit3A_387 = arith.constant 1.000000e+00 : f32
      %jit3A_388 = arith.constant 0.000000e+00 : f32
      %broadcast_in_dim3A_389 = vector.broadcast %jit3A_387 : f32 to vector<16xf32>
      %broadcast_in_dim3A_390 = vector.broadcast %jit3A_388 : f32 to vector<16xf32>
      %select_n3A_391 = arith.select %and3A_382, %broadcast_in_dim3A_389, %broadcast_in_dim3A_390 : vector<16xi1>, vector<16xf32>
      %add3A_392 = arith.addf %add3A_366, %select_n3A_391 : vector<16xf32>
      scf.yield %add3A_386, %add3A_392 : vector<16xf32>, vector<16xf32>
    }
    %div3A_180 = arith.divf %while3A_179#0, %while3A_179#1 : vector<16xf32>
    %swap3A = arith.constant 0 : index
    %swap3A_181 = tpu.vector_load %arg12[%swap3A] {strides = array<i32>} : memref<16xf32, #tpu.memory_space<vmem>>, vector<16xf32>,
    tpu.vector_store %arg12[%swap3A], %div3A_180 {strides = array<i32>} : memref<16xf32, #tpu.memory_space<vmem>>, vector<16xf32>,
    %run_scoped3A = arith.constant 0 : i32
    %run_scoped3A_182 = arith.constant 0 : i32
    "tpu.region"() ({
      %run_scoped3A_183 = tpu.sem_alloc : memref<!tpu.dma_semaphore, #tpu.memory_space<semaphore_mem>>
      %dma_start3A = tpu.memref_slice %arg6[%select_n3A, %run_scoped3A, %run_scoped3A_182, %mul3A_32] : memref<16x1x1x32xf32, #tpu.memory_space<hbm>> -> memref<1x1x1x16xf32, #tpu.memory_space<hbm>>
      %dma_start3A_184 = tpu.memref_squeeze %dma_start3A : memref<1x1x1x16xf32, #tpu.memory_space<hbm>> -> memref<16xf32, #tpu.memory_space<hbm>>
      %dma_start3A_185 = tpu.memref_slice %arg6[%select_n3A, %run_scoped3A, %run_scoped3A_182, %mul3A_32] : memref<16x1x1x32xf32, #tpu.memory_space<hbm>> -> memref<1x1x1x16xf32, #tpu.memory_space<hbm>>
      %dma_start3A_186 = tpu.memref_squeeze %dma_start3A_185 : memref<1x1x1x16xf32, #tpu.memory_space<hbm>> -> memref<16xf32, #tpu.memory_space<hbm>>
      tpu.enqueue_dma source(%arg12 : memref<16xf32, #tpu.memory_space<vmem>>) target(%dma_start3A_186 : memref<16xf32, #tpu.memory_space<hbm>>) target_semaphore(%run_scoped3A_183 : memref<!tpu.dma_semaphore, #tpu.memory_space<semaphore_mem>>)
      %dma_wait3A = tpu.memref_slice %arg6[%select_n3A, %run_scoped3A, %run_scoped3A_182, %mul3A_32] : memref<16x1x1x32xf32, #tpu.memory_space<hbm>> -> memref<1x1x1x16xf32, #tpu.memory_space<hbm>>
      %dma_wait3A_187 = tpu.memref_squeeze %dma_wait3A : memref<1x1x1x16xf32, #tpu.memory_space<hbm>> -> memref<16xf32, #tpu.memory_space<hbm>>
      %dma_wait3A_188 = tpu.memref_slice %arg6[%select_n3A, %run_scoped3A, %run_scoped3A_182, %mul3A_32] : memref<16x1x1x32xf32, #tpu.memory_space<hbm>> -> memref<1x1x1x16xf32, #tpu.memory_space<hbm>>
      %dma_wait3A_189 = tpu.memref_squeeze %dma_wait3A_188 : memref<1x1x1x16xf32, #tpu.memory_space<hbm>> -> memref<16xf32, #tpu.memory_space<hbm>>
      tpu.wait_dma2 semaphore(%run_scoped3A_183 : memref<!tpu.dma_semaphore, #tpu.memory_space<semaphore_mem>>) src(%arg12 : memref<16xf32, #tpu.memory_space<vmem>>) dst(%dma_wait3A_189 : memref<16xf32, #tpu.memory_space<hbm>>)
      tpu.yield
    }) : () -> ()
    return
  }
}

module attributes {stable_mosaic.version = 14 : i64} {
  func.func @_trim_kernel(%arg0: i32, %arg1: i32, %arg2: memref<16xi32, #tpu.memory_space<smem>>, %arg3: memref<16xi32, #tpu.memory_space<smem>>, %arg4: memref<16xi32, #tpu.memory_space<smem>>, %arg5: memref<1x4096x512xf32, #tpu.memory_space<vmem>>, %arg6: memref<1x1x1x512xf32, #tpu.memory_space<vmem>>, %arg7: memref<4096x512xi32, #tpu.memory_space<vmem>>) attributes {dimension_semantics = [#tpu.dimension_semantics<parallel>, #tpu.dimension_semantics<parallel>], iteration_bounds = array<i64: 16, 2>, scalar_prefetch = 3 : i64, scratch_operands = 1 : i64, tpu.core_type = #tpu.core_type<tc>, window_params = [{transform_indices = @transform_0, window_bounds = array<i64: 1, 4096, 512>}, {transform_indices = @transform_1, window_bounds = array<i64: 1, 1, 1, 512>}]} {
    %get3A = arith.index_cast %arg0 : i32 to index
    %get3A_0 = memref.load %arg2[%get3A] : memref<16xi32, #tpu.memory_space<smem>>
    %get3A_1 = arith.index_cast %arg0 : i32 to index
    %get3A_2 = memref.load %arg3[%get3A_1] : memref<16xi32, #tpu.memory_space<smem>>
    %get3A_3 = arith.index_cast %arg0 : i32 to index
    %get3A_4 = memref.load %arg4[%get3A_3] : memref<16xi32, #tpu.memory_space<smem>>
    %add3A = arith.constant 511 : i32
    %add3A_5 = arith.addi %get3A_0, %add3A : i32
    %jit3A = arith.constant 512 : i32
    %div3A = arith.divsi %add3A_5, %jit3A : i32
    %sign3A = arith.constant 0 : i32
    %sign3A_6 = arith.cmpi sgt, %add3A_5, %sign3A : i32
    %sign3A_7 = arith.extui %sign3A_6 : i1 to i32
    %sign3A_8 = arith.constant 0 : i32
    %sign3A_9 = arith.cmpi slt, %add3A_5, %sign3A_8 : i32
    %sign3A_10 = arith.extui %sign3A_9 : i1 to i32
    %sign3A_11 = arith.subi %sign3A_7, %sign3A_10 : i32
    %sign3A_12 = arith.constant 0 : i32
    %sign3A_13 = arith.cmpi sgt, %jit3A, %sign3A_12 : i32
    %sign3A_14 = arith.extui %sign3A_13 : i1 to i32
    %sign3A_15 = arith.constant 0 : i32
    %sign3A_16 = arith.cmpi slt, %jit3A, %sign3A_15 : i32
    %sign3A_17 = arith.extui %sign3A_16 : i1 to i32
    %sign3A_18 = arith.subi %sign3A_14, %sign3A_17 : i32
    %ne3A = arith.cmpi ne, %sign3A_11, %sign3A_18 : i32
    %rem3A = arith.remsi %add3A_5, %jit3A : i32
    %ne3A_19 = arith.constant 0 : i32
    %ne3A_20 = arith.cmpi ne, %rem3A, %ne3A_19 : i32
    %and3A = arith.andi %ne3A, %ne3A_20 : i1
    %sub3A = arith.constant 1 : i32
    %sub3A_21 = arith.subi %div3A, %sub3A : i32
    %select_n3A = arith.select %and3A, %sub3A_21, %div3A : i32
    %iota3A = tpu.iota {dimensions = array<i32: 0>} : vector<512x512xi32>
    %broadcast_in_dim3A = arith.constant 1.000000e+00 : f32
    %broadcast_in_dim3A_22 = vector.broadcast %broadcast_in_dim3A : f32 to vector<1x512xf32>
    %convert_element_type3A = arith.sitofp %get3A_2 : i32 to f32
    %convert_element_type3A_23 = arith.sitofp %get3A_4 : i32 to f32
    %sub3A_24 = arith.constant 1 : i32
    %sub3A_25 = arith.subi %select_n3A, %sub3A_24 : i32
    %clamp3A = arith.constant 0 : i32
    %clamp3A_26 = arith.constant 7 : i32
    %clamp3A_27 = arith.maxsi %sub3A_25, %clamp3A : i32
    %clamp3A_28 = arith.minsi %clamp3A_27, %clamp3A_26 : i32
    %cond3A = arith.constant 0 : i32
    %cond3A_29 = arith.cmpi ne, %clamp3A_28, %cond3A : i32
    scf.if %cond3A_29 {
      %cond3A_30 = arith.constant 1 : i32
      %cond3A_31 = arith.subi %clamp3A_28, %cond3A_30 : i32
      %cond3A_32 = arith.constant 0 : i32
      %cond3A_33 = arith.cmpi ne, %cond3A_31, %cond3A_32 : i32
      scf.if %cond3A_33 {
        %cond3A_34 = arith.constant 1 : i32
        %cond3A_35 = arith.subi %cond3A_31, %cond3A_34 : i32
        %cond3A_36 = arith.constant 0 : i32
        %cond3A_37 = arith.cmpi ne, %cond3A_35, %cond3A_36 : i32
        scf.if %cond3A_37 {
          %cond3A_38 = arith.constant 1 : i32
          %cond3A_39 = arith.subi %cond3A_35, %cond3A_38 : i32
          %cond3A_40 = arith.constant 0 : i32
          %cond3A_41 = arith.cmpi ne, %cond3A_39, %cond3A_40 : i32
          scf.if %cond3A_41 {
            %cond3A_42 = arith.constant 1 : i32
            %cond3A_43 = arith.subi %cond3A_39, %cond3A_42 : i32
            %cond3A_44 = arith.constant 0 : i32
            %cond3A_45 = arith.cmpi ne, %cond3A_43, %cond3A_44 : i32
            scf.if %cond3A_45 {
              %cond3A_46 = arith.constant 1 : i32
              %cond3A_47 = arith.subi %cond3A_43, %cond3A_46 : i32
              %cond3A_48 = arith.constant 0 : i32
              %cond3A_49 = arith.cmpi ne, %cond3A_47, %cond3A_48 : i32
              scf.if %cond3A_49 {
                %cond3A_50 = arith.constant 1 : i32
                %cond3A_51 = arith.subi %cond3A_47, %cond3A_50 : i32
                %cond3A_52 = arith.constant 0 : i32
                %cond3A_53 = arith.cmpi ne, %cond3A_51, %cond3A_52 : i32
                scf.if %cond3A_53 {
                  %get3A_54 = arith.constant 0 : index
                  %get3A_55 = arith.constant 0 : index
                  %get3A_56 = arith.constant 0 : index
                  %get3A_57 = vector.load %arg5[%get3A_54, %get3A_55, %get3A_56] : memref<1x4096x512xf32, #tpu.memory_space<vmem>>, vector<1x512x512xf32>
                  %get3A_58 = vector.shape_cast %get3A_57 : vector<1x512x512xf32> to vector<512x512xf32>
                  %bitcast_convert_type3A = tpu.bitcast %get3A_58 : vector<512x512xf32> -> vector<512x512xi32>
                  %lt3A = arith.constant 0 : i32
                  %lt3A_59 = vector.broadcast %lt3A : i32 to vector<512x512xi32>
                  %lt3A_60 = arith.cmpi slt, %bitcast_convert_type3A, %lt3A_59 : vector<512x512xi32>
                  %xor3A = arith.constant 2147483647 : i32
                  %xor3A_61 = vector.broadcast %xor3A : i32 to vector<512x512xi32>
                  %xor3A_62 = arith.xori %bitcast_convert_type3A, %xor3A_61 : vector<512x512xi32>
                  %select_n3A_63 = arith.select %lt3A_60, %xor3A_62, %bitcast_convert_type3A : vector<512x512xi1>, vector<512x512xi32>
                  %add3A_64 = arith.constant 0 : i32
                  %add3A_65 = vector.broadcast %add3A_64 : i32 to vector<512x512xi32>
                  %add3A_66 = arith.addi %iota3A, %add3A_65 : vector<512x512xi32>
                  %lt3A_67 = vector.broadcast %get3A_0 : i32 to vector<512x512xi32>
                  %lt3A_68 = arith.cmpi slt, %add3A_66, %lt3A_67 : vector<512x512xi32>
                  %jit3A_69 = arith.constant 2147483647 : i32
                  %broadcast_in_dim3A_70 = vector.broadcast %jit3A_69 : i32 to vector<512x512xi32>
                  %select_n3A_71 = arith.select %lt3A_68, %select_n3A_63, %broadcast_in_dim3A_70 : vector<512x512xi1>, vector<512x512xi32>
                  %swap3A = arith.constant 0 : index
                  %swap3A_72 = arith.constant 0 : index
                  %swap3A_73 = vector.load %arg7[%swap3A, %swap3A_72] : memref<4096x512xi32, #tpu.memory_space<vmem>>, vector<512x512xi32>
                  tpu.vector_store %arg7[%swap3A, %swap3A_72], %select_n3A_71 {strides = array<i32>} : memref<4096x512xi32, #tpu.memory_space<vmem>>, vector<512x512xi32>,
                  %get3A_74 = arith.constant 0 : index
                  %get3A_75 = arith.constant 512 : index
                  %get3A_76 = arith.constant 0 : index
                  %get3A_77 = vector.load %arg5[%get3A_74, %get3A_75, %get3A_76] : memref<1x4096x512xf32, #tpu.memory_space<vmem>>, vector<1x512x512xf32>
                  %get3A_78 = vector.shape_cast %get3A_77 : vector<1x512x512xf32> to vector<512x512xf32>
                  %bitcast_convert_type3A_79 = tpu.bitcast %get3A_78 : vector<512x512xf32> -> vector<512x512xi32>
                  %lt3A_80 = arith.constant 0 : i32
                  %lt3A_81 = vector.broadcast %lt3A_80 : i32 to vector<512x512xi32>
                  %lt3A_82 = arith.cmpi slt, %bitcast_convert_type3A_79, %lt3A_81 : vector<512x512xi32>
                  %xor3A_83 = arith.constant 2147483647 : i32
                  %xor3A_84 = vector.broadcast %xor3A_83 : i32 to vector<512x512xi32>
                  %xor3A_85 = arith.xori %bitcast_convert_type3A_79, %xor3A_84 : vector<512x512xi32>
                  %select_n3A_86 = arith.select %lt3A_82, %xor3A_85, %bitcast_convert_type3A_79 : vector<512x512xi1>, vector<512x512xi32>
                  %add3A_87 = arith.constant 512 : i32
                  %add3A_88 = vector.broadcast %add3A_87 : i32 to vector<512x512xi32>
                  %add3A_89 = arith.addi %iota3A, %add3A_88 : vector<512x512xi32>
                  %lt3A_90 = vector.broadcast %get3A_0 : i32 to vector<512x512xi32>
                  %lt3A_91 = arith.cmpi slt, %add3A_89, %lt3A_90 : vector<512x512xi32>
                  %jit3A_92 = arith.constant 2147483647 : i32
                  %broadcast_in_dim3A_93 = vector.broadcast %jit3A_92 : i32 to vector<512x512xi32>
                  %select_n3A_94 = arith.select %lt3A_91, %select_n3A_86, %broadcast_in_dim3A_93 : vector<512x512xi1>, vector<512x512xi32>
                  %swap3A_95 = arith.constant 512 : index
                  %swap3A_96 = arith.constant 0 : index
                  %swap3A_97 = vector.load %arg7[%swap3A_95, %swap3A_96] : memref<4096x512xi32, #tpu.memory_space<vmem>>, vector<512x512xi32>
                  tpu.vector_store %arg7[%swap3A_95, %swap3A_96], %select_n3A_94 {strides = array<i32>} : memref<4096x512xi32, #tpu.memory_space<vmem>>, vector<512x512xi32>,
                  %get3A_98 = arith.constant 0 : index
                  %get3A_99 = arith.constant 1024 : index
                  %get3A_100 = arith.constant 0 : index
                  %get3A_101 = vector.load %arg5[%get3A_98, %get3A_99, %get3A_100] : memref<1x4096x512xf32, #tpu.memory_space<vmem>>, vector<1x512x512xf32>
                  %get3A_102 = vector.shape_cast %get3A_101 : vector<1x512x512xf32> to vector<512x512xf32>
                  %bitcast_convert_type3A_103 = tpu.bitcast %get3A_102 : vector<512x512xf32> -> vector<512x512xi32>
                  %lt3A_104 = arith.constant 0 : i32
                  %lt3A_105 = vector.broadcast %lt3A_104 : i32 to vector<512x512xi32>
                  %lt3A_106 = arith.cmpi slt, %bitcast_convert_type3A_103, %lt3A_105 : vector<512x512xi32>
                  %xor3A_107 = arith.constant 2147483647 : i32
                  %xor3A_108 = vector.broadcast %xor3A_107 : i32 to vector<512x512xi32>
                  %xor3A_109 = arith.xori %bitcast_convert_type3A_103, %xor3A_108 : vector<512x512xi32>
                  %select_n3A_110 = arith.select %lt3A_106, %xor3A_109, %bitcast_convert_type3A_103 : vector<512x512xi1>, vector<512x512xi32>
                  %add3A_111 = arith.constant 1024 : i32
                  %add3A_112 = vector.broadcast %add3A_111 : i32 to vector<512x512xi32>
                  %add3A_113 = arith.addi %iota3A, %add3A_112 : vector<512x512xi32>
                  %lt3A_114 = vector.broadcast %get3A_0 : i32 to vector<512x512xi32>
                  %lt3A_115 = arith.cmpi slt, %add3A_113, %lt3A_114 : vector<512x512xi32>
                  %jit3A_116 = arith.constant 2147483647 : i32
                  %broadcast_in_dim3A_117 = vector.broadcast %jit3A_116 : i32 to vector<512x512xi32>
                  %select_n3A_118 = arith.select %lt3A_115, %select_n3A_110, %broadcast_in_dim3A_117 : vector<512x512xi1>, vector<512x512xi32>
                  %swap3A_119 = arith.constant 1024 : index
                  %swap3A_120 = arith.constant 0 : index
                  %swap3A_121 = vector.load %arg7[%swap3A_119, %swap3A_120] : memref<4096x512xi32, #tpu.memory_space<vmem>>, vector<512x512xi32>
                  tpu.vector_store %arg7[%swap3A_119, %swap3A_120], %select_n3A_118 {strides = array<i32>} : memref<4096x512xi32, #tpu.memory_space<vmem>>, vector<512x512xi32>,
                  %get3A_122 = arith.constant 0 : index
                  %get3A_123 = arith.constant 1536 : index
                  %get3A_124 = arith.constant 0 : index
                  %get3A_125 = vector.load %arg5[%get3A_122, %get3A_123, %get3A_124] : memref<1x4096x512xf32, #tpu.memory_space<vmem>>, vector<1x512x512xf32>
                  %get3A_126 = vector.shape_cast %get3A_125 : vector<1x512x512xf32> to vector<512x512xf32>
                  %bitcast_convert_type3A_127 = tpu.bitcast %get3A_126 : vector<512x512xf32> -> vector<512x512xi32>
                  %lt3A_128 = arith.constant 0 : i32
                  %lt3A_129 = vector.broadcast %lt3A_128 : i32 to vector<512x512xi32>
                  %lt3A_130 = arith.cmpi slt, %bitcast_convert_type3A_127, %lt3A_129 : vector<512x512xi32>
                  %xor3A_131 = arith.constant 2147483647 : i32
                  %xor3A_132 = vector.broadcast %xor3A_131 : i32 to vector<512x512xi32>
                  %xor3A_133 = arith.xori %bitcast_convert_type3A_127, %xor3A_132 : vector<512x512xi32>
                  %select_n3A_134 = arith.select %lt3A_130, %xor3A_133, %bitcast_convert_type3A_127 : vector<512x512xi1>, vector<512x512xi32>
                  %add3A_135 = arith.constant 1536 : i32
                  %add3A_136 = vector.broadcast %add3A_135 : i32 to vector<512x512xi32>
                  %add3A_137 = arith.addi %iota3A, %add3A_136 : vector<512x512xi32>
                  %lt3A_138 = vector.broadcast %get3A_0 : i32 to vector<512x512xi32>
                  %lt3A_139 = arith.cmpi slt, %add3A_137, %lt3A_138 : vector<512x512xi32>
                  %jit3A_140 = arith.constant 2147483647 : i32
                  %broadcast_in_dim3A_141 = vector.broadcast %jit3A_140 : i32 to vector<512x512xi32>
                  %select_n3A_142 = arith.select %lt3A_139, %select_n3A_134, %broadcast_in_dim3A_141 : vector<512x512xi1>, vector<512x512xi32>
                  %swap3A_143 = arith.constant 1536 : index
                  %swap3A_144 = arith.constant 0 : index
                  %swap3A_145 = vector.load %arg7[%swap3A_143, %swap3A_144] : memref<4096x512xi32, #tpu.memory_space<vmem>>, vector<512x512xi32>
                  tpu.vector_store %arg7[%swap3A_143, %swap3A_144], %select_n3A_142 {strides = array<i32>} : memref<4096x512xi32, #tpu.memory_space<vmem>>, vector<512x512xi32>,
                  %get3A_146 = arith.constant 0 : index
                  %get3A_147 = arith.constant 2048 : index
                  %get3A_148 = arith.constant 0 : index
                  %get3A_149 = vector.load %arg5[%get3A_146, %get3A_147, %get3A_148] : memref<1x4096x512xf32, #tpu.memory_space<vmem>>, vector<1x512x512xf32>
                  %get3A_150 = vector.shape_cast %get3A_149 : vector<1x512x512xf32> to vector<512x512xf32>
                  %bitcast_convert_type3A_151 = tpu.bitcast %get3A_150 : vector<512x512xf32> -> vector<512x512xi32>
                  %lt3A_152 = arith.constant 0 : i32
                  %lt3A_153 = vector.broadcast %lt3A_152 : i32 to vector<512x512xi32>
                  %lt3A_154 = arith.cmpi slt, %bitcast_convert_type3A_151, %lt3A_153 : vector<512x512xi32>
                  %xor3A_155 = arith.constant 2147483647 : i32
                  %xor3A_156 = vector.broadcast %xor3A_155 : i32 to vector<512x512xi32>
                  %xor3A_157 = arith.xori %bitcast_convert_type3A_151, %xor3A_156 : vector<512x512xi32>
                  %select_n3A_158 = arith.select %lt3A_154, %xor3A_157, %bitcast_convert_type3A_151 : vector<512x512xi1>, vector<512x512xi32>
                  %add3A_159 = arith.constant 2048 : i32
                  %add3A_160 = vector.broadcast %add3A_159 : i32 to vector<512x512xi32>
                  %add3A_161 = arith.addi %iota3A, %add3A_160 : vector<512x512xi32>
                  %lt3A_162 = vector.broadcast %get3A_0 : i32 to vector<512x512xi32>
                  %lt3A_163 = arith.cmpi slt, %add3A_161, %lt3A_162 : vector<512x512xi32>
                  %jit3A_164 = arith.constant 2147483647 : i32
                  %broadcast_in_dim3A_165 = vector.broadcast %jit3A_164 : i32 to vector<512x512xi32>
                  %select_n3A_166 = arith.select %lt3A_163, %select_n3A_158, %broadcast_in_dim3A_165 : vector<512x512xi1>, vector<512x512xi32>
                  %swap3A_167 = arith.constant 2048 : index
                  %swap3A_168 = arith.constant 0 : index
                  %swap3A_169 = vector.load %arg7[%swap3A_167, %swap3A_168] : memref<4096x512xi32, #tpu.memory_space<vmem>>, vector<512x512xi32>
                  tpu.vector_store %arg7[%swap3A_167, %swap3A_168], %select_n3A_166 {strides = array<i32>} : memref<4096x512xi32, #tpu.memory_space<vmem>>, vector<512x512xi32>,
                  %get3A_170 = arith.constant 0 : index
                  %get3A_171 = arith.constant 2560 : index
                  %get3A_172 = arith.constant 0 : index
                  %get3A_173 = vector.load %arg5[%get3A_170, %get3A_171, %get3A_172] : memref<1x4096x512xf32, #tpu.memory_space<vmem>>, vector<1x512x512xf32>
                  %get3A_174 = vector.shape_cast %get3A_173 : vector<1x512x512xf32> to vector<512x512xf32>
                  %bitcast_convert_type3A_175 = tpu.bitcast %get3A_174 : vector<512x512xf32> -> vector<512x512xi32>
                  %lt3A_176 = arith.constant 0 : i32
                  %lt3A_177 = vector.broadcast %lt3A_176 : i32 to vector<512x512xi32>
                  %lt3A_178 = arith.cmpi slt, %bitcast_convert_type3A_175, %lt3A_177 : vector<512x512xi32>
                  %xor3A_179 = arith.constant 2147483647 : i32
                  %xor3A_180 = vector.broadcast %xor3A_179 : i32 to vector<512x512xi32>
                  %xor3A_181 = arith.xori %bitcast_convert_type3A_175, %xor3A_180 : vector<512x512xi32>
                  %select_n3A_182 = arith.select %lt3A_178, %xor3A_181, %bitcast_convert_type3A_175 : vector<512x512xi1>, vector<512x512xi32>
                  %add3A_183 = arith.constant 2560 : i32
                  %add3A_184 = vector.broadcast %add3A_183 : i32 to vector<512x512xi32>
                  %add3A_185 = arith.addi %iota3A, %add3A_184 : vector<512x512xi32>
                  %lt3A_186 = vector.broadcast %get3A_0 : i32 to vector<512x512xi32>
                  %lt3A_187 = arith.cmpi slt, %add3A_185, %lt3A_186 : vector<512x512xi32>
                  %jit3A_188 = arith.constant 2147483647 : i32
                  %broadcast_in_dim3A_189 = vector.broadcast %jit3A_188 : i32 to vector<512x512xi32>
                  %select_n3A_190 = arith.select %lt3A_187, %select_n3A_182, %broadcast_in_dim3A_189 : vector<512x512xi1>, vector<512x512xi32>
                  %swap3A_191 = arith.constant 2560 : index
                  %swap3A_192 = arith.constant 0 : index
                  %swap3A_193 = vector.load %arg7[%swap3A_191, %swap3A_192] : memref<4096x512xi32, #tpu.memory_space<vmem>>, vector<512x512xi32>
                  tpu.vector_store %arg7[%swap3A_191, %swap3A_192], %select_n3A_190 {strides = array<i32>} : memref<4096x512xi32, #tpu.memory_space<vmem>>, vector<512x512xi32>,
                  %get3A_194 = arith.constant 0 : index
                  %get3A_195 = arith.constant 3072 : index
                  %get3A_196 = arith.constant 0 : index
                  %get3A_197 = vector.load %arg5[%get3A_194, %get3A_195, %get3A_196] : memref<1x4096x512xf32, #tpu.memory_space<vmem>>, vector<1x512x512xf32>
                  %get3A_198 = vector.shape_cast %get3A_197 : vector<1x512x512xf32> to vector<512x512xf32>
                  %bitcast_convert_type3A_199 = tpu.bitcast %get3A_198 : vector<512x512xf32> -> vector<512x512xi32>
                  %lt3A_200 = arith.constant 0 : i32
                  %lt3A_201 = vector.broadcast %lt3A_200 : i32 to vector<512x512xi32>
                  %lt3A_202 = arith.cmpi slt, %bitcast_convert_type3A_199, %lt3A_201 : vector<512x512xi32>
                  %xor3A_203 = arith.constant 2147483647 : i32
                  %xor3A_204 = vector.broadcast %xor3A_203 : i32 to vector<512x512xi32>
                  %xor3A_205 = arith.xori %bitcast_convert_type3A_199, %xor3A_204 : vector<512x512xi32>
                  %select_n3A_206 = arith.select %lt3A_202, %xor3A_205, %bitcast_convert_type3A_199 : vector<512x512xi1>, vector<512x512xi32>
                  %add3A_207 = arith.constant 3072 : i32
                  %add3A_208 = vector.broadcast %add3A_207 : i32 to vector<512x512xi32>
                  %add3A_209 = arith.addi %iota3A, %add3A_208 : vector<512x512xi32>
                  %lt3A_210 = vector.broadcast %get3A_0 : i32 to vector<512x512xi32>
                  %lt3A_211 = arith.cmpi slt, %add3A_209, %lt3A_210 : vector<512x512xi32>
                  %jit3A_212 = arith.constant 2147483647 : i32
                  %broadcast_in_dim3A_213 = vector.broadcast %jit3A_212 : i32 to vector<512x512xi32>
                  %select_n3A_214 = arith.select %lt3A_211, %select_n3A_206, %broadcast_in_dim3A_213 : vector<512x512xi1>, vector<512x512xi32>
                  %swap3A_215 = arith.constant 3072 : index
                  %swap3A_216 = arith.constant 0 : index
                  %swap3A_217 = vector.load %arg7[%swap3A_215, %swap3A_216] : memref<4096x512xi32, #tpu.memory_space<vmem>>, vector<512x512xi32>
                  tpu.vector_store %arg7[%swap3A_215, %swap3A_216], %select_n3A_214 {strides = array<i32>} : memref<4096x512xi32, #tpu.memory_space<vmem>>, vector<512x512xi32>,
                  %get3A_218 = arith.constant 0 : index
                  %get3A_219 = arith.constant 3584 : index
                  %get3A_220 = arith.constant 0 : index
                  %get3A_221 = vector.load %arg5[%get3A_218, %get3A_219, %get3A_220] : memref<1x4096x512xf32, #tpu.memory_space<vmem>>, vector<1x512x512xf32>
                  %get3A_222 = vector.shape_cast %get3A_221 : vector<1x512x512xf32> to vector<512x512xf32>
                  %bitcast_convert_type3A_223 = tpu.bitcast %get3A_222 : vector<512x512xf32> -> vector<512x512xi32>
                  %lt3A_224 = arith.constant 0 : i32
                  %lt3A_225 = vector.broadcast %lt3A_224 : i32 to vector<512x512xi32>
                  %lt3A_226 = arith.cmpi slt, %bitcast_convert_type3A_223, %lt3A_225 : vector<512x512xi32>
                  %xor3A_227 = arith.constant 2147483647 : i32
                  %xor3A_228 = vector.broadcast %xor3A_227 : i32 to vector<512x512xi32>
                  %xor3A_229 = arith.xori %bitcast_convert_type3A_223, %xor3A_228 : vector<512x512xi32>
                  %select_n3A_230 = arith.select %lt3A_226, %xor3A_229, %bitcast_convert_type3A_223 : vector<512x512xi1>, vector<512x512xi32>
                  %add3A_231 = arith.constant 3584 : i32
                  %add3A_232 = vector.broadcast %add3A_231 : i32 to vector<512x512xi32>
                  %add3A_233 = arith.addi %iota3A, %add3A_232 : vector<512x512xi32>
                  %lt3A_234 = vector.broadcast %get3A_0 : i32 to vector<512x512xi32>
                  %lt3A_235 = arith.cmpi slt, %add3A_233, %lt3A_234 : vector<512x512xi32>
                  %jit3A_236 = arith.constant 2147483647 : i32
                  %broadcast_in_dim3A_237 = vector.broadcast %jit3A_236 : i32 to vector<512x512xi32>
                  %select_n3A_238 = arith.select %lt3A_235, %select_n3A_230, %broadcast_in_dim3A_237 : vector<512x512xi1>, vector<512x512xi32>
                  %swap3A_239 = arith.constant 3584 : index
                  %swap3A_240 = arith.constant 0 : index
                  %swap3A_241 = vector.load %arg7[%swap3A_239, %swap3A_240] : memref<4096x512xi32, #tpu.memory_space<vmem>>, vector<512x512xi32>
                  tpu.vector_store %arg7[%swap3A_239, %swap3A_240], %select_n3A_238 {strides = array<i32>} : memref<4096x512xi32, #tpu.memory_space<vmem>>, vector<512x512xi32>,
                  %broadcast_in_dim3A_242 = arith.constant 0 : i32
                  %broadcast_in_dim3A_243 = vector.broadcast %broadcast_in_dim3A_242 : i32 to vector<1x512xi32>
                  %scan3A = arith.constant 0 : i32
                  %scan3A_244 = arith.constant 32 : i32
                  %scan3A_245 = arith.addi %scan3A, %scan3A_244 : i32
                  %scan3A_246 = arith.constant 1 : i32
                  %scan3A_247:2 = scf.for %scan3A_531 = %scan3A to %scan3A_245 step %scan3A_246 iter_args(%scan3A_532 = %broadcast_in_dim3A_243, %scan3A_533 = %broadcast_in_dim3A_243) -> (vector<1x512xi32>, vector<1x512xi32>)  : i32 {
                    %sub3A_534 = arith.constant 31 : i32
                    %sub3A_535 = arith.subi %sub3A_534, %scan3A_531 : i32
                    %shift_left3A = arith.constant 1 : i32
                    %shift_left3A_536 = arith.shli %shift_left3A, %sub3A_535 : i32
                    %or3A = vector.broadcast %shift_left3A_536 : i32 to vector<1x512xi32>
                    %or3A_537 = arith.ori %scan3A_532, %or3A : vector<1x512xi32>
                    %xor3A_538 = arith.constant -2147483648 : i32
                    %xor3A_539 = vector.broadcast %xor3A_538 : i32 to vector<1x512xi32>
                    %xor3A_540 = arith.xori %or3A_537, %xor3A_539 : vector<1x512xi32>
                    %or3A_541 = vector.broadcast %shift_left3A_536 : i32 to vector<1x512xi32>
                    %or3A_542 = arith.ori %scan3A_533, %or3A_541 : vector<1x512xi32>
                    %xor3A_543 = arith.constant -2147483648 : i32
                    %xor3A_544 = vector.broadcast %xor3A_543 : i32 to vector<1x512xi32>
                    %xor3A_545 = arith.xori %or3A_542, %xor3A_544 : vector<1x512xi32>
                    %broadcast_in_dim3A_546 = arith.constant 0.000000e+00 : f32
                    %broadcast_in_dim3A_547 = vector.broadcast %broadcast_in_dim3A_546 : f32 to vector<1x512xf32>
                    %get3A_548 = arith.constant 0 : index
                    %get3A_549 = arith.constant 0 : index
                    %get3A_550 = vector.load %arg7[%get3A_548, %get3A_549] : memref<4096x512xi32, #tpu.memory_space<vmem>>, vector<512x512xi32>
                    %lt3A_551 = vector.broadcast %xor3A_540 : vector<1x512xi32> to vector<512x512xi32>
                    %lt3A_552 = arith.cmpi slt, %get3A_550, %lt3A_551 : vector<512x512xi32>
                    %jit3A_553 = arith.constant 1.000000e+00 : f32
                    %jit3A_554 = arith.constant 0.000000e+00 : f32
                    %broadcast_in_dim3A_555 = vector.broadcast %jit3A_553 : f32 to vector<512x512xf32>
                    %broadcast_in_dim3A_556 = vector.broadcast %jit3A_554 : f32 to vector<512x512xf32>
                    %select_n3A_557 = arith.select %lt3A_552, %broadcast_in_dim3A_555, %broadcast_in_dim3A_556 : vector<512x512xi1>, vector<512x512xf32>
                    %dot_general3A = arith.constant dense<0.000000e+00> : vector<1x512xf32>
                    %dot_general3A_558 = tpu.matmul %broadcast_in_dim3A_22, %select_n3A_557, %dot_general3A {dimension_numbers = #tpu.dot_dimension_numbers<[1], [0], [0], [1], [0, 0, 1, 1], [], []>, transpose_lhs_hint = false} : vector<1x512xf32>, vector<512x512xf32>, vector<1x512xf32> -> vector<1x512xf32>
                    %add3A_559 = arith.addf %broadcast_in_dim3A_547, %dot_general3A_558 : vector<1x512xf32>
                    %lt3A_560 = vector.broadcast %xor3A_545 : vector<1x512xi32> to vector<512x512xi32>
                    %lt3A_561 = arith.cmpi slt, %get3A_550, %lt3A_560 : vector<512x512xi32>
                    %jit3A_562 = arith.constant 1.000000e+00 : f32
                    %jit3A_563 = arith.constant 0.000000e+00 : f32
                    %broadcast_in_dim3A_564 = vector.broadcast %jit3A_562 : f32 to vector<512x512xf32>
                    %broadcast_in_dim3A_565 = vector.broadcast %jit3A_563 : f32 to vector<512x512xf32>
                    %select_n3A_566 = arith.select %lt3A_561, %broadcast_in_dim3A_564, %broadcast_in_dim3A_565 : vector<512x512xi1>, vector<512x512xf32>
                    %dot_general3A_567 = arith.constant dense<0.000000e+00> : vector<1x512xf32>
                    %dot_general3A_568 = tpu.matmul %broadcast_in_dim3A_22, %select_n3A_566, %dot_general3A_567 {dimension_numbers = #tpu.dot_dimension_numbers<[1], [0], [0], [1], [0, 0, 1, 1], [], []>, transpose_lhs_hint = false} : vector<1x512xf32>, vector<512x512xf32>, vector<1x512xf32> -> vector<1x512xf32>
                    %add3A_569 = arith.addf %broadcast_in_dim3A_547, %dot_general3A_568 : vector<1x512xf32>
                    %get3A_570 = arith.constant 512 : index
                    %get3A_571 = arith.constant 0 : index
                    %get3A_572 = vector.load %arg7[%get3A_570, %get3A_571] : memref<4096x512xi32, #tpu.memory_space<vmem>>, vector<512x512xi32>
                    %lt3A_573 = vector.broadcast %xor3A_540 : vector<1x512xi32> to vector<512x512xi32>
                    %lt3A_574 = arith.cmpi slt, %get3A_572, %lt3A_573 : vector<512x512xi32>
                    %jit3A_575 = arith.constant 1.000000e+00 : f32
                    %jit3A_576 = arith.constant 0.000000e+00 : f32
                    %broadcast_in_dim3A_577 = vector.broadcast %jit3A_575 : f32 to vector<512x512xf32>
                    %broadcast_in_dim3A_578 = vector.broadcast %jit3A_576 : f32 to vector<512x512xf32>
                    %select_n3A_579 = arith.select %lt3A_574, %broadcast_in_dim3A_577, %broadcast_in_dim3A_578 : vector<512x512xi1>, vector<512x512xf32>
                    %dot_general3A_580 = arith.constant dense<0.000000e+00> : vector<1x512xf32>
                    %dot_general3A_581 = tpu.matmul %broadcast_in_dim3A_22, %select_n3A_579, %dot_general3A_580 {dimension_numbers = #tpu.dot_dimension_numbers<[1], [0], [0], [1], [0, 0, 1, 1], [], []>, transpose_lhs_hint = false} : vector<1x512xf32>, vector<512x512xf32>, vector<1x512xf32> -> vector<1x512xf32>
                    %add3A_582 = arith.addf %add3A_559, %dot_general3A_581 : vector<1x512xf32>
                    %lt3A_583 = vector.broadcast %xor3A_545 : vector<1x512xi32> to vector<512x512xi32>
                    %lt3A_584 = arith.cmpi slt, %get3A_572, %lt3A_583 : vector<512x512xi32>
                    %jit3A_585 = arith.constant 1.000000e+00 : f32
                    %jit3A_586 = arith.constant 0.000000e+00 : f32
                    %broadcast_in_dim3A_587 = vector.broadcast %jit3A_585 : f32 to vector<512x512xf32>
                    %broadcast_in_dim3A_588 = vector.broadcast %jit3A_586 : f32 to vector<512x512xf32>
                    %select_n3A_589 = arith.select %lt3A_584, %broadcast_in_dim3A_587, %broadcast_in_dim3A_588 : vector<512x512xi1>, vector<512x512xf32>
                    %dot_general3A_590 = arith.constant dense<0.000000e+00> : vector<1x512xf32>
                    %dot_general3A_591 = tpu.matmul %broadcast_in_dim3A_22, %select_n3A_589, %dot_general3A_590 {dimension_numbers = #tpu.dot_dimension_numbers<[1], [0], [0], [1], [0, 0, 1, 1], [], []>, transpose_lhs_hint = false} : vector<1x512xf32>, vector<512x512xf32>, vector<1x512xf32> -> vector<1x512xf32>
                    %add3A_592 = arith.addf %add3A_569, %dot_general3A_591 : vector<1x512xf32>
                    %get3A_593 = arith.constant 1024 : index
                    %get3A_594 = arith.constant 0 : index
                    %get3A_595 = vector.load %arg7[%get3A_593, %get3A_594] : memref<4096x512xi32, #tpu.memory_space<vmem>>, vector<512x512xi32>
                    %lt3A_596 = vector.broadcast %xor3A_540 : vector<1x512xi32> to vector<512x512xi32>
                    %lt3A_597 = arith.cmpi slt, %get3A_595, %lt3A_596 : vector<512x512xi32>
                    %jit3A_598 = arith.constant 1.000000e+00 : f32
                    %jit3A_599 = arith.constant 0.000000e+00 : f32
                    %broadcast_in_dim3A_600 = vector.broadcast %jit3A_598 : f32 to vector<512x512xf32>
                    %broadcast_in_dim3A_601 = vector.broadcast %jit3A_599 : f32 to vector<512x512xf32>
                    %select_n3A_602 = arith.select %lt3A_597, %broadcast_in_dim3A_600, %broadcast_in_dim3A_601 : vector<512x512xi1>, vector<512x512xf32>
                    %dot_general3A_603 = arith.constant dense<0.000000e+00> : vector<1x512xf32>
                    %dot_general3A_604 = tpu.matmul %broadcast_in_dim3A_22, %select_n3A_602, %dot_general3A_603 {dimension_numbers = #tpu.dot_dimension_numbers<[1], [0], [0], [1], [0, 0, 1, 1], [], []>, transpose_lhs_hint = false} : vector<1x512xf32>, vector<512x512xf32>, vector<1x512xf32> -> vector<1x512xf32>
                    %add3A_605 = arith.addf %add3A_582, %dot_general3A_604 : vector<1x512xf32>
                    %lt3A_606 = vector.broadcast %xor3A_545 : vector<1x512xi32> to vector<512x512xi32>
                    %lt3A_607 = arith.cmpi slt, %get3A_595, %lt3A_606 : vector<512x512xi32>
                    %jit3A_608 = arith.constant 1.000000e+00 : f32
                    %jit3A_609 = arith.constant 0.000000e+00 : f32
                    %broadcast_in_dim3A_610 = vector.broadcast %jit3A_608 : f32 to vector<512x512xf32>
                    %broadcast_in_dim3A_611 = vector.broadcast %jit3A_609 : f32 to vector<512x512xf32>
                    %select_n3A_612 = arith.select %lt3A_607, %broadcast_in_dim3A_610, %broadcast_in_dim3A_611 : vector<512x512xi1>, vector<512x512xf32>
                    %dot_general3A_613 = arith.constant dense<0.000000e+00> : vector<1x512xf32>
                    %dot_general3A_614 = tpu.matmul %broadcast_in_dim3A_22, %select_n3A_612, %dot_general3A_613 {dimension_numbers = #tpu.dot_dimension_numbers<[1], [0], [0], [1], [0, 0, 1, 1], [], []>, transpose_lhs_hint = false} : vector<1x512xf32>, vector<512x512xf32>, vector<1x512xf32> -> vector<1x512xf32>
                    %add3A_615 = arith.addf %add3A_592, %dot_general3A_614 : vector<1x512xf32>
                    %get3A_616 = arith.constant 1536 : index
                    %get3A_617 = arith.constant 0 : index
                    %get3A_618 = vector.load %arg7[%get3A_616, %get3A_617] : memref<4096x512xi32, #tpu.memory_space<vmem>>, vector<512x512xi32>
                    %lt3A_619 = vector.broadcast %xor3A_540 : vector<1x512xi32> to vector<512x512xi32>
                    %lt3A_620 = arith.cmpi slt, %get3A_618, %lt3A_619 : vector<512x512xi32>
                    %jit3A_621 = arith.constant 1.000000e+00 : f32
                    %jit3A_622 = arith.constant 0.000000e+00 : f32
                    %broadcast_in_dim3A_623 = vector.broadcast %jit3A_621 : f32 to vector<512x512xf32>
                    %broadcast_in_dim3A_624 = vector.broadcast %jit3A_622 : f32 to vector<512x512xf32>
                    %select_n3A_625 = arith.select %lt3A_620, %broadcast_in_dim3A_623, %broadcast_in_dim3A_624 : vector<512x512xi1>, vector<512x512xf32>
                    %dot_general3A_626 = arith.constant dense<0.000000e+00> : vector<1x512xf32>
                    %dot_general3A_627 = tpu.matmul %broadcast_in_dim3A_22, %select_n3A_625, %dot_general3A_626 {dimension_numbers = #tpu.dot_dimension_numbers<[1], [0], [0], [1], [0, 0, 1, 1], [], []>, transpose_lhs_hint = false} : vector<1x512xf32>, vector<512x512xf32>, vector<1x512xf32> -> vector<1x512xf32>
                    %add3A_628 = arith.addf %add3A_605, %dot_general3A_627 : vector<1x512xf32>
                    %lt3A_629 = vector.broadcast %xor3A_545 : vector<1x512xi32> to vector<512x512xi32>
                    %lt3A_630 = arith.cmpi slt, %get3A_618, %lt3A_629 : vector<512x512xi32>
                    %jit3A_631 = arith.constant 1.000000e+00 : f32
                    %jit3A_632 = arith.constant 0.000000e+00 : f32
                    %broadcast_in_dim3A_633 = vector.broadcast %jit3A_631 : f32 to vector<512x512xf32>
                    %broadcast_in_dim3A_634 = vector.broadcast %jit3A_632 : f32 to vector<512x512xf32>
                    %select_n3A_635 = arith.select %lt3A_630, %broadcast_in_dim3A_633, %broadcast_in_dim3A_634 : vector<512x512xi1>, vector<512x512xf32>
                    %dot_general3A_636 = arith.constant dense<0.000000e+00> : vector<1x512xf32>
                    %dot_general3A_637 = tpu.matmul %broadcast_in_dim3A_22, %select_n3A_635, %dot_general3A_636 {dimension_numbers = #tpu.dot_dimension_numbers<[1], [0], [0], [1], [0, 0, 1, 1], [], []>, transpose_lhs_hint = false} : vector<1x512xf32>, vector<512x512xf32>, vector<1x512xf32> -> vector<1x512xf32>
                    %add3A_638 = arith.addf %add3A_615, %dot_general3A_637 : vector<1x512xf32>
                    %get3A_639 = arith.constant 2048 : index
                    %get3A_640 = arith.constant 0 : index
                    %get3A_641 = vector.load %arg7[%get3A_639, %get3A_640] : memref<4096x512xi32, #tpu.memory_space<vmem>>, vector<512x512xi32>
                    %lt3A_642 = vector.broadcast %xor3A_540 : vector<1x512xi32> to vector<512x512xi32>
                    %lt3A_643 = arith.cmpi slt, %get3A_641, %lt3A_642 : vector<512x512xi32>
                    %jit3A_644 = arith.constant 1.000000e+00 : f32
                    %jit3A_645 = arith.constant 0.000000e+00 : f32
                    %broadcast_in_dim3A_646 = vector.broadcast %jit3A_644 : f32 to vector<512x512xf32>
                    %broadcast_in_dim3A_647 = vector.broadcast %jit3A_645 : f32 to vector<512x512xf32>
                    %select_n3A_648 = arith.select %lt3A_643, %broadcast_in_dim3A_646, %broadcast_in_dim3A_647 : vector<512x512xi1>, vector<512x512xf32>
                    %dot_general3A_649 = arith.constant dense<0.000000e+00> : vector<1x512xf32>
                    %dot_general3A_650 = tpu.matmul %broadcast_in_dim3A_22, %select_n3A_648, %dot_general3A_649 {dimension_numbers = #tpu.dot_dimension_numbers<[1], [0], [0], [1], [0, 0, 1, 1], [], []>, transpose_lhs_hint = false} : vector<1x512xf32>, vector<512x512xf32>, vector<1x512xf32> -> vector<1x512xf32>
                    %add3A_651 = arith.addf %add3A_628, %dot_general3A_650 : vector<1x512xf32>
                    %lt3A_652 = vector.broadcast %xor3A_545 : vector<1x512xi32> to vector<512x512xi32>
                    %lt3A_653 = arith.cmpi slt, %get3A_641, %lt3A_652 : vector<512x512xi32>
                    %jit3A_654 = arith.constant 1.000000e+00 : f32
                    %jit3A_655 = arith.constant 0.000000e+00 : f32
                    %broadcast_in_dim3A_656 = vector.broadcast %jit3A_654 : f32 to vector<512x512xf32>
                    %broadcast_in_dim3A_657 = vector.broadcast %jit3A_655 : f32 to vector<512x512xf32>
                    %select_n3A_658 = arith.select %lt3A_653, %broadcast_in_dim3A_656, %broadcast_in_dim3A_657 : vector<512x512xi1>, vector<512x512xf32>
                    %dot_general3A_659 = arith.constant dense<0.000000e+00> : vector<1x512xf32>
                    %dot_general3A_660 = tpu.matmul %broadcast_in_dim3A_22, %select_n3A_658, %dot_general3A_659 {dimension_numbers = #tpu.dot_dimension_numbers<[1], [0], [0], [1], [0, 0, 1, 1], [], []>, transpose_lhs_hint = false} : vector<1x512xf32>, vector<512x512xf32>, vector<1x512xf32> -> vector<1x512xf32>
                    %add3A_661 = arith.addf %add3A_638, %dot_general3A_660 : vector<1x512xf32>
                    %get3A_662 = arith.constant 2560 : index
                    %get3A_663 = arith.constant 0 : index
                    %get3A_664 = vector.load %arg7[%get3A_662, %get3A_663] : memref<4096x512xi32, #tpu.memory_space<vmem>>, vector<512x512xi32>
                    %lt3A_665 = vector.broadcast %xor3A_540 : vector<1x512xi32> to vector<512x512xi32>
                    %lt3A_666 = arith.cmpi slt, %get3A_664, %lt3A_665 : vector<512x512xi32>
                    %jit3A_667 = arith.constant 1.000000e+00 : f32
                    %jit3A_668 = arith.constant 0.000000e+00 : f32
                    %broadcast_in_dim3A_669 = vector.broadcast %jit3A_667 : f32 to vector<512x512xf32>
                    %broadcast_in_dim3A_670 = vector.broadcast %jit3A_668 : f32 to vector<512x512xf32>
                    %select_n3A_671 = arith.select %lt3A_666, %broadcast_in_dim3A_669, %broadcast_in_dim3A_670 : vector<512x512xi1>, vector<512x512xf32>
                    %dot_general3A_672 = arith.constant dense<0.000000e+00> : vector<1x512xf32>
                    %dot_general3A_673 = tpu.matmul %broadcast_in_dim3A_22, %select_n3A_671, %dot_general3A_672 {dimension_numbers = #tpu.dot_dimension_numbers<[1], [0], [0], [1], [0, 0, 1, 1], [], []>, transpose_lhs_hint = false} : vector<1x512xf32>, vector<512x512xf32>, vector<1x512xf32> -> vector<1x512xf32>
                    %add3A_674 = arith.addf %add3A_651, %dot_general3A_673 : vector<1x512xf32>
                    %lt3A_675 = vector.broadcast %xor3A_545 : vector<1x512xi32> to vector<512x512xi32>
                    %lt3A_676 = arith.cmpi slt, %get3A_664, %lt3A_675 : vector<512x512xi32>
                    %jit3A_677 = arith.constant 1.000000e+00 : f32
                    %jit3A_678 = arith.constant 0.000000e+00 : f32
                    %broadcast_in_dim3A_679 = vector.broadcast %jit3A_677 : f32 to vector<512x512xf32>
                    %broadcast_in_dim3A_680 = vector.broadcast %jit3A_678 : f32 to vector<512x512xf32>
                    %select_n3A_681 = arith.select %lt3A_676, %broadcast_in_dim3A_679, %broadcast_in_dim3A_680 : vector<512x512xi1>, vector<512x512xf32>
                    %dot_general3A_682 = arith.constant dense<0.000000e+00> : vector<1x512xf32>
                    %dot_general3A_683 = tpu.matmul %broadcast_in_dim3A_22, %select_n3A_681, %dot_general3A_682 {dimension_numbers = #tpu.dot_dimension_numbers<[1], [0], [0], [1], [0, 0, 1, 1], [], []>, transpose_lhs_hint = false} : vector<1x512xf32>, vector<512x512xf32>, vector<1x512xf32> -> vector<1x512xf32>
                    %add3A_684 = arith.addf %add3A_661, %dot_general3A_683 : vector<1x512xf32>
                    %get3A_685 = arith.constant 3072 : index
                    %get3A_686 = arith.constant 0 : index
                    %get3A_687 = vector.load %arg7[%get3A_685, %get3A_686] : memref<4096x512xi32, #tpu.memory_space<vmem>>, vector<512x512xi32>
                    %lt3A_688 = vector.broadcast %xor3A_540 : vector<1x512xi32> to vector<512x512xi32>
                    %lt3A_689 = arith.cmpi slt, %get3A_687, %lt3A_688 : vector<512x512xi32>
                    %jit3A_690 = arith.constant 1.000000e+00 : f32
                    %jit3A_691 = arith.constant 0.000000e+00 : f32
                    %broadcast_in_dim3A_692 = vector.broadcast %jit3A_690 : f32 to vector<512x512xf32>
                    %broadcast_in_dim3A_693 = vector.broadcast %jit3A_691 : f32 to vector<512x512xf32>
                    %select_n3A_694 = arith.select %lt3A_689, %broadcast_in_dim3A_692, %broadcast_in_dim3A_693 : vector<512x512xi1>, vector<512x512xf32>
                    %dot_general3A_695 = arith.constant dense<0.000000e+00> : vector<1x512xf32>
                    %dot_general3A_696 = tpu.matmul %broadcast_in_dim3A_22, %select_n3A_694, %dot_general3A_695 {dimension_numbers = #tpu.dot_dimension_numbers<[1], [0], [0], [1], [0, 0, 1, 1], [], []>, transpose_lhs_hint = false} : vector<1x512xf32>, vector<512x512xf32>, vector<1x512xf32> -> vector<1x512xf32>
                    %add3A_697 = arith.addf %add3A_674, %dot_general3A_696 : vector<1x512xf32>
                    %lt3A_698 = vector.broadcast %xor3A_545 : vector<1x512xi32> to vector<512x512xi32>
                    %lt3A_699 = arith.cmpi slt, %get3A_687, %lt3A_698 : vector<512x512xi32>
                    %jit3A_700 = arith.constant 1.000000e+00 : f32
                    %jit3A_701 = arith.constant 0.000000e+00 : f32
                    %broadcast_in_dim3A_702 = vector.broadcast %jit3A_700 : f32 to vector<512x512xf32>
                    %broadcast_in_dim3A_703 = vector.broadcast %jit3A_701 : f32 to vector<512x512xf32>
                    %select_n3A_704 = arith.select %lt3A_699, %broadcast_in_dim3A_702, %broadcast_in_dim3A_703 : vector<512x512xi1>, vector<512x512xf32>
                    %dot_general3A_705 = arith.constant dense<0.000000e+00> : vector<1x512xf32>
                    %dot_general3A_706 = tpu.matmul %broadcast_in_dim3A_22, %select_n3A_704, %dot_general3A_705 {dimension_numbers = #tpu.dot_dimension_numbers<[1], [0], [0], [1], [0, 0, 1, 1], [], []>, transpose_lhs_hint = false} : vector<1x512xf32>, vector<512x512xf32>, vector<1x512xf32> -> vector<1x512xf32>
                    %add3A_707 = arith.addf %add3A_684, %dot_general3A_706 : vector<1x512xf32>
                    %get3A_708 = arith.constant 3584 : index
                    %get3A_709 = arith.constant 0 : index
                    %get3A_710 = vector.load %arg7[%get3A_708, %get3A_709] : memref<4096x512xi32, #tpu.memory_space<vmem>>, vector<512x512xi32>
                    %lt3A_711 = vector.broadcast %xor3A_540 : vector<1x512xi32> to vector<512x512xi32>
                    %lt3A_712 = arith.cmpi slt, %get3A_710, %lt3A_711 : vector<512x512xi32>
                    %jit3A_713 = arith.constant 1.000000e+00 : f32
                    %jit3A_714 = arith.constant 0.000000e+00 : f32
                    %broadcast_in_dim3A_715 = vector.broadcast %jit3A_713 : f32 to vector<512x512xf32>
                    %broadcast_in_dim3A_716 = vector.broadcast %jit3A_714 : f32 to vector<512x512xf32>
                    %select_n3A_717 = arith.select %lt3A_712, %broadcast_in_dim3A_715, %broadcast_in_dim3A_716 : vector<512x512xi1>, vector<512x512xf32>
                    %dot_general3A_718 = arith.constant dense<0.000000e+00> : vector<1x512xf32>
                    %dot_general3A_719 = tpu.matmul %broadcast_in_dim3A_22, %select_n3A_717, %dot_general3A_718 {dimension_numbers = #tpu.dot_dimension_numbers<[1], [0], [0], [1], [0, 0, 1, 1], [], []>, transpose_lhs_hint = false} : vector<1x512xf32>, vector<512x512xf32>, vector<1x512xf32> -> vector<1x512xf32>
                    %add3A_720 = arith.addf %add3A_697, %dot_general3A_719 : vector<1x512xf32>
                    %lt3A_721 = vector.broadcast %xor3A_545 : vector<1x512xi32> to vector<512x512xi32>
                    %lt3A_722 = arith.cmpi slt, %get3A_710, %lt3A_721 : vector<512x512xi32>
                    %jit3A_723 = arith.constant 1.000000e+00 : f32
                    %jit3A_724 = arith.constant 0.000000e+00 : f32
                    %broadcast_in_dim3A_725 = vector.broadcast %jit3A_723 : f32 to vector<512x512xf32>
                    %broadcast_in_dim3A_726 = vector.broadcast %jit3A_724 : f32 to vector<512x512xf32>
                    %select_n3A_727 = arith.select %lt3A_722, %broadcast_in_dim3A_725, %broadcast_in_dim3A_726 : vector<512x512xi1>, vector<512x512xf32>
                    %dot_general3A_728 = arith.constant dense<0.000000e+00> : vector<1x512xf32>
                    %dot_general3A_729 = tpu.matmul %broadcast_in_dim3A_22, %select_n3A_727, %dot_general3A_728 {dimension_numbers = #tpu.dot_dimension_numbers<[1], [0], [0], [1], [0, 0, 1, 1], [], []>, transpose_lhs_hint = false} : vector<1x512xf32>, vector<512x512xf32>, vector<1x512xf32> -> vector<1x512xf32>
                    %add3A_730 = arith.addf %add3A_707, %dot_general3A_729 : vector<1x512xf32>
                    %le3A_731 = vector.broadcast %convert_element_type3A : f32 to vector<1x512xf32>
                    %le3A_732 = arith.cmpf ole, %add3A_720, %le3A_731 : vector<1x512xf32>
                    %or3A_733 = vector.broadcast %shift_left3A_536 : i32 to vector<1x512xi32>
                    %or3A_734 = arith.ori %scan3A_532, %or3A_733 : vector<1x512xi32>
                    %select_n3A_735 = arith.select %le3A_732, %or3A_734, %scan3A_532 : vector<1x512xi1>, vector<1x512xi32>
                    %le3A_736 = vector.broadcast %convert_element_type3A_23 : f32 to vector<1x512xf32>
                    %le3A_737 = arith.cmpf ole, %add3A_730, %le3A_736 : vector<1x512xf32>
                    %or3A_738 = vector.broadcast %shift_left3A_536 : i32 to vector<1x512xi32>
                    %or3A_739 = arith.ori %scan3A_533, %or3A_738 : vector<1x512xi32>
                    %select_n3A_740 = arith.select %le3A_737, %or3A_739, %scan3A_533 : vector<1x512xi1>, vector<1x512xi32>
                    scf.yield %select_n3A_735, %select_n3A_740 : vector<1x512xi32>, vector<1x512xi32>
                  }
                  %scan3A_248 = arith.constant 32 : i32
                  %lt3A_249 = arith.constant 0 : i32
                  %lt3A_250 = vector.broadcast %lt3A_249 : i32 to vector<1x512xi32>
                  %lt3A_251 = arith.cmpi slt, %scan3A_247#0, %lt3A_250 : vector<1x512xi32>
                  %and3A_252 = arith.constant 2147483647 : i32
                  %and3A_253 = vector.broadcast %and3A_252 : i32 to vector<1x512xi32>
                  %and3A_254 = arith.andi %scan3A_247#0, %and3A_253 : vector<1x512xi32>
                  %not3A = arith.constant dense<-1> : vector<1x512xi32>
                  %not3A_255 = arith.xori %scan3A_247#0, %not3A : vector<1x512xi32>
                  %select_n3A_256 = arith.select %lt3A_251, %and3A_254, %not3A_255 : vector<1x512xi1>, vector<1x512xi32>
                  %lt3A_257 = arith.constant 0 : i32
                  %lt3A_258 = vector.broadcast %lt3A_257 : i32 to vector<1x512xi32>
                  %lt3A_259 = arith.cmpi slt, %scan3A_247#1, %lt3A_258 : vector<1x512xi32>
                  %and3A_260 = arith.constant 2147483647 : i32
                  %and3A_261 = vector.broadcast %and3A_260 : i32 to vector<1x512xi32>
                  %and3A_262 = arith.andi %scan3A_247#1, %and3A_261 : vector<1x512xi32>
                  %not3A_263 = arith.constant dense<-1> : vector<1x512xi32>
                  %not3A_264 = arith.xori %scan3A_247#1, %not3A_263 : vector<1x512xi32>
                  %select_n3A_265 = arith.select %lt3A_259, %and3A_262, %not3A_264 : vector<1x512xi1>, vector<1x512xi32>
                  %bitcast_convert_type3A_266 = tpu.bitcast %select_n3A_256 : vector<1x512xi32> -> vector<1x512xf32>
                  %bitcast_convert_type3A_267 = tpu.bitcast %select_n3A_265 : vector<1x512xi32> -> vector<1x512xf32>
                  %broadcast_in_dim3A_268 = arith.constant 0.000000e+00 : f32
                  %broadcast_in_dim3A_269 = vector.broadcast %broadcast_in_dim3A_268 : f32 to vector<1x512xf32>
                  %get3A_270 = arith.constant 0 : index
                  %get3A_271 = arith.constant 0 : index
                  %get3A_272 = arith.constant 0 : index
                  %get3A_273 = vector.load %arg5[%get3A_270, %get3A_271, %get3A_272] : memref<1x4096x512xf32, #tpu.memory_space<vmem>>, vector<1x512x512xf32>
                  %get3A_274 = vector.shape_cast %get3A_273 : vector<1x512x512xf32> to vector<512x512xf32>
                  %add3A_275 = arith.constant 0 : i32
                  %add3A_276 = vector.broadcast %add3A_275 : i32 to vector<512x512xi32>
                  %add3A_277 = arith.addi %iota3A, %add3A_276 : vector<512x512xi32>
                  %lt3A_278 = vector.broadcast %get3A_0 : i32 to vector<512x512xi32>
                  %lt3A_279 = arith.cmpi slt, %add3A_277, %lt3A_278 : vector<512x512xi32>
                  %ge3A = vector.broadcast %bitcast_convert_type3A_266 : vector<1x512xf32> to vector<512x512xf32>
                  %ge3A_280 = arith.cmpf oge, %get3A_274, %ge3A : vector<512x512xf32>
                  %and3A_281 = arith.andi %lt3A_279, %ge3A_280 : vector<512x512xi1>
                  %le3A = vector.broadcast %bitcast_convert_type3A_267 : vector<1x512xf32> to vector<512x512xf32>
                  %le3A_282 = arith.cmpf ole, %get3A_274, %le3A : vector<512x512xf32>
                  %and3A_283 = arith.andi %and3A_281, %le3A_282 : vector<512x512xi1>
                  %jit3A_284 = arith.constant 0.000000e+00 : f32
                  %broadcast_in_dim3A_285 = vector.broadcast %jit3A_284 : f32 to vector<512x512xf32>
                  %select_n3A_286 = arith.select %and3A_283, %get3A_274, %broadcast_in_dim3A_285 : vector<512x512xi1>, vector<512x512xf32>
                  %reduce_sum3A = arith.constant dense<0.000000e+00> : vector<512xf32>
                  %reduce_sum3A_287 = vector.multi_reduction <add>, %select_n3A_286, %reduce_sum3A [0] : vector<512x512xf32> to vector<512xf32>
                  %broadcast_in_dim3A_288 = vector.shape_cast %reduce_sum3A_287 : vector<512xf32> to vector<1x512xf32>
                  %add3A_289 = arith.addf %broadcast_in_dim3A_269, %broadcast_in_dim3A_288 : vector<1x512xf32>
                  %jit3A_290 = arith.constant 1.000000e+00 : f32
                  %jit3A_291 = arith.constant 0.000000e+00 : f32
                  %broadcast_in_dim3A_292 = vector.broadcast %jit3A_290 : f32 to vector<512x512xf32>
                  %broadcast_in_dim3A_293 = vector.broadcast %jit3A_291 : f32 to vector<512x512xf32>
                  %select_n3A_294 = arith.select %and3A_283, %broadcast_in_dim3A_292, %broadcast_in_dim3A_293 : vector<512x512xi1>, vector<512x512xf32>
                  %reduce_sum3A_295 = arith.constant dense<0.000000e+00> : vector<512xf32>
                  %reduce_sum3A_296 = vector.multi_reduction <add>, %select_n3A_294, %reduce_sum3A_295 [0] : vector<512x512xf32> to vector<512xf32>
                  %broadcast_in_dim3A_297 = vector.shape_cast %reduce_sum3A_296 : vector<512xf32> to vector<1x512xf32>
                  %add3A_298 = arith.addf %broadcast_in_dim3A_269, %broadcast_in_dim3A_297 : vector<1x512xf32>
                  %get3A_299 = arith.constant 0 : index
                  %get3A_300 = arith.constant 512 : index
                  %get3A_301 = arith.constant 0 : index
                  %get3A_302 = vector.load %arg5[%get3A_299, %get3A_300, %get3A_301] : memref<1x4096x512xf32, #tpu.memory_space<vmem>>, vector<1x512x512xf32>
                  %get3A_303 = vector.shape_cast %get3A_302 : vector<1x512x512xf32> to vector<512x512xf32>
                  %add3A_304 = arith.constant 512 : i32
                  %add3A_305 = vector.broadcast %add3A_304 : i32 to vector<512x512xi32>
                  %add3A_306 = arith.addi %iota3A, %add3A_305 : vector<512x512xi32>
                  %lt3A_307 = vector.broadcast %get3A_0 : i32 to vector<512x512xi32>
                  %lt3A_308 = arith.cmpi slt, %add3A_306, %lt3A_307 : vector<512x512xi32>
                  %ge3A_309 = vector.broadcast %bitcast_convert_type3A_266 : vector<1x512xf32> to vector<512x512xf32>
                  %ge3A_310 = arith.cmpf oge, %get3A_303, %ge3A_309 : vector<512x512xf32>
                  %and3A_311 = arith.andi %lt3A_308, %ge3A_310 : vector<512x512xi1>
                  %le3A_312 = vector.broadcast %bitcast_convert_type3A_267 : vector<1x512xf32> to vector<512x512xf32>
                  %le3A_313 = arith.cmpf ole, %get3A_303, %le3A_312 : vector<512x512xf32>
                  %and3A_314 = arith.andi %and3A_311, %le3A_313 : vector<512x512xi1>
                  %jit3A_315 = arith.constant 0.000000e+00 : f32
                  %broadcast_in_dim3A_316 = vector.broadcast %jit3A_315 : f32 to vector<512x512xf32>
                  %select_n3A_317 = arith.select %and3A_314, %get3A_303, %broadcast_in_dim3A_316 : vector<512x512xi1>, vector<512x512xf32>
                  %reduce_sum3A_318 = arith.constant dense<0.000000e+00> : vector<512xf32>
                  %reduce_sum3A_319 = vector.multi_reduction <add>, %select_n3A_317, %reduce_sum3A_318 [0] : vector<512x512xf32> to vector<512xf32>
                  %broadcast_in_dim3A_320 = vector.shape_cast %reduce_sum3A_319 : vector<512xf32> to vector<1x512xf32>
                  %add3A_321 = arith.addf %add3A_289, %broadcast_in_dim3A_320 : vector<1x512xf32>
                  %jit3A_322 = arith.constant 1.000000e+00 : f32
                  %jit3A_323 = arith.constant 0.000000e+00 : f32
                  %broadcast_in_dim3A_324 = vector.broadcast %jit3A_322 : f32 to vector<512x512xf32>
                  %broadcast_in_dim3A_325 = vector.broadcast %jit3A_323 : f32 to vector<512x512xf32>
                  %select_n3A_326 = arith.select %and3A_314, %broadcast_in_dim3A_324, %broadcast_in_dim3A_325 : vector<512x512xi1>, vector<512x512xf32>
                  %reduce_sum3A_327 = arith.constant dense<0.000000e+00> : vector<512xf32>
                  %reduce_sum3A_328 = vector.multi_reduction <add>, %select_n3A_326, %reduce_sum3A_327 [0] : vector<512x512xf32> to vector<512xf32>
                  %broadcast_in_dim3A_329 = vector.shape_cast %reduce_sum3A_328 : vector<512xf32> to vector<1x512xf32>
                  %add3A_330 = arith.addf %add3A_298, %broadcast_in_dim3A_329 : vector<1x512xf32>
                  %get3A_331 = arith.constant 0 : index
                  %get3A_332 = arith.constant 1024 : index
                  %get3A_333 = arith.constant 0 : index
                  %get3A_334 = vector.load %arg5[%get3A_331, %get3A_332, %get3A_333] : memref<1x4096x512xf32, #tpu.memory_space<vmem>>, vector<1x512x512xf32>
                  %get3A_335 = vector.shape_cast %get3A_334 : vector<1x512x512xf32> to vector<512x512xf32>
                  %add3A_336 = arith.constant 1024 : i32
                  %add3A_337 = vector.broadcast %add3A_336 : i32 to vector<512x512xi32>
                  %add3A_338 = arith.addi %iota3A, %add3A_337 : vector<512x512xi32>
                  %lt3A_339 = vector.broadcast %get3A_0 : i32 to vector<512x512xi32>
                  %lt3A_340 = arith.cmpi slt, %add3A_338, %lt3A_339 : vector<512x512xi32>
                  %ge3A_341 = vector.broadcast %bitcast_convert_type3A_266 : vector<1x512xf32> to vector<512x512xf32>
                  %ge3A_342 = arith.cmpf oge, %get3A_335, %ge3A_341 : vector<512x512xf32>
                  %and3A_343 = arith.andi %lt3A_340, %ge3A_342 : vector<512x512xi1>
                  %le3A_344 = vector.broadcast %bitcast_convert_type3A_267 : vector<1x512xf32> to vector<512x512xf32>
                  %le3A_345 = arith.cmpf ole, %get3A_335, %le3A_344 : vector<512x512xf32>
                  %and3A_346 = arith.andi %and3A_343, %le3A_345 : vector<512x512xi1>
                  %jit3A_347 = arith.constant 0.000000e+00 : f32
                  %broadcast_in_dim3A_348 = vector.broadcast %jit3A_347 : f32 to vector<512x512xf32>
                  %select_n3A_349 = arith.select %and3A_346, %get3A_335, %broadcast_in_dim3A_348 : vector<512x512xi1>, vector<512x512xf32>
                  %reduce_sum3A_350 = arith.constant dense<0.000000e+00> : vector<512xf32>
                  %reduce_sum3A_351 = vector.multi_reduction <add>, %select_n3A_349, %reduce_sum3A_350 [0] : vector<512x512xf32> to vector<512xf32>
                  %broadcast_in_dim3A_352 = vector.shape_cast %reduce_sum3A_351 : vector<512xf32> to vector<1x512xf32>
                  %add3A_353 = arith.addf %add3A_321, %broadcast_in_dim3A_352 : vector<1x512xf32>
                  %jit3A_354 = arith.constant 1.000000e+00 : f32
                  %jit3A_355 = arith.constant 0.000000e+00 : f32
                  %broadcast_in_dim3A_356 = vector.broadcast %jit3A_354 : f32 to vector<512x512xf32>
                  %broadcast_in_dim3A_357 = vector.broadcast %jit3A_355 : f32 to vector<512x512xf32>
                  %select_n3A_358 = arith.select %and3A_346, %broadcast_in_dim3A_356, %broadcast_in_dim3A_357 : vector<512x512xi1>, vector<512x512xf32>
                  %reduce_sum3A_359 = arith.constant dense<0.000000e+00> : vector<512xf32>
                  %reduce_sum3A_360 = vector.multi_reduction <add>, %select_n3A_358, %reduce_sum3A_359 [0] : vector<512x512xf32> to vector<512xf32>
                  %broadcast_in_dim3A_361 = vector.shape_cast %reduce_sum3A_360 : vector<512xf32> to vector<1x512xf32>
                  %add3A_362 = arith.addf %add3A_330, %broadcast_in_dim3A_361 : vector<1x512xf32>
                  %get3A_363 = arith.constant 0 : index
                  %get3A_364 = arith.constant 1536 : index
                  %get3A_365 = arith.constant 0 : index
                  %get3A_366 = vector.load %arg5[%get3A_363, %get3A_364, %get3A_365] : memref<1x4096x512xf32, #tpu.memory_space<vmem>>, vector<1x512x512xf32>
                  %get3A_367 = vector.shape_cast %get3A_366 : vector<1x512x512xf32> to vector<512x512xf32>
                  %add3A_368 = arith.constant 1536 : i32
                  %add3A_369 = vector.broadcast %add3A_368 : i32 to vector<512x512xi32>
                  %add3A_370 = arith.addi %iota3A, %add3A_369 : vector<512x512xi32>
                  %lt3A_371 = vector.broadcast %get3A_0 : i32 to vector<512x512xi32>
                  %lt3A_372 = arith.cmpi slt, %add3A_370, %lt3A_371 : vector<512x512xi32>
                  %ge3A_373 = vector.broadcast %bitcast_convert_type3A_266 : vector<1x512xf32> to vector<512x512xf32>
                  %ge3A_374 = arith.cmpf oge, %get3A_367, %ge3A_373 : vector<512x512xf32>
                  %and3A_375 = arith.andi %lt3A_372, %ge3A_374 : vector<512x512xi1>
                  %le3A_376 = vector.broadcast %bitcast_convert_type3A_267 : vector<1x512xf32> to vector<512x512xf32>
                  %le3A_377 = arith.cmpf ole, %get3A_367, %le3A_376 : vector<512x512xf32>
                  %and3A_378 = arith.andi %and3A_375, %le3A_377 : vector<512x512xi1>
                  %jit3A_379 = arith.constant 0.000000e+00 : f32
                  %broadcast_in_dim3A_380 = vector.broadcast %jit3A_379 : f32 to vector<512x512xf32>
                  %select_n3A_381 = arith.select %and3A_378, %get3A_367, %broadcast_in_dim3A_380 : vector<512x512xi1>, vector<512x512xf32>
                  %reduce_sum3A_382 = arith.constant dense<0.000000e+00> : vector<512xf32>
                  %reduce_sum3A_383 = vector.multi_reduction <add>, %select_n3A_381, %reduce_sum3A_382 [0] : vector<512x512xf32> to vector<512xf32>
                  %broadcast_in_dim3A_384 = vector.shape_cast %reduce_sum3A_383 : vector<512xf32> to vector<1x512xf32>
                  %add3A_385 = arith.addf %add3A_353, %broadcast_in_dim3A_384 : vector<1x512xf32>
                  %jit3A_386 = arith.constant 1.000000e+00 : f32
                  %jit3A_387 = arith.constant 0.000000e+00 : f32
                  %broadcast_in_dim3A_388 = vector.broadcast %jit3A_386 : f32 to vector<512x512xf32>
                  %broadcast_in_dim3A_389 = vector.broadcast %jit3A_387 : f32 to vector<512x512xf32>
                  %select_n3A_390 = arith.select %and3A_378, %broadcast_in_dim3A_388, %broadcast_in_dim3A_389 : vector<512x512xi1>, vector<512x512xf32>
                  %reduce_sum3A_391 = arith.constant dense<0.000000e+00> : vector<512xf32>
                  %reduce_sum3A_392 = vector.multi_reduction <add>, %select_n3A_390, %reduce_sum3A_391 [0] : vector<512x512xf32> to vector<512xf32>
                  %broadcast_in_dim3A_393 = vector.shape_cast %reduce_sum3A_392 : vector<512xf32> to vector<1x512xf32>
                  %add3A_394 = arith.addf %add3A_362, %broadcast_in_dim3A_393 : vector<1x512xf32>
                  %get3A_395 = arith.constant 0 : index
                  %get3A_396 = arith.constant 2048 : index
                  %get3A_397 = arith.constant 0 : index
                  %get3A_398 = vector.load %arg5[%get3A_395, %get3A_396, %get3A_397] : memref<1x4096x512xf32, #tpu.memory_space<vmem>>, vector<1x512x512xf32>
                  %get3A_399 = vector.shape_cast %get3A_398 : vector<1x512x512xf32> to vector<512x512xf32>
                  %add3A_400 = arith.constant 2048 : i32
                  %add3A_401 = vector.broadcast %add3A_400 : i32 to vector<512x512xi32>
                  %add3A_402 = arith.addi %iota3A, %add3A_401 : vector<512x512xi32>
                  %lt3A_403 = vector.broadcast %get3A_0 : i32 to vector<512x512xi32>
                  %lt3A_404 = arith.cmpi slt, %add3A_402, %lt3A_403 : vector<512x512xi32>
                  %ge3A_405 = vector.broadcast %bitcast_convert_type3A_266 : vector<1x512xf32> to vector<512x512xf32>
                  %ge3A_406 = arith.cmpf oge, %get3A_399, %ge3A_405 : vector<512x512xf32>
                  %and3A_407 = arith.andi %lt3A_404, %ge3A_406 : vector<512x512xi1>
                  %le3A_408 = vector.broadcast %bitcast_convert_type3A_267 : vector<1x512xf32> to vector<512x512xf32>
                  %le3A_409 = arith.cmpf ole, %get3A_399, %le3A_408 : vector<512x512xf32>
                  %and3A_410 = arith.andi %and3A_407, %le3A_409 : vector<512x512xi1>
                  %jit3A_411 = arith.constant 0.000000e+00 : f32
                  %broadcast_in_dim3A_412 = vector.broadcast %jit3A_411 : f32 to vector<512x512xf32>
                  %select_n3A_413 = arith.select %and3A_410, %get3A_399, %broadcast_in_dim3A_412 : vector<512x512xi1>, vector<512x512xf32>
                  %reduce_sum3A_414 = arith.constant dense<0.000000e+00> : vector<512xf32>
                  %reduce_sum3A_415 = vector.multi_reduction <add>, %select_n3A_413, %reduce_sum3A_414 [0] : vector<512x512xf32> to vector<512xf32>
                  %broadcast_in_dim3A_416 = vector.shape_cast %reduce_sum3A_415 : vector<512xf32> to vector<1x512xf32>
                  %add3A_417 = arith.addf %add3A_385, %broadcast_in_dim3A_416 : vector<1x512xf32>
                  %jit3A_418 = arith.constant 1.000000e+00 : f32
                  %jit3A_419 = arith.constant 0.000000e+00 : f32
                  %broadcast_in_dim3A_420 = vector.broadcast %jit3A_418 : f32 to vector<512x512xf32>
                  %broadcast_in_dim3A_421 = vector.broadcast %jit3A_419 : f32 to vector<512x512xf32>
                  %select_n3A_422 = arith.select %and3A_410, %broadcast_in_dim3A_420, %broadcast_in_dim3A_421 : vector<512x512xi1>, vector<512x512xf32>
                  %reduce_sum3A_423 = arith.constant dense<0.000000e+00> : vector<512xf32>
                  %reduce_sum3A_424 = vector.multi_reduction <add>, %select_n3A_422, %reduce_sum3A_423 [0] : vector<512x512xf32> to vector<512xf32>
                  %broadcast_in_dim3A_425 = vector.shape_cast %reduce_sum3A_424 : vector<512xf32> to vector<1x512xf32>
                  %add3A_426 = arith.addf %add3A_394, %broadcast_in_dim3A_425 : vector<1x512xf32>
                  %get3A_427 = arith.constant 0 : index
                  %get3A_428 = arith.constant 2560 : index
                  %get3A_429 = arith.constant 0 : index
                  %get3A_430 = vector.load %arg5[%get3A_427, %get3A_428, %get3A_429] : memref<1x4096x512xf32, #tpu.memory_space<vmem>>, vector<1x512x512xf32>
                  %get3A_431 = vector.shape_cast %get3A_430 : vector<1x512x512xf32> to vector<512x512xf32>
                  %add3A_432 = arith.constant 2560 : i32
                  %add3A_433 = vector.broadcast %add3A_432 : i32 to vector<512x512xi32>
                  %add3A_434 = arith.addi %iota3A, %add3A_433 : vector<512x512xi32>
                  %lt3A_435 = vector.broadcast %get3A_0 : i32 to vector<512x512xi32>
                  %lt3A_436 = arith.cmpi slt, %add3A_434, %lt3A_435 : vector<512x512xi32>
                  %ge3A_437 = vector.broadcast %bitcast_convert_type3A_266 : vector<1x512xf32> to vector<512x512xf32>
                  %ge3A_438 = arith.cmpf oge, %get3A_431, %ge3A_437 : vector<512x512xf32>
                  %and3A_439 = arith.andi %lt3A_436, %ge3A_438 : vector<512x512xi1>
                  %le3A_440 = vector.broadcast %bitcast_convert_type3A_267 : vector<1x512xf32> to vector<512x512xf32>
                  %le3A_441 = arith.cmpf ole, %get3A_431, %le3A_440 : vector<512x512xf32>
                  %and3A_442 = arith.andi %and3A_439, %le3A_441 : vector<512x512xi1>
                  %jit3A_443 = arith.constant 0.000000e+00 : f32
                  %broadcast_in_dim3A_444 = vector.broadcast %jit3A_443 : f32 to vector<512x512xf32>
                  %select_n3A_445 = arith.select %and3A_442, %get3A_431, %broadcast_in_dim3A_444 : vector<512x512xi1>, vector<512x512xf32>
                  %reduce_sum3A_446 = arith.constant dense<0.000000e+00> : vector<512xf32>
                  %reduce_sum3A_447 = vector.multi_reduction <add>, %select_n3A_445, %reduce_sum3A_446 [0] : vector<512x512xf32> to vector<512xf32>
                  %broadcast_in_dim3A_448 = vector.shape_cast %reduce_sum3A_447 : vector<512xf32> to vector<1x512xf32>
                  %add3A_449 = arith.addf %add3A_417, %broadcast_in_dim3A_448 : vector<1x512xf32>
                  %jit3A_450 = arith.constant 1.000000e+00 : f32
                  %jit3A_451 = arith.constant 0.000000e+00 : f32
                  %broadcast_in_dim3A_452 = vector.broadcast %jit3A_450 : f32 to vector<512x512xf32>
                  %broadcast_in_dim3A_453 = vector.broadcast %jit3A_451 : f32 to vector<512x512xf32>
                  %select_n3A_454 = arith.select %and3A_442, %broadcast_in_dim3A_452, %broadcast_in_dim3A_453 : vector<512x512xi1>, vector<512x512xf32>
                  %reduce_sum3A_455 = arith.constant dense<0.000000e+00> : vector<512xf32>
                  %reduce_sum3A_456 = vector.multi_reduction <add>, %select_n3A_454, %reduce_sum3A_455 [0] : vector<512x512xf32> to vector<512xf32>
                  %broadcast_in_dim3A_457 = vector.shape_cast %reduce_sum3A_456 : vector<512xf32> to vector<1x512xf32>
                  %add3A_458 = arith.addf %add3A_426, %broadcast_in_dim3A_457 : vector<1x512xf32>
                  %get3A_459 = arith.constant 0 : index
                  %get3A_460 = arith.constant 3072 : index
                  %get3A_461 = arith.constant 0 : index
                  %get3A_462 = vector.load %arg5[%get3A_459, %get3A_460, %get3A_461] : memref<1x4096x512xf32, #tpu.memory_space<vmem>>, vector<1x512x512xf32>
                  %get3A_463 = vector.shape_cast %get3A_462 : vector<1x512x512xf32> to vector<512x512xf32>
                  %add3A_464 = arith.constant 3072 : i32
                  %add3A_465 = vector.broadcast %add3A_464 : i32 to vector<512x512xi32>
                  %add3A_466 = arith.addi %iota3A, %add3A_465 : vector<512x512xi32>
                  %lt3A_467 = vector.broadcast %get3A_0 : i32 to vector<512x512xi32>
                  %lt3A_468 = arith.cmpi slt, %add3A_466, %lt3A_467 : vector<512x512xi32>
                  %ge3A_469 = vector.broadcast %bitcast_convert_type3A_266 : vector<1x512xf32> to vector<512x512xf32>
                  %ge3A_470 = arith.cmpf oge, %get3A_463, %ge3A_469 : vector<512x512xf32>
                  %and3A_471 = arith.andi %lt3A_468, %ge3A_470 : vector<512x512xi1>
                  %le3A_472 = vector.broadcast %bitcast_convert_type3A_267 : vector<1x512xf32> to vector<512x512xf32>
                  %le3A_473 = arith.cmpf ole, %get3A_463, %le3A_472 : vector<512x512xf32>
                  %and3A_474 = arith.andi %and3A_471, %le3A_473 : vector<512x512xi1>
                  %jit3A_475 = arith.constant 0.000000e+00 : f32
                  %broadcast_in_dim3A_476 = vector.broadcast %jit3A_475 : f32 to vector<512x512xf32>
                  %select_n3A_477 = arith.select %and3A_474, %get3A_463, %broadcast_in_dim3A_476 : vector<512x512xi1>, vector<512x512xf32>
                  %reduce_sum3A_478 = arith.constant dense<0.000000e+00> : vector<512xf32>
                  %reduce_sum3A_479 = vector.multi_reduction <add>, %select_n3A_477, %reduce_sum3A_478 [0] : vector<512x512xf32> to vector<512xf32>
                  %broadcast_in_dim3A_480 = vector.shape_cast %reduce_sum3A_479 : vector<512xf32> to vector<1x512xf32>
                  %add3A_481 = arith.addf %add3A_449, %broadcast_in_dim3A_480 : vector<1x512xf32>
                  %jit3A_482 = arith.constant 1.000000e+00 : f32
                  %jit3A_483 = arith.constant 0.000000e+00 : f32
                  %broadcast_in_dim3A_484 = vector.broadcast %jit3A_482 : f32 to vector<512x512xf32>
                  %broadcast_in_dim3A_485 = vector.broadcast %jit3A_483 : f32 to vector<512x512xf32>
                  %select_n3A_486 = arith.select %and3A_474, %broadcast_in_dim3A_484, %broadcast_in_dim3A_485 : vector<512x512xi1>, vector<512x512xf32>
                  %reduce_sum3A_487 = arith.constant dense<0.000000e+00> : vector<512xf32>
                  %reduce_sum3A_488 = vector.multi_reduction <add>, %select_n3A_486, %reduce_sum3A_487 [0] : vector<512x512xf32> to vector<512xf32>
                  %broadcast_in_dim3A_489 = vector.shape_cast %reduce_sum3A_488 : vector<512xf32> to vector<1x512xf32>
                  %add3A_490 = arith.addf %add3A_458, %broadcast_in_dim3A_489 : vector<1x512xf32>
                  %get3A_491 = arith.constant 0 : index
                  %get3A_492 = arith.constant 3584 : index
                  %get3A_493 = arith.constant 0 : index
                  %get3A_494 = vector.load %arg5[%get3A_491, %get3A_492, %get3A_493] : memref<1x4096x512xf32, #tpu.memory_space<vmem>>, vector<1x512x512xf32>
                  %get3A_495 = vector.shape_cast %get3A_494 : vector<1x512x512xf32> to vector<512x512xf32>
                  %add3A_496 = arith.constant 3584 : i32
                  %add3A_497 = vector.broadcast %add3A_496 : i32 to vector<512x512xi32>
                  %add3A_498 = arith.addi %iota3A, %add3A_497 : vector<512x512xi32>
                  %lt3A_499 = vector.broadcast %get3A_0 : i32 to vector<512x512xi32>
                  %lt3A_500 = arith.cmpi slt, %add3A_498, %lt3A_499 : vector<512x512xi32>
                  %ge3A_501 = vector.broadcast %bitcast_convert_type3A_266 : vector<1x512xf32> to vector<512x512xf32>
                  %ge3A_502 = arith.cmpf oge, %get3A_495, %ge3A_501 : vector<512x512xf32>
                  %and3A_503 = arith.andi %lt3A_500, %ge3A_502 : vector<512x512xi1>
                  %le3A_504 = vector.broadcast %bitcast_convert_type3A_267 : vector<1x512xf32> to vector<512x512xf32>
                  %le3A_505 = arith.cmpf ole, %get3A_495, %le3A_504 : vector<512x512xf32>
                  %and3A_506 = arith.andi %and3A_503, %le3A_505 : vector<512x512xi1>
                  %jit3A_507 = arith.constant 0.000000e+00 : f32
                  %broadcast_in_dim3A_508 = vector.broadcast %jit3A_507 : f32 to vector<512x512xf32>
                  %select_n3A_509 = arith.select %and3A_506, %get3A_495, %broadcast_in_dim3A_508 : vector<512x512xi1>, vector<512x512xf32>
                  %reduce_sum3A_510 = arith.constant dense<0.000000e+00> : vector<512xf32>
                  %reduce_sum3A_511 = vector.multi_reduction <add>, %select_n3A_509, %reduce_sum3A_510 [0] : vector<512x512xf32> to vector<512xf32>
                  %broadcast_in_dim3A_512 = vector.shape_cast %reduce_sum3A_511 : vector<512xf32> to vector<1x512xf32>
                  %add3A_513 = arith.addf %add3A_481, %broadcast_in_dim3A_512 : vector<1x512xf32>
                  %jit3A_514 = arith.constant 1.000000e+00 : f32
                  %jit3A_515 = arith.constant 0.000000e+00 : f32
                  %broadcast_in_dim3A_516 = vector.broadcast %jit3A_514 : f32 to vector<512x512xf32>
                  %broadcast_in_dim3A_517 = vector.broadcast %jit3A_515 : f32 to vector<512x512xf32>
                  %select_n3A_518 = arith.select %and3A_506, %broadcast_in_dim3A_516, %broadcast_in_dim3A_517 : vector<512x512xi1>, vector<512x512xf32>
                  %reduce_sum3A_519 = arith.constant dense<0.000000e+00> : vector<512xf32>
                  %reduce_sum3A_520 = vector.multi_reduction <add>, %select_n3A_518, %reduce_sum3A_519 [0] : vector<512x512xf32> to vector<512xf32>
                  %broadcast_in_dim3A_521 = vector.shape_cast %reduce_sum3A_520 : vector<512xf32> to vector<1x512xf32>
                  %add3A_522 = arith.addf %add3A_490, %broadcast_in_dim3A_521 : vector<1x512xf32>
                  %div3A_523 = arith.divf %add3A_513, %add3A_522 : vector<1x512xf32>
                  %squeeze3A = vector.shape_cast %div3A_523 : vector<1x512xf32> to vector<512xf32>
                  %swap3A_524 = arith.constant 0 : index
                  %swap3A_525 = arith.constant 0 : index
                  %swap3A_526 = arith.constant 0 : index
                  %swap3A_527 = arith.constant 0 : index
                  %swap3A_528 = vector.load %arg6[%swap3A_524, %swap3A_525, %swap3A_526, %swap3A_527] : memref<1x1x1x512xf32, #tpu.memory_space<vmem>>, vector<1x1x1x512xf32>
                  %swap3A_529 = vector.shape_cast %swap3A_528 : vector<1x1x1x512xf32> to vector<512xf32>
                  %swap3A_530 = vector.shape_cast %squeeze3A : vector<512xf32> to vector<1x1x1x512xf32>
                  tpu.vector_store %arg6[%swap3A_524, %swap3A_525, %swap3A_526, %swap3A_527], %swap3A_530 {strides = array<i32>} : memref<1x1x1x512xf32, #tpu.memory_space<vmem>>, vector<1x1x1x512xf32>,
                } else {
                  %get3A_54 = arith.constant 0 : index
                  %get3A_55 = arith.constant 0 : index
                  %get3A_56 = arith.constant 0 : index
                  %get3A_57 = vector.load %arg5[%get3A_54, %get3A_55, %get3A_56] : memref<1x4096x512xf32, #tpu.memory_space<vmem>>, vector<1x512x512xf32>
                  %get3A_58 = vector.shape_cast %get3A_57 : vector<1x512x512xf32> to vector<512x512xf32>
                  %bitcast_convert_type3A = tpu.bitcast %get3A_58 : vector<512x512xf32> -> vector<512x512xi32>
                  %lt3A = arith.constant 0 : i32
                  %lt3A_59 = vector.broadcast %lt3A : i32 to vector<512x512xi32>
                  %lt3A_60 = arith.cmpi slt, %bitcast_convert_type3A, %lt3A_59 : vector<512x512xi32>
                  %xor3A = arith.constant 2147483647 : i32
                  %xor3A_61 = vector.broadcast %xor3A : i32 to vector<512x512xi32>
                  %xor3A_62 = arith.xori %bitcast_convert_type3A, %xor3A_61 : vector<512x512xi32>
                  %select_n3A_63 = arith.select %lt3A_60, %xor3A_62, %bitcast_convert_type3A : vector<512x512xi1>, vector<512x512xi32>
                  %add3A_64 = arith.constant 0 : i32
                  %add3A_65 = vector.broadcast %add3A_64 : i32 to vector<512x512xi32>
                  %add3A_66 = arith.addi %iota3A, %add3A_65 : vector<512x512xi32>
                  %lt3A_67 = vector.broadcast %get3A_0 : i32 to vector<512x512xi32>
                  %lt3A_68 = arith.cmpi slt, %add3A_66, %lt3A_67 : vector<512x512xi32>
                  %jit3A_69 = arith.constant 2147483647 : i32
                  %broadcast_in_dim3A_70 = vector.broadcast %jit3A_69 : i32 to vector<512x512xi32>
                  %select_n3A_71 = arith.select %lt3A_68, %select_n3A_63, %broadcast_in_dim3A_70 : vector<512x512xi1>, vector<512x512xi32>
                  %swap3A = arith.constant 0 : index
                  %swap3A_72 = arith.constant 0 : index
                  %swap3A_73 = vector.load %arg7[%swap3A, %swap3A_72] : memref<4096x512xi32, #tpu.memory_space<vmem>>, vector<512x512xi32>
                  tpu.vector_store %arg7[%swap3A, %swap3A_72], %select_n3A_71 {strides = array<i32>} : memref<4096x512xi32, #tpu.memory_space<vmem>>, vector<512x512xi32>,
                  %get3A_74 = arith.constant 0 : index
                  %get3A_75 = arith.constant 512 : index
                  %get3A_76 = arith.constant 0 : index
                  %get3A_77 = vector.load %arg5[%get3A_74, %get3A_75, %get3A_76] : memref<1x4096x512xf32, #tpu.memory_space<vmem>>, vector<1x512x512xf32>
                  %get3A_78 = vector.shape_cast %get3A_77 : vector<1x512x512xf32> to vector<512x512xf32>
                  %bitcast_convert_type3A_79 = tpu.bitcast %get3A_78 : vector<512x512xf32> -> vector<512x512xi32>
                  %lt3A_80 = arith.constant 0 : i32
                  %lt3A_81 = vector.broadcast %lt3A_80 : i32 to vector<512x512xi32>
                  %lt3A_82 = arith.cmpi slt, %bitcast_convert_type3A_79, %lt3A_81 : vector<512x512xi32>
                  %xor3A_83 = arith.constant 2147483647 : i32
                  %xor3A_84 = vector.broadcast %xor3A_83 : i32 to vector<512x512xi32>
                  %xor3A_85 = arith.xori %bitcast_convert_type3A_79, %xor3A_84 : vector<512x512xi32>
                  %select_n3A_86 = arith.select %lt3A_82, %xor3A_85, %bitcast_convert_type3A_79 : vector<512x512xi1>, vector<512x512xi32>
                  %add3A_87 = arith.constant 512 : i32
                  %add3A_88 = vector.broadcast %add3A_87 : i32 to vector<512x512xi32>
                  %add3A_89 = arith.addi %iota3A, %add3A_88 : vector<512x512xi32>
                  %lt3A_90 = vector.broadcast %get3A_0 : i32 to vector<512x512xi32>
                  %lt3A_91 = arith.cmpi slt, %add3A_89, %lt3A_90 : vector<512x512xi32>
                  %jit3A_92 = arith.constant 2147483647 : i32
                  %broadcast_in_dim3A_93 = vector.broadcast %jit3A_92 : i32 to vector<512x512xi32>
                  %select_n3A_94 = arith.select %lt3A_91, %select_n3A_86, %broadcast_in_dim3A_93 : vector<512x512xi1>, vector<512x512xi32>
                  %swap3A_95 = arith.constant 512 : index
                  %swap3A_96 = arith.constant 0 : index
                  %swap3A_97 = vector.load %arg7[%swap3A_95, %swap3A_96] : memref<4096x512xi32, #tpu.memory_space<vmem>>, vector<512x512xi32>
                  tpu.vector_store %arg7[%swap3A_95, %swap3A_96], %select_n3A_94 {strides = array<i32>} : memref<4096x512xi32, #tpu.memory_space<vmem>>, vector<512x512xi32>,
                  %get3A_98 = arith.constant 0 : index
                  %get3A_99 = arith.constant 1024 : index
                  %get3A_100 = arith.constant 0 : index
                  %get3A_101 = vector.load %arg5[%get3A_98, %get3A_99, %get3A_100] : memref<1x4096x512xf32, #tpu.memory_space<vmem>>, vector<1x512x512xf32>
                  %get3A_102 = vector.shape_cast %get3A_101 : vector<1x512x512xf32> to vector<512x512xf32>
                  %bitcast_convert_type3A_103 = tpu.bitcast %get3A_102 : vector<512x512xf32> -> vector<512x512xi32>
                  %lt3A_104 = arith.constant 0 : i32
                  %lt3A_105 = vector.broadcast %lt3A_104 : i32 to vector<512x512xi32>
                  %lt3A_106 = arith.cmpi slt, %bitcast_convert_type3A_103, %lt3A_105 : vector<512x512xi32>
                  %xor3A_107 = arith.constant 2147483647 : i32
                  %xor3A_108 = vector.broadcast %xor3A_107 : i32 to vector<512x512xi32>
                  %xor3A_109 = arith.xori %bitcast_convert_type3A_103, %xor3A_108 : vector<512x512xi32>
                  %select_n3A_110 = arith.select %lt3A_106, %xor3A_109, %bitcast_convert_type3A_103 : vector<512x512xi1>, vector<512x512xi32>
                  %add3A_111 = arith.constant 1024 : i32
                  %add3A_112 = vector.broadcast %add3A_111 : i32 to vector<512x512xi32>
                  %add3A_113 = arith.addi %iota3A, %add3A_112 : vector<512x512xi32>
                  %lt3A_114 = vector.broadcast %get3A_0 : i32 to vector<512x512xi32>
                  %lt3A_115 = arith.cmpi slt, %add3A_113, %lt3A_114 : vector<512x512xi32>
                  %jit3A_116 = arith.constant 2147483647 : i32
                  %broadcast_in_dim3A_117 = vector.broadcast %jit3A_116 : i32 to vector<512x512xi32>
                  %select_n3A_118 = arith.select %lt3A_115, %select_n3A_110, %broadcast_in_dim3A_117 : vector<512x512xi1>, vector<512x512xi32>
                  %swap3A_119 = arith.constant 1024 : index
                  %swap3A_120 = arith.constant 0 : index
                  %swap3A_121 = vector.load %arg7[%swap3A_119, %swap3A_120] : memref<4096x512xi32, #tpu.memory_space<vmem>>, vector<512x512xi32>
                  tpu.vector_store %arg7[%swap3A_119, %swap3A_120], %select_n3A_118 {strides = array<i32>} : memref<4096x512xi32, #tpu.memory_space<vmem>>, vector<512x512xi32>,
                  %get3A_122 = arith.constant 0 : index
                  %get3A_123 = arith.constant 1536 : index
                  %get3A_124 = arith.constant 0 : index
                  %get3A_125 = vector.load %arg5[%get3A_122, %get3A_123, %get3A_124] : memref<1x4096x512xf32, #tpu.memory_space<vmem>>, vector<1x512x512xf32>
                  %get3A_126 = vector.shape_cast %get3A_125 : vector<1x512x512xf32> to vector<512x512xf32>
                  %bitcast_convert_type3A_127 = tpu.bitcast %get3A_126 : vector<512x512xf32> -> vector<512x512xi32>
                  %lt3A_128 = arith.constant 0 : i32
                  %lt3A_129 = vector.broadcast %lt3A_128 : i32 to vector<512x512xi32>
                  %lt3A_130 = arith.cmpi slt, %bitcast_convert_type3A_127, %lt3A_129 : vector<512x512xi32>
                  %xor3A_131 = arith.constant 2147483647 : i32
                  %xor3A_132 = vector.broadcast %xor3A_131 : i32 to vector<512x512xi32>
                  %xor3A_133 = arith.xori %bitcast_convert_type3A_127, %xor3A_132 : vector<512x512xi32>
                  %select_n3A_134 = arith.select %lt3A_130, %xor3A_133, %bitcast_convert_type3A_127 : vector<512x512xi1>, vector<512x512xi32>
                  %add3A_135 = arith.constant 1536 : i32
                  %add3A_136 = vector.broadcast %add3A_135 : i32 to vector<512x512xi32>
                  %add3A_137 = arith.addi %iota3A, %add3A_136 : vector<512x512xi32>
                  %lt3A_138 = vector.broadcast %get3A_0 : i32 to vector<512x512xi32>
                  %lt3A_139 = arith.cmpi slt, %add3A_137, %lt3A_138 : vector<512x512xi32>
                  %jit3A_140 = arith.constant 2147483647 : i32
                  %broadcast_in_dim3A_141 = vector.broadcast %jit3A_140 : i32 to vector<512x512xi32>
                  %select_n3A_142 = arith.select %lt3A_139, %select_n3A_134, %broadcast_in_dim3A_141 : vector<512x512xi1>, vector<512x512xi32>
                  %swap3A_143 = arith.constant 1536 : index
                  %swap3A_144 = arith.constant 0 : index
                  %swap3A_145 = vector.load %arg7[%swap3A_143, %swap3A_144] : memref<4096x512xi32, #tpu.memory_space<vmem>>, vector<512x512xi32>
                  tpu.vector_store %arg7[%swap3A_143, %swap3A_144], %select_n3A_142 {strides = array<i32>} : memref<4096x512xi32, #tpu.memory_space<vmem>>, vector<512x512xi32>,
                  %get3A_146 = arith.constant 0 : index
                  %get3A_147 = arith.constant 2048 : index
                  %get3A_148 = arith.constant 0 : index
                  %get3A_149 = vector.load %arg5[%get3A_146, %get3A_147, %get3A_148] : memref<1x4096x512xf32, #tpu.memory_space<vmem>>, vector<1x512x512xf32>
                  %get3A_150 = vector.shape_cast %get3A_149 : vector<1x512x512xf32> to vector<512x512xf32>
                  %bitcast_convert_type3A_151 = tpu.bitcast %get3A_150 : vector<512x512xf32> -> vector<512x512xi32>
                  %lt3A_152 = arith.constant 0 : i32
                  %lt3A_153 = vector.broadcast %lt3A_152 : i32 to vector<512x512xi32>
                  %lt3A_154 = arith.cmpi slt, %bitcast_convert_type3A_151, %lt3A_153 : vector<512x512xi32>
                  %xor3A_155 = arith.constant 2147483647 : i32
                  %xor3A_156 = vector.broadcast %xor3A_155 : i32 to vector<512x512xi32>
                  %xor3A_157 = arith.xori %bitcast_convert_type3A_151, %xor3A_156 : vector<512x512xi32>
                  %select_n3A_158 = arith.select %lt3A_154, %xor3A_157, %bitcast_convert_type3A_151 : vector<512x512xi1>, vector<512x512xi32>
                  %add3A_159 = arith.constant 2048 : i32
                  %add3A_160 = vector.broadcast %add3A_159 : i32 to vector<512x512xi32>
                  %add3A_161 = arith.addi %iota3A, %add3A_160 : vector<512x512xi32>
                  %lt3A_162 = vector.broadcast %get3A_0 : i32 to vector<512x512xi32>
                  %lt3A_163 = arith.cmpi slt, %add3A_161, %lt3A_162 : vector<512x512xi32>
                  %jit3A_164 = arith.constant 2147483647 : i32
                  %broadcast_in_dim3A_165 = vector.broadcast %jit3A_164 : i32 to vector<512x512xi32>
                  %select_n3A_166 = arith.select %lt3A_163, %select_n3A_158, %broadcast_in_dim3A_165 : vector<512x512xi1>, vector<512x512xi32>
                  %swap3A_167 = arith.constant 2048 : index
                  %swap3A_168 = arith.constant 0 : index
                  %swap3A_169 = vector.load %arg7[%swap3A_167, %swap3A_168] : memref<4096x512xi32, #tpu.memory_space<vmem>>, vector<512x512xi32>
                  tpu.vector_store %arg7[%swap3A_167, %swap3A_168], %select_n3A_166 {strides = array<i32>} : memref<4096x512xi32, #tpu.memory_space<vmem>>, vector<512x512xi32>,
                  %get3A_170 = arith.constant 0 : index
                  %get3A_171 = arith.constant 2560 : index
                  %get3A_172 = arith.constant 0 : index
                  %get3A_173 = vector.load %arg5[%get3A_170, %get3A_171, %get3A_172] : memref<1x4096x512xf32, #tpu.memory_space<vmem>>, vector<1x512x512xf32>
                  %get3A_174 = vector.shape_cast %get3A_173 : vector<1x512x512xf32> to vector<512x512xf32>
                  %bitcast_convert_type3A_175 = tpu.bitcast %get3A_174 : vector<512x512xf32> -> vector<512x512xi32>
                  %lt3A_176 = arith.constant 0 : i32
                  %lt3A_177 = vector.broadcast %lt3A_176 : i32 to vector<512x512xi32>
                  %lt3A_178 = arith.cmpi slt, %bitcast_convert_type3A_175, %lt3A_177 : vector<512x512xi32>
                  %xor3A_179 = arith.constant 2147483647 : i32
                  %xor3A_180 = vector.broadcast %xor3A_179 : i32 to vector<512x512xi32>
                  %xor3A_181 = arith.xori %bitcast_convert_type3A_175, %xor3A_180 : vector<512x512xi32>
                  %select_n3A_182 = arith.select %lt3A_178, %xor3A_181, %bitcast_convert_type3A_175 : vector<512x512xi1>, vector<512x512xi32>
                  %add3A_183 = arith.constant 2560 : i32
                  %add3A_184 = vector.broadcast %add3A_183 : i32 to vector<512x512xi32>
                  %add3A_185 = arith.addi %iota3A, %add3A_184 : vector<512x512xi32>
                  %lt3A_186 = vector.broadcast %get3A_0 : i32 to vector<512x512xi32>
                  %lt3A_187 = arith.cmpi slt, %add3A_185, %lt3A_186 : vector<512x512xi32>
                  %jit3A_188 = arith.constant 2147483647 : i32
                  %broadcast_in_dim3A_189 = vector.broadcast %jit3A_188 : i32 to vector<512x512xi32>
                  %select_n3A_190 = arith.select %lt3A_187, %select_n3A_182, %broadcast_in_dim3A_189 : vector<512x512xi1>, vector<512x512xi32>
                  %swap3A_191 = arith.constant 2560 : index
                  %swap3A_192 = arith.constant 0 : index
                  %swap3A_193 = vector.load %arg7[%swap3A_191, %swap3A_192] : memref<4096x512xi32, #tpu.memory_space<vmem>>, vector<512x512xi32>
                  tpu.vector_store %arg7[%swap3A_191, %swap3A_192], %select_n3A_190 {strides = array<i32>} : memref<4096x512xi32, #tpu.memory_space<vmem>>, vector<512x512xi32>,
                  %get3A_194 = arith.constant 0 : index
                  %get3A_195 = arith.constant 3072 : index
                  %get3A_196 = arith.constant 0 : index
                  %get3A_197 = vector.load %arg5[%get3A_194, %get3A_195, %get3A_196] : memref<1x4096x512xf32, #tpu.memory_space<vmem>>, vector<1x512x512xf32>
                  %get3A_198 = vector.shape_cast %get3A_197 : vector<1x512x512xf32> to vector<512x512xf32>
                  %bitcast_convert_type3A_199 = tpu.bitcast %get3A_198 : vector<512x512xf32> -> vector<512x512xi32>
                  %lt3A_200 = arith.constant 0 : i32
                  %lt3A_201 = vector.broadcast %lt3A_200 : i32 to vector<512x512xi32>
                  %lt3A_202 = arith.cmpi slt, %bitcast_convert_type3A_199, %lt3A_201 : vector<512x512xi32>
                  %xor3A_203 = arith.constant 2147483647 : i32
                  %xor3A_204 = vector.broadcast %xor3A_203 : i32 to vector<512x512xi32>
                  %xor3A_205 = arith.xori %bitcast_convert_type3A_199, %xor3A_204 : vector<512x512xi32>
                  %select_n3A_206 = arith.select %lt3A_202, %xor3A_205, %bitcast_convert_type3A_199 : vector<512x512xi1>, vector<512x512xi32>
                  %add3A_207 = arith.constant 3072 : i32
                  %add3A_208 = vector.broadcast %add3A_207 : i32 to vector<512x512xi32>
                  %add3A_209 = arith.addi %iota3A, %add3A_208 : vector<512x512xi32>
                  %lt3A_210 = vector.broadcast %get3A_0 : i32 to vector<512x512xi32>
                  %lt3A_211 = arith.cmpi slt, %add3A_209, %lt3A_210 : vector<512x512xi32>
                  %jit3A_212 = arith.constant 2147483647 : i32
                  %broadcast_in_dim3A_213 = vector.broadcast %jit3A_212 : i32 to vector<512x512xi32>
                  %select_n3A_214 = arith.select %lt3A_211, %select_n3A_206, %broadcast_in_dim3A_213 : vector<512x512xi1>, vector<512x512xi32>
                  %swap3A_215 = arith.constant 3072 : index
                  %swap3A_216 = arith.constant 0 : index
                  %swap3A_217 = vector.load %arg7[%swap3A_215, %swap3A_216] : memref<4096x512xi32, #tpu.memory_space<vmem>>, vector<512x512xi32>
                  tpu.vector_store %arg7[%swap3A_215, %swap3A_216], %select_n3A_214 {strides = array<i32>} : memref<4096x512xi32, #tpu.memory_space<vmem>>, vector<512x512xi32>,
                  %broadcast_in_dim3A_218 = arith.constant 0 : i32
                  %broadcast_in_dim3A_219 = vector.broadcast %broadcast_in_dim3A_218 : i32 to vector<1x512xi32>
                  %scan3A = arith.constant 0 : i32
                  %scan3A_220 = arith.constant 32 : i32
                  %scan3A_221 = arith.addi %scan3A, %scan3A_220 : i32
                  %scan3A_222 = arith.constant 1 : i32
                  %scan3A_223:2 = scf.for %scan3A_475 = %scan3A to %scan3A_221 step %scan3A_222 iter_args(%scan3A_476 = %broadcast_in_dim3A_219, %scan3A_477 = %broadcast_in_dim3A_219) -> (vector<1x512xi32>, vector<1x512xi32>)  : i32 {
                    %sub3A_478 = arith.constant 31 : i32
                    %sub3A_479 = arith.subi %sub3A_478, %scan3A_475 : i32
                    %shift_left3A = arith.constant 1 : i32
                    %shift_left3A_480 = arith.shli %shift_left3A, %sub3A_479 : i32
                    %or3A = vector.broadcast %shift_left3A_480 : i32 to vector<1x512xi32>
                    %or3A_481 = arith.ori %scan3A_476, %or3A : vector<1x512xi32>
                    %xor3A_482 = arith.constant -2147483648 : i32
                    %xor3A_483 = vector.broadcast %xor3A_482 : i32 to vector<1x512xi32>
                    %xor3A_484 = arith.xori %or3A_481, %xor3A_483 : vector<1x512xi32>
                    %or3A_485 = vector.broadcast %shift_left3A_480 : i32 to vector<1x512xi32>
                    %or3A_486 = arith.ori %scan3A_477, %or3A_485 : vector<1x512xi32>
                    %xor3A_487 = arith.constant -2147483648 : i32
                    %xor3A_488 = vector.broadcast %xor3A_487 : i32 to vector<1x512xi32>
                    %xor3A_489 = arith.xori %or3A_486, %xor3A_488 : vector<1x512xi32>
                    %broadcast_in_dim3A_490 = arith.constant 0.000000e+00 : f32
                    %broadcast_in_dim3A_491 = vector.broadcast %broadcast_in_dim3A_490 : f32 to vector<1x512xf32>
                    %get3A_492 = arith.constant 0 : index
                    %get3A_493 = arith.constant 0 : index
                    %get3A_494 = vector.load %arg7[%get3A_492, %get3A_493] : memref<4096x512xi32, #tpu.memory_space<vmem>>, vector<512x512xi32>
                    %lt3A_495 = vector.broadcast %xor3A_484 : vector<1x512xi32> to vector<512x512xi32>
                    %lt3A_496 = arith.cmpi slt, %get3A_494, %lt3A_495 : vector<512x512xi32>
                    %jit3A_497 = arith.constant 1.000000e+00 : f32
                    %jit3A_498 = arith.constant 0.000000e+00 : f32
                    %broadcast_in_dim3A_499 = vector.broadcast %jit3A_497 : f32 to vector<512x512xf32>
                    %broadcast_in_dim3A_500 = vector.broadcast %jit3A_498 : f32 to vector<512x512xf32>
                    %select_n3A_501 = arith.select %lt3A_496, %broadcast_in_dim3A_499, %broadcast_in_dim3A_500 : vector<512x512xi1>, vector<512x512xf32>
                    %dot_general3A = arith.constant dense<0.000000e+00> : vector<1x512xf32>
                    %dot_general3A_502 = tpu.matmul %broadcast_in_dim3A_22, %select_n3A_501, %dot_general3A {dimension_numbers = #tpu.dot_dimension_numbers<[1], [0], [0], [1], [0, 0, 1, 1], [], []>, transpose_lhs_hint = false} : vector<1x512xf32>, vector<512x512xf32>, vector<1x512xf32> -> vector<1x512xf32>
                    %add3A_503 = arith.addf %broadcast_in_dim3A_491, %dot_general3A_502 : vector<1x512xf32>
                    %lt3A_504 = vector.broadcast %xor3A_489 : vector<1x512xi32> to vector<512x512xi32>
                    %lt3A_505 = arith.cmpi slt, %get3A_494, %lt3A_504 : vector<512x512xi32>
                    %jit3A_506 = arith.constant 1.000000e+00 : f32
                    %jit3A_507 = arith.constant 0.000000e+00 : f32
                    %broadcast_in_dim3A_508 = vector.broadcast %jit3A_506 : f32 to vector<512x512xf32>
                    %broadcast_in_dim3A_509 = vector.broadcast %jit3A_507 : f32 to vector<512x512xf32>
                    %select_n3A_510 = arith.select %lt3A_505, %broadcast_in_dim3A_508, %broadcast_in_dim3A_509 : vector<512x512xi1>, vector<512x512xf32>
                    %dot_general3A_511 = arith.constant dense<0.000000e+00> : vector<1x512xf32>
                    %dot_general3A_512 = tpu.matmul %broadcast_in_dim3A_22, %select_n3A_510, %dot_general3A_511 {dimension_numbers = #tpu.dot_dimension_numbers<[1], [0], [0], [1], [0, 0, 1, 1], [], []>, transpose_lhs_hint = false} : vector<1x512xf32>, vector<512x512xf32>, vector<1x512xf32> -> vector<1x512xf32>
                    %add3A_513 = arith.addf %broadcast_in_dim3A_491, %dot_general3A_512 : vector<1x512xf32>
                    %get3A_514 = arith.constant 512 : index
                    %get3A_515 = arith.constant 0 : index
                    %get3A_516 = vector.load %arg7[%get3A_514, %get3A_515] : memref<4096x512xi32, #tpu.memory_space<vmem>>, vector<512x512xi32>
                    %lt3A_517 = vector.broadcast %xor3A_484 : vector<1x512xi32> to vector<512x512xi32>
                    %lt3A_518 = arith.cmpi slt, %get3A_516, %lt3A_517 : vector<512x512xi32>
                    %jit3A_519 = arith.constant 1.000000e+00 : f32
                    %jit3A_520 = arith.constant 0.000000e+00 : f32
                    %broadcast_in_dim3A_521 = vector.broadcast %jit3A_519 : f32 to vector<512x512xf32>
                    %broadcast_in_dim3A_522 = vector.broadcast %jit3A_520 : f32 to vector<512x512xf32>
                    %select_n3A_523 = arith.select %lt3A_518, %broadcast_in_dim3A_521, %broadcast_in_dim3A_522 : vector<512x512xi1>, vector<512x512xf32>
                    %dot_general3A_524 = arith.constant dense<0.000000e+00> : vector<1x512xf32>
                    %dot_general3A_525 = tpu.matmul %broadcast_in_dim3A_22, %select_n3A_523, %dot_general3A_524 {dimension_numbers = #tpu.dot_dimension_numbers<[1], [0], [0], [1], [0, 0, 1, 1], [], []>, transpose_lhs_hint = false} : vector<1x512xf32>, vector<512x512xf32>, vector<1x512xf32> -> vector<1x512xf32>
                    %add3A_526 = arith.addf %add3A_503, %dot_general3A_525 : vector<1x512xf32>
                    %lt3A_527 = vector.broadcast %xor3A_489 : vector<1x512xi32> to vector<512x512xi32>
                    %lt3A_528 = arith.cmpi slt, %get3A_516, %lt3A_527 : vector<512x512xi32>
                    %jit3A_529 = arith.constant 1.000000e+00 : f32
                    %jit3A_530 = arith.constant 0.000000e+00 : f32
                    %broadcast_in_dim3A_531 = vector.broadcast %jit3A_529 : f32 to vector<512x512xf32>
                    %broadcast_in_dim3A_532 = vector.broadcast %jit3A_530 : f32 to vector<512x512xf32>
                    %select_n3A_533 = arith.select %lt3A_528, %broadcast_in_dim3A_531, %broadcast_in_dim3A_532 : vector<512x512xi1>, vector<512x512xf32>
                    %dot_general3A_534 = arith.constant dense<0.000000e+00> : vector<1x512xf32>
                    %dot_general3A_535 = tpu.matmul %broadcast_in_dim3A_22, %select_n3A_533, %dot_general3A_534 {dimension_numbers = #tpu.dot_dimension_numbers<[1], [0], [0], [1], [0, 0, 1, 1], [], []>, transpose_lhs_hint = false} : vector<1x512xf32>, vector<512x512xf32>, vector<1x512xf32> -> vector<1x512xf32>
                    %add3A_536 = arith.addf %add3A_513, %dot_general3A_535 : vector<1x512xf32>
                    %get3A_537 = arith.constant 1024 : index
                    %get3A_538 = arith.constant 0 : index
                    %get3A_539 = vector.load %arg7[%get3A_537, %get3A_538] : memref<4096x512xi32, #tpu.memory_space<vmem>>, vector<512x512xi32>
                    %lt3A_540 = vector.broadcast %xor3A_484 : vector<1x512xi32> to vector<512x512xi32>
                    %lt3A_541 = arith.cmpi slt, %get3A_539, %lt3A_540 : vector<512x512xi32>
                    %jit3A_542 = arith.constant 1.000000e+00 : f32
                    %jit3A_543 = arith.constant 0.000000e+00 : f32
                    %broadcast_in_dim3A_544 = vector.broadcast %jit3A_542 : f32 to vector<512x512xf32>
                    %broadcast_in_dim3A_545 = vector.broadcast %jit3A_543 : f32 to vector<512x512xf32>
                    %select_n3A_546 = arith.select %lt3A_541, %broadcast_in_dim3A_544, %broadcast_in_dim3A_545 : vector<512x512xi1>, vector<512x512xf32>
                    %dot_general3A_547 = arith.constant dense<0.000000e+00> : vector<1x512xf32>
                    %dot_general3A_548 = tpu.matmul %broadcast_in_dim3A_22, %select_n3A_546, %dot_general3A_547 {dimension_numbers = #tpu.dot_dimension_numbers<[1], [0], [0], [1], [0, 0, 1, 1], [], []>, transpose_lhs_hint = false} : vector<1x512xf32>, vector<512x512xf32>, vector<1x512xf32> -> vector<1x512xf32>
                    %add3A_549 = arith.addf %add3A_526, %dot_general3A_548 : vector<1x512xf32>
                    %lt3A_550 = vector.broadcast %xor3A_489 : vector<1x512xi32> to vector<512x512xi32>
                    %lt3A_551 = arith.cmpi slt, %get3A_539, %lt3A_550 : vector<512x512xi32>
                    %jit3A_552 = arith.constant 1.000000e+00 : f32
                    %jit3A_553 = arith.constant 0.000000e+00 : f32
                    %broadcast_in_dim3A_554 = vector.broadcast %jit3A_552 : f32 to vector<512x512xf32>
                    %broadcast_in_dim3A_555 = vector.broadcast %jit3A_553 : f32 to vector<512x512xf32>
                    %select_n3A_556 = arith.select %lt3A_551, %broadcast_in_dim3A_554, %broadcast_in_dim3A_555 : vector<512x512xi1>, vector<512x512xf32>
                    %dot_general3A_557 = arith.constant dense<0.000000e+00> : vector<1x512xf32>
                    %dot_general3A_558 = tpu.matmul %broadcast_in_dim3A_22, %select_n3A_556, %dot_general3A_557 {dimension_numbers = #tpu.dot_dimension_numbers<[1], [0], [0], [1], [0, 0, 1, 1], [], []>, transpose_lhs_hint = false} : vector<1x512xf32>, vector<512x512xf32>, vector<1x512xf32> -> vector<1x512xf32>
                    %add3A_559 = arith.addf %add3A_536, %dot_general3A_558 : vector<1x512xf32>
                    %get3A_560 = arith.constant 1536 : index
                    %get3A_561 = arith.constant 0 : index
                    %get3A_562 = vector.load %arg7[%get3A_560, %get3A_561] : memref<4096x512xi32, #tpu.memory_space<vmem>>, vector<512x512xi32>
                    %lt3A_563 = vector.broadcast %xor3A_484 : vector<1x512xi32> to vector<512x512xi32>
                    %lt3A_564 = arith.cmpi slt, %get3A_562, %lt3A_563 : vector<512x512xi32>
                    %jit3A_565 = arith.constant 1.000000e+00 : f32
                    %jit3A_566 = arith.constant 0.000000e+00 : f32
                    %broadcast_in_dim3A_567 = vector.broadcast %jit3A_565 : f32 to vector<512x512xf32>
                    %broadcast_in_dim3A_568 = vector.broadcast %jit3A_566 : f32 to vector<512x512xf32>
                    %select_n3A_569 = arith.select %lt3A_564, %broadcast_in_dim3A_567, %broadcast_in_dim3A_568 : vector<512x512xi1>, vector<512x512xf32>
                    %dot_general3A_570 = arith.constant dense<0.000000e+00> : vector<1x512xf32>
                    %dot_general3A_571 = tpu.matmul %broadcast_in_dim3A_22, %select_n3A_569, %dot_general3A_570 {dimension_numbers = #tpu.dot_dimension_numbers<[1], [0], [0], [1], [0, 0, 1, 1], [], []>, transpose_lhs_hint = false} : vector<1x512xf32>, vector<512x512xf32>, vector<1x512xf32> -> vector<1x512xf32>
                    %add3A_572 = arith.addf %add3A_549, %dot_general3A_571 : vector<1x512xf32>
                    %lt3A_573 = vector.broadcast %xor3A_489 : vector<1x512xi32> to vector<512x512xi32>
                    %lt3A_574 = arith.cmpi slt, %get3A_562, %lt3A_573 : vector<512x512xi32>
                    %jit3A_575 = arith.constant 1.000000e+00 : f32
                    %jit3A_576 = arith.constant 0.000000e+00 : f32
                    %broadcast_in_dim3A_577 = vector.broadcast %jit3A_575 : f32 to vector<512x512xf32>
                    %broadcast_in_dim3A_578 = vector.broadcast %jit3A_576 : f32 to vector<512x512xf32>
                    %select_n3A_579 = arith.select %lt3A_574, %broadcast_in_dim3A_577, %broadcast_in_dim3A_578 : vector<512x512xi1>, vector<512x512xf32>
                    %dot_general3A_580 = arith.constant dense<0.000000e+00> : vector<1x512xf32>
                    %dot_general3A_581 = tpu.matmul %broadcast_in_dim3A_22, %select_n3A_579, %dot_general3A_580 {dimension_numbers = #tpu.dot_dimension_numbers<[1], [0], [0], [1], [0, 0, 1, 1], [], []>, transpose_lhs_hint = false} : vector<1x512xf32>, vector<512x512xf32>, vector<1x512xf32> -> vector<1x512xf32>
                    %add3A_582 = arith.addf %add3A_559, %dot_general3A_581 : vector<1x512xf32>
                    %get3A_583 = arith.constant 2048 : index
                    %get3A_584 = arith.constant 0 : index
                    %get3A_585 = vector.load %arg7[%get3A_583, %get3A_584] : memref<4096x512xi32, #tpu.memory_space<vmem>>, vector<512x512xi32>
                    %lt3A_586 = vector.broadcast %xor3A_484 : vector<1x512xi32> to vector<512x512xi32>
                    %lt3A_587 = arith.cmpi slt, %get3A_585, %lt3A_586 : vector<512x512xi32>
                    %jit3A_588 = arith.constant 1.000000e+00 : f32
                    %jit3A_589 = arith.constant 0.000000e+00 : f32
                    %broadcast_in_dim3A_590 = vector.broadcast %jit3A_588 : f32 to vector<512x512xf32>
                    %broadcast_in_dim3A_591 = vector.broadcast %jit3A_589 : f32 to vector<512x512xf32>
                    %select_n3A_592 = arith.select %lt3A_587, %broadcast_in_dim3A_590, %broadcast_in_dim3A_591 : vector<512x512xi1>, vector<512x512xf32>
                    %dot_general3A_593 = arith.constant dense<0.000000e+00> : vector<1x512xf32>
                    %dot_general3A_594 = tpu.matmul %broadcast_in_dim3A_22, %select_n3A_592, %dot_general3A_593 {dimension_numbers = #tpu.dot_dimension_numbers<[1], [0], [0], [1], [0, 0, 1, 1], [], []>, transpose_lhs_hint = false} : vector<1x512xf32>, vector<512x512xf32>, vector<1x512xf32> -> vector<1x512xf32>
                    %add3A_595 = arith.addf %add3A_572, %dot_general3A_594 : vector<1x512xf32>
                    %lt3A_596 = vector.broadcast %xor3A_489 : vector<1x512xi32> to vector<512x512xi32>
                    %lt3A_597 = arith.cmpi slt, %get3A_585, %lt3A_596 : vector<512x512xi32>
                    %jit3A_598 = arith.constant 1.000000e+00 : f32
                    %jit3A_599 = arith.constant 0.000000e+00 : f32
                    %broadcast_in_dim3A_600 = vector.broadcast %jit3A_598 : f32 to vector<512x512xf32>
                    %broadcast_in_dim3A_601 = vector.broadcast %jit3A_599 : f32 to vector<512x512xf32>
                    %select_n3A_602 = arith.select %lt3A_597, %broadcast_in_dim3A_600, %broadcast_in_dim3A_601 : vector<512x512xi1>, vector<512x512xf32>
                    %dot_general3A_603 = arith.constant dense<0.000000e+00> : vector<1x512xf32>
                    %dot_general3A_604 = tpu.matmul %broadcast_in_dim3A_22, %select_n3A_602, %dot_general3A_603 {dimension_numbers = #tpu.dot_dimension_numbers<[1], [0], [0], [1], [0, 0, 1, 1], [], []>, transpose_lhs_hint = false} : vector<1x512xf32>, vector<512x512xf32>, vector<1x512xf32> -> vector<1x512xf32>
                    %add3A_605 = arith.addf %add3A_582, %dot_general3A_604 : vector<1x512xf32>
                    %get3A_606 = arith.constant 2560 : index
                    %get3A_607 = arith.constant 0 : index
                    %get3A_608 = vector.load %arg7[%get3A_606, %get3A_607] : memref<4096x512xi32, #tpu.memory_space<vmem>>, vector<512x512xi32>
                    %lt3A_609 = vector.broadcast %xor3A_484 : vector<1x512xi32> to vector<512x512xi32>
                    %lt3A_610 = arith.cmpi slt, %get3A_608, %lt3A_609 : vector<512x512xi32>
                    %jit3A_611 = arith.constant 1.000000e+00 : f32
                    %jit3A_612 = arith.constant 0.000000e+00 : f32
                    %broadcast_in_dim3A_613 = vector.broadcast %jit3A_611 : f32 to vector<512x512xf32>
                    %broadcast_in_dim3A_614 = vector.broadcast %jit3A_612 : f32 to vector<512x512xf32>
                    %select_n3A_615 = arith.select %lt3A_610, %broadcast_in_dim3A_613, %broadcast_in_dim3A_614 : vector<512x512xi1>, vector<512x512xf32>
                    %dot_general3A_616 = arith.constant dense<0.000000e+00> : vector<1x512xf32>
                    %dot_general3A_617 = tpu.matmul %broadcast_in_dim3A_22, %select_n3A_615, %dot_general3A_616 {dimension_numbers = #tpu.dot_dimension_numbers<[1], [0], [0], [1], [0, 0, 1, 1], [], []>, transpose_lhs_hint = false} : vector<1x512xf32>, vector<512x512xf32>, vector<1x512xf32> -> vector<1x512xf32>
                    %add3A_618 = arith.addf %add3A_595, %dot_general3A_617 : vector<1x512xf32>
                    %lt3A_619 = vector.broadcast %xor3A_489 : vector<1x512xi32> to vector<512x512xi32>
                    %lt3A_620 = arith.cmpi slt, %get3A_608, %lt3A_619 : vector<512x512xi32>
                    %jit3A_621 = arith.constant 1.000000e+00 : f32
                    %jit3A_622 = arith.constant 0.000000e+00 : f32
                    %broadcast_in_dim3A_623 = vector.broadcast %jit3A_621 : f32 to vector<512x512xf32>
                    %broadcast_in_dim3A_624 = vector.broadcast %jit3A_622 : f32 to vector<512x512xf32>
                    %select_n3A_625 = arith.select %lt3A_620, %broadcast_in_dim3A_623, %broadcast_in_dim3A_624 : vector<512x512xi1>, vector<512x512xf32>
                    %dot_general3A_626 = arith.constant dense<0.000000e+00> : vector<1x512xf32>
                    %dot_general3A_627 = tpu.matmul %broadcast_in_dim3A_22, %select_n3A_625, %dot_general3A_626 {dimension_numbers = #tpu.dot_dimension_numbers<[1], [0], [0], [1], [0, 0, 1, 1], [], []>, transpose_lhs_hint = false} : vector<1x512xf32>, vector<512x512xf32>, vector<1x512xf32> -> vector<1x512xf32>
                    %add3A_628 = arith.addf %add3A_605, %dot_general3A_627 : vector<1x512xf32>
                    %get3A_629 = arith.constant 3072 : index
                    %get3A_630 = arith.constant 0 : index
                    %get3A_631 = vector.load %arg7[%get3A_629, %get3A_630] : memref<4096x512xi32, #tpu.memory_space<vmem>>, vector<512x512xi32>
                    %lt3A_632 = vector.broadcast %xor3A_484 : vector<1x512xi32> to vector<512x512xi32>
                    %lt3A_633 = arith.cmpi slt, %get3A_631, %lt3A_632 : vector<512x512xi32>
                    %jit3A_634 = arith.constant 1.000000e+00 : f32
                    %jit3A_635 = arith.constant 0.000000e+00 : f32
                    %broadcast_in_dim3A_636 = vector.broadcast %jit3A_634 : f32 to vector<512x512xf32>
                    %broadcast_in_dim3A_637 = vector.broadcast %jit3A_635 : f32 to vector<512x512xf32>
                    %select_n3A_638 = arith.select %lt3A_633, %broadcast_in_dim3A_636, %broadcast_in_dim3A_637 : vector<512x512xi1>, vector<512x512xf32>
                    %dot_general3A_639 = arith.constant dense<0.000000e+00> : vector<1x512xf32>
                    %dot_general3A_640 = tpu.matmul %broadcast_in_dim3A_22, %select_n3A_638, %dot_general3A_639 {dimension_numbers = #tpu.dot_dimension_numbers<[1], [0], [0], [1], [0, 0, 1, 1], [], []>, transpose_lhs_hint = false} : vector<1x512xf32>, vector<512x512xf32>, vector<1x512xf32> -> vector<1x512xf32>
                    %add3A_641 = arith.addf %add3A_618, %dot_general3A_640 : vector<1x512xf32>
                    %lt3A_642 = vector.broadcast %xor3A_489 : vector<1x512xi32> to vector<512x512xi32>
                    %lt3A_643 = arith.cmpi slt, %get3A_631, %lt3A_642 : vector<512x512xi32>
                    %jit3A_644 = arith.constant 1.000000e+00 : f32
                    %jit3A_645 = arith.constant 0.000000e+00 : f32
                    %broadcast_in_dim3A_646 = vector.broadcast %jit3A_644 : f32 to vector<512x512xf32>
                    %broadcast_in_dim3A_647 = vector.broadcast %jit3A_645 : f32 to vector<512x512xf32>
                    %select_n3A_648 = arith.select %lt3A_643, %broadcast_in_dim3A_646, %broadcast_in_dim3A_647 : vector<512x512xi1>, vector<512x512xf32>
                    %dot_general3A_649 = arith.constant dense<0.000000e+00> : vector<1x512xf32>
                    %dot_general3A_650 = tpu.matmul %broadcast_in_dim3A_22, %select_n3A_648, %dot_general3A_649 {dimension_numbers = #tpu.dot_dimension_numbers<[1], [0], [0], [1], [0, 0, 1, 1], [], []>, transpose_lhs_hint = false} : vector<1x512xf32>, vector<512x512xf32>, vector<1x512xf32> -> vector<1x512xf32>
                    %add3A_651 = arith.addf %add3A_628, %dot_general3A_650 : vector<1x512xf32>
                    %le3A_652 = vector.broadcast %convert_element_type3A : f32 to vector<1x512xf32>
                    %le3A_653 = arith.cmpf ole, %add3A_641, %le3A_652 : vector<1x512xf32>
                    %or3A_654 = vector.broadcast %shift_left3A_480 : i32 to vector<1x512xi32>
                    %or3A_655 = arith.ori %scan3A_476, %or3A_654 : vector<1x512xi32>
                    %select_n3A_656 = arith.select %le3A_653, %or3A_655, %scan3A_476 : vector<1x512xi1>, vector<1x512xi32>
                    %le3A_657 = vector.broadcast %convert_element_type3A_23 : f32 to vector<1x512xf32>
                    %le3A_658 = arith.cmpf ole, %add3A_651, %le3A_657 : vector<1x512xf32>
                    %or3A_659 = vector.broadcast %shift_left3A_480 : i32 to vector<1x512xi32>
                    %or3A_660 = arith.ori %scan3A_477, %or3A_659 : vector<1x512xi32>
                    %select_n3A_661 = arith.select %le3A_658, %or3A_660, %scan3A_477 : vector<1x512xi1>, vector<1x512xi32>
                    scf.yield %select_n3A_656, %select_n3A_661 : vector<1x512xi32>, vector<1x512xi32>
                  }
                  %scan3A_224 = arith.constant 32 : i32
                  %lt3A_225 = arith.constant 0 : i32
                  %lt3A_226 = vector.broadcast %lt3A_225 : i32 to vector<1x512xi32>
                  %lt3A_227 = arith.cmpi slt, %scan3A_223#0, %lt3A_226 : vector<1x512xi32>
                  %and3A_228 = arith.constant 2147483647 : i32
                  %and3A_229 = vector.broadcast %and3A_228 : i32 to vector<1x512xi32>
                  %and3A_230 = arith.andi %scan3A_223#0, %and3A_229 : vector<1x512xi32>
                  %not3A = arith.constant dense<-1> : vector<1x512xi32>
                  %not3A_231 = arith.xori %scan3A_223#0, %not3A : vector<1x512xi32>
                  %select_n3A_232 = arith.select %lt3A_227, %and3A_230, %not3A_231 : vector<1x512xi1>, vector<1x512xi32>
                  %lt3A_233 = arith.constant 0 : i32
                  %lt3A_234 = vector.broadcast %lt3A_233 : i32 to vector<1x512xi32>
                  %lt3A_235 = arith.cmpi slt, %scan3A_223#1, %lt3A_234 : vector<1x512xi32>
                  %and3A_236 = arith.constant 2147483647 : i32
                  %and3A_237 = vector.broadcast %and3A_236 : i32 to vector<1x512xi32>
                  %and3A_238 = arith.andi %scan3A_223#1, %and3A_237 : vector<1x512xi32>
                  %not3A_239 = arith.constant dense<-1> : vector<1x512xi32>
                  %not3A_240 = arith.xori %scan3A_223#1, %not3A_239 : vector<1x512xi32>
                  %select_n3A_241 = arith.select %lt3A_235, %and3A_238, %not3A_240 : vector<1x512xi1>, vector<1x512xi32>
                  %bitcast_convert_type3A_242 = tpu.bitcast %select_n3A_232 : vector<1x512xi32> -> vector<1x512xf32>
                  %bitcast_convert_type3A_243 = tpu.bitcast %select_n3A_241 : vector<1x512xi32> -> vector<1x512xf32>
                  %broadcast_in_dim3A_244 = arith.constant 0.000000e+00 : f32
                  %broadcast_in_dim3A_245 = vector.broadcast %broadcast_in_dim3A_244 : f32 to vector<1x512xf32>
                  %get3A_246 = arith.constant 0 : index
                  %get3A_247 = arith.constant 0 : index
                  %get3A_248 = arith.constant 0 : index
                  %get3A_249 = vector.load %arg5[%get3A_246, %get3A_247, %get3A_248] : memref<1x4096x512xf32, #tpu.memory_space<vmem>>, vector<1x512x512xf32>
                  %get3A_250 = vector.shape_cast %get3A_249 : vector<1x512x512xf32> to vector<512x512xf32>
                  %add3A_251 = arith.constant 0 : i32
                  %add3A_252 = vector.broadcast %add3A_251 : i32 to vector<512x512xi32>
                  %add3A_253 = arith.addi %iota3A, %add3A_252 : vector<512x512xi32>
                  %lt3A_254 = vector.broadcast %get3A_0 : i32 to vector<512x512xi32>
                  %lt3A_255 = arith.cmpi slt, %add3A_253, %lt3A_254 : vector<512x512xi32>
                  %ge3A = vector.broadcast %bitcast_convert_type3A_242 : vector<1x512xf32> to vector<512x512xf32>
                  %ge3A_256 = arith.cmpf oge, %get3A_250, %ge3A : vector<512x512xf32>
                  %and3A_257 = arith.andi %lt3A_255, %ge3A_256 : vector<512x512xi1>
                  %le3A = vector.broadcast %bitcast_convert_type3A_243 : vector<1x512xf32> to vector<512x512xf32>
                  %le3A_258 = arith.cmpf ole, %get3A_250, %le3A : vector<512x512xf32>
                  %and3A_259 = arith.andi %and3A_257, %le3A_258 : vector<512x512xi1>
                  %jit3A_260 = arith.constant 0.000000e+00 : f32
                  %broadcast_in_dim3A_261 = vector.broadcast %jit3A_260 : f32 to vector<512x512xf32>
                  %select_n3A_262 = arith.select %and3A_259, %get3A_250, %broadcast_in_dim3A_261 : vector<512x512xi1>, vector<512x512xf32>
                  %reduce_sum3A = arith.constant dense<0.000000e+00> : vector<512xf32>
                  %reduce_sum3A_263 = vector.multi_reduction <add>, %select_n3A_262, %reduce_sum3A [0] : vector<512x512xf32> to vector<512xf32>
                  %broadcast_in_dim3A_264 = vector.shape_cast %reduce_sum3A_263 : vector<512xf32> to vector<1x512xf32>
                  %add3A_265 = arith.addf %broadcast_in_dim3A_245, %broadcast_in_dim3A_264 : vector<1x512xf32>
                  %jit3A_266 = arith.constant 1.000000e+00 : f32
                  %jit3A_267 = arith.constant 0.000000e+00 : f32
                  %broadcast_in_dim3A_268 = vector.broadcast %jit3A_266 : f32 to vector<512x512xf32>
                  %broadcast_in_dim3A_269 = vector.broadcast %jit3A_267 : f32 to vector<512x512xf32>
                  %select_n3A_270 = arith.select %and3A_259, %broadcast_in_dim3A_268, %broadcast_in_dim3A_269 : vector<512x512xi1>, vector<512x512xf32>
                  %reduce_sum3A_271 = arith.constant dense<0.000000e+00> : vector<512xf32>
                  %reduce_sum3A_272 = vector.multi_reduction <add>, %select_n3A_270, %reduce_sum3A_271 [0] : vector<512x512xf32> to vector<512xf32>
                  %broadcast_in_dim3A_273 = vector.shape_cast %reduce_sum3A_272 : vector<512xf32> to vector<1x512xf32>
                  %add3A_274 = arith.addf %broadcast_in_dim3A_245, %broadcast_in_dim3A_273 : vector<1x512xf32>
                  %get3A_275 = arith.constant 0 : index
                  %get3A_276 = arith.constant 512 : index
                  %get3A_277 = arith.constant 0 : index
                  %get3A_278 = vector.load %arg5[%get3A_275, %get3A_276, %get3A_277] : memref<1x4096x512xf32, #tpu.memory_space<vmem>>, vector<1x512x512xf32>
                  %get3A_279 = vector.shape_cast %get3A_278 : vector<1x512x512xf32> to vector<512x512xf32>
                  %add3A_280 = arith.constant 512 : i32
                  %add3A_281 = vector.broadcast %add3A_280 : i32 to vector<512x512xi32>
                  %add3A_282 = arith.addi %iota3A, %add3A_281 : vector<512x512xi32>
                  %lt3A_283 = vector.broadcast %get3A_0 : i32 to vector<512x512xi32>
                  %lt3A_284 = arith.cmpi slt, %add3A_282, %lt3A_283 : vector<512x512xi32>
                  %ge3A_285 = vector.broadcast %bitcast_convert_type3A_242 : vector<1x512xf32> to vector<512x512xf32>
                  %ge3A_286 = arith.cmpf oge, %get3A_279, %ge3A_285 : vector<512x512xf32>
                  %and3A_287 = arith.andi %lt3A_284, %ge3A_286 : vector<512x512xi1>
                  %le3A_288 = vector.broadcast %bitcast_convert_type3A_243 : vector<1x512xf32> to vector<512x512xf32>
                  %le3A_289 = arith.cmpf ole, %get3A_279, %le3A_288 : vector<512x512xf32>
                  %and3A_290 = arith.andi %and3A_287, %le3A_289 : vector<512x512xi1>
                  %jit3A_291 = arith.constant 0.000000e+00 : f32
                  %broadcast_in_dim3A_292 = vector.broadcast %jit3A_291 : f32 to vector<512x512xf32>
                  %select_n3A_293 = arith.select %and3A_290, %get3A_279, %broadcast_in_dim3A_292 : vector<512x512xi1>, vector<512x512xf32>
                  %reduce_sum3A_294 = arith.constant dense<0.000000e+00> : vector<512xf32>
                  %reduce_sum3A_295 = vector.multi_reduction <add>, %select_n3A_293, %reduce_sum3A_294 [0] : vector<512x512xf32> to vector<512xf32>
                  %broadcast_in_dim3A_296 = vector.shape_cast %reduce_sum3A_295 : vector<512xf32> to vector<1x512xf32>
                  %add3A_297 = arith.addf %add3A_265, %broadcast_in_dim3A_296 : vector<1x512xf32>
                  %jit3A_298 = arith.constant 1.000000e+00 : f32
                  %jit3A_299 = arith.constant 0.000000e+00 : f32
                  %broadcast_in_dim3A_300 = vector.broadcast %jit3A_298 : f32 to vector<512x512xf32>
                  %broadcast_in_dim3A_301 = vector.broadcast %jit3A_299 : f32 to vector<512x512xf32>
                  %select_n3A_302 = arith.select %and3A_290, %broadcast_in_dim3A_300, %broadcast_in_dim3A_301 : vector<512x512xi1>, vector<512x512xf32>
                  %reduce_sum3A_303 = arith.constant dense<0.000000e+00> : vector<512xf32>
                  %reduce_sum3A_304 = vector.multi_reduction <add>, %select_n3A_302, %reduce_sum3A_303 [0] : vector<512x512xf32> to vector<512xf32>
                  %broadcast_in_dim3A_305 = vector.shape_cast %reduce_sum3A_304 : vector<512xf32> to vector<1x512xf32>
                  %add3A_306 = arith.addf %add3A_274, %broadcast_in_dim3A_305 : vector<1x512xf32>
                  %get3A_307 = arith.constant 0 : index
                  %get3A_308 = arith.constant 1024 : index
                  %get3A_309 = arith.constant 0 : index
                  %get3A_310 = vector.load %arg5[%get3A_307, %get3A_308, %get3A_309] : memref<1x4096x512xf32, #tpu.memory_space<vmem>>, vector<1x512x512xf32>
                  %get3A_311 = vector.shape_cast %get3A_310 : vector<1x512x512xf32> to vector<512x512xf32>
                  %add3A_312 = arith.constant 1024 : i32
                  %add3A_313 = vector.broadcast %add3A_312 : i32 to vector<512x512xi32>
                  %add3A_314 = arith.addi %iota3A, %add3A_313 : vector<512x512xi32>
                  %lt3A_315 = vector.broadcast %get3A_0 : i32 to vector<512x512xi32>
                  %lt3A_316 = arith.cmpi slt, %add3A_314, %lt3A_315 : vector<512x512xi32>
                  %ge3A_317 = vector.broadcast %bitcast_convert_type3A_242 : vector<1x512xf32> to vector<512x512xf32>
                  %ge3A_318 = arith.cmpf oge, %get3A_311, %ge3A_317 : vector<512x512xf32>
                  %and3A_319 = arith.andi %lt3A_316, %ge3A_318 : vector<512x512xi1>
                  %le3A_320 = vector.broadcast %bitcast_convert_type3A_243 : vector<1x512xf32> to vector<512x512xf32>
                  %le3A_321 = arith.cmpf ole, %get3A_311, %le3A_320 : vector<512x512xf32>
                  %and3A_322 = arith.andi %and3A_319, %le3A_321 : vector<512x512xi1>
                  %jit3A_323 = arith.constant 0.000000e+00 : f32
                  %broadcast_in_dim3A_324 = vector.broadcast %jit3A_323 : f32 to vector<512x512xf32>
                  %select_n3A_325 = arith.select %and3A_322, %get3A_311, %broadcast_in_dim3A_324 : vector<512x512xi1>, vector<512x512xf32>
                  %reduce_sum3A_326 = arith.constant dense<0.000000e+00> : vector<512xf32>
                  %reduce_sum3A_327 = vector.multi_reduction <add>, %select_n3A_325, %reduce_sum3A_326 [0] : vector<512x512xf32> to vector<512xf32>
                  %broadcast_in_dim3A_328 = vector.shape_cast %reduce_sum3A_327 : vector<512xf32> to vector<1x512xf32>
                  %add3A_329 = arith.addf %add3A_297, %broadcast_in_dim3A_328 : vector<1x512xf32>
                  %jit3A_330 = arith.constant 1.000000e+00 : f32
                  %jit3A_331 = arith.constant 0.000000e+00 : f32
                  %broadcast_in_dim3A_332 = vector.broadcast %jit3A_330 : f32 to vector<512x512xf32>
                  %broadcast_in_dim3A_333 = vector.broadcast %jit3A_331 : f32 to vector<512x512xf32>
                  %select_n3A_334 = arith.select %and3A_322, %broadcast_in_dim3A_332, %broadcast_in_dim3A_333 : vector<512x512xi1>, vector<512x512xf32>
                  %reduce_sum3A_335 = arith.constant dense<0.000000e+00> : vector<512xf32>
                  %reduce_sum3A_336 = vector.multi_reduction <add>, %select_n3A_334, %reduce_sum3A_335 [0] : vector<512x512xf32> to vector<512xf32>
                  %broadcast_in_dim3A_337 = vector.shape_cast %reduce_sum3A_336 : vector<512xf32> to vector<1x512xf32>
                  %add3A_338 = arith.addf %add3A_306, %broadcast_in_dim3A_337 : vector<1x512xf32>
                  %get3A_339 = arith.constant 0 : index
                  %get3A_340 = arith.constant 1536 : index
                  %get3A_341 = arith.constant 0 : index
                  %get3A_342 = vector.load %arg5[%get3A_339, %get3A_340, %get3A_341] : memref<1x4096x512xf32, #tpu.memory_space<vmem>>, vector<1x512x512xf32>
                  %get3A_343 = vector.shape_cast %get3A_342 : vector<1x512x512xf32> to vector<512x512xf32>
                  %add3A_344 = arith.constant 1536 : i32
                  %add3A_345 = vector.broadcast %add3A_344 : i32 to vector<512x512xi32>
                  %add3A_346 = arith.addi %iota3A, %add3A_345 : vector<512x512xi32>
                  %lt3A_347 = vector.broadcast %get3A_0 : i32 to vector<512x512xi32>
                  %lt3A_348 = arith.cmpi slt, %add3A_346, %lt3A_347 : vector<512x512xi32>
                  %ge3A_349 = vector.broadcast %bitcast_convert_type3A_242 : vector<1x512xf32> to vector<512x512xf32>
                  %ge3A_350 = arith.cmpf oge, %get3A_343, %ge3A_349 : vector<512x512xf32>
                  %and3A_351 = arith.andi %lt3A_348, %ge3A_350 : vector<512x512xi1>
                  %le3A_352 = vector.broadcast %bitcast_convert_type3A_243 : vector<1x512xf32> to vector<512x512xf32>
                  %le3A_353 = arith.cmpf ole, %get3A_343, %le3A_352 : vector<512x512xf32>
                  %and3A_354 = arith.andi %and3A_351, %le3A_353 : vector<512x512xi1>
                  %jit3A_355 = arith.constant 0.000000e+00 : f32
                  %broadcast_in_dim3A_356 = vector.broadcast %jit3A_355 : f32 to vector<512x512xf32>
                  %select_n3A_357 = arith.select %and3A_354, %get3A_343, %broadcast_in_dim3A_356 : vector<512x512xi1>, vector<512x512xf32>
                  %reduce_sum3A_358 = arith.constant dense<0.000000e+00> : vector<512xf32>
                  %reduce_sum3A_359 = vector.multi_reduction <add>, %select_n3A_357, %reduce_sum3A_358 [0] : vector<512x512xf32> to vector<512xf32>
                  %broadcast_in_dim3A_360 = vector.shape_cast %reduce_sum3A_359 : vector<512xf32> to vector<1x512xf32>
                  %add3A_361 = arith.addf %add3A_329, %broadcast_in_dim3A_360 : vector<1x512xf32>
                  %jit3A_362 = arith.constant 1.000000e+00 : f32
                  %jit3A_363 = arith.constant 0.000000e+00 : f32
                  %broadcast_in_dim3A_364 = vector.broadcast %jit3A_362 : f32 to vector<512x512xf32>
                  %broadcast_in_dim3A_365 = vector.broadcast %jit3A_363 : f32 to vector<512x512xf32>
                  %select_n3A_366 = arith.select %and3A_354, %broadcast_in_dim3A_364, %broadcast_in_dim3A_365 : vector<512x512xi1>, vector<512x512xf32>
                  %reduce_sum3A_367 = arith.constant dense<0.000000e+00> : vector<512xf32>
                  %reduce_sum3A_368 = vector.multi_reduction <add>, %select_n3A_366, %reduce_sum3A_367 [0] : vector<512x512xf32> to vector<512xf32>
                  %broadcast_in_dim3A_369 = vector.shape_cast %reduce_sum3A_368 : vector<512xf32> to vector<1x512xf32>
                  %add3A_370 = arith.addf %add3A_338, %broadcast_in_dim3A_369 : vector<1x512xf32>
                  %get3A_371 = arith.constant 0 : index
                  %get3A_372 = arith.constant 2048 : index
                  %get3A_373 = arith.constant 0 : index
                  %get3A_374 = vector.load %arg5[%get3A_371, %get3A_372, %get3A_373] : memref<1x4096x512xf32, #tpu.memory_space<vmem>>, vector<1x512x512xf32>
                  %get3A_375 = vector.shape_cast %get3A_374 : vector<1x512x512xf32> to vector<512x512xf32>
                  %add3A_376 = arith.constant 2048 : i32
                  %add3A_377 = vector.broadcast %add3A_376 : i32 to vector<512x512xi32>
                  %add3A_378 = arith.addi %iota3A, %add3A_377 : vector<512x512xi32>
                  %lt3A_379 = vector.broadcast %get3A_0 : i32 to vector<512x512xi32>
                  %lt3A_380 = arith.cmpi slt, %add3A_378, %lt3A_379 : vector<512x512xi32>
                  %ge3A_381 = vector.broadcast %bitcast_convert_type3A_242 : vector<1x512xf32> to vector<512x512xf32>
                  %ge3A_382 = arith.cmpf oge, %get3A_375, %ge3A_381 : vector<512x512xf32>
                  %and3A_383 = arith.andi %lt3A_380, %ge3A_382 : vector<512x512xi1>
                  %le3A_384 = vector.broadcast %bitcast_convert_type3A_243 : vector<1x512xf32> to vector<512x512xf32>
                  %le3A_385 = arith.cmpf ole, %get3A_375, %le3A_384 : vector<512x512xf32>
                  %and3A_386 = arith.andi %and3A_383, %le3A_385 : vector<512x512xi1>
                  %jit3A_387 = arith.constant 0.000000e+00 : f32
                  %broadcast_in_dim3A_388 = vector.broadcast %jit3A_387 : f32 to vector<512x512xf32>
                  %select_n3A_389 = arith.select %and3A_386, %get3A_375, %broadcast_in_dim3A_388 : vector<512x512xi1>, vector<512x512xf32>
                  %reduce_sum3A_390 = arith.constant dense<0.000000e+00> : vector<512xf32>
                  %reduce_sum3A_391 = vector.multi_reduction <add>, %select_n3A_389, %reduce_sum3A_390 [0] : vector<512x512xf32> to vector<512xf32>
                  %broadcast_in_dim3A_392 = vector.shape_cast %reduce_sum3A_391 : vector<512xf32> to vector<1x512xf32>
                  %add3A_393 = arith.addf %add3A_361, %broadcast_in_dim3A_392 : vector<1x512xf32>
                  %jit3A_394 = arith.constant 1.000000e+00 : f32
                  %jit3A_395 = arith.constant 0.000000e+00 : f32
                  %broadcast_in_dim3A_396 = vector.broadcast %jit3A_394 : f32 to vector<512x512xf32>
                  %broadcast_in_dim3A_397 = vector.broadcast %jit3A_395 : f32 to vector<512x512xf32>
                  %select_n3A_398 = arith.select %and3A_386, %broadcast_in_dim3A_396, %broadcast_in_dim3A_397 : vector<512x512xi1>, vector<512x512xf32>
                  %reduce_sum3A_399 = arith.constant dense<0.000000e+00> : vector<512xf32>
                  %reduce_sum3A_400 = vector.multi_reduction <add>, %select_n3A_398, %reduce_sum3A_399 [0] : vector<512x512xf32> to vector<512xf32>
                  %broadcast_in_dim3A_401 = vector.shape_cast %reduce_sum3A_400 : vector<512xf32> to vector<1x512xf32>
                  %add3A_402 = arith.addf %add3A_370, %broadcast_in_dim3A_401 : vector<1x512xf32>
                  %get3A_403 = arith.constant 0 : index
                  %get3A_404 = arith.constant 2560 : index
                  %get3A_405 = arith.constant 0 : index
                  %get3A_406 = vector.load %arg5[%get3A_403, %get3A_404, %get3A_405] : memref<1x4096x512xf32, #tpu.memory_space<vmem>>, vector<1x512x512xf32>
                  %get3A_407 = vector.shape_cast %get3A_406 : vector<1x512x512xf32> to vector<512x512xf32>
                  %add3A_408 = arith.constant 2560 : i32
                  %add3A_409 = vector.broadcast %add3A_408 : i32 to vector<512x512xi32>
                  %add3A_410 = arith.addi %iota3A, %add3A_409 : vector<512x512xi32>
                  %lt3A_411 = vector.broadcast %get3A_0 : i32 to vector<512x512xi32>
                  %lt3A_412 = arith.cmpi slt, %add3A_410, %lt3A_411 : vector<512x512xi32>
                  %ge3A_413 = vector.broadcast %bitcast_convert_type3A_242 : vector<1x512xf32> to vector<512x512xf32>
                  %ge3A_414 = arith.cmpf oge, %get3A_407, %ge3A_413 : vector<512x512xf32>
                  %and3A_415 = arith.andi %lt3A_412, %ge3A_414 : vector<512x512xi1>
                  %le3A_416 = vector.broadcast %bitcast_convert_type3A_243 : vector<1x512xf32> to vector<512x512xf32>
                  %le3A_417 = arith.cmpf ole, %get3A_407, %le3A_416 : vector<512x512xf32>
                  %and3A_418 = arith.andi %and3A_415, %le3A_417 : vector<512x512xi1>
                  %jit3A_419 = arith.constant 0.000000e+00 : f32
                  %broadcast_in_dim3A_420 = vector.broadcast %jit3A_419 : f32 to vector<512x512xf32>
                  %select_n3A_421 = arith.select %and3A_418, %get3A_407, %broadcast_in_dim3A_420 : vector<512x512xi1>, vector<512x512xf32>
                  %reduce_sum3A_422 = arith.constant dense<0.000000e+00> : vector<512xf32>
                  %reduce_sum3A_423 = vector.multi_reduction <add>, %select_n3A_421, %reduce_sum3A_422 [0] : vector<512x512xf32> to vector<512xf32>
                  %broadcast_in_dim3A_424 = vector.shape_cast %reduce_sum3A_423 : vector<512xf32> to vector<1x512xf32>
                  %add3A_425 = arith.addf %add3A_393, %broadcast_in_dim3A_424 : vector<1x512xf32>
                  %jit3A_426 = arith.constant 1.000000e+00 : f32
                  %jit3A_427 = arith.constant 0.000000e+00 : f32
                  %broadcast_in_dim3A_428 = vector.broadcast %jit3A_426 : f32 to vector<512x512xf32>
                  %broadcast_in_dim3A_429 = vector.broadcast %jit3A_427 : f32 to vector<512x512xf32>
                  %select_n3A_430 = arith.select %and3A_418, %broadcast_in_dim3A_428, %broadcast_in_dim3A_429 : vector<512x512xi1>, vector<512x512xf32>
                  %reduce_sum3A_431 = arith.constant dense<0.000000e+00> : vector<512xf32>
                  %reduce_sum3A_432 = vector.multi_reduction <add>, %select_n3A_430, %reduce_sum3A_431 [0] : vector<512x512xf32> to vector<512xf32>
                  %broadcast_in_dim3A_433 = vector.shape_cast %reduce_sum3A_432 : vector<512xf32> to vector<1x512xf32>
                  %add3A_434 = arith.addf %add3A_402, %broadcast_in_dim3A_433 : vector<1x512xf32>
                  %get3A_435 = arith.constant 0 : index
                  %get3A_436 = arith.constant 3072 : index
                  %get3A_437 = arith.constant 0 : index
                  %get3A_438 = vector.load %arg5[%get3A_435, %get3A_436, %get3A_437] : memref<1x4096x512xf32, #tpu.memory_space<vmem>>, vector<1x512x512xf32>
                  %get3A_439 = vector.shape_cast %get3A_438 : vector<1x512x512xf32> to vector<512x512xf32>
                  %add3A_440 = arith.constant 3072 : i32
                  %add3A_441 = vector.broadcast %add3A_440 : i32 to vector<512x512xi32>
                  %add3A_442 = arith.addi %iota3A, %add3A_441 : vector<512x512xi32>
                  %lt3A_443 = vector.broadcast %get3A_0 : i32 to vector<512x512xi32>
                  %lt3A_444 = arith.cmpi slt, %add3A_442, %lt3A_443 : vector<512x512xi32>
                  %ge3A_445 = vector.broadcast %bitcast_convert_type3A_242 : vector<1x512xf32> to vector<512x512xf32>
                  %ge3A_446 = arith.cmpf oge, %get3A_439, %ge3A_445 : vector<512x512xf32>
                  %and3A_447 = arith.andi %lt3A_444, %ge3A_446 : vector<512x512xi1>
                  %le3A_448 = vector.broadcast %bitcast_convert_type3A_243 : vector<1x512xf32> to vector<512x512xf32>
                  %le3A_449 = arith.cmpf ole, %get3A_439, %le3A_448 : vector<512x512xf32>
                  %and3A_450 = arith.andi %and3A_447, %le3A_449 : vector<512x512xi1>
                  %jit3A_451 = arith.constant 0.000000e+00 : f32
                  %broadcast_in_dim3A_452 = vector.broadcast %jit3A_451 : f32 to vector<512x512xf32>
                  %select_n3A_453 = arith.select %and3A_450, %get3A_439, %broadcast_in_dim3A_452 : vector<512x512xi1>, vector<512x512xf32>
                  %reduce_sum3A_454 = arith.constant dense<0.000000e+00> : vector<512xf32>
                  %reduce_sum3A_455 = vector.multi_reduction <add>, %select_n3A_453, %reduce_sum3A_454 [0] : vector<512x512xf32> to vector<512xf32>
                  %broadcast_in_dim3A_456 = vector.shape_cast %reduce_sum3A_455 : vector<512xf32> to vector<1x512xf32>
                  %add3A_457 = arith.addf %add3A_425, %broadcast_in_dim3A_456 : vector<1x512xf32>
                  %jit3A_458 = arith.constant 1.000000e+00 : f32
                  %jit3A_459 = arith.constant 0.000000e+00 : f32
                  %broadcast_in_dim3A_460 = vector.broadcast %jit3A_458 : f32 to vector<512x512xf32>
                  %broadcast_in_dim3A_461 = vector.broadcast %jit3A_459 : f32 to vector<512x512xf32>
                  %select_n3A_462 = arith.select %and3A_450, %broadcast_in_dim3A_460, %broadcast_in_dim3A_461 : vector<512x512xi1>, vector<512x512xf32>
                  %reduce_sum3A_463 = arith.constant dense<0.000000e+00> : vector<512xf32>
                  %reduce_sum3A_464 = vector.multi_reduction <add>, %select_n3A_462, %reduce_sum3A_463 [0] : vector<512x512xf32> to vector<512xf32>
                  %broadcast_in_dim3A_465 = vector.shape_cast %reduce_sum3A_464 : vector<512xf32> to vector<1x512xf32>
                  %add3A_466 = arith.addf %add3A_434, %broadcast_in_dim3A_465 : vector<1x512xf32>
                  %div3A_467 = arith.divf %add3A_457, %add3A_466 : vector<1x512xf32>
                  %squeeze3A = vector.shape_cast %div3A_467 : vector<1x512xf32> to vector<512xf32>
                  %swap3A_468 = arith.constant 0 : index
                  %swap3A_469 = arith.constant 0 : index
                  %swap3A_470 = arith.constant 0 : index
                  %swap3A_471 = arith.constant 0 : index
                  %swap3A_472 = vector.load %arg6[%swap3A_468, %swap3A_469, %swap3A_470, %swap3A_471] : memref<1x1x1x512xf32, #tpu.memory_space<vmem>>, vector<1x1x1x512xf32>
                  %swap3A_473 = vector.shape_cast %swap3A_472 : vector<1x1x1x512xf32> to vector<512xf32>
                  %swap3A_474 = vector.shape_cast %squeeze3A : vector<512xf32> to vector<1x1x1x512xf32>
                  tpu.vector_store %arg6[%swap3A_468, %swap3A_469, %swap3A_470, %swap3A_471], %swap3A_474 {strides = array<i32>} : memref<1x1x1x512xf32, #tpu.memory_space<vmem>>, vector<1x1x1x512xf32>,
                }
              } else {
                %get3A_50 = arith.constant 0 : index
                %get3A_51 = arith.constant 0 : index
                %get3A_52 = arith.constant 0 : index
                %get3A_53 = vector.load %arg5[%get3A_50, %get3A_51, %get3A_52] : memref<1x4096x512xf32, #tpu.memory_space<vmem>>, vector<1x512x512xf32>
                %get3A_54 = vector.shape_cast %get3A_53 : vector<1x512x512xf32> to vector<512x512xf32>
                %bitcast_convert_type3A = tpu.bitcast %get3A_54 : vector<512x512xf32> -> vector<512x512xi32>
                %lt3A = arith.constant 0 : i32
                %lt3A_55 = vector.broadcast %lt3A : i32 to vector<512x512xi32>
                %lt3A_56 = arith.cmpi slt, %bitcast_convert_type3A, %lt3A_55 : vector<512x512xi32>
                %xor3A = arith.constant 2147483647 : i32
                %xor3A_57 = vector.broadcast %xor3A : i32 to vector<512x512xi32>
                %xor3A_58 = arith.xori %bitcast_convert_type3A, %xor3A_57 : vector<512x512xi32>
                %select_n3A_59 = arith.select %lt3A_56, %xor3A_58, %bitcast_convert_type3A : vector<512x512xi1>, vector<512x512xi32>
                %add3A_60 = arith.constant 0 : i32
                %add3A_61 = vector.broadcast %add3A_60 : i32 to vector<512x512xi32>
                %add3A_62 = arith.addi %iota3A, %add3A_61 : vector<512x512xi32>
                %lt3A_63 = vector.broadcast %get3A_0 : i32 to vector<512x512xi32>
                %lt3A_64 = arith.cmpi slt, %add3A_62, %lt3A_63 : vector<512x512xi32>
                %jit3A_65 = arith.constant 2147483647 : i32
                %broadcast_in_dim3A_66 = vector.broadcast %jit3A_65 : i32 to vector<512x512xi32>
                %select_n3A_67 = arith.select %lt3A_64, %select_n3A_59, %broadcast_in_dim3A_66 : vector<512x512xi1>, vector<512x512xi32>
                %swap3A = arith.constant 0 : index
                %swap3A_68 = arith.constant 0 : index
                %swap3A_69 = vector.load %arg7[%swap3A, %swap3A_68] : memref<4096x512xi32, #tpu.memory_space<vmem>>, vector<512x512xi32>
                tpu.vector_store %arg7[%swap3A, %swap3A_68], %select_n3A_67 {strides = array<i32>} : memref<4096x512xi32, #tpu.memory_space<vmem>>, vector<512x512xi32>,
                %get3A_70 = arith.constant 0 : index
                %get3A_71 = arith.constant 512 : index
                %get3A_72 = arith.constant 0 : index
                %get3A_73 = vector.load %arg5[%get3A_70, %get3A_71, %get3A_72] : memref<1x4096x512xf32, #tpu.memory_space<vmem>>, vector<1x512x512xf32>
                %get3A_74 = vector.shape_cast %get3A_73 : vector<1x512x512xf32> to vector<512x512xf32>
                %bitcast_convert_type3A_75 = tpu.bitcast %get3A_74 : vector<512x512xf32> -> vector<512x512xi32>
                %lt3A_76 = arith.constant 0 : i32
                %lt3A_77 = vector.broadcast %lt3A_76 : i32 to vector<512x512xi32>
                %lt3A_78 = arith.cmpi slt, %bitcast_convert_type3A_75, %lt3A_77 : vector<512x512xi32>
                %xor3A_79 = arith.constant 2147483647 : i32
                %xor3A_80 = vector.broadcast %xor3A_79 : i32 to vector<512x512xi32>
                %xor3A_81 = arith.xori %bitcast_convert_type3A_75, %xor3A_80 : vector<512x512xi32>
                %select_n3A_82 = arith.select %lt3A_78, %xor3A_81, %bitcast_convert_type3A_75 : vector<512x512xi1>, vector<512x512xi32>
                %add3A_83 = arith.constant 512 : i32
                %add3A_84 = vector.broadcast %add3A_83 : i32 to vector<512x512xi32>
                %add3A_85 = arith.addi %iota3A, %add3A_84 : vector<512x512xi32>
                %lt3A_86 = vector.broadcast %get3A_0 : i32 to vector<512x512xi32>
                %lt3A_87 = arith.cmpi slt, %add3A_85, %lt3A_86 : vector<512x512xi32>
                %jit3A_88 = arith.constant 2147483647 : i32
                %broadcast_in_dim3A_89 = vector.broadcast %jit3A_88 : i32 to vector<512x512xi32>
                %select_n3A_90 = arith.select %lt3A_87, %select_n3A_82, %broadcast_in_dim3A_89 : vector<512x512xi1>, vector<512x512xi32>
                %swap3A_91 = arith.constant 512 : index
                %swap3A_92 = arith.constant 0 : index
                %swap3A_93 = vector.load %arg7[%swap3A_91, %swap3A_92] : memref<4096x512xi32, #tpu.memory_space<vmem>>, vector<512x512xi32>
                tpu.vector_store %arg7[%swap3A_91, %swap3A_92], %select_n3A_90 {strides = array<i32>} : memref<4096x512xi32, #tpu.memory_space<vmem>>, vector<512x512xi32>,
                %get3A_94 = arith.constant 0 : index
                %get3A_95 = arith.constant 1024 : index
                %get3A_96 = arith.constant 0 : index
                %get3A_97 = vector.load %arg5[%get3A_94, %get3A_95, %get3A_96] : memref<1x4096x512xf32, #tpu.memory_space<vmem>>, vector<1x512x512xf32>
                %get3A_98 = vector.shape_cast %get3A_97 : vector<1x512x512xf32> to vector<512x512xf32>
                %bitcast_convert_type3A_99 = tpu.bitcast %get3A_98 : vector<512x512xf32> -> vector<512x512xi32>
                %lt3A_100 = arith.constant 0 : i32
                %lt3A_101 = vector.broadcast %lt3A_100 : i32 to vector<512x512xi32>
                %lt3A_102 = arith.cmpi slt, %bitcast_convert_type3A_99, %lt3A_101 : vector<512x512xi32>
                %xor3A_103 = arith.constant 2147483647 : i32
                %xor3A_104 = vector.broadcast %xor3A_103 : i32 to vector<512x512xi32>
                %xor3A_105 = arith.xori %bitcast_convert_type3A_99, %xor3A_104 : vector<512x512xi32>
                %select_n3A_106 = arith.select %lt3A_102, %xor3A_105, %bitcast_convert_type3A_99 : vector<512x512xi1>, vector<512x512xi32>
                %add3A_107 = arith.constant 1024 : i32
                %add3A_108 = vector.broadcast %add3A_107 : i32 to vector<512x512xi32>
                %add3A_109 = arith.addi %iota3A, %add3A_108 : vector<512x512xi32>
                %lt3A_110 = vector.broadcast %get3A_0 : i32 to vector<512x512xi32>
                %lt3A_111 = arith.cmpi slt, %add3A_109, %lt3A_110 : vector<512x512xi32>
                %jit3A_112 = arith.constant 2147483647 : i32
                %broadcast_in_dim3A_113 = vector.broadcast %jit3A_112 : i32 to vector<512x512xi32>
                %select_n3A_114 = arith.select %lt3A_111, %select_n3A_106, %broadcast_in_dim3A_113 : vector<512x512xi1>, vector<512x512xi32>
                %swap3A_115 = arith.constant 1024 : index
                %swap3A_116 = arith.constant 0 : index
                %swap3A_117 = vector.load %arg7[%swap3A_115, %swap3A_116] : memref<4096x512xi32, #tpu.memory_space<vmem>>, vector<512x512xi32>
                tpu.vector_store %arg7[%swap3A_115, %swap3A_116], %select_n3A_114 {strides = array<i32>} : memref<4096x512xi32, #tpu.memory_space<vmem>>, vector<512x512xi32>,
                %get3A_118 = arith.constant 0 : index
                %get3A_119 = arith.constant 1536 : index
                %get3A_120 = arith.constant 0 : index
                %get3A_121 = vector.load %arg5[%get3A_118, %get3A_119, %get3A_120] : memref<1x4096x512xf32, #tpu.memory_space<vmem>>, vector<1x512x512xf32>
                %get3A_122 = vector.shape_cast %get3A_121 : vector<1x512x512xf32> to vector<512x512xf32>
                %bitcast_convert_type3A_123 = tpu.bitcast %get3A_122 : vector<512x512xf32> -> vector<512x512xi32>
                %lt3A_124 = arith.constant 0 : i32
                %lt3A_125 = vector.broadcast %lt3A_124 : i32 to vector<512x512xi32>
                %lt3A_126 = arith.cmpi slt, %bitcast_convert_type3A_123, %lt3A_125 : vector<512x512xi32>
                %xor3A_127 = arith.constant 2147483647 : i32
                %xor3A_128 = vector.broadcast %xor3A_127 : i32 to vector<512x512xi32>
                %xor3A_129 = arith.xori %bitcast_convert_type3A_123, %xor3A_128 : vector<512x512xi32>
                %select_n3A_130 = arith.select %lt3A_126, %xor3A_129, %bitcast_convert_type3A_123 : vector<512x512xi1>, vector<512x512xi32>
                %add3A_131 = arith.constant 1536 : i32
                %add3A_132 = vector.broadcast %add3A_131 : i32 to vector<512x512xi32>
                %add3A_133 = arith.addi %iota3A, %add3A_132 : vector<512x512xi32>
                %lt3A_134 = vector.broadcast %get3A_0 : i32 to vector<512x512xi32>
                %lt3A_135 = arith.cmpi slt, %add3A_133, %lt3A_134 : vector<512x512xi32>
                %jit3A_136 = arith.constant 2147483647 : i32
                %broadcast_in_dim3A_137 = vector.broadcast %jit3A_136 : i32 to vector<512x512xi32>
                %select_n3A_138 = arith.select %lt3A_135, %select_n3A_130, %broadcast_in_dim3A_137 : vector<512x512xi1>, vector<512x512xi32>
                %swap3A_139 = arith.constant 1536 : index
                %swap3A_140 = arith.constant 0 : index
                %swap3A_141 = vector.load %arg7[%swap3A_139, %swap3A_140] : memref<4096x512xi32, #tpu.memory_space<vmem>>, vector<512x512xi32>
                tpu.vector_store %arg7[%swap3A_139, %swap3A_140], %select_n3A_138 {strides = array<i32>} : memref<4096x512xi32, #tpu.memory_space<vmem>>, vector<512x512xi32>,
                %get3A_142 = arith.constant 0 : index
                %get3A_143 = arith.constant 2048 : index
                %get3A_144 = arith.constant 0 : index
                %get3A_145 = vector.load %arg5[%get3A_142, %get3A_143, %get3A_144] : memref<1x4096x512xf32, #tpu.memory_space<vmem>>, vector<1x512x512xf32>
                %get3A_146 = vector.shape_cast %get3A_145 : vector<1x512x512xf32> to vector<512x512xf32>
                %bitcast_convert_type3A_147 = tpu.bitcast %get3A_146 : vector<512x512xf32> -> vector<512x512xi32>
                %lt3A_148 = arith.constant 0 : i32
                %lt3A_149 = vector.broadcast %lt3A_148 : i32 to vector<512x512xi32>
                %lt3A_150 = arith.cmpi slt, %bitcast_convert_type3A_147, %lt3A_149 : vector<512x512xi32>
                %xor3A_151 = arith.constant 2147483647 : i32
                %xor3A_152 = vector.broadcast %xor3A_151 : i32 to vector<512x512xi32>
                %xor3A_153 = arith.xori %bitcast_convert_type3A_147, %xor3A_152 : vector<512x512xi32>
                %select_n3A_154 = arith.select %lt3A_150, %xor3A_153, %bitcast_convert_type3A_147 : vector<512x512xi1>, vector<512x512xi32>
                %add3A_155 = arith.constant 2048 : i32
                %add3A_156 = vector.broadcast %add3A_155 : i32 to vector<512x512xi32>
                %add3A_157 = arith.addi %iota3A, %add3A_156 : vector<512x512xi32>
                %lt3A_158 = vector.broadcast %get3A_0 : i32 to vector<512x512xi32>
                %lt3A_159 = arith.cmpi slt, %add3A_157, %lt3A_158 : vector<512x512xi32>
                %jit3A_160 = arith.constant 2147483647 : i32
                %broadcast_in_dim3A_161 = vector.broadcast %jit3A_160 : i32 to vector<512x512xi32>
                %select_n3A_162 = arith.select %lt3A_159, %select_n3A_154, %broadcast_in_dim3A_161 : vector<512x512xi1>, vector<512x512xi32>
                %swap3A_163 = arith.constant 2048 : index
                %swap3A_164 = arith.constant 0 : index
                %swap3A_165 = vector.load %arg7[%swap3A_163, %swap3A_164] : memref<4096x512xi32, #tpu.memory_space<vmem>>, vector<512x512xi32>
                tpu.vector_store %arg7[%swap3A_163, %swap3A_164], %select_n3A_162 {strides = array<i32>} : memref<4096x512xi32, #tpu.memory_space<vmem>>, vector<512x512xi32>,
                %get3A_166 = arith.constant 0 : index
                %get3A_167 = arith.constant 2560 : index
                %get3A_168 = arith.constant 0 : index
                %get3A_169 = vector.load %arg5[%get3A_166, %get3A_167, %get3A_168] : memref<1x4096x512xf32, #tpu.memory_space<vmem>>, vector<1x512x512xf32>
                %get3A_170 = vector.shape_cast %get3A_169 : vector<1x512x512xf32> to vector<512x512xf32>
                %bitcast_convert_type3A_171 = tpu.bitcast %get3A_170 : vector<512x512xf32> -> vector<512x512xi32>
                %lt3A_172 = arith.constant 0 : i32
                %lt3A_173 = vector.broadcast %lt3A_172 : i32 to vector<512x512xi32>
                %lt3A_174 = arith.cmpi slt, %bitcast_convert_type3A_171, %lt3A_173 : vector<512x512xi32>
                %xor3A_175 = arith.constant 2147483647 : i32
                %xor3A_176 = vector.broadcast %xor3A_175 : i32 to vector<512x512xi32>
                %xor3A_177 = arith.xori %bitcast_convert_type3A_171, %xor3A_176 : vector<512x512xi32>
                %select_n3A_178 = arith.select %lt3A_174, %xor3A_177, %bitcast_convert_type3A_171 : vector<512x512xi1>, vector<512x512xi32>
                %add3A_179 = arith.constant 2560 : i32
                %add3A_180 = vector.broadcast %add3A_179 : i32 to vector<512x512xi32>
                %add3A_181 = arith.addi %iota3A, %add3A_180 : vector<512x512xi32>
                %lt3A_182 = vector.broadcast %get3A_0 : i32 to vector<512x512xi32>
                %lt3A_183 = arith.cmpi slt, %add3A_181, %lt3A_182 : vector<512x512xi32>
                %jit3A_184 = arith.constant 2147483647 : i32
                %broadcast_in_dim3A_185 = vector.broadcast %jit3A_184 : i32 to vector<512x512xi32>
                %select_n3A_186 = arith.select %lt3A_183, %select_n3A_178, %broadcast_in_dim3A_185 : vector<512x512xi1>, vector<512x512xi32>
                %swap3A_187 = arith.constant 2560 : index
                %swap3A_188 = arith.constant 0 : index
                %swap3A_189 = vector.load %arg7[%swap3A_187, %swap3A_188] : memref<4096x512xi32, #tpu.memory_space<vmem>>, vector<512x512xi32>
                tpu.vector_store %arg7[%swap3A_187, %swap3A_188], %select_n3A_186 {strides = array<i32>} : memref<4096x512xi32, #tpu.memory_space<vmem>>, vector<512x512xi32>,
                %broadcast_in_dim3A_190 = arith.constant 0 : i32
                %broadcast_in_dim3A_191 = vector.broadcast %broadcast_in_dim3A_190 : i32 to vector<1x512xi32>
                %scan3A = arith.constant 0 : i32
                %scan3A_192 = arith.constant 32 : i32
                %scan3A_193 = arith.addi %scan3A, %scan3A_192 : i32
                %scan3A_194 = arith.constant 1 : i32
                %scan3A_195:2 = scf.for %scan3A_415 = %scan3A to %scan3A_193 step %scan3A_194 iter_args(%scan3A_416 = %broadcast_in_dim3A_191, %scan3A_417 = %broadcast_in_dim3A_191) -> (vector<1x512xi32>, vector<1x512xi32>)  : i32 {
                  %sub3A_418 = arith.constant 31 : i32
                  %sub3A_419 = arith.subi %sub3A_418, %scan3A_415 : i32
                  %shift_left3A = arith.constant 1 : i32
                  %shift_left3A_420 = arith.shli %shift_left3A, %sub3A_419 : i32
                  %or3A = vector.broadcast %shift_left3A_420 : i32 to vector<1x512xi32>
                  %or3A_421 = arith.ori %scan3A_416, %or3A : vector<1x512xi32>
                  %xor3A_422 = arith.constant -2147483648 : i32
                  %xor3A_423 = vector.broadcast %xor3A_422 : i32 to vector<1x512xi32>
                  %xor3A_424 = arith.xori %or3A_421, %xor3A_423 : vector<1x512xi32>
                  %or3A_425 = vector.broadcast %shift_left3A_420 : i32 to vector<1x512xi32>
                  %or3A_426 = arith.ori %scan3A_417, %or3A_425 : vector<1x512xi32>
                  %xor3A_427 = arith.constant -2147483648 : i32
                  %xor3A_428 = vector.broadcast %xor3A_427 : i32 to vector<1x512xi32>
                  %xor3A_429 = arith.xori %or3A_426, %xor3A_428 : vector<1x512xi32>
                  %broadcast_in_dim3A_430 = arith.constant 0.000000e+00 : f32
                  %broadcast_in_dim3A_431 = vector.broadcast %broadcast_in_dim3A_430 : f32 to vector<1x512xf32>
                  %get3A_432 = arith.constant 0 : index
                  %get3A_433 = arith.constant 0 : index
                  %get3A_434 = vector.load %arg7[%get3A_432, %get3A_433] : memref<4096x512xi32, #tpu.memory_space<vmem>>, vector<512x512xi32>
                  %lt3A_435 = vector.broadcast %xor3A_424 : vector<1x512xi32> to vector<512x512xi32>
                  %lt3A_436 = arith.cmpi slt, %get3A_434, %lt3A_435 : vector<512x512xi32>
                  %jit3A_437 = arith.constant 1.000000e+00 : f32
                  %jit3A_438 = arith.constant 0.000000e+00 : f32
                  %broadcast_in_dim3A_439 = vector.broadcast %jit3A_437 : f32 to vector<512x512xf32>
                  %broadcast_in_dim3A_440 = vector.broadcast %jit3A_438 : f32 to vector<512x512xf32>
                  %select_n3A_441 = arith.select %lt3A_436, %broadcast_in_dim3A_439, %broadcast_in_dim3A_440 : vector<512x512xi1>, vector<512x512xf32>
                  %dot_general3A = arith.constant dense<0.000000e+00> : vector<1x512xf32>
                  %dot_general3A_442 = tpu.matmul %broadcast_in_dim3A_22, %select_n3A_441, %dot_general3A {dimension_numbers = #tpu.dot_dimension_numbers<[1], [0], [0], [1], [0, 0, 1, 1], [], []>, transpose_lhs_hint = false} : vector<1x512xf32>, vector<512x512xf32>, vector<1x512xf32> -> vector<1x512xf32>
                  %add3A_443 = arith.addf %broadcast_in_dim3A_431, %dot_general3A_442 : vector<1x512xf32>
                  %lt3A_444 = vector.broadcast %xor3A_429 : vector<1x512xi32> to vector<512x512xi32>
                  %lt3A_445 = arith.cmpi slt, %get3A_434, %lt3A_444 : vector<512x512xi32>
                  %jit3A_446 = arith.constant 1.000000e+00 : f32
                  %jit3A_447 = arith.constant 0.000000e+00 : f32
                  %broadcast_in_dim3A_448 = vector.broadcast %jit3A_446 : f32 to vector<512x512xf32>
                  %broadcast_in_dim3A_449 = vector.broadcast %jit3A_447 : f32 to vector<512x512xf32>
                  %select_n3A_450 = arith.select %lt3A_445, %broadcast_in_dim3A_448, %broadcast_in_dim3A_449 : vector<512x512xi1>, vector<512x512xf32>
                  %dot_general3A_451 = arith.constant dense<0.000000e+00> : vector<1x512xf32>
                  %dot_general3A_452 = tpu.matmul %broadcast_in_dim3A_22, %select_n3A_450, %dot_general3A_451 {dimension_numbers = #tpu.dot_dimension_numbers<[1], [0], [0], [1], [0, 0, 1, 1], [], []>, transpose_lhs_hint = false} : vector<1x512xf32>, vector<512x512xf32>, vector<1x512xf32> -> vector<1x512xf32>
                  %add3A_453 = arith.addf %broadcast_in_dim3A_431, %dot_general3A_452 : vector<1x512xf32>
                  %get3A_454 = arith.constant 512 : index
                  %get3A_455 = arith.constant 0 : index
                  %get3A_456 = vector.load %arg7[%get3A_454, %get3A_455] : memref<4096x512xi32, #tpu.memory_space<vmem>>, vector<512x512xi32>
                  %lt3A_457 = vector.broadcast %xor3A_424 : vector<1x512xi32> to vector<512x512xi32>
                  %lt3A_458 = arith.cmpi slt, %get3A_456, %lt3A_457 : vector<512x512xi32>
                  %jit3A_459 = arith.constant 1.000000e+00 : f32
                  %jit3A_460 = arith.constant 0.000000e+00 : f32
                  %broadcast_in_dim3A_461 = vector.broadcast %jit3A_459 : f32 to vector<512x512xf32>
                  %broadcast_in_dim3A_462 = vector.broadcast %jit3A_460 : f32 to vector<512x512xf32>
                  %select_n3A_463 = arith.select %lt3A_458, %broadcast_in_dim3A_461, %broadcast_in_dim3A_462 : vector<512x512xi1>, vector<512x512xf32>
                  %dot_general3A_464 = arith.constant dense<0.000000e+00> : vector<1x512xf32>
                  %dot_general3A_465 = tpu.matmul %broadcast_in_dim3A_22, %select_n3A_463, %dot_general3A_464 {dimension_numbers = #tpu.dot_dimension_numbers<[1], [0], [0], [1], [0, 0, 1, 1], [], []>, transpose_lhs_hint = false} : vector<1x512xf32>, vector<512x512xf32>, vector<1x512xf32> -> vector<1x512xf32>
                  %add3A_466 = arith.addf %add3A_443, %dot_general3A_465 : vector<1x512xf32>
                  %lt3A_467 = vector.broadcast %xor3A_429 : vector<1x512xi32> to vector<512x512xi32>
                  %lt3A_468 = arith.cmpi slt, %get3A_456, %lt3A_467 : vector<512x512xi32>
                  %jit3A_469 = arith.constant 1.000000e+00 : f32
                  %jit3A_470 = arith.constant 0.000000e+00 : f32
                  %broadcast_in_dim3A_471 = vector.broadcast %jit3A_469 : f32 to vector<512x512xf32>
                  %broadcast_in_dim3A_472 = vector.broadcast %jit3A_470 : f32 to vector<512x512xf32>
                  %select_n3A_473 = arith.select %lt3A_468, %broadcast_in_dim3A_471, %broadcast_in_dim3A_472 : vector<512x512xi1>, vector<512x512xf32>
                  %dot_general3A_474 = arith.constant dense<0.000000e+00> : vector<1x512xf32>
                  %dot_general3A_475 = tpu.matmul %broadcast_in_dim3A_22, %select_n3A_473, %dot_general3A_474 {dimension_numbers = #tpu.dot_dimension_numbers<[1], [0], [0], [1], [0, 0, 1, 1], [], []>, transpose_lhs_hint = false} : vector<1x512xf32>, vector<512x512xf32>, vector<1x512xf32> -> vector<1x512xf32>
                  %add3A_476 = arith.addf %add3A_453, %dot_general3A_475 : vector<1x512xf32>
                  %get3A_477 = arith.constant 1024 : index
                  %get3A_478 = arith.constant 0 : index
                  %get3A_479 = vector.load %arg7[%get3A_477, %get3A_478] : memref<4096x512xi32, #tpu.memory_space<vmem>>, vector<512x512xi32>
                  %lt3A_480 = vector.broadcast %xor3A_424 : vector<1x512xi32> to vector<512x512xi32>
                  %lt3A_481 = arith.cmpi slt, %get3A_479, %lt3A_480 : vector<512x512xi32>
                  %jit3A_482 = arith.constant 1.000000e+00 : f32
                  %jit3A_483 = arith.constant 0.000000e+00 : f32
                  %broadcast_in_dim3A_484 = vector.broadcast %jit3A_482 : f32 to vector<512x512xf32>
                  %broadcast_in_dim3A_485 = vector.broadcast %jit3A_483 : f32 to vector<512x512xf32>
                  %select_n3A_486 = arith.select %lt3A_481, %broadcast_in_dim3A_484, %broadcast_in_dim3A_485 : vector<512x512xi1>, vector<512x512xf32>
                  %dot_general3A_487 = arith.constant dense<0.000000e+00> : vector<1x512xf32>
                  %dot_general3A_488 = tpu.matmul %broadcast_in_dim3A_22, %select_n3A_486, %dot_general3A_487 {dimension_numbers = #tpu.dot_dimension_numbers<[1], [0], [0], [1], [0, 0, 1, 1], [], []>, transpose_lhs_hint = false} : vector<1x512xf32>, vector<512x512xf32>, vector<1x512xf32> -> vector<1x512xf32>
                  %add3A_489 = arith.addf %add3A_466, %dot_general3A_488 : vector<1x512xf32>
                  %lt3A_490 = vector.broadcast %xor3A_429 : vector<1x512xi32> to vector<512x512xi32>
                  %lt3A_491 = arith.cmpi slt, %get3A_479, %lt3A_490 : vector<512x512xi32>
                  %jit3A_492 = arith.constant 1.000000e+00 : f32
                  %jit3A_493 = arith.constant 0.000000e+00 : f32
                  %broadcast_in_dim3A_494 = vector.broadcast %jit3A_492 : f32 to vector<512x512xf32>
                  %broadcast_in_dim3A_495 = vector.broadcast %jit3A_493 : f32 to vector<512x512xf32>
                  %select_n3A_496 = arith.select %lt3A_491, %broadcast_in_dim3A_494, %broadcast_in_dim3A_495 : vector<512x512xi1>, vector<512x512xf32>
                  %dot_general3A_497 = arith.constant dense<0.000000e+00> : vector<1x512xf32>
                  %dot_general3A_498 = tpu.matmul %broadcast_in_dim3A_22, %select_n3A_496, %dot_general3A_497 {dimension_numbers = #tpu.dot_dimension_numbers<[1], [0], [0], [1], [0, 0, 1, 1], [], []>, transpose_lhs_hint = false} : vector<1x512xf32>, vector<512x512xf32>, vector<1x512xf32> -> vector<1x512xf32>
                  %add3A_499 = arith.addf %add3A_476, %dot_general3A_498 : vector<1x512xf32>
                  %get3A_500 = arith.constant 1536 : index
                  %get3A_501 = arith.constant 0 : index
                  %get3A_502 = vector.load %arg7[%get3A_500, %get3A_501] : memref<4096x512xi32, #tpu.memory_space<vmem>>, vector<512x512xi32>
                  %lt3A_503 = vector.broadcast %xor3A_424 : vector<1x512xi32> to vector<512x512xi32>
                  %lt3A_504 = arith.cmpi slt, %get3A_502, %lt3A_503 : vector<512x512xi32>
                  %jit3A_505 = arith.constant 1.000000e+00 : f32
                  %jit3A_506 = arith.constant 0.000000e+00 : f32
                  %broadcast_in_dim3A_507 = vector.broadcast %jit3A_505 : f32 to vector<512x512xf32>
                  %broadcast_in_dim3A_508 = vector.broadcast %jit3A_506 : f32 to vector<512x512xf32>
                  %select_n3A_509 = arith.select %lt3A_504, %broadcast_in_dim3A_507, %broadcast_in_dim3A_508 : vector<512x512xi1>, vector<512x512xf32>
                  %dot_general3A_510 = arith.constant dense<0.000000e+00> : vector<1x512xf32>
                  %dot_general3A_511 = tpu.matmul %broadcast_in_dim3A_22, %select_n3A_509, %dot_general3A_510 {dimension_numbers = #tpu.dot_dimension_numbers<[1], [0], [0], [1], [0, 0, 1, 1], [], []>, transpose_lhs_hint = false} : vector<1x512xf32>, vector<512x512xf32>, vector<1x512xf32> -> vector<1x512xf32>
                  %add3A_512 = arith.addf %add3A_489, %dot_general3A_511 : vector<1x512xf32>
                  %lt3A_513 = vector.broadcast %xor3A_429 : vector<1x512xi32> to vector<512x512xi32>
                  %lt3A_514 = arith.cmpi slt, %get3A_502, %lt3A_513 : vector<512x512xi32>
                  %jit3A_515 = arith.constant 1.000000e+00 : f32
                  %jit3A_516 = arith.constant 0.000000e+00 : f32
                  %broadcast_in_dim3A_517 = vector.broadcast %jit3A_515 : f32 to vector<512x512xf32>
                  %broadcast_in_dim3A_518 = vector.broadcast %jit3A_516 : f32 to vector<512x512xf32>
                  %select_n3A_519 = arith.select %lt3A_514, %broadcast_in_dim3A_517, %broadcast_in_dim3A_518 : vector<512x512xi1>, vector<512x512xf32>
                  %dot_general3A_520 = arith.constant dense<0.000000e+00> : vector<1x512xf32>
                  %dot_general3A_521 = tpu.matmul %broadcast_in_dim3A_22, %select_n3A_519, %dot_general3A_520 {dimension_numbers = #tpu.dot_dimension_numbers<[1], [0], [0], [1], [0, 0, 1, 1], [], []>, transpose_lhs_hint = false} : vector<1x512xf32>, vector<512x512xf32>, vector<1x512xf32> -> vector<1x512xf32>
                  %add3A_522 = arith.addf %add3A_499, %dot_general3A_521 : vector<1x512xf32>
                  %get3A_523 = arith.constant 2048 : index
                  %get3A_524 = arith.constant 0 : index
                  %get3A_525 = vector.load %arg7[%get3A_523, %get3A_524] : memref<4096x512xi32, #tpu.memory_space<vmem>>, vector<512x512xi32>
                  %lt3A_526 = vector.broadcast %xor3A_424 : vector<1x512xi32> to vector<512x512xi32>
                  %lt3A_527 = arith.cmpi slt, %get3A_525, %lt3A_526 : vector<512x512xi32>
                  %jit3A_528 = arith.constant 1.000000e+00 : f32
                  %jit3A_529 = arith.constant 0.000000e+00 : f32
                  %broadcast_in_dim3A_530 = vector.broadcast %jit3A_528 : f32 to vector<512x512xf32>
                  %broadcast_in_dim3A_531 = vector.broadcast %jit3A_529 : f32 to vector<512x512xf32>
                  %select_n3A_532 = arith.select %lt3A_527, %broadcast_in_dim3A_530, %broadcast_in_dim3A_531 : vector<512x512xi1>, vector<512x512xf32>
                  %dot_general3A_533 = arith.constant dense<0.000000e+00> : vector<1x512xf32>
                  %dot_general3A_534 = tpu.matmul %broadcast_in_dim3A_22, %select_n3A_532, %dot_general3A_533 {dimension_numbers = #tpu.dot_dimension_numbers<[1], [0], [0], [1], [0, 0, 1, 1], [], []>, transpose_lhs_hint = false} : vector<1x512xf32>, vector<512x512xf32>, vector<1x512xf32> -> vector<1x512xf32>
                  %add3A_535 = arith.addf %add3A_512, %dot_general3A_534 : vector<1x512xf32>
                  %lt3A_536 = vector.broadcast %xor3A_429 : vector<1x512xi32> to vector<512x512xi32>
                  %lt3A_537 = arith.cmpi slt, %get3A_525, %lt3A_536 : vector<512x512xi32>
                  %jit3A_538 = arith.constant 1.000000e+00 : f32
                  %jit3A_539 = arith.constant 0.000000e+00 : f32
                  %broadcast_in_dim3A_540 = vector.broadcast %jit3A_538 : f32 to vector<512x512xf32>
                  %broadcast_in_dim3A_541 = vector.broadcast %jit3A_539 : f32 to vector<512x512xf32>
                  %select_n3A_542 = arith.select %lt3A_537, %broadcast_in_dim3A_540, %broadcast_in_dim3A_541 : vector<512x512xi1>, vector<512x512xf32>
                  %dot_general3A_543 = arith.constant dense<0.000000e+00> : vector<1x512xf32>
                  %dot_general3A_544 = tpu.matmul %broadcast_in_dim3A_22, %select_n3A_542, %dot_general3A_543 {dimension_numbers = #tpu.dot_dimension_numbers<[1], [0], [0], [1], [0, 0, 1, 1], [], []>, transpose_lhs_hint = false} : vector<1x512xf32>, vector<512x512xf32>, vector<1x512xf32> -> vector<1x512xf32>
                  %add3A_545 = arith.addf %add3A_522, %dot_general3A_544 : vector<1x512xf32>
                  %get3A_546 = arith.constant 2560 : index
                  %get3A_547 = arith.constant 0 : index
                  %get3A_548 = vector.load %arg7[%get3A_546, %get3A_547] : memref<4096x512xi32, #tpu.memory_space<vmem>>, vector<512x512xi32>
                  %lt3A_549 = vector.broadcast %xor3A_424 : vector<1x512xi32> to vector<512x512xi32>
                  %lt3A_550 = arith.cmpi slt, %get3A_548, %lt3A_549 : vector<512x512xi32>
                  %jit3A_551 = arith.constant 1.000000e+00 : f32
                  %jit3A_552 = arith.constant 0.000000e+00 : f32
                  %broadcast_in_dim3A_553 = vector.broadcast %jit3A_551 : f32 to vector<512x512xf32>
                  %broadcast_in_dim3A_554 = vector.broadcast %jit3A_552 : f32 to vector<512x512xf32>
                  %select_n3A_555 = arith.select %lt3A_550, %broadcast_in_dim3A_553, %broadcast_in_dim3A_554 : vector<512x512xi1>, vector<512x512xf32>
                  %dot_general3A_556 = arith.constant dense<0.000000e+00> : vector<1x512xf32>
                  %dot_general3A_557 = tpu.matmul %broadcast_in_dim3A_22, %select_n3A_555, %dot_general3A_556 {dimension_numbers = #tpu.dot_dimension_numbers<[1], [0], [0], [1], [0, 0, 1, 1], [], []>, transpose_lhs_hint = false} : vector<1x512xf32>, vector<512x512xf32>, vector<1x512xf32> -> vector<1x512xf32>
                  %add3A_558 = arith.addf %add3A_535, %dot_general3A_557 : vector<1x512xf32>
                  %lt3A_559 = vector.broadcast %xor3A_429 : vector<1x512xi32> to vector<512x512xi32>
                  %lt3A_560 = arith.cmpi slt, %get3A_548, %lt3A_559 : vector<512x512xi32>
                  %jit3A_561 = arith.constant 1.000000e+00 : f32
                  %jit3A_562 = arith.constant 0.000000e+00 : f32
                  %broadcast_in_dim3A_563 = vector.broadcast %jit3A_561 : f32 to vector<512x512xf32>
                  %broadcast_in_dim3A_564 = vector.broadcast %jit3A_562 : f32 to vector<512x512xf32>
                  %select_n3A_565 = arith.select %lt3A_560, %broadcast_in_dim3A_563, %broadcast_in_dim3A_564 : vector<512x512xi1>, vector<512x512xf32>
                  %dot_general3A_566 = arith.constant dense<0.000000e+00> : vector<1x512xf32>
                  %dot_general3A_567 = tpu.matmul %broadcast_in_dim3A_22, %select_n3A_565, %dot_general3A_566 {dimension_numbers = #tpu.dot_dimension_numbers<[1], [0], [0], [1], [0, 0, 1, 1], [], []>, transpose_lhs_hint = false} : vector<1x512xf32>, vector<512x512xf32>, vector<1x512xf32> -> vector<1x512xf32>
                  %add3A_568 = arith.addf %add3A_545, %dot_general3A_567 : vector<1x512xf32>
                  %le3A_569 = vector.broadcast %convert_element_type3A : f32 to vector<1x512xf32>
                  %le3A_570 = arith.cmpf ole, %add3A_558, %le3A_569 : vector<1x512xf32>
                  %or3A_571 = vector.broadcast %shift_left3A_420 : i32 to vector<1x512xi32>
                  %or3A_572 = arith.ori %scan3A_416, %or3A_571 : vector<1x512xi32>
                  %select_n3A_573 = arith.select %le3A_570, %or3A_572, %scan3A_416 : vector<1x512xi1>, vector<1x512xi32>
                  %le3A_574 = vector.broadcast %convert_element_type3A_23 : f32 to vector<1x512xf32>
                  %le3A_575 = arith.cmpf ole, %add3A_568, %le3A_574 : vector<1x512xf32>
                  %or3A_576 = vector.broadcast %shift_left3A_420 : i32 to vector<1x512xi32>
                  %or3A_577 = arith.ori %scan3A_417, %or3A_576 : vector<1x512xi32>
                  %select_n3A_578 = arith.select %le3A_575, %or3A_577, %scan3A_417 : vector<1x512xi1>, vector<1x512xi32>
                  scf.yield %select_n3A_573, %select_n3A_578 : vector<1x512xi32>, vector<1x512xi32>
                }
                %scan3A_196 = arith.constant 32 : i32
                %lt3A_197 = arith.constant 0 : i32
                %lt3A_198 = vector.broadcast %lt3A_197 : i32 to vector<1x512xi32>
                %lt3A_199 = arith.cmpi slt, %scan3A_195#0, %lt3A_198 : vector<1x512xi32>
                %and3A_200 = arith.constant 2147483647 : i32
                %and3A_201 = vector.broadcast %and3A_200 : i32 to vector<1x512xi32>
                %and3A_202 = arith.andi %scan3A_195#0, %and3A_201 : vector<1x512xi32>
                %not3A = arith.constant dense<-1> : vector<1x512xi32>
                %not3A_203 = arith.xori %scan3A_195#0, %not3A : vector<1x512xi32>
                %select_n3A_204 = arith.select %lt3A_199, %and3A_202, %not3A_203 : vector<1x512xi1>, vector<1x512xi32>
                %lt3A_205 = arith.constant 0 : i32
                %lt3A_206 = vector.broadcast %lt3A_205 : i32 to vector<1x512xi32>
                %lt3A_207 = arith.cmpi slt, %scan3A_195#1, %lt3A_206 : vector<1x512xi32>
                %and3A_208 = arith.constant 2147483647 : i32
                %and3A_209 = vector.broadcast %and3A_208 : i32 to vector<1x512xi32>
                %and3A_210 = arith.andi %scan3A_195#1, %and3A_209 : vector<1x512xi32>
                %not3A_211 = arith.constant dense<-1> : vector<1x512xi32>
                %not3A_212 = arith.xori %scan3A_195#1, %not3A_211 : vector<1x512xi32>
                %select_n3A_213 = arith.select %lt3A_207, %and3A_210, %not3A_212 : vector<1x512xi1>, vector<1x512xi32>
                %bitcast_convert_type3A_214 = tpu.bitcast %select_n3A_204 : vector<1x512xi32> -> vector<1x512xf32>
                %bitcast_convert_type3A_215 = tpu.bitcast %select_n3A_213 : vector<1x512xi32> -> vector<1x512xf32>
                %broadcast_in_dim3A_216 = arith.constant 0.000000e+00 : f32
                %broadcast_in_dim3A_217 = vector.broadcast %broadcast_in_dim3A_216 : f32 to vector<1x512xf32>
                %get3A_218 = arith.constant 0 : index
                %get3A_219 = arith.constant 0 : index
                %get3A_220 = arith.constant 0 : index
                %get3A_221 = vector.load %arg5[%get3A_218, %get3A_219, %get3A_220] : memref<1x4096x512xf32, #tpu.memory_space<vmem>>, vector<1x512x512xf32>
                %get3A_222 = vector.shape_cast %get3A_221 : vector<1x512x512xf32> to vector<512x512xf32>
                %add3A_223 = arith.constant 0 : i32
                %add3A_224 = vector.broadcast %add3A_223 : i32 to vector<512x512xi32>
                %add3A_225 = arith.addi %iota3A, %add3A_224 : vector<512x512xi32>
                %lt3A_226 = vector.broadcast %get3A_0 : i32 to vector<512x512xi32>
                %lt3A_227 = arith.cmpi slt, %add3A_225, %lt3A_226 : vector<512x512xi32>
                %ge3A = vector.broadcast %bitcast_convert_type3A_214 : vector<1x512xf32> to vector<512x512xf32>
                %ge3A_228 = arith.cmpf oge, %get3A_222, %ge3A : vector<512x512xf32>
                %and3A_229 = arith.andi %lt3A_227, %ge3A_228 : vector<512x512xi1>
                %le3A = vector.broadcast %bitcast_convert_type3A_215 : vector<1x512xf32> to vector<512x512xf32>
                %le3A_230 = arith.cmpf ole, %get3A_222, %le3A : vector<512x512xf32>
                %and3A_231 = arith.andi %and3A_229, %le3A_230 : vector<512x512xi1>
                %jit3A_232 = arith.constant 0.000000e+00 : f32
                %broadcast_in_dim3A_233 = vector.broadcast %jit3A_232 : f32 to vector<512x512xf32>
                %select_n3A_234 = arith.select %and3A_231, %get3A_222, %broadcast_in_dim3A_233 : vector<512x512xi1>, vector<512x512xf32>
                %reduce_sum3A = arith.constant dense<0.000000e+00> : vector<512xf32>
                %reduce_sum3A_235 = vector.multi_reduction <add>, %select_n3A_234, %reduce_sum3A [0] : vector<512x512xf32> to vector<512xf32>
                %broadcast_in_dim3A_236 = vector.shape_cast %reduce_sum3A_235 : vector<512xf32> to vector<1x512xf32>
                %add3A_237 = arith.addf %broadcast_in_dim3A_217, %broadcast_in_dim3A_236 : vector<1x512xf32>
                %jit3A_238 = arith.constant 1.000000e+00 : f32
                %jit3A_239 = arith.constant 0.000000e+00 : f32
                %broadcast_in_dim3A_240 = vector.broadcast %jit3A_238 : f32 to vector<512x512xf32>
                %broadcast_in_dim3A_241 = vector.broadcast %jit3A_239 : f32 to vector<512x512xf32>
                %select_n3A_242 = arith.select %and3A_231, %broadcast_in_dim3A_240, %broadcast_in_dim3A_241 : vector<512x512xi1>, vector<512x512xf32>
                %reduce_sum3A_243 = arith.constant dense<0.000000e+00> : vector<512xf32>
                %reduce_sum3A_244 = vector.multi_reduction <add>, %select_n3A_242, %reduce_sum3A_243 [0] : vector<512x512xf32> to vector<512xf32>
                %broadcast_in_dim3A_245 = vector.shape_cast %reduce_sum3A_244 : vector<512xf32> to vector<1x512xf32>
                %add3A_246 = arith.addf %broadcast_in_dim3A_217, %broadcast_in_dim3A_245 : vector<1x512xf32>
                %get3A_247 = arith.constant 0 : index
                %get3A_248 = arith.constant 512 : index
                %get3A_249 = arith.constant 0 : index
                %get3A_250 = vector.load %arg5[%get3A_247, %get3A_248, %get3A_249] : memref<1x4096x512xf32, #tpu.memory_space<vmem>>, vector<1x512x512xf32>
                %get3A_251 = vector.shape_cast %get3A_250 : vector<1x512x512xf32> to vector<512x512xf32>
                %add3A_252 = arith.constant 512 : i32
                %add3A_253 = vector.broadcast %add3A_252 : i32 to vector<512x512xi32>
                %add3A_254 = arith.addi %iota3A, %add3A_253 : vector<512x512xi32>
                %lt3A_255 = vector.broadcast %get3A_0 : i32 to vector<512x512xi32>
                %lt3A_256 = arith.cmpi slt, %add3A_254, %lt3A_255 : vector<512x512xi32>
                %ge3A_257 = vector.broadcast %bitcast_convert_type3A_214 : vector<1x512xf32> to vector<512x512xf32>
                %ge3A_258 = arith.cmpf oge, %get3A_251, %ge3A_257 : vector<512x512xf32>
                %and3A_259 = arith.andi %lt3A_256, %ge3A_258 : vector<512x512xi1>
                %le3A_260 = vector.broadcast %bitcast_convert_type3A_215 : vector<1x512xf32> to vector<512x512xf32>
                %le3A_261 = arith.cmpf ole, %get3A_251, %le3A_260 : vector<512x512xf32>
                %and3A_262 = arith.andi %and3A_259, %le3A_261 : vector<512x512xi1>
                %jit3A_263 = arith.constant 0.000000e+00 : f32
                %broadcast_in_dim3A_264 = vector.broadcast %jit3A_263 : f32 to vector<512x512xf32>
                %select_n3A_265 = arith.select %and3A_262, %get3A_251, %broadcast_in_dim3A_264 : vector<512x512xi1>, vector<512x512xf32>
                %reduce_sum3A_266 = arith.constant dense<0.000000e+00> : vector<512xf32>
                %reduce_sum3A_267 = vector.multi_reduction <add>, %select_n3A_265, %reduce_sum3A_266 [0] : vector<512x512xf32> to vector<512xf32>
                %broadcast_in_dim3A_268 = vector.shape_cast %reduce_sum3A_267 : vector<512xf32> to vector<1x512xf32>
                %add3A_269 = arith.addf %add3A_237, %broadcast_in_dim3A_268 : vector<1x512xf32>
                %jit3A_270 = arith.constant 1.000000e+00 : f32
                %jit3A_271 = arith.constant 0.000000e+00 : f32
                %broadcast_in_dim3A_272 = vector.broadcast %jit3A_270 : f32 to vector<512x512xf32>
                %broadcast_in_dim3A_273 = vector.broadcast %jit3A_271 : f32 to vector<512x512xf32>
                %select_n3A_274 = arith.select %and3A_262, %broadcast_in_dim3A_272, %broadcast_in_dim3A_273 : vector<512x512xi1>, vector<512x512xf32>
                %reduce_sum3A_275 = arith.constant dense<0.000000e+00> : vector<512xf32>
                %reduce_sum3A_276 = vector.multi_reduction <add>, %select_n3A_274, %reduce_sum3A_275 [0] : vector<512x512xf32> to vector<512xf32>
                %broadcast_in_dim3A_277 = vector.shape_cast %reduce_sum3A_276 : vector<512xf32> to vector<1x512xf32>
                %add3A_278 = arith.addf %add3A_246, %broadcast_in_dim3A_277 : vector<1x512xf32>
                %get3A_279 = arith.constant 0 : index
                %get3A_280 = arith.constant 1024 : index
                %get3A_281 = arith.constant 0 : index
                %get3A_282 = vector.load %arg5[%get3A_279, %get3A_280, %get3A_281] : memref<1x4096x512xf32, #tpu.memory_space<vmem>>, vector<1x512x512xf32>
                %get3A_283 = vector.shape_cast %get3A_282 : vector<1x512x512xf32> to vector<512x512xf32>
                %add3A_284 = arith.constant 1024 : i32
                %add3A_285 = vector.broadcast %add3A_284 : i32 to vector<512x512xi32>
                %add3A_286 = arith.addi %iota3A, %add3A_285 : vector<512x512xi32>
                %lt3A_287 = vector.broadcast %get3A_0 : i32 to vector<512x512xi32>
                %lt3A_288 = arith.cmpi slt, %add3A_286, %lt3A_287 : vector<512x512xi32>
                %ge3A_289 = vector.broadcast %bitcast_convert_type3A_214 : vector<1x512xf32> to vector<512x512xf32>
                %ge3A_290 = arith.cmpf oge, %get3A_283, %ge3A_289 : vector<512x512xf32>
                %and3A_291 = arith.andi %lt3A_288, %ge3A_290 : vector<512x512xi1>
                %le3A_292 = vector.broadcast %bitcast_convert_type3A_215 : vector<1x512xf32> to vector<512x512xf32>
                %le3A_293 = arith.cmpf ole, %get3A_283, %le3A_292 : vector<512x512xf32>
                %and3A_294 = arith.andi %and3A_291, %le3A_293 : vector<512x512xi1>
                %jit3A_295 = arith.constant 0.000000e+00 : f32
                %broadcast_in_dim3A_296 = vector.broadcast %jit3A_295 : f32 to vector<512x512xf32>
                %select_n3A_297 = arith.select %and3A_294, %get3A_283, %broadcast_in_dim3A_296 : vector<512x512xi1>, vector<512x512xf32>
                %reduce_sum3A_298 = arith.constant dense<0.000000e+00> : vector<512xf32>
                %reduce_sum3A_299 = vector.multi_reduction <add>, %select_n3A_297, %reduce_sum3A_298 [0] : vector<512x512xf32> to vector<512xf32>
                %broadcast_in_dim3A_300 = vector.shape_cast %reduce_sum3A_299 : vector<512xf32> to vector<1x512xf32>
                %add3A_301 = arith.addf %add3A_269, %broadcast_in_dim3A_300 : vector<1x512xf32>
                %jit3A_302 = arith.constant 1.000000e+00 : f32
                %jit3A_303 = arith.constant 0.000000e+00 : f32
                %broadcast_in_dim3A_304 = vector.broadcast %jit3A_302 : f32 to vector<512x512xf32>
                %broadcast_in_dim3A_305 = vector.broadcast %jit3A_303 : f32 to vector<512x512xf32>
                %select_n3A_306 = arith.select %and3A_294, %broadcast_in_dim3A_304, %broadcast_in_dim3A_305 : vector<512x512xi1>, vector<512x512xf32>
                %reduce_sum3A_307 = arith.constant dense<0.000000e+00> : vector<512xf32>
                %reduce_sum3A_308 = vector.multi_reduction <add>, %select_n3A_306, %reduce_sum3A_307 [0] : vector<512x512xf32> to vector<512xf32>
                %broadcast_in_dim3A_309 = vector.shape_cast %reduce_sum3A_308 : vector<512xf32> to vector<1x512xf32>
                %add3A_310 = arith.addf %add3A_278, %broadcast_in_dim3A_309 : vector<1x512xf32>
                %get3A_311 = arith.constant 0 : index
                %get3A_312 = arith.constant 1536 : index
                %get3A_313 = arith.constant 0 : index
                %get3A_314 = vector.load %arg5[%get3A_311, %get3A_312, %get3A_313] : memref<1x4096x512xf32, #tpu.memory_space<vmem>>, vector<1x512x512xf32>
                %get3A_315 = vector.shape_cast %get3A_314 : vector<1x512x512xf32> to vector<512x512xf32>
                %add3A_316 = arith.constant 1536 : i32
                %add3A_317 = vector.broadcast %add3A_316 : i32 to vector<512x512xi32>
                %add3A_318 = arith.addi %iota3A, %add3A_317 : vector<512x512xi32>
                %lt3A_319 = vector.broadcast %get3A_0 : i32 to vector<512x512xi32>
                %lt3A_320 = arith.cmpi slt, %add3A_318, %lt3A_319 : vector<512x512xi32>
                %ge3A_321 = vector.broadcast %bitcast_convert_type3A_214 : vector<1x512xf32> to vector<512x512xf32>
                %ge3A_322 = arith.cmpf oge, %get3A_315, %ge3A_321 : vector<512x512xf32>
                %and3A_323 = arith.andi %lt3A_320, %ge3A_322 : vector<512x512xi1>
                %le3A_324 = vector.broadcast %bitcast_convert_type3A_215 : vector<1x512xf32> to vector<512x512xf32>
                %le3A_325 = arith.cmpf ole, %get3A_315, %le3A_324 : vector<512x512xf32>
                %and3A_326 = arith.andi %and3A_323, %le3A_325 : vector<512x512xi1>
                %jit3A_327 = arith.constant 0.000000e+00 : f32
                %broadcast_in_dim3A_328 = vector.broadcast %jit3A_327 : f32 to vector<512x512xf32>
                %select_n3A_329 = arith.select %and3A_326, %get3A_315, %broadcast_in_dim3A_328 : vector<512x512xi1>, vector<512x512xf32>
                %reduce_sum3A_330 = arith.constant dense<0.000000e+00> : vector<512xf32>
                %reduce_sum3A_331 = vector.multi_reduction <add>, %select_n3A_329, %reduce_sum3A_330 [0] : vector<512x512xf32> to vector<512xf32>
                %broadcast_in_dim3A_332 = vector.shape_cast %reduce_sum3A_331 : vector<512xf32> to vector<1x512xf32>
                %add3A_333 = arith.addf %add3A_301, %broadcast_in_dim3A_332 : vector<1x512xf32>
                %jit3A_334 = arith.constant 1.000000e+00 : f32
                %jit3A_335 = arith.constant 0.000000e+00 : f32
                %broadcast_in_dim3A_336 = vector.broadcast %jit3A_334 : f32 to vector<512x512xf32>
                %broadcast_in_dim3A_337 = vector.broadcast %jit3A_335 : f32 to vector<512x512xf32>
                %select_n3A_338 = arith.select %and3A_326, %broadcast_in_dim3A_336, %broadcast_in_dim3A_337 : vector<512x512xi1>, vector<512x512xf32>
                %reduce_sum3A_339 = arith.constant dense<0.000000e+00> : vector<512xf32>
                %reduce_sum3A_340 = vector.multi_reduction <add>, %select_n3A_338, %reduce_sum3A_339 [0] : vector<512x512xf32> to vector<512xf32>
                %broadcast_in_dim3A_341 = vector.shape_cast %reduce_sum3A_340 : vector<512xf32> to vector<1x512xf32>
                %add3A_342 = arith.addf %add3A_310, %broadcast_in_dim3A_341 : vector<1x512xf32>
                %get3A_343 = arith.constant 0 : index
                %get3A_344 = arith.constant 2048 : index
                %get3A_345 = arith.constant 0 : index
                %get3A_346 = vector.load %arg5[%get3A_343, %get3A_344, %get3A_345] : memref<1x4096x512xf32, #tpu.memory_space<vmem>>, vector<1x512x512xf32>
                %get3A_347 = vector.shape_cast %get3A_346 : vector<1x512x512xf32> to vector<512x512xf32>
                %add3A_348 = arith.constant 2048 : i32
                %add3A_349 = vector.broadcast %add3A_348 : i32 to vector<512x512xi32>
                %add3A_350 = arith.addi %iota3A, %add3A_349 : vector<512x512xi32>
                %lt3A_351 = vector.broadcast %get3A_0 : i32 to vector<512x512xi32>
                %lt3A_352 = arith.cmpi slt, %add3A_350, %lt3A_351 : vector<512x512xi32>
                %ge3A_353 = vector.broadcast %bitcast_convert_type3A_214 : vector<1x512xf32> to vector<512x512xf32>
                %ge3A_354 = arith.cmpf oge, %get3A_347, %ge3A_353 : vector<512x512xf32>
                %and3A_355 = arith.andi %lt3A_352, %ge3A_354 : vector<512x512xi1>
                %le3A_356 = vector.broadcast %bitcast_convert_type3A_215 : vector<1x512xf32> to vector<512x512xf32>
                %le3A_357 = arith.cmpf ole, %get3A_347, %le3A_356 : vector<512x512xf32>
                %and3A_358 = arith.andi %and3A_355, %le3A_357 : vector<512x512xi1>
                %jit3A_359 = arith.constant 0.000000e+00 : f32
                %broadcast_in_dim3A_360 = vector.broadcast %jit3A_359 : f32 to vector<512x512xf32>
                %select_n3A_361 = arith.select %and3A_358, %get3A_347, %broadcast_in_dim3A_360 : vector<512x512xi1>, vector<512x512xf32>
                %reduce_sum3A_362 = arith.constant dense<0.000000e+00> : vector<512xf32>
                %reduce_sum3A_363 = vector.multi_reduction <add>, %select_n3A_361, %reduce_sum3A_362 [0] : vector<512x512xf32> to vector<512xf32>
                %broadcast_in_dim3A_364 = vector.shape_cast %reduce_sum3A_363 : vector<512xf32> to vector<1x512xf32>
                %add3A_365 = arith.addf %add3A_333, %broadcast_in_dim3A_364 : vector<1x512xf32>
                %jit3A_366 = arith.constant 1.000000e+00 : f32
                %jit3A_367 = arith.constant 0.000000e+00 : f32
                %broadcast_in_dim3A_368 = vector.broadcast %jit3A_366 : f32 to vector<512x512xf32>
                %broadcast_in_dim3A_369 = vector.broadcast %jit3A_367 : f32 to vector<512x512xf32>
                %select_n3A_370 = arith.select %and3A_358, %broadcast_in_dim3A_368, %broadcast_in_dim3A_369 : vector<512x512xi1>, vector<512x512xf32>
                %reduce_sum3A_371 = arith.constant dense<0.000000e+00> : vector<512xf32>
                %reduce_sum3A_372 = vector.multi_reduction <add>, %select_n3A_370, %reduce_sum3A_371 [0] : vector<512x512xf32> to vector<512xf32>
                %broadcast_in_dim3A_373 = vector.shape_cast %reduce_sum3A_372 : vector<512xf32> to vector<1x512xf32>
                %add3A_374 = arith.addf %add3A_342, %broadcast_in_dim3A_373 : vector<1x512xf32>
                %get3A_375 = arith.constant 0 : index
                %get3A_376 = arith.constant 2560 : index
                %get3A_377 = arith.constant 0 : index
                %get3A_378 = vector.load %arg5[%get3A_375, %get3A_376, %get3A_377] : memref<1x4096x512xf32, #tpu.memory_space<vmem>>, vector<1x512x512xf32>
                %get3A_379 = vector.shape_cast %get3A_378 : vector<1x512x512xf32> to vector<512x512xf32>
                %add3A_380 = arith.constant 2560 : i32
                %add3A_381 = vector.broadcast %add3A_380 : i32 to vector<512x512xi32>
                %add3A_382 = arith.addi %iota3A, %add3A_381 : vector<512x512xi32>
                %lt3A_383 = vector.broadcast %get3A_0 : i32 to vector<512x512xi32>
                %lt3A_384 = arith.cmpi slt, %add3A_382, %lt3A_383 : vector<512x512xi32>
                %ge3A_385 = vector.broadcast %bitcast_convert_type3A_214 : vector<1x512xf32> to vector<512x512xf32>
                %ge3A_386 = arith.cmpf oge, %get3A_379, %ge3A_385 : vector<512x512xf32>
                %and3A_387 = arith.andi %lt3A_384, %ge3A_386 : vector<512x512xi1>
                %le3A_388 = vector.broadcast %bitcast_convert_type3A_215 : vector<1x512xf32> to vector<512x512xf32>
                %le3A_389 = arith.cmpf ole, %get3A_379, %le3A_388 : vector<512x512xf32>
                %and3A_390 = arith.andi %and3A_387, %le3A_389 : vector<512x512xi1>
                %jit3A_391 = arith.constant 0.000000e+00 : f32
                %broadcast_in_dim3A_392 = vector.broadcast %jit3A_391 : f32 to vector<512x512xf32>
                %select_n3A_393 = arith.select %and3A_390, %get3A_379, %broadcast_in_dim3A_392 : vector<512x512xi1>, vector<512x512xf32>
                %reduce_sum3A_394 = arith.constant dense<0.000000e+00> : vector<512xf32>
                %reduce_sum3A_395 = vector.multi_reduction <add>, %select_n3A_393, %reduce_sum3A_394 [0] : vector<512x512xf32> to vector<512xf32>
                %broadcast_in_dim3A_396 = vector.shape_cast %reduce_sum3A_395 : vector<512xf32> to vector<1x512xf32>
                %add3A_397 = arith.addf %add3A_365, %broadcast_in_dim3A_396 : vector<1x512xf32>
                %jit3A_398 = arith.constant 1.000000e+00 : f32
                %jit3A_399 = arith.constant 0.000000e+00 : f32
                %broadcast_in_dim3A_400 = vector.broadcast %jit3A_398 : f32 to vector<512x512xf32>
                %broadcast_in_dim3A_401 = vector.broadcast %jit3A_399 : f32 to vector<512x512xf32>
                %select_n3A_402 = arith.select %and3A_390, %broadcast_in_dim3A_400, %broadcast_in_dim3A_401 : vector<512x512xi1>, vector<512x512xf32>
                %reduce_sum3A_403 = arith.constant dense<0.000000e+00> : vector<512xf32>
                %reduce_sum3A_404 = vector.multi_reduction <add>, %select_n3A_402, %reduce_sum3A_403 [0] : vector<512x512xf32> to vector<512xf32>
                %broadcast_in_dim3A_405 = vector.shape_cast %reduce_sum3A_404 : vector<512xf32> to vector<1x512xf32>
                %add3A_406 = arith.addf %add3A_374, %broadcast_in_dim3A_405 : vector<1x512xf32>
                %div3A_407 = arith.divf %add3A_397, %add3A_406 : vector<1x512xf32>
                %squeeze3A = vector.shape_cast %div3A_407 : vector<1x512xf32> to vector<512xf32>
                %swap3A_408 = arith.constant 0 : index
                %swap3A_409 = arith.constant 0 : index
                %swap3A_410 = arith.constant 0 : index
                %swap3A_411 = arith.constant 0 : index
                %swap3A_412 = vector.load %arg6[%swap3A_408, %swap3A_409, %swap3A_410, %swap3A_411] : memref<1x1x1x512xf32, #tpu.memory_space<vmem>>, vector<1x1x1x512xf32>
                %swap3A_413 = vector.shape_cast %swap3A_412 : vector<1x1x1x512xf32> to vector<512xf32>
                %swap3A_414 = vector.shape_cast %squeeze3A : vector<512xf32> to vector<1x1x1x512xf32>
                tpu.vector_store %arg6[%swap3A_408, %swap3A_409, %swap3A_410, %swap3A_411], %swap3A_414 {strides = array<i32>} : memref<1x1x1x512xf32, #tpu.memory_space<vmem>>, vector<1x1x1x512xf32>,
              }
            } else {
              %get3A_46 = arith.constant 0 : index
              %get3A_47 = arith.constant 0 : index
              %get3A_48 = arith.constant 0 : index
              %get3A_49 = vector.load %arg5[%get3A_46, %get3A_47, %get3A_48] : memref<1x4096x512xf32, #tpu.memory_space<vmem>>, vector<1x512x512xf32>
              %get3A_50 = vector.shape_cast %get3A_49 : vector<1x512x512xf32> to vector<512x512xf32>
              %bitcast_convert_type3A = tpu.bitcast %get3A_50 : vector<512x512xf32> -> vector<512x512xi32>
              %lt3A = arith.constant 0 : i32
              %lt3A_51 = vector.broadcast %lt3A : i32 to vector<512x512xi32>
              %lt3A_52 = arith.cmpi slt, %bitcast_convert_type3A, %lt3A_51 : vector<512x512xi32>
              %xor3A = arith.constant 2147483647 : i32
              %xor3A_53 = vector.broadcast %xor3A : i32 to vector<512x512xi32>
              %xor3A_54 = arith.xori %bitcast_convert_type3A, %xor3A_53 : vector<512x512xi32>
              %select_n3A_55 = arith.select %lt3A_52, %xor3A_54, %bitcast_convert_type3A : vector<512x512xi1>, vector<512x512xi32>
              %add3A_56 = arith.constant 0 : i32
              %add3A_57 = vector.broadcast %add3A_56 : i32 to vector<512x512xi32>
              %add3A_58 = arith.addi %iota3A, %add3A_57 : vector<512x512xi32>
              %lt3A_59 = vector.broadcast %get3A_0 : i32 to vector<512x512xi32>
              %lt3A_60 = arith.cmpi slt, %add3A_58, %lt3A_59 : vector<512x512xi32>
              %jit3A_61 = arith.constant 2147483647 : i32
              %broadcast_in_dim3A_62 = vector.broadcast %jit3A_61 : i32 to vector<512x512xi32>
              %select_n3A_63 = arith.select %lt3A_60, %select_n3A_55, %broadcast_in_dim3A_62 : vector<512x512xi1>, vector<512x512xi32>
              %swap3A = arith.constant 0 : index
              %swap3A_64 = arith.constant 0 : index
              %swap3A_65 = vector.load %arg7[%swap3A, %swap3A_64] : memref<4096x512xi32, #tpu.memory_space<vmem>>, vector<512x512xi32>
              tpu.vector_store %arg7[%swap3A, %swap3A_64], %select_n3A_63 {strides = array<i32>} : memref<4096x512xi32, #tpu.memory_space<vmem>>, vector<512x512xi32>,
              %get3A_66 = arith.constant 0 : index
              %get3A_67 = arith.constant 512 : index
              %get3A_68 = arith.constant 0 : index
              %get3A_69 = vector.load %arg5[%get3A_66, %get3A_67, %get3A_68] : memref<1x4096x512xf32, #tpu.memory_space<vmem>>, vector<1x512x512xf32>
              %get3A_70 = vector.shape_cast %get3A_69 : vector<1x512x512xf32> to vector<512x512xf32>
              %bitcast_convert_type3A_71 = tpu.bitcast %get3A_70 : vector<512x512xf32> -> vector<512x512xi32>
              %lt3A_72 = arith.constant 0 : i32
              %lt3A_73 = vector.broadcast %lt3A_72 : i32 to vector<512x512xi32>
              %lt3A_74 = arith.cmpi slt, %bitcast_convert_type3A_71, %lt3A_73 : vector<512x512xi32>
              %xor3A_75 = arith.constant 2147483647 : i32
              %xor3A_76 = vector.broadcast %xor3A_75 : i32 to vector<512x512xi32>
              %xor3A_77 = arith.xori %bitcast_convert_type3A_71, %xor3A_76 : vector<512x512xi32>
              %select_n3A_78 = arith.select %lt3A_74, %xor3A_77, %bitcast_convert_type3A_71 : vector<512x512xi1>, vector<512x512xi32>
              %add3A_79 = arith.constant 512 : i32
              %add3A_80 = vector.broadcast %add3A_79 : i32 to vector<512x512xi32>
              %add3A_81 = arith.addi %iota3A, %add3A_80 : vector<512x512xi32>
              %lt3A_82 = vector.broadcast %get3A_0 : i32 to vector<512x512xi32>
              %lt3A_83 = arith.cmpi slt, %add3A_81, %lt3A_82 : vector<512x512xi32>
              %jit3A_84 = arith.constant 2147483647 : i32
              %broadcast_in_dim3A_85 = vector.broadcast %jit3A_84 : i32 to vector<512x512xi32>
              %select_n3A_86 = arith.select %lt3A_83, %select_n3A_78, %broadcast_in_dim3A_85 : vector<512x512xi1>, vector<512x512xi32>
              %swap3A_87 = arith.constant 512 : index
              %swap3A_88 = arith.constant 0 : index
              %swap3A_89 = vector.load %arg7[%swap3A_87, %swap3A_88] : memref<4096x512xi32, #tpu.memory_space<vmem>>, vector<512x512xi32>
              tpu.vector_store %arg7[%swap3A_87, %swap3A_88], %select_n3A_86 {strides = array<i32>} : memref<4096x512xi32, #tpu.memory_space<vmem>>, vector<512x512xi32>,
              %get3A_90 = arith.constant 0 : index
              %get3A_91 = arith.constant 1024 : index
              %get3A_92 = arith.constant 0 : index
              %get3A_93 = vector.load %arg5[%get3A_90, %get3A_91, %get3A_92] : memref<1x4096x512xf32, #tpu.memory_space<vmem>>, vector<1x512x512xf32>
              %get3A_94 = vector.shape_cast %get3A_93 : vector<1x512x512xf32> to vector<512x512xf32>
              %bitcast_convert_type3A_95 = tpu.bitcast %get3A_94 : vector<512x512xf32> -> vector<512x512xi32>
              %lt3A_96 = arith.constant 0 : i32
              %lt3A_97 = vector.broadcast %lt3A_96 : i32 to vector<512x512xi32>
              %lt3A_98 = arith.cmpi slt, %bitcast_convert_type3A_95, %lt3A_97 : vector<512x512xi32>
              %xor3A_99 = arith.constant 2147483647 : i32
              %xor3A_100 = vector.broadcast %xor3A_99 : i32 to vector<512x512xi32>
              %xor3A_101 = arith.xori %bitcast_convert_type3A_95, %xor3A_100 : vector<512x512xi32>
              %select_n3A_102 = arith.select %lt3A_98, %xor3A_101, %bitcast_convert_type3A_95 : vector<512x512xi1>, vector<512x512xi32>
              %add3A_103 = arith.constant 1024 : i32
              %add3A_104 = vector.broadcast %add3A_103 : i32 to vector<512x512xi32>
              %add3A_105 = arith.addi %iota3A, %add3A_104 : vector<512x512xi32>
              %lt3A_106 = vector.broadcast %get3A_0 : i32 to vector<512x512xi32>
              %lt3A_107 = arith.cmpi slt, %add3A_105, %lt3A_106 : vector<512x512xi32>
              %jit3A_108 = arith.constant 2147483647 : i32
              %broadcast_in_dim3A_109 = vector.broadcast %jit3A_108 : i32 to vector<512x512xi32>
              %select_n3A_110 = arith.select %lt3A_107, %select_n3A_102, %broadcast_in_dim3A_109 : vector<512x512xi1>, vector<512x512xi32>
              %swap3A_111 = arith.constant 1024 : index
              %swap3A_112 = arith.constant 0 : index
              %swap3A_113 = vector.load %arg7[%swap3A_111, %swap3A_112] : memref<4096x512xi32, #tpu.memory_space<vmem>>, vector<512x512xi32>
              tpu.vector_store %arg7[%swap3A_111, %swap3A_112], %select_n3A_110 {strides = array<i32>} : memref<4096x512xi32, #tpu.memory_space<vmem>>, vector<512x512xi32>,
              %get3A_114 = arith.constant 0 : index
              %get3A_115 = arith.constant 1536 : index
              %get3A_116 = arith.constant 0 : index
              %get3A_117 = vector.load %arg5[%get3A_114, %get3A_115, %get3A_116] : memref<1x4096x512xf32, #tpu.memory_space<vmem>>, vector<1x512x512xf32>
              %get3A_118 = vector.shape_cast %get3A_117 : vector<1x512x512xf32> to vector<512x512xf32>
              %bitcast_convert_type3A_119 = tpu.bitcast %get3A_118 : vector<512x512xf32> -> vector<512x512xi32>
              %lt3A_120 = arith.constant 0 : i32
              %lt3A_121 = vector.broadcast %lt3A_120 : i32 to vector<512x512xi32>
              %lt3A_122 = arith.cmpi slt, %bitcast_convert_type3A_119, %lt3A_121 : vector<512x512xi32>
              %xor3A_123 = arith.constant 2147483647 : i32
              %xor3A_124 = vector.broadcast %xor3A_123 : i32 to vector<512x512xi32>
              %xor3A_125 = arith.xori %bitcast_convert_type3A_119, %xor3A_124 : vector<512x512xi32>
              %select_n3A_126 = arith.select %lt3A_122, %xor3A_125, %bitcast_convert_type3A_119 : vector<512x512xi1>, vector<512x512xi32>
              %add3A_127 = arith.constant 1536 : i32
              %add3A_128 = vector.broadcast %add3A_127 : i32 to vector<512x512xi32>
              %add3A_129 = arith.addi %iota3A, %add3A_128 : vector<512x512xi32>
              %lt3A_130 = vector.broadcast %get3A_0 : i32 to vector<512x512xi32>
              %lt3A_131 = arith.cmpi slt, %add3A_129, %lt3A_130 : vector<512x512xi32>
              %jit3A_132 = arith.constant 2147483647 : i32
              %broadcast_in_dim3A_133 = vector.broadcast %jit3A_132 : i32 to vector<512x512xi32>
              %select_n3A_134 = arith.select %lt3A_131, %select_n3A_126, %broadcast_in_dim3A_133 : vector<512x512xi1>, vector<512x512xi32>
              %swap3A_135 = arith.constant 1536 : index
              %swap3A_136 = arith.constant 0 : index
              %swap3A_137 = vector.load %arg7[%swap3A_135, %swap3A_136] : memref<4096x512xi32, #tpu.memory_space<vmem>>, vector<512x512xi32>
              tpu.vector_store %arg7[%swap3A_135, %swap3A_136], %select_n3A_134 {strides = array<i32>} : memref<4096x512xi32, #tpu.memory_space<vmem>>, vector<512x512xi32>,
              %get3A_138 = arith.constant 0 : index
              %get3A_139 = arith.constant 2048 : index
              %get3A_140 = arith.constant 0 : index
              %get3A_141 = vector.load %arg5[%get3A_138, %get3A_139, %get3A_140] : memref<1x4096x512xf32, #tpu.memory_space<vmem>>, vector<1x512x512xf32>
              %get3A_142 = vector.shape_cast %get3A_141 : vector<1x512x512xf32> to vector<512x512xf32>
              %bitcast_convert_type3A_143 = tpu.bitcast %get3A_142 : vector<512x512xf32> -> vector<512x512xi32>
              %lt3A_144 = arith.constant 0 : i32
              %lt3A_145 = vector.broadcast %lt3A_144 : i32 to vector<512x512xi32>
              %lt3A_146 = arith.cmpi slt, %bitcast_convert_type3A_143, %lt3A_145 : vector<512x512xi32>
              %xor3A_147 = arith.constant 2147483647 : i32
              %xor3A_148 = vector.broadcast %xor3A_147 : i32 to vector<512x512xi32>
              %xor3A_149 = arith.xori %bitcast_convert_type3A_143, %xor3A_148 : vector<512x512xi32>
              %select_n3A_150 = arith.select %lt3A_146, %xor3A_149, %bitcast_convert_type3A_143 : vector<512x512xi1>, vector<512x512xi32>
              %add3A_151 = arith.constant 2048 : i32
              %add3A_152 = vector.broadcast %add3A_151 : i32 to vector<512x512xi32>
              %add3A_153 = arith.addi %iota3A, %add3A_152 : vector<512x512xi32>
              %lt3A_154 = vector.broadcast %get3A_0 : i32 to vector<512x512xi32>
              %lt3A_155 = arith.cmpi slt, %add3A_153, %lt3A_154 : vector<512x512xi32>
              %jit3A_156 = arith.constant 2147483647 : i32
              %broadcast_in_dim3A_157 = vector.broadcast %jit3A_156 : i32 to vector<512x512xi32>
              %select_n3A_158 = arith.select %lt3A_155, %select_n3A_150, %broadcast_in_dim3A_157 : vector<512x512xi1>, vector<512x512xi32>
              %swap3A_159 = arith.constant 2048 : index
              %swap3A_160 = arith.constant 0 : index
              %swap3A_161 = vector.load %arg7[%swap3A_159, %swap3A_160] : memref<4096x512xi32, #tpu.memory_space<vmem>>, vector<512x512xi32>
              tpu.vector_store %arg7[%swap3A_159, %swap3A_160], %select_n3A_158 {strides = array<i32>} : memref<4096x512xi32, #tpu.memory_space<vmem>>, vector<512x512xi32>,
              %broadcast_in_dim3A_162 = arith.constant 0 : i32
              %broadcast_in_dim3A_163 = vector.broadcast %broadcast_in_dim3A_162 : i32 to vector<1x512xi32>
              %scan3A = arith.constant 0 : i32
              %scan3A_164 = arith.constant 32 : i32
              %scan3A_165 = arith.addi %scan3A, %scan3A_164 : i32
              %scan3A_166 = arith.constant 1 : i32
              %scan3A_167:2 = scf.for %scan3A_355 = %scan3A to %scan3A_165 step %scan3A_166 iter_args(%scan3A_356 = %broadcast_in_dim3A_163, %scan3A_357 = %broadcast_in_dim3A_163) -> (vector<1x512xi32>, vector<1x512xi32>)  : i32 {
                %sub3A_358 = arith.constant 31 : i32
                %sub3A_359 = arith.subi %sub3A_358, %scan3A_355 : i32
                %shift_left3A = arith.constant 1 : i32
                %shift_left3A_360 = arith.shli %shift_left3A, %sub3A_359 : i32
                %or3A = vector.broadcast %shift_left3A_360 : i32 to vector<1x512xi32>
                %or3A_361 = arith.ori %scan3A_356, %or3A : vector<1x512xi32>
                %xor3A_362 = arith.constant -2147483648 : i32
                %xor3A_363 = vector.broadcast %xor3A_362 : i32 to vector<1x512xi32>
                %xor3A_364 = arith.xori %or3A_361, %xor3A_363 : vector<1x512xi32>
                %or3A_365 = vector.broadcast %shift_left3A_360 : i32 to vector<1x512xi32>
                %or3A_366 = arith.ori %scan3A_357, %or3A_365 : vector<1x512xi32>
                %xor3A_367 = arith.constant -2147483648 : i32
                %xor3A_368 = vector.broadcast %xor3A_367 : i32 to vector<1x512xi32>
                %xor3A_369 = arith.xori %or3A_366, %xor3A_368 : vector<1x512xi32>
                %broadcast_in_dim3A_370 = arith.constant 0.000000e+00 : f32
                %broadcast_in_dim3A_371 = vector.broadcast %broadcast_in_dim3A_370 : f32 to vector<1x512xf32>
                %get3A_372 = arith.constant 0 : index
                %get3A_373 = arith.constant 0 : index
                %get3A_374 = vector.load %arg7[%get3A_372, %get3A_373] : memref<4096x512xi32, #tpu.memory_space<vmem>>, vector<512x512xi32>
                %lt3A_375 = vector.broadcast %xor3A_364 : vector<1x512xi32> to vector<512x512xi32>
                %lt3A_376 = arith.cmpi slt, %get3A_374, %lt3A_375 : vector<512x512xi32>
                %jit3A_377 = arith.constant 1.000000e+00 : f32
                %jit3A_378 = arith.constant 0.000000e+00 : f32
                %broadcast_in_dim3A_379 = vector.broadcast %jit3A_377 : f32 to vector<512x512xf32>
                %broadcast_in_dim3A_380 = vector.broadcast %jit3A_378 : f32 to vector<512x512xf32>
                %select_n3A_381 = arith.select %lt3A_376, %broadcast_in_dim3A_379, %broadcast_in_dim3A_380 : vector<512x512xi1>, vector<512x512xf32>
                %dot_general3A = arith.constant dense<0.000000e+00> : vector<1x512xf32>
                %dot_general3A_382 = tpu.matmul %broadcast_in_dim3A_22, %select_n3A_381, %dot_general3A {dimension_numbers = #tpu.dot_dimension_numbers<[1], [0], [0], [1], [0, 0, 1, 1], [], []>, transpose_lhs_hint = false} : vector<1x512xf32>, vector<512x512xf32>, vector<1x512xf32> -> vector<1x512xf32>
                %add3A_383 = arith.addf %broadcast_in_dim3A_371, %dot_general3A_382 : vector<1x512xf32>
                %lt3A_384 = vector.broadcast %xor3A_369 : vector<1x512xi32> to vector<512x512xi32>
                %lt3A_385 = arith.cmpi slt, %get3A_374, %lt3A_384 : vector<512x512xi32>
                %jit3A_386 = arith.constant 1.000000e+00 : f32
                %jit3A_387 = arith.constant 0.000000e+00 : f32
                %broadcast_in_dim3A_388 = vector.broadcast %jit3A_386 : f32 to vector<512x512xf32>
                %broadcast_in_dim3A_389 = vector.broadcast %jit3A_387 : f32 to vector<512x512xf32>
                %select_n3A_390 = arith.select %lt3A_385, %broadcast_in_dim3A_388, %broadcast_in_dim3A_389 : vector<512x512xi1>, vector<512x512xf32>
                %dot_general3A_391 = arith.constant dense<0.000000e+00> : vector<1x512xf32>
                %dot_general3A_392 = tpu.matmul %broadcast_in_dim3A_22, %select_n3A_390, %dot_general3A_391 {dimension_numbers = #tpu.dot_dimension_numbers<[1], [0], [0], [1], [0, 0, 1, 1], [], []>, transpose_lhs_hint = false} : vector<1x512xf32>, vector<512x512xf32>, vector<1x512xf32> -> vector<1x512xf32>
                %add3A_393 = arith.addf %broadcast_in_dim3A_371, %dot_general3A_392 : vector<1x512xf32>
                %get3A_394 = arith.constant 512 : index
                %get3A_395 = arith.constant 0 : index
                %get3A_396 = vector.load %arg7[%get3A_394, %get3A_395] : memref<4096x512xi32, #tpu.memory_space<vmem>>, vector<512x512xi32>
                %lt3A_397 = vector.broadcast %xor3A_364 : vector<1x512xi32> to vector<512x512xi32>
                %lt3A_398 = arith.cmpi slt, %get3A_396, %lt3A_397 : vector<512x512xi32>
                %jit3A_399 = arith.constant 1.000000e+00 : f32
                %jit3A_400 = arith.constant 0.000000e+00 : f32
                %broadcast_in_dim3A_401 = vector.broadcast %jit3A_399 : f32 to vector<512x512xf32>
                %broadcast_in_dim3A_402 = vector.broadcast %jit3A_400 : f32 to vector<512x512xf32>
                %select_n3A_403 = arith.select %lt3A_398, %broadcast_in_dim3A_401, %broadcast_in_dim3A_402 : vector<512x512xi1>, vector<512x512xf32>
                %dot_general3A_404 = arith.constant dense<0.000000e+00> : vector<1x512xf32>
                %dot_general3A_405 = tpu.matmul %broadcast_in_dim3A_22, %select_n3A_403, %dot_general3A_404 {dimension_numbers = #tpu.dot_dimension_numbers<[1], [0], [0], [1], [0, 0, 1, 1], [], []>, transpose_lhs_hint = false} : vector<1x512xf32>, vector<512x512xf32>, vector<1x512xf32> -> vector<1x512xf32>
                %add3A_406 = arith.addf %add3A_383, %dot_general3A_405 : vector<1x512xf32>
                %lt3A_407 = vector.broadcast %xor3A_369 : vector<1x512xi32> to vector<512x512xi32>
                %lt3A_408 = arith.cmpi slt, %get3A_396, %lt3A_407 : vector<512x512xi32>
                %jit3A_409 = arith.constant 1.000000e+00 : f32
                %jit3A_410 = arith.constant 0.000000e+00 : f32
                %broadcast_in_dim3A_411 = vector.broadcast %jit3A_409 : f32 to vector<512x512xf32>
                %broadcast_in_dim3A_412 = vector.broadcast %jit3A_410 : f32 to vector<512x512xf32>
                %select_n3A_413 = arith.select %lt3A_408, %broadcast_in_dim3A_411, %broadcast_in_dim3A_412 : vector<512x512xi1>, vector<512x512xf32>
                %dot_general3A_414 = arith.constant dense<0.000000e+00> : vector<1x512xf32>
                %dot_general3A_415 = tpu.matmul %broadcast_in_dim3A_22, %select_n3A_413, %dot_general3A_414 {dimension_numbers = #tpu.dot_dimension_numbers<[1], [0], [0], [1], [0, 0, 1, 1], [], []>, transpose_lhs_hint = false} : vector<1x512xf32>, vector<512x512xf32>, vector<1x512xf32> -> vector<1x512xf32>
                %add3A_416 = arith.addf %add3A_393, %dot_general3A_415 : vector<1x512xf32>
                %get3A_417 = arith.constant 1024 : index
                %get3A_418 = arith.constant 0 : index
                %get3A_419 = vector.load %arg7[%get3A_417, %get3A_418] : memref<4096x512xi32, #tpu.memory_space<vmem>>, vector<512x512xi32>
                %lt3A_420 = vector.broadcast %xor3A_364 : vector<1x512xi32> to vector<512x512xi32>
                %lt3A_421 = arith.cmpi slt, %get3A_419, %lt3A_420 : vector<512x512xi32>
                %jit3A_422 = arith.constant 1.000000e+00 : f32
                %jit3A_423 = arith.constant 0.000000e+00 : f32
                %broadcast_in_dim3A_424 = vector.broadcast %jit3A_422 : f32 to vector<512x512xf32>
                %broadcast_in_dim3A_425 = vector.broadcast %jit3A_423 : f32 to vector<512x512xf32>
                %select_n3A_426 = arith.select %lt3A_421, %broadcast_in_dim3A_424, %broadcast_in_dim3A_425 : vector<512x512xi1>, vector<512x512xf32>
                %dot_general3A_427 = arith.constant dense<0.000000e+00> : vector<1x512xf32>
                %dot_general3A_428 = tpu.matmul %broadcast_in_dim3A_22, %select_n3A_426, %dot_general3A_427 {dimension_numbers = #tpu.dot_dimension_numbers<[1], [0], [0], [1], [0, 0, 1, 1], [], []>, transpose_lhs_hint = false} : vector<1x512xf32>, vector<512x512xf32>, vector<1x512xf32> -> vector<1x512xf32>
                %add3A_429 = arith.addf %add3A_406, %dot_general3A_428 : vector<1x512xf32>
                %lt3A_430 = vector.broadcast %xor3A_369 : vector<1x512xi32> to vector<512x512xi32>
                %lt3A_431 = arith.cmpi slt, %get3A_419, %lt3A_430 : vector<512x512xi32>
                %jit3A_432 = arith.constant 1.000000e+00 : f32
                %jit3A_433 = arith.constant 0.000000e+00 : f32
                %broadcast_in_dim3A_434 = vector.broadcast %jit3A_432 : f32 to vector<512x512xf32>
                %broadcast_in_dim3A_435 = vector.broadcast %jit3A_433 : f32 to vector<512x512xf32>
                %select_n3A_436 = arith.select %lt3A_431, %broadcast_in_dim3A_434, %broadcast_in_dim3A_435 : vector<512x512xi1>, vector<512x512xf32>
                %dot_general3A_437 = arith.constant dense<0.000000e+00> : vector<1x512xf32>
                %dot_general3A_438 = tpu.matmul %broadcast_in_dim3A_22, %select_n3A_436, %dot_general3A_437 {dimension_numbers = #tpu.dot_dimension_numbers<[1], [0], [0], [1], [0, 0, 1, 1], [], []>, transpose_lhs_hint = false} : vector<1x512xf32>, vector<512x512xf32>, vector<1x512xf32> -> vector<1x512xf32>
                %add3A_439 = arith.addf %add3A_416, %dot_general3A_438 : vector<1x512xf32>
                %get3A_440 = arith.constant 1536 : index
                %get3A_441 = arith.constant 0 : index
                %get3A_442 = vector.load %arg7[%get3A_440, %get3A_441] : memref<4096x512xi32, #tpu.memory_space<vmem>>, vector<512x512xi32>
                %lt3A_443 = vector.broadcast %xor3A_364 : vector<1x512xi32> to vector<512x512xi32>
                %lt3A_444 = arith.cmpi slt, %get3A_442, %lt3A_443 : vector<512x512xi32>
                %jit3A_445 = arith.constant 1.000000e+00 : f32
                %jit3A_446 = arith.constant 0.000000e+00 : f32
                %broadcast_in_dim3A_447 = vector.broadcast %jit3A_445 : f32 to vector<512x512xf32>
                %broadcast_in_dim3A_448 = vector.broadcast %jit3A_446 : f32 to vector<512x512xf32>
                %select_n3A_449 = arith.select %lt3A_444, %broadcast_in_dim3A_447, %broadcast_in_dim3A_448 : vector<512x512xi1>, vector<512x512xf32>
                %dot_general3A_450 = arith.constant dense<0.000000e+00> : vector<1x512xf32>
                %dot_general3A_451 = tpu.matmul %broadcast_in_dim3A_22, %select_n3A_449, %dot_general3A_450 {dimension_numbers = #tpu.dot_dimension_numbers<[1], [0], [0], [1], [0, 0, 1, 1], [], []>, transpose_lhs_hint = false} : vector<1x512xf32>, vector<512x512xf32>, vector<1x512xf32> -> vector<1x512xf32>
                %add3A_452 = arith.addf %add3A_429, %dot_general3A_451 : vector<1x512xf32>
                %lt3A_453 = vector.broadcast %xor3A_369 : vector<1x512xi32> to vector<512x512xi32>
                %lt3A_454 = arith.cmpi slt, %get3A_442, %lt3A_453 : vector<512x512xi32>
                %jit3A_455 = arith.constant 1.000000e+00 : f32
                %jit3A_456 = arith.constant 0.000000e+00 : f32
                %broadcast_in_dim3A_457 = vector.broadcast %jit3A_455 : f32 to vector<512x512xf32>
                %broadcast_in_dim3A_458 = vector.broadcast %jit3A_456 : f32 to vector<512x512xf32>
                %select_n3A_459 = arith.select %lt3A_454, %broadcast_in_dim3A_457, %broadcast_in_dim3A_458 : vector<512x512xi1>, vector<512x512xf32>
                %dot_general3A_460 = arith.constant dense<0.000000e+00> : vector<1x512xf32>
                %dot_general3A_461 = tpu.matmul %broadcast_in_dim3A_22, %select_n3A_459, %dot_general3A_460 {dimension_numbers = #tpu.dot_dimension_numbers<[1], [0], [0], [1], [0, 0, 1, 1], [], []>, transpose_lhs_hint = false} : vector<1x512xf32>, vector<512x512xf32>, vector<1x512xf32> -> vector<1x512xf32>
                %add3A_462 = arith.addf %add3A_439, %dot_general3A_461 : vector<1x512xf32>
                %get3A_463 = arith.constant 2048 : index
                %get3A_464 = arith.constant 0 : index
                %get3A_465 = vector.load %arg7[%get3A_463, %get3A_464] : memref<4096x512xi32, #tpu.memory_space<vmem>>, vector<512x512xi32>
                %lt3A_466 = vector.broadcast %xor3A_364 : vector<1x512xi32> to vector<512x512xi32>
                %lt3A_467 = arith.cmpi slt, %get3A_465, %lt3A_466 : vector<512x512xi32>
                %jit3A_468 = arith.constant 1.000000e+00 : f32
                %jit3A_469 = arith.constant 0.000000e+00 : f32
                %broadcast_in_dim3A_470 = vector.broadcast %jit3A_468 : f32 to vector<512x512xf32>
                %broadcast_in_dim3A_471 = vector.broadcast %jit3A_469 : f32 to vector<512x512xf32>
                %select_n3A_472 = arith.select %lt3A_467, %broadcast_in_dim3A_470, %broadcast_in_dim3A_471 : vector<512x512xi1>, vector<512x512xf32>
                %dot_general3A_473 = arith.constant dense<0.000000e+00> : vector<1x512xf32>
                %dot_general3A_474 = tpu.matmul %broadcast_in_dim3A_22, %select_n3A_472, %dot_general3A_473 {dimension_numbers = #tpu.dot_dimension_numbers<[1], [0], [0], [1], [0, 0, 1, 1], [], []>, transpose_lhs_hint = false} : vector<1x512xf32>, vector<512x512xf32>, vector<1x512xf32> -> vector<1x512xf32>
                %add3A_475 = arith.addf %add3A_452, %dot_general3A_474 : vector<1x512xf32>
                %lt3A_476 = vector.broadcast %xor3A_369 : vector<1x512xi32> to vector<512x512xi32>
                %lt3A_477 = arith.cmpi slt, %get3A_465, %lt3A_476 : vector<512x512xi32>
                %jit3A_478 = arith.constant 1.000000e+00 : f32
                %jit3A_479 = arith.constant 0.000000e+00 : f32
                %broadcast_in_dim3A_480 = vector.broadcast %jit3A_478 : f32 to vector<512x512xf32>
                %broadcast_in_dim3A_481 = vector.broadcast %jit3A_479 : f32 to vector<512x512xf32>
                %select_n3A_482 = arith.select %lt3A_477, %broadcast_in_dim3A_480, %broadcast_in_dim3A_481 : vector<512x512xi1>, vector<512x512xf32>
                %dot_general3A_483 = arith.constant dense<0.000000e+00> : vector<1x512xf32>
                %dot_general3A_484 = tpu.matmul %broadcast_in_dim3A_22, %select_n3A_482, %dot_general3A_483 {dimension_numbers = #tpu.dot_dimension_numbers<[1], [0], [0], [1], [0, 0, 1, 1], [], []>, transpose_lhs_hint = false} : vector<1x512xf32>, vector<512x512xf32>, vector<1x512xf32> -> vector<1x512xf32>
                %add3A_485 = arith.addf %add3A_462, %dot_general3A_484 : vector<1x512xf32>
                %le3A_486 = vector.broadcast %convert_element_type3A : f32 to vector<1x512xf32>
                %le3A_487 = arith.cmpf ole, %add3A_475, %le3A_486 : vector<1x512xf32>
                %or3A_488 = vector.broadcast %shift_left3A_360 : i32 to vector<1x512xi32>
                %or3A_489 = arith.ori %scan3A_356, %or3A_488 : vector<1x512xi32>
                %select_n3A_490 = arith.select %le3A_487, %or3A_489, %scan3A_356 : vector<1x512xi1>, vector<1x512xi32>
                %le3A_491 = vector.broadcast %convert_element_type3A_23 : f32 to vector<1x512xf32>
                %le3A_492 = arith.cmpf ole, %add3A_485, %le3A_491 : vector<1x512xf32>
                %or3A_493 = vector.broadcast %shift_left3A_360 : i32 to vector<1x512xi32>
                %or3A_494 = arith.ori %scan3A_357, %or3A_493 : vector<1x512xi32>
                %select_n3A_495 = arith.select %le3A_492, %or3A_494, %scan3A_357 : vector<1x512xi1>, vector<1x512xi32>
                scf.yield %select_n3A_490, %select_n3A_495 : vector<1x512xi32>, vector<1x512xi32>
              }
              %scan3A_168 = arith.constant 32 : i32
              %lt3A_169 = arith.constant 0 : i32
              %lt3A_170 = vector.broadcast %lt3A_169 : i32 to vector<1x512xi32>
              %lt3A_171 = arith.cmpi slt, %scan3A_167#0, %lt3A_170 : vector<1x512xi32>
              %and3A_172 = arith.constant 2147483647 : i32
              %and3A_173 = vector.broadcast %and3A_172 : i32 to vector<1x512xi32>
              %and3A_174 = arith.andi %scan3A_167#0, %and3A_173 : vector<1x512xi32>
              %not3A = arith.constant dense<-1> : vector<1x512xi32>
              %not3A_175 = arith.xori %scan3A_167#0, %not3A : vector<1x512xi32>
              %select_n3A_176 = arith.select %lt3A_171, %and3A_174, %not3A_175 : vector<1x512xi1>, vector<1x512xi32>
              %lt3A_177 = arith.constant 0 : i32
              %lt3A_178 = vector.broadcast %lt3A_177 : i32 to vector<1x512xi32>
              %lt3A_179 = arith.cmpi slt, %scan3A_167#1, %lt3A_178 : vector<1x512xi32>
              %and3A_180 = arith.constant 2147483647 : i32
              %and3A_181 = vector.broadcast %and3A_180 : i32 to vector<1x512xi32>
              %and3A_182 = arith.andi %scan3A_167#1, %and3A_181 : vector<1x512xi32>
              %not3A_183 = arith.constant dense<-1> : vector<1x512xi32>
              %not3A_184 = arith.xori %scan3A_167#1, %not3A_183 : vector<1x512xi32>
              %select_n3A_185 = arith.select %lt3A_179, %and3A_182, %not3A_184 : vector<1x512xi1>, vector<1x512xi32>
              %bitcast_convert_type3A_186 = tpu.bitcast %select_n3A_176 : vector<1x512xi32> -> vector<1x512xf32>
              %bitcast_convert_type3A_187 = tpu.bitcast %select_n3A_185 : vector<1x512xi32> -> vector<1x512xf32>
              %broadcast_in_dim3A_188 = arith.constant 0.000000e+00 : f32
              %broadcast_in_dim3A_189 = vector.broadcast %broadcast_in_dim3A_188 : f32 to vector<1x512xf32>
              %get3A_190 = arith.constant 0 : index
              %get3A_191 = arith.constant 0 : index
              %get3A_192 = arith.constant 0 : index
              %get3A_193 = vector.load %arg5[%get3A_190, %get3A_191, %get3A_192] : memref<1x4096x512xf32, #tpu.memory_space<vmem>>, vector<1x512x512xf32>
              %get3A_194 = vector.shape_cast %get3A_193 : vector<1x512x512xf32> to vector<512x512xf32>
              %add3A_195 = arith.constant 0 : i32
              %add3A_196 = vector.broadcast %add3A_195 : i32 to vector<512x512xi32>
              %add3A_197 = arith.addi %iota3A, %add3A_196 : vector<512x512xi32>
              %lt3A_198 = vector.broadcast %get3A_0 : i32 to vector<512x512xi32>
              %lt3A_199 = arith.cmpi slt, %add3A_197, %lt3A_198 : vector<512x512xi32>
              %ge3A = vector.broadcast %bitcast_convert_type3A_186 : vector<1x512xf32> to vector<512x512xf32>
              %ge3A_200 = arith.cmpf oge, %get3A_194, %ge3A : vector<512x512xf32>
              %and3A_201 = arith.andi %lt3A_199, %ge3A_200 : vector<512x512xi1>
              %le3A = vector.broadcast %bitcast_convert_type3A_187 : vector<1x512xf32> to vector<512x512xf32>
              %le3A_202 = arith.cmpf ole, %get3A_194, %le3A : vector<512x512xf32>
              %and3A_203 = arith.andi %and3A_201, %le3A_202 : vector<512x512xi1>
              %jit3A_204 = arith.constant 0.000000e+00 : f32
              %broadcast_in_dim3A_205 = vector.broadcast %jit3A_204 : f32 to vector<512x512xf32>
              %select_n3A_206 = arith.select %and3A_203, %get3A_194, %broadcast_in_dim3A_205 : vector<512x512xi1>, vector<512x512xf32>
              %reduce_sum3A = arith.constant dense<0.000000e+00> : vector<512xf32>
              %reduce_sum3A_207 = vector.multi_reduction <add>, %select_n3A_206, %reduce_sum3A [0] : vector<512x512xf32> to vector<512xf32>
              %broadcast_in_dim3A_208 = vector.shape_cast %reduce_sum3A_207 : vector<512xf32> to vector<1x512xf32>
              %add3A_209 = arith.addf %broadcast_in_dim3A_189, %broadcast_in_dim3A_208 : vector<1x512xf32>
              %jit3A_210 = arith.constant 1.000000e+00 : f32
              %jit3A_211 = arith.constant 0.000000e+00 : f32
              %broadcast_in_dim3A_212 = vector.broadcast %jit3A_210 : f32 to vector<512x512xf32>
              %broadcast_in_dim3A_213 = vector.broadcast %jit3A_211 : f32 to vector<512x512xf32>
              %select_n3A_214 = arith.select %and3A_203, %broadcast_in_dim3A_212, %broadcast_in_dim3A_213 : vector<512x512xi1>, vector<512x512xf32>
              %reduce_sum3A_215 = arith.constant dense<0.000000e+00> : vector<512xf32>
              %reduce_sum3A_216 = vector.multi_reduction <add>, %select_n3A_214, %reduce_sum3A_215 [0] : vector<512x512xf32> to vector<512xf32>
              %broadcast_in_dim3A_217 = vector.shape_cast %reduce_sum3A_216 : vector<512xf32> to vector<1x512xf32>
              %add3A_218 = arith.addf %broadcast_in_dim3A_189, %broadcast_in_dim3A_217 : vector<1x512xf32>
              %get3A_219 = arith.constant 0 : index
              %get3A_220 = arith.constant 512 : index
              %get3A_221 = arith.constant 0 : index
              %get3A_222 = vector.load %arg5[%get3A_219, %get3A_220, %get3A_221] : memref<1x4096x512xf32, #tpu.memory_space<vmem>>, vector<1x512x512xf32>
              %get3A_223 = vector.shape_cast %get3A_222 : vector<1x512x512xf32> to vector<512x512xf32>
              %add3A_224 = arith.constant 512 : i32
              %add3A_225 = vector.broadcast %add3A_224 : i32 to vector<512x512xi32>
              %add3A_226 = arith.addi %iota3A, %add3A_225 : vector<512x512xi32>
              %lt3A_227 = vector.broadcast %get3A_0 : i32 to vector<512x512xi32>
              %lt3A_228 = arith.cmpi slt, %add3A_226, %lt3A_227 : vector<512x512xi32>
              %ge3A_229 = vector.broadcast %bitcast_convert_type3A_186 : vector<1x512xf32> to vector<512x512xf32>
              %ge3A_230 = arith.cmpf oge, %get3A_223, %ge3A_229 : vector<512x512xf32>
              %and3A_231 = arith.andi %lt3A_228, %ge3A_230 : vector<512x512xi1>
              %le3A_232 = vector.broadcast %bitcast_convert_type3A_187 : vector<1x512xf32> to vector<512x512xf32>
              %le3A_233 = arith.cmpf ole, %get3A_223, %le3A_232 : vector<512x512xf32>
              %and3A_234 = arith.andi %and3A_231, %le3A_233 : vector<512x512xi1>
              %jit3A_235 = arith.constant 0.000000e+00 : f32
              %broadcast_in_dim3A_236 = vector.broadcast %jit3A_235 : f32 to vector<512x512xf32>
              %select_n3A_237 = arith.select %and3A_234, %get3A_223, %broadcast_in_dim3A_236 : vector<512x512xi1>, vector<512x512xf32>
              %reduce_sum3A_238 = arith.constant dense<0.000000e+00> : vector<512xf32>
              %reduce_sum3A_239 = vector.multi_reduction <add>, %select_n3A_237, %reduce_sum3A_238 [0] : vector<512x512xf32> to vector<512xf32>
              %broadcast_in_dim3A_240 = vector.shape_cast %reduce_sum3A_239 : vector<512xf32> to vector<1x512xf32>
              %add3A_241 = arith.addf %add3A_209, %broadcast_in_dim3A_240 : vector<1x512xf32>
              %jit3A_242 = arith.constant 1.000000e+00 : f32
              %jit3A_243 = arith.constant 0.000000e+00 : f32
              %broadcast_in_dim3A_244 = vector.broadcast %jit3A_242 : f32 to vector<512x512xf32>
              %broadcast_in_dim3A_245 = vector.broadcast %jit3A_243 : f32 to vector<512x512xf32>
              %select_n3A_246 = arith.select %and3A_234, %broadcast_in_dim3A_244, %broadcast_in_dim3A_245 : vector<512x512xi1>, vector<512x512xf32>
              %reduce_sum3A_247 = arith.constant dense<0.000000e+00> : vector<512xf32>
              %reduce_sum3A_248 = vector.multi_reduction <add>, %select_n3A_246, %reduce_sum3A_247 [0] : vector<512x512xf32> to vector<512xf32>
              %broadcast_in_dim3A_249 = vector.shape_cast %reduce_sum3A_248 : vector<512xf32> to vector<1x512xf32>
              %add3A_250 = arith.addf %add3A_218, %broadcast_in_dim3A_249 : vector<1x512xf32>
              %get3A_251 = arith.constant 0 : index
              %get3A_252 = arith.constant 1024 : index
              %get3A_253 = arith.constant 0 : index
              %get3A_254 = vector.load %arg5[%get3A_251, %get3A_252, %get3A_253] : memref<1x4096x512xf32, #tpu.memory_space<vmem>>, vector<1x512x512xf32>
              %get3A_255 = vector.shape_cast %get3A_254 : vector<1x512x512xf32> to vector<512x512xf32>
              %add3A_256 = arith.constant 1024 : i32
              %add3A_257 = vector.broadcast %add3A_256 : i32 to vector<512x512xi32>
              %add3A_258 = arith.addi %iota3A, %add3A_257 : vector<512x512xi32>
              %lt3A_259 = vector.broadcast %get3A_0 : i32 to vector<512x512xi32>
              %lt3A_260 = arith.cmpi slt, %add3A_258, %lt3A_259 : vector<512x512xi32>
              %ge3A_261 = vector.broadcast %bitcast_convert_type3A_186 : vector<1x512xf32> to vector<512x512xf32>
              %ge3A_262 = arith.cmpf oge, %get3A_255, %ge3A_261 : vector<512x512xf32>
              %and3A_263 = arith.andi %lt3A_260, %ge3A_262 : vector<512x512xi1>
              %le3A_264 = vector.broadcast %bitcast_convert_type3A_187 : vector<1x512xf32> to vector<512x512xf32>
              %le3A_265 = arith.cmpf ole, %get3A_255, %le3A_264 : vector<512x512xf32>
              %and3A_266 = arith.andi %and3A_263, %le3A_265 : vector<512x512xi1>
              %jit3A_267 = arith.constant 0.000000e+00 : f32
              %broadcast_in_dim3A_268 = vector.broadcast %jit3A_267 : f32 to vector<512x512xf32>
              %select_n3A_269 = arith.select %and3A_266, %get3A_255, %broadcast_in_dim3A_268 : vector<512x512xi1>, vector<512x512xf32>
              %reduce_sum3A_270 = arith.constant dense<0.000000e+00> : vector<512xf32>
              %reduce_sum3A_271 = vector.multi_reduction <add>, %select_n3A_269, %reduce_sum3A_270 [0] : vector<512x512xf32> to vector<512xf32>
              %broadcast_in_dim3A_272 = vector.shape_cast %reduce_sum3A_271 : vector<512xf32> to vector<1x512xf32>
              %add3A_273 = arith.addf %add3A_241, %broadcast_in_dim3A_272 : vector<1x512xf32>
              %jit3A_274 = arith.constant 1.000000e+00 : f32
              %jit3A_275 = arith.constant 0.000000e+00 : f32
              %broadcast_in_dim3A_276 = vector.broadcast %jit3A_274 : f32 to vector<512x512xf32>
              %broadcast_in_dim3A_277 = vector.broadcast %jit3A_275 : f32 to vector<512x512xf32>
              %select_n3A_278 = arith.select %and3A_266, %broadcast_in_dim3A_276, %broadcast_in_dim3A_277 : vector<512x512xi1>, vector<512x512xf32>
              %reduce_sum3A_279 = arith.constant dense<0.000000e+00> : vector<512xf32>
              %reduce_sum3A_280 = vector.multi_reduction <add>, %select_n3A_278, %reduce_sum3A_279 [0] : vector<512x512xf32> to vector<512xf32>
              %broadcast_in_dim3A_281 = vector.shape_cast %reduce_sum3A_280 : vector<512xf32> to vector<1x512xf32>
              %add3A_282 = arith.addf %add3A_250, %broadcast_in_dim3A_281 : vector<1x512xf32>
              %get3A_283 = arith.constant 0 : index
              %get3A_284 = arith.constant 1536 : index
              %get3A_285 = arith.constant 0 : index
              %get3A_286 = vector.load %arg5[%get3A_283, %get3A_284, %get3A_285] : memref<1x4096x512xf32, #tpu.memory_space<vmem>>, vector<1x512x512xf32>
              %get3A_287 = vector.shape_cast %get3A_286 : vector<1x512x512xf32> to vector<512x512xf32>
              %add3A_288 = arith.constant 1536 : i32
              %add3A_289 = vector.broadcast %add3A_288 : i32 to vector<512x512xi32>
              %add3A_290 = arith.addi %iota3A, %add3A_289 : vector<512x512xi32>
              %lt3A_291 = vector.broadcast %get3A_0 : i32 to vector<512x512xi32>
              %lt3A_292 = arith.cmpi slt, %add3A_290, %lt3A_291 : vector<512x512xi32>
              %ge3A_293 = vector.broadcast %bitcast_convert_type3A_186 : vector<1x512xf32> to vector<512x512xf32>
              %ge3A_294 = arith.cmpf oge, %get3A_287, %ge3A_293 : vector<512x512xf32>
              %and3A_295 = arith.andi %lt3A_292, %ge3A_294 : vector<512x512xi1>
              %le3A_296 = vector.broadcast %bitcast_convert_type3A_187 : vector<1x512xf32> to vector<512x512xf32>
              %le3A_297 = arith.cmpf ole, %get3A_287, %le3A_296 : vector<512x512xf32>
              %and3A_298 = arith.andi %and3A_295, %le3A_297 : vector<512x512xi1>
              %jit3A_299 = arith.constant 0.000000e+00 : f32
              %broadcast_in_dim3A_300 = vector.broadcast %jit3A_299 : f32 to vector<512x512xf32>
              %select_n3A_301 = arith.select %and3A_298, %get3A_287, %broadcast_in_dim3A_300 : vector<512x512xi1>, vector<512x512xf32>
              %reduce_sum3A_302 = arith.constant dense<0.000000e+00> : vector<512xf32>
              %reduce_sum3A_303 = vector.multi_reduction <add>, %select_n3A_301, %reduce_sum3A_302 [0] : vector<512x512xf32> to vector<512xf32>
              %broadcast_in_dim3A_304 = vector.shape_cast %reduce_sum3A_303 : vector<512xf32> to vector<1x512xf32>
              %add3A_305 = arith.addf %add3A_273, %broadcast_in_dim3A_304 : vector<1x512xf32>
              %jit3A_306 = arith.constant 1.000000e+00 : f32
              %jit3A_307 = arith.constant 0.000000e+00 : f32
              %broadcast_in_dim3A_308 = vector.broadcast %jit3A_306 : f32 to vector<512x512xf32>
              %broadcast_in_dim3A_309 = vector.broadcast %jit3A_307 : f32 to vector<512x512xf32>
              %select_n3A_310 = arith.select %and3A_298, %broadcast_in_dim3A_308, %broadcast_in_dim3A_309 : vector<512x512xi1>, vector<512x512xf32>
              %reduce_sum3A_311 = arith.constant dense<0.000000e+00> : vector<512xf32>
              %reduce_sum3A_312 = vector.multi_reduction <add>, %select_n3A_310, %reduce_sum3A_311 [0] : vector<512x512xf32> to vector<512xf32>
              %broadcast_in_dim3A_313 = vector.shape_cast %reduce_sum3A_312 : vector<512xf32> to vector<1x512xf32>
              %add3A_314 = arith.addf %add3A_282, %broadcast_in_dim3A_313 : vector<1x512xf32>
              %get3A_315 = arith.constant 0 : index
              %get3A_316 = arith.constant 2048 : index
              %get3A_317 = arith.constant 0 : index
              %get3A_318 = vector.load %arg5[%get3A_315, %get3A_316, %get3A_317] : memref<1x4096x512xf32, #tpu.memory_space<vmem>>, vector<1x512x512xf32>
              %get3A_319 = vector.shape_cast %get3A_318 : vector<1x512x512xf32> to vector<512x512xf32>
              %add3A_320 = arith.constant 2048 : i32
              %add3A_321 = vector.broadcast %add3A_320 : i32 to vector<512x512xi32>
              %add3A_322 = arith.addi %iota3A, %add3A_321 : vector<512x512xi32>
              %lt3A_323 = vector.broadcast %get3A_0 : i32 to vector<512x512xi32>
              %lt3A_324 = arith.cmpi slt, %add3A_322, %lt3A_323 : vector<512x512xi32>
              %ge3A_325 = vector.broadcast %bitcast_convert_type3A_186 : vector<1x512xf32> to vector<512x512xf32>
              %ge3A_326 = arith.cmpf oge, %get3A_319, %ge3A_325 : vector<512x512xf32>
              %and3A_327 = arith.andi %lt3A_324, %ge3A_326 : vector<512x512xi1>
              %le3A_328 = vector.broadcast %bitcast_convert_type3A_187 : vector<1x512xf32> to vector<512x512xf32>
              %le3A_329 = arith.cmpf ole, %get3A_319, %le3A_328 : vector<512x512xf32>
              %and3A_330 = arith.andi %and3A_327, %le3A_329 : vector<512x512xi1>
              %jit3A_331 = arith.constant 0.000000e+00 : f32
              %broadcast_in_dim3A_332 = vector.broadcast %jit3A_331 : f32 to vector<512x512xf32>
              %select_n3A_333 = arith.select %and3A_330, %get3A_319, %broadcast_in_dim3A_332 : vector<512x512xi1>, vector<512x512xf32>
              %reduce_sum3A_334 = arith.constant dense<0.000000e+00> : vector<512xf32>
              %reduce_sum3A_335 = vector.multi_reduction <add>, %select_n3A_333, %reduce_sum3A_334 [0] : vector<512x512xf32> to vector<512xf32>
              %broadcast_in_dim3A_336 = vector.shape_cast %reduce_sum3A_335 : vector<512xf32> to vector<1x512xf32>
              %add3A_337 = arith.addf %add3A_305, %broadcast_in_dim3A_336 : vector<1x512xf32>
              %jit3A_338 = arith.constant 1.000000e+00 : f32
              %jit3A_339 = arith.constant 0.000000e+00 : f32
              %broadcast_in_dim3A_340 = vector.broadcast %jit3A_338 : f32 to vector<512x512xf32>
              %broadcast_in_dim3A_341 = vector.broadcast %jit3A_339 : f32 to vector<512x512xf32>
              %select_n3A_342 = arith.select %and3A_330, %broadcast_in_dim3A_340, %broadcast_in_dim3A_341 : vector<512x512xi1>, vector<512x512xf32>
              %reduce_sum3A_343 = arith.constant dense<0.000000e+00> : vector<512xf32>
              %reduce_sum3A_344 = vector.multi_reduction <add>, %select_n3A_342, %reduce_sum3A_343 [0] : vector<512x512xf32> to vector<512xf32>
              %broadcast_in_dim3A_345 = vector.shape_cast %reduce_sum3A_344 : vector<512xf32> to vector<1x512xf32>
              %add3A_346 = arith.addf %add3A_314, %broadcast_in_dim3A_345 : vector<1x512xf32>
              %div3A_347 = arith.divf %add3A_337, %add3A_346 : vector<1x512xf32>
              %squeeze3A = vector.shape_cast %div3A_347 : vector<1x512xf32> to vector<512xf32>
              %swap3A_348 = arith.constant 0 : index
              %swap3A_349 = arith.constant 0 : index
              %swap3A_350 = arith.constant 0 : index
              %swap3A_351 = arith.constant 0 : index
              %swap3A_352 = vector.load %arg6[%swap3A_348, %swap3A_349, %swap3A_350, %swap3A_351] : memref<1x1x1x512xf32, #tpu.memory_space<vmem>>, vector<1x1x1x512xf32>
              %swap3A_353 = vector.shape_cast %swap3A_352 : vector<1x1x1x512xf32> to vector<512xf32>
              %swap3A_354 = vector.shape_cast %squeeze3A : vector<512xf32> to vector<1x1x1x512xf32>
              tpu.vector_store %arg6[%swap3A_348, %swap3A_349, %swap3A_350, %swap3A_351], %swap3A_354 {strides = array<i32>} : memref<1x1x1x512xf32, #tpu.memory_space<vmem>>, vector<1x1x1x512xf32>,
            }
          } else {
            %get3A_42 = arith.constant 0 : index
            %get3A_43 = arith.constant 0 : index
            %get3A_44 = arith.constant 0 : index
            %get3A_45 = vector.load %arg5[%get3A_42, %get3A_43, %get3A_44] : memref<1x4096x512xf32, #tpu.memory_space<vmem>>, vector<1x512x512xf32>
            %get3A_46 = vector.shape_cast %get3A_45 : vector<1x512x512xf32> to vector<512x512xf32>
            %bitcast_convert_type3A = tpu.bitcast %get3A_46 : vector<512x512xf32> -> vector<512x512xi32>
            %lt3A = arith.constant 0 : i32
            %lt3A_47 = vector.broadcast %lt3A : i32 to vector<512x512xi32>
            %lt3A_48 = arith.cmpi slt, %bitcast_convert_type3A, %lt3A_47 : vector<512x512xi32>
            %xor3A = arith.constant 2147483647 : i32
            %xor3A_49 = vector.broadcast %xor3A : i32 to vector<512x512xi32>
            %xor3A_50 = arith.xori %bitcast_convert_type3A, %xor3A_49 : vector<512x512xi32>
            %select_n3A_51 = arith.select %lt3A_48, %xor3A_50, %bitcast_convert_type3A : vector<512x512xi1>, vector<512x512xi32>
            %add3A_52 = arith.constant 0 : i32
            %add3A_53 = vector.broadcast %add3A_52 : i32 to vector<512x512xi32>
            %add3A_54 = arith.addi %iota3A, %add3A_53 : vector<512x512xi32>
            %lt3A_55 = vector.broadcast %get3A_0 : i32 to vector<512x512xi32>
            %lt3A_56 = arith.cmpi slt, %add3A_54, %lt3A_55 : vector<512x512xi32>
            %jit3A_57 = arith.constant 2147483647 : i32
            %broadcast_in_dim3A_58 = vector.broadcast %jit3A_57 : i32 to vector<512x512xi32>
            %select_n3A_59 = arith.select %lt3A_56, %select_n3A_51, %broadcast_in_dim3A_58 : vector<512x512xi1>, vector<512x512xi32>
            %swap3A = arith.constant 0 : index
            %swap3A_60 = arith.constant 0 : index
            %swap3A_61 = vector.load %arg7[%swap3A, %swap3A_60] : memref<4096x512xi32, #tpu.memory_space<vmem>>, vector<512x512xi32>
            tpu.vector_store %arg7[%swap3A, %swap3A_60], %select_n3A_59 {strides = array<i32>} : memref<4096x512xi32, #tpu.memory_space<vmem>>, vector<512x512xi32>,
            %get3A_62 = arith.constant 0 : index
            %get3A_63 = arith.constant 512 : index
            %get3A_64 = arith.constant 0 : index
            %get3A_65 = vector.load %arg5[%get3A_62, %get3A_63, %get3A_64] : memref<1x4096x512xf32, #tpu.memory_space<vmem>>, vector<1x512x512xf32>
            %get3A_66 = vector.shape_cast %get3A_65 : vector<1x512x512xf32> to vector<512x512xf32>
            %bitcast_convert_type3A_67 = tpu.bitcast %get3A_66 : vector<512x512xf32> -> vector<512x512xi32>
            %lt3A_68 = arith.constant 0 : i32
            %lt3A_69 = vector.broadcast %lt3A_68 : i32 to vector<512x512xi32>
            %lt3A_70 = arith.cmpi slt, %bitcast_convert_type3A_67, %lt3A_69 : vector<512x512xi32>
            %xor3A_71 = arith.constant 2147483647 : i32
            %xor3A_72 = vector.broadcast %xor3A_71 : i32 to vector<512x512xi32>
            %xor3A_73 = arith.xori %bitcast_convert_type3A_67, %xor3A_72 : vector<512x512xi32>
            %select_n3A_74 = arith.select %lt3A_70, %xor3A_73, %bitcast_convert_type3A_67 : vector<512x512xi1>, vector<512x512xi32>
            %add3A_75 = arith.constant 512 : i32
            %add3A_76 = vector.broadcast %add3A_75 : i32 to vector<512x512xi32>
            %add3A_77 = arith.addi %iota3A, %add3A_76 : vector<512x512xi32>
            %lt3A_78 = vector.broadcast %get3A_0 : i32 to vector<512x512xi32>
            %lt3A_79 = arith.cmpi slt, %add3A_77, %lt3A_78 : vector<512x512xi32>
            %jit3A_80 = arith.constant 2147483647 : i32
            %broadcast_in_dim3A_81 = vector.broadcast %jit3A_80 : i32 to vector<512x512xi32>
            %select_n3A_82 = arith.select %lt3A_79, %select_n3A_74, %broadcast_in_dim3A_81 : vector<512x512xi1>, vector<512x512xi32>
            %swap3A_83 = arith.constant 512 : index
            %swap3A_84 = arith.constant 0 : index
            %swap3A_85 = vector.load %arg7[%swap3A_83, %swap3A_84] : memref<4096x512xi32, #tpu.memory_space<vmem>>, vector<512x512xi32>
            tpu.vector_store %arg7[%swap3A_83, %swap3A_84], %select_n3A_82 {strides = array<i32>} : memref<4096x512xi32, #tpu.memory_space<vmem>>, vector<512x512xi32>,
            %get3A_86 = arith.constant 0 : index
            %get3A_87 = arith.constant 1024 : index
            %get3A_88 = arith.constant 0 : index
            %get3A_89 = vector.load %arg5[%get3A_86, %get3A_87, %get3A_88] : memref<1x4096x512xf32, #tpu.memory_space<vmem>>, vector<1x512x512xf32>
            %get3A_90 = vector.shape_cast %get3A_89 : vector<1x512x512xf32> to vector<512x512xf32>
            %bitcast_convert_type3A_91 = tpu.bitcast %get3A_90 : vector<512x512xf32> -> vector<512x512xi32>
            %lt3A_92 = arith.constant 0 : i32
            %lt3A_93 = vector.broadcast %lt3A_92 : i32 to vector<512x512xi32>
            %lt3A_94 = arith.cmpi slt, %bitcast_convert_type3A_91, %lt3A_93 : vector<512x512xi32>
            %xor3A_95 = arith.constant 2147483647 : i32
            %xor3A_96 = vector.broadcast %xor3A_95 : i32 to vector<512x512xi32>
            %xor3A_97 = arith.xori %bitcast_convert_type3A_91, %xor3A_96 : vector<512x512xi32>
            %select_n3A_98 = arith.select %lt3A_94, %xor3A_97, %bitcast_convert_type3A_91 : vector<512x512xi1>, vector<512x512xi32>
            %add3A_99 = arith.constant 1024 : i32
            %add3A_100 = vector.broadcast %add3A_99 : i32 to vector<512x512xi32>
            %add3A_101 = arith.addi %iota3A, %add3A_100 : vector<512x512xi32>
            %lt3A_102 = vector.broadcast %get3A_0 : i32 to vector<512x512xi32>
            %lt3A_103 = arith.cmpi slt, %add3A_101, %lt3A_102 : vector<512x512xi32>
            %jit3A_104 = arith.constant 2147483647 : i32
            %broadcast_in_dim3A_105 = vector.broadcast %jit3A_104 : i32 to vector<512x512xi32>
            %select_n3A_106 = arith.select %lt3A_103, %select_n3A_98, %broadcast_in_dim3A_105 : vector<512x512xi1>, vector<512x512xi32>
            %swap3A_107 = arith.constant 1024 : index
            %swap3A_108 = arith.constant 0 : index
            %swap3A_109 = vector.load %arg7[%swap3A_107, %swap3A_108] : memref<4096x512xi32, #tpu.memory_space<vmem>>, vector<512x512xi32>
            tpu.vector_store %arg7[%swap3A_107, %swap3A_108], %select_n3A_106 {strides = array<i32>} : memref<4096x512xi32, #tpu.memory_space<vmem>>, vector<512x512xi32>,
            %get3A_110 = arith.constant 0 : index
            %get3A_111 = arith.constant 1536 : index
            %get3A_112 = arith.constant 0 : index
            %get3A_113 = vector.load %arg5[%get3A_110, %get3A_111, %get3A_112] : memref<1x4096x512xf32, #tpu.memory_space<vmem>>, vector<1x512x512xf32>
            %get3A_114 = vector.shape_cast %get3A_113 : vector<1x512x512xf32> to vector<512x512xf32>
            %bitcast_convert_type3A_115 = tpu.bitcast %get3A_114 : vector<512x512xf32> -> vector<512x512xi32>
            %lt3A_116 = arith.constant 0 : i32
            %lt3A_117 = vector.broadcast %lt3A_116 : i32 to vector<512x512xi32>
            %lt3A_118 = arith.cmpi slt, %bitcast_convert_type3A_115, %lt3A_117 : vector<512x512xi32>
            %xor3A_119 = arith.constant 2147483647 : i32
            %xor3A_120 = vector.broadcast %xor3A_119 : i32 to vector<512x512xi32>
            %xor3A_121 = arith.xori %bitcast_convert_type3A_115, %xor3A_120 : vector<512x512xi32>
            %select_n3A_122 = arith.select %lt3A_118, %xor3A_121, %bitcast_convert_type3A_115 : vector<512x512xi1>, vector<512x512xi32>
            %add3A_123 = arith.constant 1536 : i32
            %add3A_124 = vector.broadcast %add3A_123 : i32 to vector<512x512xi32>
            %add3A_125 = arith.addi %iota3A, %add3A_124 : vector<512x512xi32>
            %lt3A_126 = vector.broadcast %get3A_0 : i32 to vector<512x512xi32>
            %lt3A_127 = arith.cmpi slt, %add3A_125, %lt3A_126 : vector<512x512xi32>
            %jit3A_128 = arith.constant 2147483647 : i32
            %broadcast_in_dim3A_129 = vector.broadcast %jit3A_128 : i32 to vector<512x512xi32>
            %select_n3A_130 = arith.select %lt3A_127, %select_n3A_122, %broadcast_in_dim3A_129 : vector<512x512xi1>, vector<512x512xi32>
            %swap3A_131 = arith.constant 1536 : index
            %swap3A_132 = arith.constant 0 : index
            %swap3A_133 = vector.load %arg7[%swap3A_131, %swap3A_132] : memref<4096x512xi32, #tpu.memory_space<vmem>>, vector<512x512xi32>
            tpu.vector_store %arg7[%swap3A_131, %swap3A_132], %select_n3A_130 {strides = array<i32>} : memref<4096x512xi32, #tpu.memory_space<vmem>>, vector<512x512xi32>,
            %broadcast_in_dim3A_134 = arith.constant 0 : i32
            %broadcast_in_dim3A_135 = vector.broadcast %broadcast_in_dim3A_134 : i32 to vector<1x512xi32>
            %scan3A = arith.constant 0 : i32
            %scan3A_136 = arith.constant 32 : i32
            %scan3A_137 = arith.addi %scan3A, %scan3A_136 : i32
            %scan3A_138 = arith.constant 1 : i32
            %scan3A_139:2 = scf.for %scan3A_295 = %scan3A to %scan3A_137 step %scan3A_138 iter_args(%scan3A_296 = %broadcast_in_dim3A_135, %scan3A_297 = %broadcast_in_dim3A_135) -> (vector<1x512xi32>, vector<1x512xi32>)  : i32 {
              %sub3A_298 = arith.constant 31 : i32
              %sub3A_299 = arith.subi %sub3A_298, %scan3A_295 : i32
              %shift_left3A = arith.constant 1 : i32
              %shift_left3A_300 = arith.shli %shift_left3A, %sub3A_299 : i32
              %or3A = vector.broadcast %shift_left3A_300 : i32 to vector<1x512xi32>
              %or3A_301 = arith.ori %scan3A_296, %or3A : vector<1x512xi32>
              %xor3A_302 = arith.constant -2147483648 : i32
              %xor3A_303 = vector.broadcast %xor3A_302 : i32 to vector<1x512xi32>
              %xor3A_304 = arith.xori %or3A_301, %xor3A_303 : vector<1x512xi32>
              %or3A_305 = vector.broadcast %shift_left3A_300 : i32 to vector<1x512xi32>
              %or3A_306 = arith.ori %scan3A_297, %or3A_305 : vector<1x512xi32>
              %xor3A_307 = arith.constant -2147483648 : i32
              %xor3A_308 = vector.broadcast %xor3A_307 : i32 to vector<1x512xi32>
              %xor3A_309 = arith.xori %or3A_306, %xor3A_308 : vector<1x512xi32>
              %broadcast_in_dim3A_310 = arith.constant 0.000000e+00 : f32
              %broadcast_in_dim3A_311 = vector.broadcast %broadcast_in_dim3A_310 : f32 to vector<1x512xf32>
              %get3A_312 = arith.constant 0 : index
              %get3A_313 = arith.constant 0 : index
              %get3A_314 = vector.load %arg7[%get3A_312, %get3A_313] : memref<4096x512xi32, #tpu.memory_space<vmem>>, vector<512x512xi32>
              %lt3A_315 = vector.broadcast %xor3A_304 : vector<1x512xi32> to vector<512x512xi32>
              %lt3A_316 = arith.cmpi slt, %get3A_314, %lt3A_315 : vector<512x512xi32>
              %jit3A_317 = arith.constant 1.000000e+00 : f32
              %jit3A_318 = arith.constant 0.000000e+00 : f32
              %broadcast_in_dim3A_319 = vector.broadcast %jit3A_317 : f32 to vector<512x512xf32>
              %broadcast_in_dim3A_320 = vector.broadcast %jit3A_318 : f32 to vector<512x512xf32>
              %select_n3A_321 = arith.select %lt3A_316, %broadcast_in_dim3A_319, %broadcast_in_dim3A_320 : vector<512x512xi1>, vector<512x512xf32>
              %dot_general3A = arith.constant dense<0.000000e+00> : vector<1x512xf32>
              %dot_general3A_322 = tpu.matmul %broadcast_in_dim3A_22, %select_n3A_321, %dot_general3A {dimension_numbers = #tpu.dot_dimension_numbers<[1], [0], [0], [1], [0, 0, 1, 1], [], []>, transpose_lhs_hint = false} : vector<1x512xf32>, vector<512x512xf32>, vector<1x512xf32> -> vector<1x512xf32>
              %add3A_323 = arith.addf %broadcast_in_dim3A_311, %dot_general3A_322 : vector<1x512xf32>
              %lt3A_324 = vector.broadcast %xor3A_309 : vector<1x512xi32> to vector<512x512xi32>
              %lt3A_325 = arith.cmpi slt, %get3A_314, %lt3A_324 : vector<512x512xi32>
              %jit3A_326 = arith.constant 1.000000e+00 : f32
              %jit3A_327 = arith.constant 0.000000e+00 : f32
              %broadcast_in_dim3A_328 = vector.broadcast %jit3A_326 : f32 to vector<512x512xf32>
              %broadcast_in_dim3A_329 = vector.broadcast %jit3A_327 : f32 to vector<512x512xf32>
              %select_n3A_330 = arith.select %lt3A_325, %broadcast_in_dim3A_328, %broadcast_in_dim3A_329 : vector<512x512xi1>, vector<512x512xf32>
              %dot_general3A_331 = arith.constant dense<0.000000e+00> : vector<1x512xf32>
              %dot_general3A_332 = tpu.matmul %broadcast_in_dim3A_22, %select_n3A_330, %dot_general3A_331 {dimension_numbers = #tpu.dot_dimension_numbers<[1], [0], [0], [1], [0, 0, 1, 1], [], []>, transpose_lhs_hint = false} : vector<1x512xf32>, vector<512x512xf32>, vector<1x512xf32> -> vector<1x512xf32>
              %add3A_333 = arith.addf %broadcast_in_dim3A_311, %dot_general3A_332 : vector<1x512xf32>
              %get3A_334 = arith.constant 512 : index
              %get3A_335 = arith.constant 0 : index
              %get3A_336 = vector.load %arg7[%get3A_334, %get3A_335] : memref<4096x512xi32, #tpu.memory_space<vmem>>, vector<512x512xi32>
              %lt3A_337 = vector.broadcast %xor3A_304 : vector<1x512xi32> to vector<512x512xi32>
              %lt3A_338 = arith.cmpi slt, %get3A_336, %lt3A_337 : vector<512x512xi32>
              %jit3A_339 = arith.constant 1.000000e+00 : f32
              %jit3A_340 = arith.constant 0.000000e+00 : f32
              %broadcast_in_dim3A_341 = vector.broadcast %jit3A_339 : f32 to vector<512x512xf32>
              %broadcast_in_dim3A_342 = vector.broadcast %jit3A_340 : f32 to vector<512x512xf32>
              %select_n3A_343 = arith.select %lt3A_338, %broadcast_in_dim3A_341, %broadcast_in_dim3A_342 : vector<512x512xi1>, vector<512x512xf32>
              %dot_general3A_344 = arith.constant dense<0.000000e+00> : vector<1x512xf32>
              %dot_general3A_345 = tpu.matmul %broadcast_in_dim3A_22, %select_n3A_343, %dot_general3A_344 {dimension_numbers = #tpu.dot_dimension_numbers<[1], [0], [0], [1], [0, 0, 1, 1], [], []>, transpose_lhs_hint = false} : vector<1x512xf32>, vector<512x512xf32>, vector<1x512xf32> -> vector<1x512xf32>
              %add3A_346 = arith.addf %add3A_323, %dot_general3A_345 : vector<1x512xf32>
              %lt3A_347 = vector.broadcast %xor3A_309 : vector<1x512xi32> to vector<512x512xi32>
              %lt3A_348 = arith.cmpi slt, %get3A_336, %lt3A_347 : vector<512x512xi32>
              %jit3A_349 = arith.constant 1.000000e+00 : f32
              %jit3A_350 = arith.constant 0.000000e+00 : f32
              %broadcast_in_dim3A_351 = vector.broadcast %jit3A_349 : f32 to vector<512x512xf32>
              %broadcast_in_dim3A_352 = vector.broadcast %jit3A_350 : f32 to vector<512x512xf32>
              %select_n3A_353 = arith.select %lt3A_348, %broadcast_in_dim3A_351, %broadcast_in_dim3A_352 : vector<512x512xi1>, vector<512x512xf32>
              %dot_general3A_354 = arith.constant dense<0.000000e+00> : vector<1x512xf32>
              %dot_general3A_355 = tpu.matmul %broadcast_in_dim3A_22, %select_n3A_353, %dot_general3A_354 {dimension_numbers = #tpu.dot_dimension_numbers<[1], [0], [0], [1], [0, 0, 1, 1], [], []>, transpose_lhs_hint = false} : vector<1x512xf32>, vector<512x512xf32>, vector<1x512xf32> -> vector<1x512xf32>
              %add3A_356 = arith.addf %add3A_333, %dot_general3A_355 : vector<1x512xf32>
              %get3A_357 = arith.constant 1024 : index
              %get3A_358 = arith.constant 0 : index
              %get3A_359 = vector.load %arg7[%get3A_357, %get3A_358] : memref<4096x512xi32, #tpu.memory_space<vmem>>, vector<512x512xi32>
              %lt3A_360 = vector.broadcast %xor3A_304 : vector<1x512xi32> to vector<512x512xi32>
              %lt3A_361 = arith.cmpi slt, %get3A_359, %lt3A_360 : vector<512x512xi32>
              %jit3A_362 = arith.constant 1.000000e+00 : f32
              %jit3A_363 = arith.constant 0.000000e+00 : f32
              %broadcast_in_dim3A_364 = vector.broadcast %jit3A_362 : f32 to vector<512x512xf32>
              %broadcast_in_dim3A_365 = vector.broadcast %jit3A_363 : f32 to vector<512x512xf32>
              %select_n3A_366 = arith.select %lt3A_361, %broadcast_in_dim3A_364, %broadcast_in_dim3A_365 : vector<512x512xi1>, vector<512x512xf32>
              %dot_general3A_367 = arith.constant dense<0.000000e+00> : vector<1x512xf32>
              %dot_general3A_368 = tpu.matmul %broadcast_in_dim3A_22, %select_n3A_366, %dot_general3A_367 {dimension_numbers = #tpu.dot_dimension_numbers<[1], [0], [0], [1], [0, 0, 1, 1], [], []>, transpose_lhs_hint = false} : vector<1x512xf32>, vector<512x512xf32>, vector<1x512xf32> -> vector<1x512xf32>
              %add3A_369 = arith.addf %add3A_346, %dot_general3A_368 : vector<1x512xf32>
              %lt3A_370 = vector.broadcast %xor3A_309 : vector<1x512xi32> to vector<512x512xi32>
              %lt3A_371 = arith.cmpi slt, %get3A_359, %lt3A_370 : vector<512x512xi32>
              %jit3A_372 = arith.constant 1.000000e+00 : f32
              %jit3A_373 = arith.constant 0.000000e+00 : f32
              %broadcast_in_dim3A_374 = vector.broadcast %jit3A_372 : f32 to vector<512x512xf32>
              %broadcast_in_dim3A_375 = vector.broadcast %jit3A_373 : f32 to vector<512x512xf32>
              %select_n3A_376 = arith.select %lt3A_371, %broadcast_in_dim3A_374, %broadcast_in_dim3A_375 : vector<512x512xi1>, vector<512x512xf32>
              %dot_general3A_377 = arith.constant dense<0.000000e+00> : vector<1x512xf32>
              %dot_general3A_378 = tpu.matmul %broadcast_in_dim3A_22, %select_n3A_376, %dot_general3A_377 {dimension_numbers = #tpu.dot_dimension_numbers<[1], [0], [0], [1], [0, 0, 1, 1], [], []>, transpose_lhs_hint = false} : vector<1x512xf32>, vector<512x512xf32>, vector<1x512xf32> -> vector<1x512xf32>
              %add3A_379 = arith.addf %add3A_356, %dot_general3A_378 : vector<1x512xf32>
              %get3A_380 = arith.constant 1536 : index
              %get3A_381 = arith.constant 0 : index
              %get3A_382 = vector.load %arg7[%get3A_380, %get3A_381] : memref<4096x512xi32, #tpu.memory_space<vmem>>, vector<512x512xi32>
              %lt3A_383 = vector.broadcast %xor3A_304 : vector<1x512xi32> to vector<512x512xi32>
              %lt3A_384 = arith.cmpi slt, %get3A_382, %lt3A_383 : vector<512x512xi32>
              %jit3A_385 = arith.constant 1.000000e+00 : f32
              %jit3A_386 = arith.constant 0.000000e+00 : f32
              %broadcast_in_dim3A_387 = vector.broadcast %jit3A_385 : f32 to vector<512x512xf32>
              %broadcast_in_dim3A_388 = vector.broadcast %jit3A_386 : f32 to vector<512x512xf32>
              %select_n3A_389 = arith.select %lt3A_384, %broadcast_in_dim3A_387, %broadcast_in_dim3A_388 : vector<512x512xi1>, vector<512x512xf32>
              %dot_general3A_390 = arith.constant dense<0.000000e+00> : vector<1x512xf32>
              %dot_general3A_391 = tpu.matmul %broadcast_in_dim3A_22, %select_n3A_389, %dot_general3A_390 {dimension_numbers = #tpu.dot_dimension_numbers<[1], [0], [0], [1], [0, 0, 1, 1], [], []>, transpose_lhs_hint = false} : vector<1x512xf32>, vector<512x512xf32>, vector<1x512xf32> -> vector<1x512xf32>
              %add3A_392 = arith.addf %add3A_369, %dot_general3A_391 : vector<1x512xf32>
              %lt3A_393 = vector.broadcast %xor3A_309 : vector<1x512xi32> to vector<512x512xi32>
              %lt3A_394 = arith.cmpi slt, %get3A_382, %lt3A_393 : vector<512x512xi32>
              %jit3A_395 = arith.constant 1.000000e+00 : f32
              %jit3A_396 = arith.constant 0.000000e+00 : f32
              %broadcast_in_dim3A_397 = vector.broadcast %jit3A_395 : f32 to vector<512x512xf32>
              %broadcast_in_dim3A_398 = vector.broadcast %jit3A_396 : f32 to vector<512x512xf32>
              %select_n3A_399 = arith.select %lt3A_394, %broadcast_in_dim3A_397, %broadcast_in_dim3A_398 : vector<512x512xi1>, vector<512x512xf32>
              %dot_general3A_400 = arith.constant dense<0.000000e+00> : vector<1x512xf32>
              %dot_general3A_401 = tpu.matmul %broadcast_in_dim3A_22, %select_n3A_399, %dot_general3A_400 {dimension_numbers = #tpu.dot_dimension_numbers<[1], [0], [0], [1], [0, 0, 1, 1], [], []>, transpose_lhs_hint = false} : vector<1x512xf32>, vector<512x512xf32>, vector<1x512xf32> -> vector<1x512xf32>
              %add3A_402 = arith.addf %add3A_379, %dot_general3A_401 : vector<1x512xf32>
              %le3A_403 = vector.broadcast %convert_element_type3A : f32 to vector<1x512xf32>
              %le3A_404 = arith.cmpf ole, %add3A_392, %le3A_403 : vector<1x512xf32>
              %or3A_405 = vector.broadcast %shift_left3A_300 : i32 to vector<1x512xi32>
              %or3A_406 = arith.ori %scan3A_296, %or3A_405 : vector<1x512xi32>
              %select_n3A_407 = arith.select %le3A_404, %or3A_406, %scan3A_296 : vector<1x512xi1>, vector<1x512xi32>
              %le3A_408 = vector.broadcast %convert_element_type3A_23 : f32 to vector<1x512xf32>
              %le3A_409 = arith.cmpf ole, %add3A_402, %le3A_408 : vector<1x512xf32>
              %or3A_410 = vector.broadcast %shift_left3A_300 : i32 to vector<1x512xi32>
              %or3A_411 = arith.ori %scan3A_297, %or3A_410 : vector<1x512xi32>
              %select_n3A_412 = arith.select %le3A_409, %or3A_411, %scan3A_297 : vector<1x512xi1>, vector<1x512xi32>
              scf.yield %select_n3A_407, %select_n3A_412 : vector<1x512xi32>, vector<1x512xi32>
            }
            %scan3A_140 = arith.constant 32 : i32
            %lt3A_141 = arith.constant 0 : i32
            %lt3A_142 = vector.broadcast %lt3A_141 : i32 to vector<1x512xi32>
            %lt3A_143 = arith.cmpi slt, %scan3A_139#0, %lt3A_142 : vector<1x512xi32>
            %and3A_144 = arith.constant 2147483647 : i32
            %and3A_145 = vector.broadcast %and3A_144 : i32 to vector<1x512xi32>
            %and3A_146 = arith.andi %scan3A_139#0, %and3A_145 : vector<1x512xi32>
            %not3A = arith.constant dense<-1> : vector<1x512xi32>
            %not3A_147 = arith.xori %scan3A_139#0, %not3A : vector<1x512xi32>
            %select_n3A_148 = arith.select %lt3A_143, %and3A_146, %not3A_147 : vector<1x512xi1>, vector<1x512xi32>
            %lt3A_149 = arith.constant 0 : i32
            %lt3A_150 = vector.broadcast %lt3A_149 : i32 to vector<1x512xi32>
            %lt3A_151 = arith.cmpi slt, %scan3A_139#1, %lt3A_150 : vector<1x512xi32>
            %and3A_152 = arith.constant 2147483647 : i32
            %and3A_153 = vector.broadcast %and3A_152 : i32 to vector<1x512xi32>
            %and3A_154 = arith.andi %scan3A_139#1, %and3A_153 : vector<1x512xi32>
            %not3A_155 = arith.constant dense<-1> : vector<1x512xi32>
            %not3A_156 = arith.xori %scan3A_139#1, %not3A_155 : vector<1x512xi32>
            %select_n3A_157 = arith.select %lt3A_151, %and3A_154, %not3A_156 : vector<1x512xi1>, vector<1x512xi32>
            %bitcast_convert_type3A_158 = tpu.bitcast %select_n3A_148 : vector<1x512xi32> -> vector<1x512xf32>
            %bitcast_convert_type3A_159 = tpu.bitcast %select_n3A_157 : vector<1x512xi32> -> vector<1x512xf32>
            %broadcast_in_dim3A_160 = arith.constant 0.000000e+00 : f32
            %broadcast_in_dim3A_161 = vector.broadcast %broadcast_in_dim3A_160 : f32 to vector<1x512xf32>
            %get3A_162 = arith.constant 0 : index
            %get3A_163 = arith.constant 0 : index
            %get3A_164 = arith.constant 0 : index
            %get3A_165 = vector.load %arg5[%get3A_162, %get3A_163, %get3A_164] : memref<1x4096x512xf32, #tpu.memory_space<vmem>>, vector<1x512x512xf32>
            %get3A_166 = vector.shape_cast %get3A_165 : vector<1x512x512xf32> to vector<512x512xf32>
            %add3A_167 = arith.constant 0 : i32
            %add3A_168 = vector.broadcast %add3A_167 : i32 to vector<512x512xi32>
            %add3A_169 = arith.addi %iota3A, %add3A_168 : vector<512x512xi32>
            %lt3A_170 = vector.broadcast %get3A_0 : i32 to vector<512x512xi32>
            %lt3A_171 = arith.cmpi slt, %add3A_169, %lt3A_170 : vector<512x512xi32>
            %ge3A = vector.broadcast %bitcast_convert_type3A_158 : vector<1x512xf32> to vector<512x512xf32>
            %ge3A_172 = arith.cmpf oge, %get3A_166, %ge3A : vector<512x512xf32>
            %and3A_173 = arith.andi %lt3A_171, %ge3A_172 : vector<512x512xi1>
            %le3A = vector.broadcast %bitcast_convert_type3A_159 : vector<1x512xf32> to vector<512x512xf32>
            %le3A_174 = arith.cmpf ole, %get3A_166, %le3A : vector<512x512xf32>
            %and3A_175 = arith.andi %and3A_173, %le3A_174 : vector<512x512xi1>
            %jit3A_176 = arith.constant 0.000000e+00 : f32
            %broadcast_in_dim3A_177 = vector.broadcast %jit3A_176 : f32 to vector<512x512xf32>
            %select_n3A_178 = arith.select %and3A_175, %get3A_166, %broadcast_in_dim3A_177 : vector<512x512xi1>, vector<512x512xf32>
            %reduce_sum3A = arith.constant dense<0.000000e+00> : vector<512xf32>
            %reduce_sum3A_179 = vector.multi_reduction <add>, %select_n3A_178, %reduce_sum3A [0] : vector<512x512xf32> to vector<512xf32>
            %broadcast_in_dim3A_180 = vector.shape_cast %reduce_sum3A_179 : vector<512xf32> to vector<1x512xf32>
            %add3A_181 = arith.addf %broadcast_in_dim3A_161, %broadcast_in_dim3A_180 : vector<1x512xf32>
            %jit3A_182 = arith.constant 1.000000e+00 : f32
            %jit3A_183 = arith.constant 0.000000e+00 : f32
            %broadcast_in_dim3A_184 = vector.broadcast %jit3A_182 : f32 to vector<512x512xf32>
            %broadcast_in_dim3A_185 = vector.broadcast %jit3A_183 : f32 to vector<512x512xf32>
            %select_n3A_186 = arith.select %and3A_175, %broadcast_in_dim3A_184, %broadcast_in_dim3A_185 : vector<512x512xi1>, vector<512x512xf32>
            %reduce_sum3A_187 = arith.constant dense<0.000000e+00> : vector<512xf32>
            %reduce_sum3A_188 = vector.multi_reduction <add>, %select_n3A_186, %reduce_sum3A_187 [0] : vector<512x512xf32> to vector<512xf32>
            %broadcast_in_dim3A_189 = vector.shape_cast %reduce_sum3A_188 : vector<512xf32> to vector<1x512xf32>
            %add3A_190 = arith.addf %broadcast_in_dim3A_161, %broadcast_in_dim3A_189 : vector<1x512xf32>
            %get3A_191 = arith.constant 0 : index
            %get3A_192 = arith.constant 512 : index
            %get3A_193 = arith.constant 0 : index
            %get3A_194 = vector.load %arg5[%get3A_191, %get3A_192, %get3A_193] : memref<1x4096x512xf32, #tpu.memory_space<vmem>>, vector<1x512x512xf32>
            %get3A_195 = vector.shape_cast %get3A_194 : vector<1x512x512xf32> to vector<512x512xf32>
            %add3A_196 = arith.constant 512 : i32
            %add3A_197 = vector.broadcast %add3A_196 : i32 to vector<512x512xi32>
            %add3A_198 = arith.addi %iota3A, %add3A_197 : vector<512x512xi32>
            %lt3A_199 = vector.broadcast %get3A_0 : i32 to vector<512x512xi32>
            %lt3A_200 = arith.cmpi slt, %add3A_198, %lt3A_199 : vector<512x512xi32>
            %ge3A_201 = vector.broadcast %bitcast_convert_type3A_158 : vector<1x512xf32> to vector<512x512xf32>
            %ge3A_202 = arith.cmpf oge, %get3A_195, %ge3A_201 : vector<512x512xf32>
            %and3A_203 = arith.andi %lt3A_200, %ge3A_202 : vector<512x512xi1>
            %le3A_204 = vector.broadcast %bitcast_convert_type3A_159 : vector<1x512xf32> to vector<512x512xf32>
            %le3A_205 = arith.cmpf ole, %get3A_195, %le3A_204 : vector<512x512xf32>
            %and3A_206 = arith.andi %and3A_203, %le3A_205 : vector<512x512xi1>
            %jit3A_207 = arith.constant 0.000000e+00 : f32
            %broadcast_in_dim3A_208 = vector.broadcast %jit3A_207 : f32 to vector<512x512xf32>
            %select_n3A_209 = arith.select %and3A_206, %get3A_195, %broadcast_in_dim3A_208 : vector<512x512xi1>, vector<512x512xf32>
            %reduce_sum3A_210 = arith.constant dense<0.000000e+00> : vector<512xf32>
            %reduce_sum3A_211 = vector.multi_reduction <add>, %select_n3A_209, %reduce_sum3A_210 [0] : vector<512x512xf32> to vector<512xf32>
            %broadcast_in_dim3A_212 = vector.shape_cast %reduce_sum3A_211 : vector<512xf32> to vector<1x512xf32>
            %add3A_213 = arith.addf %add3A_181, %broadcast_in_dim3A_212 : vector<1x512xf32>
            %jit3A_214 = arith.constant 1.000000e+00 : f32
            %jit3A_215 = arith.constant 0.000000e+00 : f32
            %broadcast_in_dim3A_216 = vector.broadcast %jit3A_214 : f32 to vector<512x512xf32>
            %broadcast_in_dim3A_217 = vector.broadcast %jit3A_215 : f32 to vector<512x512xf32>
            %select_n3A_218 = arith.select %and3A_206, %broadcast_in_dim3A_216, %broadcast_in_dim3A_217 : vector<512x512xi1>, vector<512x512xf32>
            %reduce_sum3A_219 = arith.constant dense<0.000000e+00> : vector<512xf32>
            %reduce_sum3A_220 = vector.multi_reduction <add>, %select_n3A_218, %reduce_sum3A_219 [0] : vector<512x512xf32> to vector<512xf32>
            %broadcast_in_dim3A_221 = vector.shape_cast %reduce_sum3A_220 : vector<512xf32> to vector<1x512xf32>
            %add3A_222 = arith.addf %add3A_190, %broadcast_in_dim3A_221 : vector<1x512xf32>
            %get3A_223 = arith.constant 0 : index
            %get3A_224 = arith.constant 1024 : index
            %get3A_225 = arith.constant 0 : index
            %get3A_226 = vector.load %arg5[%get3A_223, %get3A_224, %get3A_225] : memref<1x4096x512xf32, #tpu.memory_space<vmem>>, vector<1x512x512xf32>
            %get3A_227 = vector.shape_cast %get3A_226 : vector<1x512x512xf32> to vector<512x512xf32>
            %add3A_228 = arith.constant 1024 : i32
            %add3A_229 = vector.broadcast %add3A_228 : i32 to vector<512x512xi32>
            %add3A_230 = arith.addi %iota3A, %add3A_229 : vector<512x512xi32>
            %lt3A_231 = vector.broadcast %get3A_0 : i32 to vector<512x512xi32>
            %lt3A_232 = arith.cmpi slt, %add3A_230, %lt3A_231 : vector<512x512xi32>
            %ge3A_233 = vector.broadcast %bitcast_convert_type3A_158 : vector<1x512xf32> to vector<512x512xf32>
            %ge3A_234 = arith.cmpf oge, %get3A_227, %ge3A_233 : vector<512x512xf32>
            %and3A_235 = arith.andi %lt3A_232, %ge3A_234 : vector<512x512xi1>
            %le3A_236 = vector.broadcast %bitcast_convert_type3A_159 : vector<1x512xf32> to vector<512x512xf32>
            %le3A_237 = arith.cmpf ole, %get3A_227, %le3A_236 : vector<512x512xf32>
            %and3A_238 = arith.andi %and3A_235, %le3A_237 : vector<512x512xi1>
            %jit3A_239 = arith.constant 0.000000e+00 : f32
            %broadcast_in_dim3A_240 = vector.broadcast %jit3A_239 : f32 to vector<512x512xf32>
            %select_n3A_241 = arith.select %and3A_238, %get3A_227, %broadcast_in_dim3A_240 : vector<512x512xi1>, vector<512x512xf32>
            %reduce_sum3A_242 = arith.constant dense<0.000000e+00> : vector<512xf32>
            %reduce_sum3A_243 = vector.multi_reduction <add>, %select_n3A_241, %reduce_sum3A_242 [0] : vector<512x512xf32> to vector<512xf32>
            %broadcast_in_dim3A_244 = vector.shape_cast %reduce_sum3A_243 : vector<512xf32> to vector<1x512xf32>
            %add3A_245 = arith.addf %add3A_213, %broadcast_in_dim3A_244 : vector<1x512xf32>
            %jit3A_246 = arith.constant 1.000000e+00 : f32
            %jit3A_247 = arith.constant 0.000000e+00 : f32
            %broadcast_in_dim3A_248 = vector.broadcast %jit3A_246 : f32 to vector<512x512xf32>
            %broadcast_in_dim3A_249 = vector.broadcast %jit3A_247 : f32 to vector<512x512xf32>
            %select_n3A_250 = arith.select %and3A_238, %broadcast_in_dim3A_248, %broadcast_in_dim3A_249 : vector<512x512xi1>, vector<512x512xf32>
            %reduce_sum3A_251 = arith.constant dense<0.000000e+00> : vector<512xf32>
            %reduce_sum3A_252 = vector.multi_reduction <add>, %select_n3A_250, %reduce_sum3A_251 [0] : vector<512x512xf32> to vector<512xf32>
            %broadcast_in_dim3A_253 = vector.shape_cast %reduce_sum3A_252 : vector<512xf32> to vector<1x512xf32>
            %add3A_254 = arith.addf %add3A_222, %broadcast_in_dim3A_253 : vector<1x512xf32>
            %get3A_255 = arith.constant 0 : index
            %get3A_256 = arith.constant 1536 : index
            %get3A_257 = arith.constant 0 : index
            %get3A_258 = vector.load %arg5[%get3A_255, %get3A_256, %get3A_257] : memref<1x4096x512xf32, #tpu.memory_space<vmem>>, vector<1x512x512xf32>
            %get3A_259 = vector.shape_cast %get3A_258 : vector<1x512x512xf32> to vector<512x512xf32>
            %add3A_260 = arith.constant 1536 : i32
            %add3A_261 = vector.broadcast %add3A_260 : i32 to vector<512x512xi32>
            %add3A_262 = arith.addi %iota3A, %add3A_261 : vector<512x512xi32>
            %lt3A_263 = vector.broadcast %get3A_0 : i32 to vector<512x512xi32>
            %lt3A_264 = arith.cmpi slt, %add3A_262, %lt3A_263 : vector<512x512xi32>
            %ge3A_265 = vector.broadcast %bitcast_convert_type3A_158 : vector<1x512xf32> to vector<512x512xf32>
            %ge3A_266 = arith.cmpf oge, %get3A_259, %ge3A_265 : vector<512x512xf32>
            %and3A_267 = arith.andi %lt3A_264, %ge3A_266 : vector<512x512xi1>
            %le3A_268 = vector.broadcast %bitcast_convert_type3A_159 : vector<1x512xf32> to vector<512x512xf32>
            %le3A_269 = arith.cmpf ole, %get3A_259, %le3A_268 : vector<512x512xf32>
            %and3A_270 = arith.andi %and3A_267, %le3A_269 : vector<512x512xi1>
            %jit3A_271 = arith.constant 0.000000e+00 : f32
            %broadcast_in_dim3A_272 = vector.broadcast %jit3A_271 : f32 to vector<512x512xf32>
            %select_n3A_273 = arith.select %and3A_270, %get3A_259, %broadcast_in_dim3A_272 : vector<512x512xi1>, vector<512x512xf32>
            %reduce_sum3A_274 = arith.constant dense<0.000000e+00> : vector<512xf32>
            %reduce_sum3A_275 = vector.multi_reduction <add>, %select_n3A_273, %reduce_sum3A_274 [0] : vector<512x512xf32> to vector<512xf32>
            %broadcast_in_dim3A_276 = vector.shape_cast %reduce_sum3A_275 : vector<512xf32> to vector<1x512xf32>
            %add3A_277 = arith.addf %add3A_245, %broadcast_in_dim3A_276 : vector<1x512xf32>
            %jit3A_278 = arith.constant 1.000000e+00 : f32
            %jit3A_279 = arith.constant 0.000000e+00 : f32
            %broadcast_in_dim3A_280 = vector.broadcast %jit3A_278 : f32 to vector<512x512xf32>
            %broadcast_in_dim3A_281 = vector.broadcast %jit3A_279 : f32 to vector<512x512xf32>
            %select_n3A_282 = arith.select %and3A_270, %broadcast_in_dim3A_280, %broadcast_in_dim3A_281 : vector<512x512xi1>, vector<512x512xf32>
            %reduce_sum3A_283 = arith.constant dense<0.000000e+00> : vector<512xf32>
            %reduce_sum3A_284 = vector.multi_reduction <add>, %select_n3A_282, %reduce_sum3A_283 [0] : vector<512x512xf32> to vector<512xf32>
            %broadcast_in_dim3A_285 = vector.shape_cast %reduce_sum3A_284 : vector<512xf32> to vector<1x512xf32>
            %add3A_286 = arith.addf %add3A_254, %broadcast_in_dim3A_285 : vector<1x512xf32>
            %div3A_287 = arith.divf %add3A_277, %add3A_286 : vector<1x512xf32>
            %squeeze3A = vector.shape_cast %div3A_287 : vector<1x512xf32> to vector<512xf32>
            %swap3A_288 = arith.constant 0 : index
            %swap3A_289 = arith.constant 0 : index
            %swap3A_290 = arith.constant 0 : index
            %swap3A_291 = arith.constant 0 : index
            %swap3A_292 = vector.load %arg6[%swap3A_288, %swap3A_289, %swap3A_290, %swap3A_291] : memref<1x1x1x512xf32, #tpu.memory_space<vmem>>, vector<1x1x1x512xf32>
            %swap3A_293 = vector.shape_cast %swap3A_292 : vector<1x1x1x512xf32> to vector<512xf32>
            %swap3A_294 = vector.shape_cast %squeeze3A : vector<512xf32> to vector<1x1x1x512xf32>
            tpu.vector_store %arg6[%swap3A_288, %swap3A_289, %swap3A_290, %swap3A_291], %swap3A_294 {strides = array<i32>} : memref<1x1x1x512xf32, #tpu.memory_space<vmem>>, vector<1x1x1x512xf32>,
          }
        } else {
          %get3A_38 = arith.constant 0 : index
          %get3A_39 = arith.constant 0 : index
          %get3A_40 = arith.constant 0 : index
          %get3A_41 = vector.load %arg5[%get3A_38, %get3A_39, %get3A_40] : memref<1x4096x512xf32, #tpu.memory_space<vmem>>, vector<1x512x512xf32>
          %get3A_42 = vector.shape_cast %get3A_41 : vector<1x512x512xf32> to vector<512x512xf32>
          %bitcast_convert_type3A = tpu.bitcast %get3A_42 : vector<512x512xf32> -> vector<512x512xi32>
          %lt3A = arith.constant 0 : i32
          %lt3A_43 = vector.broadcast %lt3A : i32 to vector<512x512xi32>
          %lt3A_44 = arith.cmpi slt, %bitcast_convert_type3A, %lt3A_43 : vector<512x512xi32>
          %xor3A = arith.constant 2147483647 : i32
          %xor3A_45 = vector.broadcast %xor3A : i32 to vector<512x512xi32>
          %xor3A_46 = arith.xori %bitcast_convert_type3A, %xor3A_45 : vector<512x512xi32>
          %select_n3A_47 = arith.select %lt3A_44, %xor3A_46, %bitcast_convert_type3A : vector<512x512xi1>, vector<512x512xi32>
          %add3A_48 = arith.constant 0 : i32
          %add3A_49 = vector.broadcast %add3A_48 : i32 to vector<512x512xi32>
          %add3A_50 = arith.addi %iota3A, %add3A_49 : vector<512x512xi32>
          %lt3A_51 = vector.broadcast %get3A_0 : i32 to vector<512x512xi32>
          %lt3A_52 = arith.cmpi slt, %add3A_50, %lt3A_51 : vector<512x512xi32>
          %jit3A_53 = arith.constant 2147483647 : i32
          %broadcast_in_dim3A_54 = vector.broadcast %jit3A_53 : i32 to vector<512x512xi32>
          %select_n3A_55 = arith.select %lt3A_52, %select_n3A_47, %broadcast_in_dim3A_54 : vector<512x512xi1>, vector<512x512xi32>
          %swap3A = arith.constant 0 : index
          %swap3A_56 = arith.constant 0 : index
          %swap3A_57 = vector.load %arg7[%swap3A, %swap3A_56] : memref<4096x512xi32, #tpu.memory_space<vmem>>, vector<512x512xi32>
          tpu.vector_store %arg7[%swap3A, %swap3A_56], %select_n3A_55 {strides = array<i32>} : memref<4096x512xi32, #tpu.memory_space<vmem>>, vector<512x512xi32>,
          %get3A_58 = arith.constant 0 : index
          %get3A_59 = arith.constant 512 : index
          %get3A_60 = arith.constant 0 : index
          %get3A_61 = vector.load %arg5[%get3A_58, %get3A_59, %get3A_60] : memref<1x4096x512xf32, #tpu.memory_space<vmem>>, vector<1x512x512xf32>
          %get3A_62 = vector.shape_cast %get3A_61 : vector<1x512x512xf32> to vector<512x512xf32>
          %bitcast_convert_type3A_63 = tpu.bitcast %get3A_62 : vector<512x512xf32> -> vector<512x512xi32>
          %lt3A_64 = arith.constant 0 : i32
          %lt3A_65 = vector.broadcast %lt3A_64 : i32 to vector<512x512xi32>
          %lt3A_66 = arith.cmpi slt, %bitcast_convert_type3A_63, %lt3A_65 : vector<512x512xi32>
          %xor3A_67 = arith.constant 2147483647 : i32
          %xor3A_68 = vector.broadcast %xor3A_67 : i32 to vector<512x512xi32>
          %xor3A_69 = arith.xori %bitcast_convert_type3A_63, %xor3A_68 : vector<512x512xi32>
          %select_n3A_70 = arith.select %lt3A_66, %xor3A_69, %bitcast_convert_type3A_63 : vector<512x512xi1>, vector<512x512xi32>
          %add3A_71 = arith.constant 512 : i32
          %add3A_72 = vector.broadcast %add3A_71 : i32 to vector<512x512xi32>
          %add3A_73 = arith.addi %iota3A, %add3A_72 : vector<512x512xi32>
          %lt3A_74 = vector.broadcast %get3A_0 : i32 to vector<512x512xi32>
          %lt3A_75 = arith.cmpi slt, %add3A_73, %lt3A_74 : vector<512x512xi32>
          %jit3A_76 = arith.constant 2147483647 : i32
          %broadcast_in_dim3A_77 = vector.broadcast %jit3A_76 : i32 to vector<512x512xi32>
          %select_n3A_78 = arith.select %lt3A_75, %select_n3A_70, %broadcast_in_dim3A_77 : vector<512x512xi1>, vector<512x512xi32>
          %swap3A_79 = arith.constant 512 : index
          %swap3A_80 = arith.constant 0 : index
          %swap3A_81 = vector.load %arg7[%swap3A_79, %swap3A_80] : memref<4096x512xi32, #tpu.memory_space<vmem>>, vector<512x512xi32>
          tpu.vector_store %arg7[%swap3A_79, %swap3A_80], %select_n3A_78 {strides = array<i32>} : memref<4096x512xi32, #tpu.memory_space<vmem>>, vector<512x512xi32>,
          %get3A_82 = arith.constant 0 : index
          %get3A_83 = arith.constant 1024 : index
          %get3A_84 = arith.constant 0 : index
          %get3A_85 = vector.load %arg5[%get3A_82, %get3A_83, %get3A_84] : memref<1x4096x512xf32, #tpu.memory_space<vmem>>, vector<1x512x512xf32>
          %get3A_86 = vector.shape_cast %get3A_85 : vector<1x512x512xf32> to vector<512x512xf32>
          %bitcast_convert_type3A_87 = tpu.bitcast %get3A_86 : vector<512x512xf32> -> vector<512x512xi32>
          %lt3A_88 = arith.constant 0 : i32
          %lt3A_89 = vector.broadcast %lt3A_88 : i32 to vector<512x512xi32>
          %lt3A_90 = arith.cmpi slt, %bitcast_convert_type3A_87, %lt3A_89 : vector<512x512xi32>
          %xor3A_91 = arith.constant 2147483647 : i32
          %xor3A_92 = vector.broadcast %xor3A_91 : i32 to vector<512x512xi32>
          %xor3A_93 = arith.xori %bitcast_convert_type3A_87, %xor3A_92 : vector<512x512xi32>
          %select_n3A_94 = arith.select %lt3A_90, %xor3A_93, %bitcast_convert_type3A_87 : vector<512x512xi1>, vector<512x512xi32>
          %add3A_95 = arith.constant 1024 : i32
          %add3A_96 = vector.broadcast %add3A_95 : i32 to vector<512x512xi32>
          %add3A_97 = arith.addi %iota3A, %add3A_96 : vector<512x512xi32>
          %lt3A_98 = vector.broadcast %get3A_0 : i32 to vector<512x512xi32>
          %lt3A_99 = arith.cmpi slt, %add3A_97, %lt3A_98 : vector<512x512xi32>
          %jit3A_100 = arith.constant 2147483647 : i32
          %broadcast_in_dim3A_101 = vector.broadcast %jit3A_100 : i32 to vector<512x512xi32>
          %select_n3A_102 = arith.select %lt3A_99, %select_n3A_94, %broadcast_in_dim3A_101 : vector<512x512xi1>, vector<512x512xi32>
          %swap3A_103 = arith.constant 1024 : index
          %swap3A_104 = arith.constant 0 : index
          %swap3A_105 = vector.load %arg7[%swap3A_103, %swap3A_104] : memref<4096x512xi32, #tpu.memory_space<vmem>>, vector<512x512xi32>
          tpu.vector_store %arg7[%swap3A_103, %swap3A_104], %select_n3A_102 {strides = array<i32>} : memref<4096x512xi32, #tpu.memory_space<vmem>>, vector<512x512xi32>,
          %broadcast_in_dim3A_106 = arith.constant 0 : i32
          %broadcast_in_dim3A_107 = vector.broadcast %broadcast_in_dim3A_106 : i32 to vector<1x512xi32>
          %scan3A = arith.constant 0 : i32
          %scan3A_108 = arith.constant 32 : i32
          %scan3A_109 = arith.addi %scan3A, %scan3A_108 : i32
          %scan3A_110 = arith.constant 1 : i32
          %scan3A_111:2 = scf.for %scan3A_235 = %scan3A to %scan3A_109 step %scan3A_110 iter_args(%scan3A_236 = %broadcast_in_dim3A_107, %scan3A_237 = %broadcast_in_dim3A_107) -> (vector<1x512xi32>, vector<1x512xi32>)  : i32 {
            %sub3A_238 = arith.constant 31 : i32
            %sub3A_239 = arith.subi %sub3A_238, %scan3A_235 : i32
            %shift_left3A = arith.constant 1 : i32
            %shift_left3A_240 = arith.shli %shift_left3A, %sub3A_239 : i32
            %or3A = vector.broadcast %shift_left3A_240 : i32 to vector<1x512xi32>
            %or3A_241 = arith.ori %scan3A_236, %or3A : vector<1x512xi32>
            %xor3A_242 = arith.constant -2147483648 : i32
            %xor3A_243 = vector.broadcast %xor3A_242 : i32 to vector<1x512xi32>
            %xor3A_244 = arith.xori %or3A_241, %xor3A_243 : vector<1x512xi32>
            %or3A_245 = vector.broadcast %shift_left3A_240 : i32 to vector<1x512xi32>
            %or3A_246 = arith.ori %scan3A_237, %or3A_245 : vector<1x512xi32>
            %xor3A_247 = arith.constant -2147483648 : i32
            %xor3A_248 = vector.broadcast %xor3A_247 : i32 to vector<1x512xi32>
            %xor3A_249 = arith.xori %or3A_246, %xor3A_248 : vector<1x512xi32>
            %broadcast_in_dim3A_250 = arith.constant 0.000000e+00 : f32
            %broadcast_in_dim3A_251 = vector.broadcast %broadcast_in_dim3A_250 : f32 to vector<1x512xf32>
            %get3A_252 = arith.constant 0 : index
            %get3A_253 = arith.constant 0 : index
            %get3A_254 = vector.load %arg7[%get3A_252, %get3A_253] : memref<4096x512xi32, #tpu.memory_space<vmem>>, vector<512x512xi32>
            %lt3A_255 = vector.broadcast %xor3A_244 : vector<1x512xi32> to vector<512x512xi32>
            %lt3A_256 = arith.cmpi slt, %get3A_254, %lt3A_255 : vector<512x512xi32>
            %jit3A_257 = arith.constant 1.000000e+00 : f32
            %jit3A_258 = arith.constant 0.000000e+00 : f32
            %broadcast_in_dim3A_259 = vector.broadcast %jit3A_257 : f32 to vector<512x512xf32>
            %broadcast_in_dim3A_260 = vector.broadcast %jit3A_258 : f32 to vector<512x512xf32>
            %select_n3A_261 = arith.select %lt3A_256, %broadcast_in_dim3A_259, %broadcast_in_dim3A_260 : vector<512x512xi1>, vector<512x512xf32>
            %dot_general3A = arith.constant dense<0.000000e+00> : vector<1x512xf32>
            %dot_general3A_262 = tpu.matmul %broadcast_in_dim3A_22, %select_n3A_261, %dot_general3A {dimension_numbers = #tpu.dot_dimension_numbers<[1], [0], [0], [1], [0, 0, 1, 1], [], []>, transpose_lhs_hint = false} : vector<1x512xf32>, vector<512x512xf32>, vector<1x512xf32> -> vector<1x512xf32>
            %add3A_263 = arith.addf %broadcast_in_dim3A_251, %dot_general3A_262 : vector<1x512xf32>
            %lt3A_264 = vector.broadcast %xor3A_249 : vector<1x512xi32> to vector<512x512xi32>
            %lt3A_265 = arith.cmpi slt, %get3A_254, %lt3A_264 : vector<512x512xi32>
            %jit3A_266 = arith.constant 1.000000e+00 : f32
            %jit3A_267 = arith.constant 0.000000e+00 : f32
            %broadcast_in_dim3A_268 = vector.broadcast %jit3A_266 : f32 to vector<512x512xf32>
            %broadcast_in_dim3A_269 = vector.broadcast %jit3A_267 : f32 to vector<512x512xf32>
            %select_n3A_270 = arith.select %lt3A_265, %broadcast_in_dim3A_268, %broadcast_in_dim3A_269 : vector<512x512xi1>, vector<512x512xf32>
            %dot_general3A_271 = arith.constant dense<0.000000e+00> : vector<1x512xf32>
            %dot_general3A_272 = tpu.matmul %broadcast_in_dim3A_22, %select_n3A_270, %dot_general3A_271 {dimension_numbers = #tpu.dot_dimension_numbers<[1], [0], [0], [1], [0, 0, 1, 1], [], []>, transpose_lhs_hint = false} : vector<1x512xf32>, vector<512x512xf32>, vector<1x512xf32> -> vector<1x512xf32>
            %add3A_273 = arith.addf %broadcast_in_dim3A_251, %dot_general3A_272 : vector<1x512xf32>
            %get3A_274 = arith.constant 512 : index
            %get3A_275 = arith.constant 0 : index
            %get3A_276 = vector.load %arg7[%get3A_274, %get3A_275] : memref<4096x512xi32, #tpu.memory_space<vmem>>, vector<512x512xi32>
            %lt3A_277 = vector.broadcast %xor3A_244 : vector<1x512xi32> to vector<512x512xi32>
            %lt3A_278 = arith.cmpi slt, %get3A_276, %lt3A_277 : vector<512x512xi32>
            %jit3A_279 = arith.constant 1.000000e+00 : f32
            %jit3A_280 = arith.constant 0.000000e+00 : f32
            %broadcast_in_dim3A_281 = vector.broadcast %jit3A_279 : f32 to vector<512x512xf32>
            %broadcast_in_dim3A_282 = vector.broadcast %jit3A_280 : f32 to vector<512x512xf32>
            %select_n3A_283 = arith.select %lt3A_278, %broadcast_in_dim3A_281, %broadcast_in_dim3A_282 : vector<512x512xi1>, vector<512x512xf32>
            %dot_general3A_284 = arith.constant dense<0.000000e+00> : vector<1x512xf32>
            %dot_general3A_285 = tpu.matmul %broadcast_in_dim3A_22, %select_n3A_283, %dot_general3A_284 {dimension_numbers = #tpu.dot_dimension_numbers<[1], [0], [0], [1], [0, 0, 1, 1], [], []>, transpose_lhs_hint = false} : vector<1x512xf32>, vector<512x512xf32>, vector<1x512xf32> -> vector<1x512xf32>
            %add3A_286 = arith.addf %add3A_263, %dot_general3A_285 : vector<1x512xf32>
            %lt3A_287 = vector.broadcast %xor3A_249 : vector<1x512xi32> to vector<512x512xi32>
            %lt3A_288 = arith.cmpi slt, %get3A_276, %lt3A_287 : vector<512x512xi32>
            %jit3A_289 = arith.constant 1.000000e+00 : f32
            %jit3A_290 = arith.constant 0.000000e+00 : f32
            %broadcast_in_dim3A_291 = vector.broadcast %jit3A_289 : f32 to vector<512x512xf32>
            %broadcast_in_dim3A_292 = vector.broadcast %jit3A_290 : f32 to vector<512x512xf32>
            %select_n3A_293 = arith.select %lt3A_288, %broadcast_in_dim3A_291, %broadcast_in_dim3A_292 : vector<512x512xi1>, vector<512x512xf32>
            %dot_general3A_294 = arith.constant dense<0.000000e+00> : vector<1x512xf32>
            %dot_general3A_295 = tpu.matmul %broadcast_in_dim3A_22, %select_n3A_293, %dot_general3A_294 {dimension_numbers = #tpu.dot_dimension_numbers<[1], [0], [0], [1], [0, 0, 1, 1], [], []>, transpose_lhs_hint = false} : vector<1x512xf32>, vector<512x512xf32>, vector<1x512xf32> -> vector<1x512xf32>
            %add3A_296 = arith.addf %add3A_273, %dot_general3A_295 : vector<1x512xf32>
            %get3A_297 = arith.constant 1024 : index
            %get3A_298 = arith.constant 0 : index
            %get3A_299 = vector.load %arg7[%get3A_297, %get3A_298] : memref<4096x512xi32, #tpu.memory_space<vmem>>, vector<512x512xi32>
            %lt3A_300 = vector.broadcast %xor3A_244 : vector<1x512xi32> to vector<512x512xi32>
            %lt3A_301 = arith.cmpi slt, %get3A_299, %lt3A_300 : vector<512x512xi32>
            %jit3A_302 = arith.constant 1.000000e+00 : f32
            %jit3A_303 = arith.constant 0.000000e+00 : f32
            %broadcast_in_dim3A_304 = vector.broadcast %jit3A_302 : f32 to vector<512x512xf32>
            %broadcast_in_dim3A_305 = vector.broadcast %jit3A_303 : f32 to vector<512x512xf32>
            %select_n3A_306 = arith.select %lt3A_301, %broadcast_in_dim3A_304, %broadcast_in_dim3A_305 : vector<512x512xi1>, vector<512x512xf32>
            %dot_general3A_307 = arith.constant dense<0.000000e+00> : vector<1x512xf32>
            %dot_general3A_308 = tpu.matmul %broadcast_in_dim3A_22, %select_n3A_306, %dot_general3A_307 {dimension_numbers = #tpu.dot_dimension_numbers<[1], [0], [0], [1], [0, 0, 1, 1], [], []>, transpose_lhs_hint = false} : vector<1x512xf32>, vector<512x512xf32>, vector<1x512xf32> -> vector<1x512xf32>
            %add3A_309 = arith.addf %add3A_286, %dot_general3A_308 : vector<1x512xf32>
            %lt3A_310 = vector.broadcast %xor3A_249 : vector<1x512xi32> to vector<512x512xi32>
            %lt3A_311 = arith.cmpi slt, %get3A_299, %lt3A_310 : vector<512x512xi32>
            %jit3A_312 = arith.constant 1.000000e+00 : f32
            %jit3A_313 = arith.constant 0.000000e+00 : f32
            %broadcast_in_dim3A_314 = vector.broadcast %jit3A_312 : f32 to vector<512x512xf32>
            %broadcast_in_dim3A_315 = vector.broadcast %jit3A_313 : f32 to vector<512x512xf32>
            %select_n3A_316 = arith.select %lt3A_311, %broadcast_in_dim3A_314, %broadcast_in_dim3A_315 : vector<512x512xi1>, vector<512x512xf32>
            %dot_general3A_317 = arith.constant dense<0.000000e+00> : vector<1x512xf32>
            %dot_general3A_318 = tpu.matmul %broadcast_in_dim3A_22, %select_n3A_316, %dot_general3A_317 {dimension_numbers = #tpu.dot_dimension_numbers<[1], [0], [0], [1], [0, 0, 1, 1], [], []>, transpose_lhs_hint = false} : vector<1x512xf32>, vector<512x512xf32>, vector<1x512xf32> -> vector<1x512xf32>
            %add3A_319 = arith.addf %add3A_296, %dot_general3A_318 : vector<1x512xf32>
            %le3A_320 = vector.broadcast %convert_element_type3A : f32 to vector<1x512xf32>
            %le3A_321 = arith.cmpf ole, %add3A_309, %le3A_320 : vector<1x512xf32>
            %or3A_322 = vector.broadcast %shift_left3A_240 : i32 to vector<1x512xi32>
            %or3A_323 = arith.ori %scan3A_236, %or3A_322 : vector<1x512xi32>
            %select_n3A_324 = arith.select %le3A_321, %or3A_323, %scan3A_236 : vector<1x512xi1>, vector<1x512xi32>
            %le3A_325 = vector.broadcast %convert_element_type3A_23 : f32 to vector<1x512xf32>
            %le3A_326 = arith.cmpf ole, %add3A_319, %le3A_325 : vector<1x512xf32>
            %or3A_327 = vector.broadcast %shift_left3A_240 : i32 to vector<1x512xi32>
            %or3A_328 = arith.ori %scan3A_237, %or3A_327 : vector<1x512xi32>
            %select_n3A_329 = arith.select %le3A_326, %or3A_328, %scan3A_237 : vector<1x512xi1>, vector<1x512xi32>
            scf.yield %select_n3A_324, %select_n3A_329 : vector<1x512xi32>, vector<1x512xi32>
          }
          %scan3A_112 = arith.constant 32 : i32
          %lt3A_113 = arith.constant 0 : i32
          %lt3A_114 = vector.broadcast %lt3A_113 : i32 to vector<1x512xi32>
          %lt3A_115 = arith.cmpi slt, %scan3A_111#0, %lt3A_114 : vector<1x512xi32>
          %and3A_116 = arith.constant 2147483647 : i32
          %and3A_117 = vector.broadcast %and3A_116 : i32 to vector<1x512xi32>
          %and3A_118 = arith.andi %scan3A_111#0, %and3A_117 : vector<1x512xi32>
          %not3A = arith.constant dense<-1> : vector<1x512xi32>
          %not3A_119 = arith.xori %scan3A_111#0, %not3A : vector<1x512xi32>
          %select_n3A_120 = arith.select %lt3A_115, %and3A_118, %not3A_119 : vector<1x512xi1>, vector<1x512xi32>
          %lt3A_121 = arith.constant 0 : i32
          %lt3A_122 = vector.broadcast %lt3A_121 : i32 to vector<1x512xi32>
          %lt3A_123 = arith.cmpi slt, %scan3A_111#1, %lt3A_122 : vector<1x512xi32>
          %and3A_124 = arith.constant 2147483647 : i32
          %and3A_125 = vector.broadcast %and3A_124 : i32 to vector<1x512xi32>
          %and3A_126 = arith.andi %scan3A_111#1, %and3A_125 : vector<1x512xi32>
          %not3A_127 = arith.constant dense<-1> : vector<1x512xi32>
          %not3A_128 = arith.xori %scan3A_111#1, %not3A_127 : vector<1x512xi32>
          %select_n3A_129 = arith.select %lt3A_123, %and3A_126, %not3A_128 : vector<1x512xi1>, vector<1x512xi32>
          %bitcast_convert_type3A_130 = tpu.bitcast %select_n3A_120 : vector<1x512xi32> -> vector<1x512xf32>
          %bitcast_convert_type3A_131 = tpu.bitcast %select_n3A_129 : vector<1x512xi32> -> vector<1x512xf32>
          %broadcast_in_dim3A_132 = arith.constant 0.000000e+00 : f32
          %broadcast_in_dim3A_133 = vector.broadcast %broadcast_in_dim3A_132 : f32 to vector<1x512xf32>
          %get3A_134 = arith.constant 0 : index
          %get3A_135 = arith.constant 0 : index
          %get3A_136 = arith.constant 0 : index
          %get3A_137 = vector.load %arg5[%get3A_134, %get3A_135, %get3A_136] : memref<1x4096x512xf32, #tpu.memory_space<vmem>>, vector<1x512x512xf32>
          %get3A_138 = vector.shape_cast %get3A_137 : vector<1x512x512xf32> to vector<512x512xf32>
          %add3A_139 = arith.constant 0 : i32
          %add3A_140 = vector.broadcast %add3A_139 : i32 to vector<512x512xi32>
          %add3A_141 = arith.addi %iota3A, %add3A_140 : vector<512x512xi32>
          %lt3A_142 = vector.broadcast %get3A_0 : i32 to vector<512x512xi32>
          %lt3A_143 = arith.cmpi slt, %add3A_141, %lt3A_142 : vector<512x512xi32>
          %ge3A = vector.broadcast %bitcast_convert_type3A_130 : vector<1x512xf32> to vector<512x512xf32>
          %ge3A_144 = arith.cmpf oge, %get3A_138, %ge3A : vector<512x512xf32>
          %and3A_145 = arith.andi %lt3A_143, %ge3A_144 : vector<512x512xi1>
          %le3A = vector.broadcast %bitcast_convert_type3A_131 : vector<1x512xf32> to vector<512x512xf32>
          %le3A_146 = arith.cmpf ole, %get3A_138, %le3A : vector<512x512xf32>
          %and3A_147 = arith.andi %and3A_145, %le3A_146 : vector<512x512xi1>
          %jit3A_148 = arith.constant 0.000000e+00 : f32
          %broadcast_in_dim3A_149 = vector.broadcast %jit3A_148 : f32 to vector<512x512xf32>
          %select_n3A_150 = arith.select %and3A_147, %get3A_138, %broadcast_in_dim3A_149 : vector<512x512xi1>, vector<512x512xf32>
          %reduce_sum3A = arith.constant dense<0.000000e+00> : vector<512xf32>
          %reduce_sum3A_151 = vector.multi_reduction <add>, %select_n3A_150, %reduce_sum3A [0] : vector<512x512xf32> to vector<512xf32>
          %broadcast_in_dim3A_152 = vector.shape_cast %reduce_sum3A_151 : vector<512xf32> to vector<1x512xf32>
          %add3A_153 = arith.addf %broadcast_in_dim3A_133, %broadcast_in_dim3A_152 : vector<1x512xf32>
          %jit3A_154 = arith.constant 1.000000e+00 : f32
          %jit3A_155 = arith.constant 0.000000e+00 : f32
          %broadcast_in_dim3A_156 = vector.broadcast %jit3A_154 : f32 to vector<512x512xf32>
          %broadcast_in_dim3A_157 = vector.broadcast %jit3A_155 : f32 to vector<512x512xf32>
          %select_n3A_158 = arith.select %and3A_147, %broadcast_in_dim3A_156, %broadcast_in_dim3A_157 : vector<512x512xi1>, vector<512x512xf32>
          %reduce_sum3A_159 = arith.constant dense<0.000000e+00> : vector<512xf32>
          %reduce_sum3A_160 = vector.multi_reduction <add>, %select_n3A_158, %reduce_sum3A_159 [0] : vector<512x512xf32> to vector<512xf32>
          %broadcast_in_dim3A_161 = vector.shape_cast %reduce_sum3A_160 : vector<512xf32> to vector<1x512xf32>
          %add3A_162 = arith.addf %broadcast_in_dim3A_133, %broadcast_in_dim3A_161 : vector<1x512xf32>
          %get3A_163 = arith.constant 0 : index
          %get3A_164 = arith.constant 512 : index
          %get3A_165 = arith.constant 0 : index
          %get3A_166 = vector.load %arg5[%get3A_163, %get3A_164, %get3A_165] : memref<1x4096x512xf32, #tpu.memory_space<vmem>>, vector<1x512x512xf32>
          %get3A_167 = vector.shape_cast %get3A_166 : vector<1x512x512xf32> to vector<512x512xf32>
          %add3A_168 = arith.constant 512 : i32
          %add3A_169 = vector.broadcast %add3A_168 : i32 to vector<512x512xi32>
          %add3A_170 = arith.addi %iota3A, %add3A_169 : vector<512x512xi32>
          %lt3A_171 = vector.broadcast %get3A_0 : i32 to vector<512x512xi32>
          %lt3A_172 = arith.cmpi slt, %add3A_170, %lt3A_171 : vector<512x512xi32>
          %ge3A_173 = vector.broadcast %bitcast_convert_type3A_130 : vector<1x512xf32> to vector<512x512xf32>
          %ge3A_174 = arith.cmpf oge, %get3A_167, %ge3A_173 : vector<512x512xf32>
          %and3A_175 = arith.andi %lt3A_172, %ge3A_174 : vector<512x512xi1>
          %le3A_176 = vector.broadcast %bitcast_convert_type3A_131 : vector<1x512xf32> to vector<512x512xf32>
          %le3A_177 = arith.cmpf ole, %get3A_167, %le3A_176 : vector<512x512xf32>
          %and3A_178 = arith.andi %and3A_175, %le3A_177 : vector<512x512xi1>
          %jit3A_179 = arith.constant 0.000000e+00 : f32
          %broadcast_in_dim3A_180 = vector.broadcast %jit3A_179 : f32 to vector<512x512xf32>
          %select_n3A_181 = arith.select %and3A_178, %get3A_167, %broadcast_in_dim3A_180 : vector<512x512xi1>, vector<512x512xf32>
          %reduce_sum3A_182 = arith.constant dense<0.000000e+00> : vector<512xf32>
          %reduce_sum3A_183 = vector.multi_reduction <add>, %select_n3A_181, %reduce_sum3A_182 [0] : vector<512x512xf32> to vector<512xf32>
          %broadcast_in_dim3A_184 = vector.shape_cast %reduce_sum3A_183 : vector<512xf32> to vector<1x512xf32>
          %add3A_185 = arith.addf %add3A_153, %broadcast_in_dim3A_184 : vector<1x512xf32>
          %jit3A_186 = arith.constant 1.000000e+00 : f32
          %jit3A_187 = arith.constant 0.000000e+00 : f32
          %broadcast_in_dim3A_188 = vector.broadcast %jit3A_186 : f32 to vector<512x512xf32>
          %broadcast_in_dim3A_189 = vector.broadcast %jit3A_187 : f32 to vector<512x512xf32>
          %select_n3A_190 = arith.select %and3A_178, %broadcast_in_dim3A_188, %broadcast_in_dim3A_189 : vector<512x512xi1>, vector<512x512xf32>
          %reduce_sum3A_191 = arith.constant dense<0.000000e+00> : vector<512xf32>
          %reduce_sum3A_192 = vector.multi_reduction <add>, %select_n3A_190, %reduce_sum3A_191 [0] : vector<512x512xf32> to vector<512xf32>
          %broadcast_in_dim3A_193 = vector.shape_cast %reduce_sum3A_192 : vector<512xf32> to vector<1x512xf32>
          %add3A_194 = arith.addf %add3A_162, %broadcast_in_dim3A_193 : vector<1x512xf32>
          %get3A_195 = arith.constant 0 : index
          %get3A_196 = arith.constant 1024 : index
          %get3A_197 = arith.constant 0 : index
          %get3A_198 = vector.load %arg5[%get3A_195, %get3A_196, %get3A_197] : memref<1x4096x512xf32, #tpu.memory_space<vmem>>, vector<1x512x512xf32>
          %get3A_199 = vector.shape_cast %get3A_198 : vector<1x512x512xf32> to vector<512x512xf32>
          %add3A_200 = arith.constant 1024 : i32
          %add3A_201 = vector.broadcast %add3A_200 : i32 to vector<512x512xi32>
          %add3A_202 = arith.addi %iota3A, %add3A_201 : vector<512x512xi32>
          %lt3A_203 = vector.broadcast %get3A_0 : i32 to vector<512x512xi32>
          %lt3A_204 = arith.cmpi slt, %add3A_202, %lt3A_203 : vector<512x512xi32>
          %ge3A_205 = vector.broadcast %bitcast_convert_type3A_130 : vector<1x512xf32> to vector<512x512xf32>
          %ge3A_206 = arith.cmpf oge, %get3A_199, %ge3A_205 : vector<512x512xf32>
          %and3A_207 = arith.andi %lt3A_204, %ge3A_206 : vector<512x512xi1>
          %le3A_208 = vector.broadcast %bitcast_convert_type3A_131 : vector<1x512xf32> to vector<512x512xf32>
          %le3A_209 = arith.cmpf ole, %get3A_199, %le3A_208 : vector<512x512xf32>
          %and3A_210 = arith.andi %and3A_207, %le3A_209 : vector<512x512xi1>
          %jit3A_211 = arith.constant 0.000000e+00 : f32
          %broadcast_in_dim3A_212 = vector.broadcast %jit3A_211 : f32 to vector<512x512xf32>
          %select_n3A_213 = arith.select %and3A_210, %get3A_199, %broadcast_in_dim3A_212 : vector<512x512xi1>, vector<512x512xf32>
          %reduce_sum3A_214 = arith.constant dense<0.000000e+00> : vector<512xf32>
          %reduce_sum3A_215 = vector.multi_reduction <add>, %select_n3A_213, %reduce_sum3A_214 [0] : vector<512x512xf32> to vector<512xf32>
          %broadcast_in_dim3A_216 = vector.shape_cast %reduce_sum3A_215 : vector<512xf32> to vector<1x512xf32>
          %add3A_217 = arith.addf %add3A_185, %broadcast_in_dim3A_216 : vector<1x512xf32>
          %jit3A_218 = arith.constant 1.000000e+00 : f32
          %jit3A_219 = arith.constant 0.000000e+00 : f32
          %broadcast_in_dim3A_220 = vector.broadcast %jit3A_218 : f32 to vector<512x512xf32>
          %broadcast_in_dim3A_221 = vector.broadcast %jit3A_219 : f32 to vector<512x512xf32>
          %select_n3A_222 = arith.select %and3A_210, %broadcast_in_dim3A_220, %broadcast_in_dim3A_221 : vector<512x512xi1>, vector<512x512xf32>
          %reduce_sum3A_223 = arith.constant dense<0.000000e+00> : vector<512xf32>
          %reduce_sum3A_224 = vector.multi_reduction <add>, %select_n3A_222, %reduce_sum3A_223 [0] : vector<512x512xf32> to vector<512xf32>
          %broadcast_in_dim3A_225 = vector.shape_cast %reduce_sum3A_224 : vector<512xf32> to vector<1x512xf32>
          %add3A_226 = arith.addf %add3A_194, %broadcast_in_dim3A_225 : vector<1x512xf32>
          %div3A_227 = arith.divf %add3A_217, %add3A_226 : vector<1x512xf32>
          %squeeze3A = vector.shape_cast %div3A_227 : vector<1x512xf32> to vector<512xf32>
          %swap3A_228 = arith.constant 0 : index
          %swap3A_229 = arith.constant 0 : index
          %swap3A_230 = arith.constant 0 : index
          %swap3A_231 = arith.constant 0 : index
          %swap3A_232 = vector.load %arg6[%swap3A_228, %swap3A_229, %swap3A_230, %swap3A_231] : memref<1x1x1x512xf32, #tpu.memory_space<vmem>>, vector<1x1x1x512xf32>
          %swap3A_233 = vector.shape_cast %swap3A_232 : vector<1x1x1x512xf32> to vector<512xf32>
          %swap3A_234 = vector.shape_cast %squeeze3A : vector<512xf32> to vector<1x1x1x512xf32>
          tpu.vector_store %arg6[%swap3A_228, %swap3A_229, %swap3A_230, %swap3A_231], %swap3A_234 {strides = array<i32>} : memref<1x1x1x512xf32, #tpu.memory_space<vmem>>, vector<1x1x1x512xf32>,
        }
      } else {
        %get3A_34 = arith.constant 0 : index
        %get3A_35 = arith.constant 0 : index
        %get3A_36 = arith.constant 0 : index
        %get3A_37 = vector.load %arg5[%get3A_34, %get3A_35, %get3A_36] : memref<1x4096x512xf32, #tpu.memory_space<vmem>>, vector<1x512x512xf32>
        %get3A_38 = vector.shape_cast %get3A_37 : vector<1x512x512xf32> to vector<512x512xf32>
        %bitcast_convert_type3A = tpu.bitcast %get3A_38 : vector<512x512xf32> -> vector<512x512xi32>
        %lt3A = arith.constant 0 : i32
        %lt3A_39 = vector.broadcast %lt3A : i32 to vector<512x512xi32>
        %lt3A_40 = arith.cmpi slt, %bitcast_convert_type3A, %lt3A_39 : vector<512x512xi32>
        %xor3A = arith.constant 2147483647 : i32
        %xor3A_41 = vector.broadcast %xor3A : i32 to vector<512x512xi32>
        %xor3A_42 = arith.xori %bitcast_convert_type3A, %xor3A_41 : vector<512x512xi32>
        %select_n3A_43 = arith.select %lt3A_40, %xor3A_42, %bitcast_convert_type3A : vector<512x512xi1>, vector<512x512xi32>
        %add3A_44 = arith.constant 0 : i32
        %add3A_45 = vector.broadcast %add3A_44 : i32 to vector<512x512xi32>
        %add3A_46 = arith.addi %iota3A, %add3A_45 : vector<512x512xi32>
        %lt3A_47 = vector.broadcast %get3A_0 : i32 to vector<512x512xi32>
        %lt3A_48 = arith.cmpi slt, %add3A_46, %lt3A_47 : vector<512x512xi32>
        %jit3A_49 = arith.constant 2147483647 : i32
        %broadcast_in_dim3A_50 = vector.broadcast %jit3A_49 : i32 to vector<512x512xi32>
        %select_n3A_51 = arith.select %lt3A_48, %select_n3A_43, %broadcast_in_dim3A_50 : vector<512x512xi1>, vector<512x512xi32>
        %swap3A = arith.constant 0 : index
        %swap3A_52 = arith.constant 0 : index
        %swap3A_53 = vector.load %arg7[%swap3A, %swap3A_52] : memref<4096x512xi32, #tpu.memory_space<vmem>>, vector<512x512xi32>
        tpu.vector_store %arg7[%swap3A, %swap3A_52], %select_n3A_51 {strides = array<i32>} : memref<4096x512xi32, #tpu.memory_space<vmem>>, vector<512x512xi32>,
        %get3A_54 = arith.constant 0 : index
        %get3A_55 = arith.constant 512 : index
        %get3A_56 = arith.constant 0 : index
        %get3A_57 = vector.load %arg5[%get3A_54, %get3A_55, %get3A_56] : memref<1x4096x512xf32, #tpu.memory_space<vmem>>, vector<1x512x512xf32>
        %get3A_58 = vector.shape_cast %get3A_57 : vector<1x512x512xf32> to vector<512x512xf32>
        %bitcast_convert_type3A_59 = tpu.bitcast %get3A_58 : vector<512x512xf32> -> vector<512x512xi32>
        %lt3A_60 = arith.constant 0 : i32
        %lt3A_61 = vector.broadcast %lt3A_60 : i32 to vector<512x512xi32>
        %lt3A_62 = arith.cmpi slt, %bitcast_convert_type3A_59, %lt3A_61 : vector<512x512xi32>
        %xor3A_63 = arith.constant 2147483647 : i32
        %xor3A_64 = vector.broadcast %xor3A_63 : i32 to vector<512x512xi32>
        %xor3A_65 = arith.xori %bitcast_convert_type3A_59, %xor3A_64 : vector<512x512xi32>
        %select_n3A_66 = arith.select %lt3A_62, %xor3A_65, %bitcast_convert_type3A_59 : vector<512x512xi1>, vector<512x512xi32>
        %add3A_67 = arith.constant 512 : i32
        %add3A_68 = vector.broadcast %add3A_67 : i32 to vector<512x512xi32>
        %add3A_69 = arith.addi %iota3A, %add3A_68 : vector<512x512xi32>
        %lt3A_70 = vector.broadcast %get3A_0 : i32 to vector<512x512xi32>
        %lt3A_71 = arith.cmpi slt, %add3A_69, %lt3A_70 : vector<512x512xi32>
        %jit3A_72 = arith.constant 2147483647 : i32
        %broadcast_in_dim3A_73 = vector.broadcast %jit3A_72 : i32 to vector<512x512xi32>
        %select_n3A_74 = arith.select %lt3A_71, %select_n3A_66, %broadcast_in_dim3A_73 : vector<512x512xi1>, vector<512x512xi32>
        %swap3A_75 = arith.constant 512 : index
        %swap3A_76 = arith.constant 0 : index
        %swap3A_77 = vector.load %arg7[%swap3A_75, %swap3A_76] : memref<4096x512xi32, #tpu.memory_space<vmem>>, vector<512x512xi32>
        tpu.vector_store %arg7[%swap3A_75, %swap3A_76], %select_n3A_74 {strides = array<i32>} : memref<4096x512xi32, #tpu.memory_space<vmem>>, vector<512x512xi32>,
        %broadcast_in_dim3A_78 = arith.constant 0 : i32
        %broadcast_in_dim3A_79 = vector.broadcast %broadcast_in_dim3A_78 : i32 to vector<1x512xi32>
        %scan3A = arith.constant 0 : i32
        %scan3A_80 = arith.constant 32 : i32
        %scan3A_81 = arith.addi %scan3A, %scan3A_80 : i32
        %scan3A_82 = arith.constant 1 : i32
        %scan3A_83:2 = scf.for %scan3A_175 = %scan3A to %scan3A_81 step %scan3A_82 iter_args(%scan3A_176 = %broadcast_in_dim3A_79, %scan3A_177 = %broadcast_in_dim3A_79) -> (vector<1x512xi32>, vector<1x512xi32>)  : i32 {
          %sub3A_178 = arith.constant 31 : i32
          %sub3A_179 = arith.subi %sub3A_178, %scan3A_175 : i32
          %shift_left3A = arith.constant 1 : i32
          %shift_left3A_180 = arith.shli %shift_left3A, %sub3A_179 : i32
          %or3A = vector.broadcast %shift_left3A_180 : i32 to vector<1x512xi32>
          %or3A_181 = arith.ori %scan3A_176, %or3A : vector<1x512xi32>
          %xor3A_182 = arith.constant -2147483648 : i32
          %xor3A_183 = vector.broadcast %xor3A_182 : i32 to vector<1x512xi32>
          %xor3A_184 = arith.xori %or3A_181, %xor3A_183 : vector<1x512xi32>
          %or3A_185 = vector.broadcast %shift_left3A_180 : i32 to vector<1x512xi32>
          %or3A_186 = arith.ori %scan3A_177, %or3A_185 : vector<1x512xi32>
          %xor3A_187 = arith.constant -2147483648 : i32
          %xor3A_188 = vector.broadcast %xor3A_187 : i32 to vector<1x512xi32>
          %xor3A_189 = arith.xori %or3A_186, %xor3A_188 : vector<1x512xi32>
          %broadcast_in_dim3A_190 = arith.constant 0.000000e+00 : f32
          %broadcast_in_dim3A_191 = vector.broadcast %broadcast_in_dim3A_190 : f32 to vector<1x512xf32>
          %get3A_192 = arith.constant 0 : index
          %get3A_193 = arith.constant 0 : index
          %get3A_194 = vector.load %arg7[%get3A_192, %get3A_193] : memref<4096x512xi32, #tpu.memory_space<vmem>>, vector<512x512xi32>
          %lt3A_195 = vector.broadcast %xor3A_184 : vector<1x512xi32> to vector<512x512xi32>
          %lt3A_196 = arith.cmpi slt, %get3A_194, %lt3A_195 : vector<512x512xi32>
          %jit3A_197 = arith.constant 1.000000e+00 : f32
          %jit3A_198 = arith.constant 0.000000e+00 : f32
          %broadcast_in_dim3A_199 = vector.broadcast %jit3A_197 : f32 to vector<512x512xf32>
          %broadcast_in_dim3A_200 = vector.broadcast %jit3A_198 : f32 to vector<512x512xf32>
          %select_n3A_201 = arith.select %lt3A_196, %broadcast_in_dim3A_199, %broadcast_in_dim3A_200 : vector<512x512xi1>, vector<512x512xf32>
          %dot_general3A = arith.constant dense<0.000000e+00> : vector<1x512xf32>
          %dot_general3A_202 = tpu.matmul %broadcast_in_dim3A_22, %select_n3A_201, %dot_general3A {dimension_numbers = #tpu.dot_dimension_numbers<[1], [0], [0], [1], [0, 0, 1, 1], [], []>, transpose_lhs_hint = false} : vector<1x512xf32>, vector<512x512xf32>, vector<1x512xf32> -> vector<1x512xf32>
          %add3A_203 = arith.addf %broadcast_in_dim3A_191, %dot_general3A_202 : vector<1x512xf32>
          %lt3A_204 = vector.broadcast %xor3A_189 : vector<1x512xi32> to vector<512x512xi32>
          %lt3A_205 = arith.cmpi slt, %get3A_194, %lt3A_204 : vector<512x512xi32>
          %jit3A_206 = arith.constant 1.000000e+00 : f32
          %jit3A_207 = arith.constant 0.000000e+00 : f32
          %broadcast_in_dim3A_208 = vector.broadcast %jit3A_206 : f32 to vector<512x512xf32>
          %broadcast_in_dim3A_209 = vector.broadcast %jit3A_207 : f32 to vector<512x512xf32>
          %select_n3A_210 = arith.select %lt3A_205, %broadcast_in_dim3A_208, %broadcast_in_dim3A_209 : vector<512x512xi1>, vector<512x512xf32>
          %dot_general3A_211 = arith.constant dense<0.000000e+00> : vector<1x512xf32>
          %dot_general3A_212 = tpu.matmul %broadcast_in_dim3A_22, %select_n3A_210, %dot_general3A_211 {dimension_numbers = #tpu.dot_dimension_numbers<[1], [0], [0], [1], [0, 0, 1, 1], [], []>, transpose_lhs_hint = false} : vector<1x512xf32>, vector<512x512xf32>, vector<1x512xf32> -> vector<1x512xf32>
          %add3A_213 = arith.addf %broadcast_in_dim3A_191, %dot_general3A_212 : vector<1x512xf32>
          %get3A_214 = arith.constant 512 : index
          %get3A_215 = arith.constant 0 : index
          %get3A_216 = vector.load %arg7[%get3A_214, %get3A_215] : memref<4096x512xi32, #tpu.memory_space<vmem>>, vector<512x512xi32>
          %lt3A_217 = vector.broadcast %xor3A_184 : vector<1x512xi32> to vector<512x512xi32>
          %lt3A_218 = arith.cmpi slt, %get3A_216, %lt3A_217 : vector<512x512xi32>
          %jit3A_219 = arith.constant 1.000000e+00 : f32
          %jit3A_220 = arith.constant 0.000000e+00 : f32
          %broadcast_in_dim3A_221 = vector.broadcast %jit3A_219 : f32 to vector<512x512xf32>
          %broadcast_in_dim3A_222 = vector.broadcast %jit3A_220 : f32 to vector<512x512xf32>
          %select_n3A_223 = arith.select %lt3A_218, %broadcast_in_dim3A_221, %broadcast_in_dim3A_222 : vector<512x512xi1>, vector<512x512xf32>
          %dot_general3A_224 = arith.constant dense<0.000000e+00> : vector<1x512xf32>
          %dot_general3A_225 = tpu.matmul %broadcast_in_dim3A_22, %select_n3A_223, %dot_general3A_224 {dimension_numbers = #tpu.dot_dimension_numbers<[1], [0], [0], [1], [0, 0, 1, 1], [], []>, transpose_lhs_hint = false} : vector<1x512xf32>, vector<512x512xf32>, vector<1x512xf32> -> vector<1x512xf32>
          %add3A_226 = arith.addf %add3A_203, %dot_general3A_225 : vector<1x512xf32>
          %lt3A_227 = vector.broadcast %xor3A_189 : vector<1x512xi32> to vector<512x512xi32>
          %lt3A_228 = arith.cmpi slt, %get3A_216, %lt3A_227 : vector<512x512xi32>
          %jit3A_229 = arith.constant 1.000000e+00 : f32
          %jit3A_230 = arith.constant 0.000000e+00 : f32
          %broadcast_in_dim3A_231 = vector.broadcast %jit3A_229 : f32 to vector<512x512xf32>
          %broadcast_in_dim3A_232 = vector.broadcast %jit3A_230 : f32 to vector<512x512xf32>
          %select_n3A_233 = arith.select %lt3A_228, %broadcast_in_dim3A_231, %broadcast_in_dim3A_232 : vector<512x512xi1>, vector<512x512xf32>
          %dot_general3A_234 = arith.constant dense<0.000000e+00> : vector<1x512xf32>
          %dot_general3A_235 = tpu.matmul %broadcast_in_dim3A_22, %select_n3A_233, %dot_general3A_234 {dimension_numbers = #tpu.dot_dimension_numbers<[1], [0], [0], [1], [0, 0, 1, 1], [], []>, transpose_lhs_hint = false} : vector<1x512xf32>, vector<512x512xf32>, vector<1x512xf32> -> vector<1x512xf32>
          %add3A_236 = arith.addf %add3A_213, %dot_general3A_235 : vector<1x512xf32>
          %le3A_237 = vector.broadcast %convert_element_type3A : f32 to vector<1x512xf32>
          %le3A_238 = arith.cmpf ole, %add3A_226, %le3A_237 : vector<1x512xf32>
          %or3A_239 = vector.broadcast %shift_left3A_180 : i32 to vector<1x512xi32>
          %or3A_240 = arith.ori %scan3A_176, %or3A_239 : vector<1x512xi32>
          %select_n3A_241 = arith.select %le3A_238, %or3A_240, %scan3A_176 : vector<1x512xi1>, vector<1x512xi32>
          %le3A_242 = vector.broadcast %convert_element_type3A_23 : f32 to vector<1x512xf32>
          %le3A_243 = arith.cmpf ole, %add3A_236, %le3A_242 : vector<1x512xf32>
          %or3A_244 = vector.broadcast %shift_left3A_180 : i32 to vector<1x512xi32>
          %or3A_245 = arith.ori %scan3A_177, %or3A_244 : vector<1x512xi32>
          %select_n3A_246 = arith.select %le3A_243, %or3A_245, %scan3A_177 : vector<1x512xi1>, vector<1x512xi32>
          scf.yield %select_n3A_241, %select_n3A_246 : vector<1x512xi32>, vector<1x512xi32>
        }
        %scan3A_84 = arith.constant 32 : i32
        %lt3A_85 = arith.constant 0 : i32
        %lt3A_86 = vector.broadcast %lt3A_85 : i32 to vector<1x512xi32>
        %lt3A_87 = arith.cmpi slt, %scan3A_83#0, %lt3A_86 : vector<1x512xi32>
        %and3A_88 = arith.constant 2147483647 : i32
        %and3A_89 = vector.broadcast %and3A_88 : i32 to vector<1x512xi32>
        %and3A_90 = arith.andi %scan3A_83#0, %and3A_89 : vector<1x512xi32>
        %not3A = arith.constant dense<-1> : vector<1x512xi32>
        %not3A_91 = arith.xori %scan3A_83#0, %not3A : vector<1x512xi32>
        %select_n3A_92 = arith.select %lt3A_87, %and3A_90, %not3A_91 : vector<1x512xi1>, vector<1x512xi32>
        %lt3A_93 = arith.constant 0 : i32
        %lt3A_94 = vector.broadcast %lt3A_93 : i32 to vector<1x512xi32>
        %lt3A_95 = arith.cmpi slt, %scan3A_83#1, %lt3A_94 : vector<1x512xi32>
        %and3A_96 = arith.constant 2147483647 : i32
        %and3A_97 = vector.broadcast %and3A_96 : i32 to vector<1x512xi32>
        %and3A_98 = arith.andi %scan3A_83#1, %and3A_97 : vector<1x512xi32>
        %not3A_99 = arith.constant dense<-1> : vector<1x512xi32>
        %not3A_100 = arith.xori %scan3A_83#1, %not3A_99 : vector<1x512xi32>
        %select_n3A_101 = arith.select %lt3A_95, %and3A_98, %not3A_100 : vector<1x512xi1>, vector<1x512xi32>
        %bitcast_convert_type3A_102 = tpu.bitcast %select_n3A_92 : vector<1x512xi32> -> vector<1x512xf32>
        %bitcast_convert_type3A_103 = tpu.bitcast %select_n3A_101 : vector<1x512xi32> -> vector<1x512xf32>
        %broadcast_in_dim3A_104 = arith.constant 0.000000e+00 : f32
        %broadcast_in_dim3A_105 = vector.broadcast %broadcast_in_dim3A_104 : f32 to vector<1x512xf32>
        %get3A_106 = arith.constant 0 : index
        %get3A_107 = arith.constant 0 : index
        %get3A_108 = arith.constant 0 : index
        %get3A_109 = vector.load %arg5[%get3A_106, %get3A_107, %get3A_108] : memref<1x4096x512xf32, #tpu.memory_space<vmem>>, vector<1x512x512xf32>
        %get3A_110 = vector.shape_cast %get3A_109 : vector<1x512x512xf32> to vector<512x512xf32>
        %add3A_111 = arith.constant 0 : i32
        %add3A_112 = vector.broadcast %add3A_111 : i32 to vector<512x512xi32>
        %add3A_113 = arith.addi %iota3A, %add3A_112 : vector<512x512xi32>
        %lt3A_114 = vector.broadcast %get3A_0 : i32 to vector<512x512xi32>
        %lt3A_115 = arith.cmpi slt, %add3A_113, %lt3A_114 : vector<512x512xi32>
        %ge3A = vector.broadcast %bitcast_convert_type3A_102 : vector<1x512xf32> to vector<512x512xf32>
        %ge3A_116 = arith.cmpf oge, %get3A_110, %ge3A : vector<512x512xf32>
        %and3A_117 = arith.andi %lt3A_115, %ge3A_116 : vector<512x512xi1>
        %le3A = vector.broadcast %bitcast_convert_type3A_103 : vector<1x512xf32> to vector<512x512xf32>
        %le3A_118 = arith.cmpf ole, %get3A_110, %le3A : vector<512x512xf32>
        %and3A_119 = arith.andi %and3A_117, %le3A_118 : vector<512x512xi1>
        %jit3A_120 = arith.constant 0.000000e+00 : f32
        %broadcast_in_dim3A_121 = vector.broadcast %jit3A_120 : f32 to vector<512x512xf32>
        %select_n3A_122 = arith.select %and3A_119, %get3A_110, %broadcast_in_dim3A_121 : vector<512x512xi1>, vector<512x512xf32>
        %reduce_sum3A = arith.constant dense<0.000000e+00> : vector<512xf32>
        %reduce_sum3A_123 = vector.multi_reduction <add>, %select_n3A_122, %reduce_sum3A [0] : vector<512x512xf32> to vector<512xf32>
        %broadcast_in_dim3A_124 = vector.shape_cast %reduce_sum3A_123 : vector<512xf32> to vector<1x512xf32>
        %add3A_125 = arith.addf %broadcast_in_dim3A_105, %broadcast_in_dim3A_124 : vector<1x512xf32>
        %jit3A_126 = arith.constant 1.000000e+00 : f32
        %jit3A_127 = arith.constant 0.000000e+00 : f32
        %broadcast_in_dim3A_128 = vector.broadcast %jit3A_126 : f32 to vector<512x512xf32>
        %broadcast_in_dim3A_129 = vector.broadcast %jit3A_127 : f32 to vector<512x512xf32>
        %select_n3A_130 = arith.select %and3A_119, %broadcast_in_dim3A_128, %broadcast_in_dim3A_129 : vector<512x512xi1>, vector<512x512xf32>
        %reduce_sum3A_131 = arith.constant dense<0.000000e+00> : vector<512xf32>
        %reduce_sum3A_132 = vector.multi_reduction <add>, %select_n3A_130, %reduce_sum3A_131 [0] : vector<512x512xf32> to vector<512xf32>
        %broadcast_in_dim3A_133 = vector.shape_cast %reduce_sum3A_132 : vector<512xf32> to vector<1x512xf32>
        %add3A_134 = arith.addf %broadcast_in_dim3A_105, %broadcast_in_dim3A_133 : vector<1x512xf32>
        %get3A_135 = arith.constant 0 : index
        %get3A_136 = arith.constant 512 : index
        %get3A_137 = arith.constant 0 : index
        %get3A_138 = vector.load %arg5[%get3A_135, %get3A_136, %get3A_137] : memref<1x4096x512xf32, #tpu.memory_space<vmem>>, vector<1x512x512xf32>
        %get3A_139 = vector.shape_cast %get3A_138 : vector<1x512x512xf32> to vector<512x512xf32>
        %add3A_140 = arith.constant 512 : i32
        %add3A_141 = vector.broadcast %add3A_140 : i32 to vector<512x512xi32>
        %add3A_142 = arith.addi %iota3A, %add3A_141 : vector<512x512xi32>
        %lt3A_143 = vector.broadcast %get3A_0 : i32 to vector<512x512xi32>
        %lt3A_144 = arith.cmpi slt, %add3A_142, %lt3A_143 : vector<512x512xi32>
        %ge3A_145 = vector.broadcast %bitcast_convert_type3A_102 : vector<1x512xf32> to vector<512x512xf32>
        %ge3A_146 = arith.cmpf oge, %get3A_139, %ge3A_145 : vector<512x512xf32>
        %and3A_147 = arith.andi %lt3A_144, %ge3A_146 : vector<512x512xi1>
        %le3A_148 = vector.broadcast %bitcast_convert_type3A_103 : vector<1x512xf32> to vector<512x512xf32>
        %le3A_149 = arith.cmpf ole, %get3A_139, %le3A_148 : vector<512x512xf32>
        %and3A_150 = arith.andi %and3A_147, %le3A_149 : vector<512x512xi1>
        %jit3A_151 = arith.constant 0.000000e+00 : f32
        %broadcast_in_dim3A_152 = vector.broadcast %jit3A_151 : f32 to vector<512x512xf32>
        %select_n3A_153 = arith.select %and3A_150, %get3A_139, %broadcast_in_dim3A_152 : vector<512x512xi1>, vector<512x512xf32>
        %reduce_sum3A_154 = arith.constant dense<0.000000e+00> : vector<512xf32>
        %reduce_sum3A_155 = vector.multi_reduction <add>, %select_n3A_153, %reduce_sum3A_154 [0] : vector<512x512xf32> to vector<512xf32>
        %broadcast_in_dim3A_156 = vector.shape_cast %reduce_sum3A_155 : vector<512xf32> to vector<1x512xf32>
        %add3A_157 = arith.addf %add3A_125, %broadcast_in_dim3A_156 : vector<1x512xf32>
        %jit3A_158 = arith.constant 1.000000e+00 : f32
        %jit3A_159 = arith.constant 0.000000e+00 : f32
        %broadcast_in_dim3A_160 = vector.broadcast %jit3A_158 : f32 to vector<512x512xf32>
        %broadcast_in_dim3A_161 = vector.broadcast %jit3A_159 : f32 to vector<512x512xf32>
        %select_n3A_162 = arith.select %and3A_150, %broadcast_in_dim3A_160, %broadcast_in_dim3A_161 : vector<512x512xi1>, vector<512x512xf32>
        %reduce_sum3A_163 = arith.constant dense<0.000000e+00> : vector<512xf32>
        %reduce_sum3A_164 = vector.multi_reduction <add>, %select_n3A_162, %reduce_sum3A_163 [0] : vector<512x512xf32> to vector<512xf32>
        %broadcast_in_dim3A_165 = vector.shape_cast %reduce_sum3A_164 : vector<512xf32> to vector<1x512xf32>
        %add3A_166 = arith.addf %add3A_134, %broadcast_in_dim3A_165 : vector<1x512xf32>
        %div3A_167 = arith.divf %add3A_157, %add3A_166 : vector<1x512xf32>
        %squeeze3A = vector.shape_cast %div3A_167 : vector<1x512xf32> to vector<512xf32>
        %swap3A_168 = arith.constant 0 : index
        %swap3A_169 = arith.constant 0 : index
        %swap3A_170 = arith.constant 0 : index
        %swap3A_171 = arith.constant 0 : index
        %swap3A_172 = vector.load %arg6[%swap3A_168, %swap3A_169, %swap3A_170, %swap3A_171] : memref<1x1x1x512xf32, #tpu.memory_space<vmem>>, vector<1x1x1x512xf32>
        %swap3A_173 = vector.shape_cast %swap3A_172 : vector<1x1x1x512xf32> to vector<512xf32>
        %swap3A_174 = vector.shape_cast %squeeze3A : vector<512xf32> to vector<1x1x1x512xf32>
        tpu.vector_store %arg6[%swap3A_168, %swap3A_169, %swap3A_170, %swap3A_171], %swap3A_174 {strides = array<i32>} : memref<1x1x1x512xf32, #tpu.memory_space<vmem>>, vector<1x1x1x512xf32>,
      }
    } else {
      %get3A_30 = arith.constant 0 : index
      %get3A_31 = arith.constant 0 : index
      %get3A_32 = arith.constant 0 : index
      %get3A_33 = vector.load %arg5[%get3A_30, %get3A_31, %get3A_32] : memref<1x4096x512xf32, #tpu.memory_space<vmem>>, vector<1x512x512xf32>
      %get3A_34 = vector.shape_cast %get3A_33 : vector<1x512x512xf32> to vector<512x512xf32>
      %bitcast_convert_type3A = tpu.bitcast %get3A_34 : vector<512x512xf32> -> vector<512x512xi32>
      %lt3A = arith.constant 0 : i32
      %lt3A_35 = vector.broadcast %lt3A : i32 to vector<512x512xi32>
      %lt3A_36 = arith.cmpi slt, %bitcast_convert_type3A, %lt3A_35 : vector<512x512xi32>
      %xor3A = arith.constant 2147483647 : i32
      %xor3A_37 = vector.broadcast %xor3A : i32 to vector<512x512xi32>
      %xor3A_38 = arith.xori %bitcast_convert_type3A, %xor3A_37 : vector<512x512xi32>
      %select_n3A_39 = arith.select %lt3A_36, %xor3A_38, %bitcast_convert_type3A : vector<512x512xi1>, vector<512x512xi32>
      %add3A_40 = arith.constant 0 : i32
      %add3A_41 = vector.broadcast %add3A_40 : i32 to vector<512x512xi32>
      %add3A_42 = arith.addi %iota3A, %add3A_41 : vector<512x512xi32>
      %lt3A_43 = vector.broadcast %get3A_0 : i32 to vector<512x512xi32>
      %lt3A_44 = arith.cmpi slt, %add3A_42, %lt3A_43 : vector<512x512xi32>
      %jit3A_45 = arith.constant 2147483647 : i32
      %broadcast_in_dim3A_46 = vector.broadcast %jit3A_45 : i32 to vector<512x512xi32>
      %select_n3A_47 = arith.select %lt3A_44, %select_n3A_39, %broadcast_in_dim3A_46 : vector<512x512xi1>, vector<512x512xi32>
      %swap3A = arith.constant 0 : index
      %swap3A_48 = arith.constant 0 : index
      %swap3A_49 = vector.load %arg7[%swap3A, %swap3A_48] : memref<4096x512xi32, #tpu.memory_space<vmem>>, vector<512x512xi32>
      tpu.vector_store %arg7[%swap3A, %swap3A_48], %select_n3A_47 {strides = array<i32>} : memref<4096x512xi32, #tpu.memory_space<vmem>>, vector<512x512xi32>,
      %broadcast_in_dim3A_50 = arith.constant 0 : i32
      %broadcast_in_dim3A_51 = vector.broadcast %broadcast_in_dim3A_50 : i32 to vector<1x512xi32>
      %scan3A = arith.constant 0 : i32
      %scan3A_52 = arith.constant 32 : i32
      %scan3A_53 = arith.addi %scan3A, %scan3A_52 : i32
      %scan3A_54 = arith.constant 1 : i32
      %scan3A_55:2 = scf.for %scan3A_115 = %scan3A to %scan3A_53 step %scan3A_54 iter_args(%scan3A_116 = %broadcast_in_dim3A_51, %scan3A_117 = %broadcast_in_dim3A_51) -> (vector<1x512xi32>, vector<1x512xi32>)  : i32 {
        %sub3A_118 = arith.constant 31 : i32
        %sub3A_119 = arith.subi %sub3A_118, %scan3A_115 : i32
        %shift_left3A = arith.constant 1 : i32
        %shift_left3A_120 = arith.shli %shift_left3A, %sub3A_119 : i32
        %or3A = vector.broadcast %shift_left3A_120 : i32 to vector<1x512xi32>
        %or3A_121 = arith.ori %scan3A_116, %or3A : vector<1x512xi32>
        %xor3A_122 = arith.constant -2147483648 : i32
        %xor3A_123 = vector.broadcast %xor3A_122 : i32 to vector<1x512xi32>
        %xor3A_124 = arith.xori %or3A_121, %xor3A_123 : vector<1x512xi32>
        %or3A_125 = vector.broadcast %shift_left3A_120 : i32 to vector<1x512xi32>
        %or3A_126 = arith.ori %scan3A_117, %or3A_125 : vector<1x512xi32>
        %xor3A_127 = arith.constant -2147483648 : i32
        %xor3A_128 = vector.broadcast %xor3A_127 : i32 to vector<1x512xi32>
        %xor3A_129 = arith.xori %or3A_126, %xor3A_128 : vector<1x512xi32>
        %broadcast_in_dim3A_130 = arith.constant 0.000000e+00 : f32
        %broadcast_in_dim3A_131 = vector.broadcast %broadcast_in_dim3A_130 : f32 to vector<1x512xf32>
        %get3A_132 = arith.constant 0 : index
        %get3A_133 = arith.constant 0 : index
        %get3A_134 = vector.load %arg7[%get3A_132, %get3A_133] : memref<4096x512xi32, #tpu.memory_space<vmem>>, vector<512x512xi32>
        %lt3A_135 = vector.broadcast %xor3A_124 : vector<1x512xi32> to vector<512x512xi32>
        %lt3A_136 = arith.cmpi slt, %get3A_134, %lt3A_135 : vector<512x512xi32>
        %jit3A_137 = arith.constant 1.000000e+00 : f32
        %jit3A_138 = arith.constant 0.000000e+00 : f32
        %broadcast_in_dim3A_139 = vector.broadcast %jit3A_137 : f32 to vector<512x512xf32>
        %broadcast_in_dim3A_140 = vector.broadcast %jit3A_138 : f32 to vector<512x512xf32>
        %select_n3A_141 = arith.select %lt3A_136, %broadcast_in_dim3A_139, %broadcast_in_dim3A_140 : vector<512x512xi1>, vector<512x512xf32>
        %dot_general3A = arith.constant dense<0.000000e+00> : vector<1x512xf32>
        %dot_general3A_142 = tpu.matmul %broadcast_in_dim3A_22, %select_n3A_141, %dot_general3A {dimension_numbers = #tpu.dot_dimension_numbers<[1], [0], [0], [1], [0, 0, 1, 1], [], []>, transpose_lhs_hint = false} : vector<1x512xf32>, vector<512x512xf32>, vector<1x512xf32> -> vector<1x512xf32>
        %add3A_143 = arith.addf %broadcast_in_dim3A_131, %dot_general3A_142 : vector<1x512xf32>
        %lt3A_144 = vector.broadcast %xor3A_129 : vector<1x512xi32> to vector<512x512xi32>
        %lt3A_145 = arith.cmpi slt, %get3A_134, %lt3A_144 : vector<512x512xi32>
        %jit3A_146 = arith.constant 1.000000e+00 : f32
        %jit3A_147 = arith.constant 0.000000e+00 : f32
        %broadcast_in_dim3A_148 = vector.broadcast %jit3A_146 : f32 to vector<512x512xf32>
        %broadcast_in_dim3A_149 = vector.broadcast %jit3A_147 : f32 to vector<512x512xf32>
        %select_n3A_150 = arith.select %lt3A_145, %broadcast_in_dim3A_148, %broadcast_in_dim3A_149 : vector<512x512xi1>, vector<512x512xf32>
        %dot_general3A_151 = arith.constant dense<0.000000e+00> : vector<1x512xf32>
        %dot_general3A_152 = tpu.matmul %broadcast_in_dim3A_22, %select_n3A_150, %dot_general3A_151 {dimension_numbers = #tpu.dot_dimension_numbers<[1], [0], [0], [1], [0, 0, 1, 1], [], []>, transpose_lhs_hint = false} : vector<1x512xf32>, vector<512x512xf32>, vector<1x512xf32> -> vector<1x512xf32>
        %add3A_153 = arith.addf %broadcast_in_dim3A_131, %dot_general3A_152 : vector<1x512xf32>
        %le3A_154 = vector.broadcast %convert_element_type3A : f32 to vector<1x512xf32>
        %le3A_155 = arith.cmpf ole, %add3A_143, %le3A_154 : vector<1x512xf32>
        %or3A_156 = vector.broadcast %shift_left3A_120 : i32 to vector<1x512xi32>
        %or3A_157 = arith.ori %scan3A_116, %or3A_156 : vector<1x512xi32>
        %select_n3A_158 = arith.select %le3A_155, %or3A_157, %scan3A_116 : vector<1x512xi1>, vector<1x512xi32>
        %le3A_159 = vector.broadcast %convert_element_type3A_23 : f32 to vector<1x512xf32>
        %le3A_160 = arith.cmpf ole, %add3A_153, %le3A_159 : vector<1x512xf32>
        %or3A_161 = vector.broadcast %shift_left3A_120 : i32 to vector<1x512xi32>
        %or3A_162 = arith.ori %scan3A_117, %or3A_161 : vector<1x512xi32>
        %select_n3A_163 = arith.select %le3A_160, %or3A_162, %scan3A_117 : vector<1x512xi1>, vector<1x512xi32>
        scf.yield %select_n3A_158, %select_n3A_163 : vector<1x512xi32>, vector<1x512xi32>
      }
      %scan3A_56 = arith.constant 32 : i32
      %lt3A_57 = arith.constant 0 : i32
      %lt3A_58 = vector.broadcast %lt3A_57 : i32 to vector<1x512xi32>
      %lt3A_59 = arith.cmpi slt, %scan3A_55#0, %lt3A_58 : vector<1x512xi32>
      %and3A_60 = arith.constant 2147483647 : i32
      %and3A_61 = vector.broadcast %and3A_60 : i32 to vector<1x512xi32>
      %and3A_62 = arith.andi %scan3A_55#0, %and3A_61 : vector<1x512xi32>
      %not3A = arith.constant dense<-1> : vector<1x512xi32>
      %not3A_63 = arith.xori %scan3A_55#0, %not3A : vector<1x512xi32>
      %select_n3A_64 = arith.select %lt3A_59, %and3A_62, %not3A_63 : vector<1x512xi1>, vector<1x512xi32>
      %lt3A_65 = arith.constant 0 : i32
      %lt3A_66 = vector.broadcast %lt3A_65 : i32 to vector<1x512xi32>
      %lt3A_67 = arith.cmpi slt, %scan3A_55#1, %lt3A_66 : vector<1x512xi32>
      %and3A_68 = arith.constant 2147483647 : i32
      %and3A_69 = vector.broadcast %and3A_68 : i32 to vector<1x512xi32>
      %and3A_70 = arith.andi %scan3A_55#1, %and3A_69 : vector<1x512xi32>
      %not3A_71 = arith.constant dense<-1> : vector<1x512xi32>
      %not3A_72 = arith.xori %scan3A_55#1, %not3A_71 : vector<1x512xi32>
      %select_n3A_73 = arith.select %lt3A_67, %and3A_70, %not3A_72 : vector<1x512xi1>, vector<1x512xi32>
      %bitcast_convert_type3A_74 = tpu.bitcast %select_n3A_64 : vector<1x512xi32> -> vector<1x512xf32>
      %bitcast_convert_type3A_75 = tpu.bitcast %select_n3A_73 : vector<1x512xi32> -> vector<1x512xf32>
      %broadcast_in_dim3A_76 = arith.constant 0.000000e+00 : f32
      %broadcast_in_dim3A_77 = vector.broadcast %broadcast_in_dim3A_76 : f32 to vector<1x512xf32>
      %get3A_78 = arith.constant 0 : index
      %get3A_79 = arith.constant 0 : index
      %get3A_80 = arith.constant 0 : index
      %get3A_81 = vector.load %arg5[%get3A_78, %get3A_79, %get3A_80] : memref<1x4096x512xf32, #tpu.memory_space<vmem>>, vector<1x512x512xf32>
      %get3A_82 = vector.shape_cast %get3A_81 : vector<1x512x512xf32> to vector<512x512xf32>
      %add3A_83 = arith.constant 0 : i32
      %add3A_84 = vector.broadcast %add3A_83 : i32 to vector<512x512xi32>
      %add3A_85 = arith.addi %iota3A, %add3A_84 : vector<512x512xi32>
      %lt3A_86 = vector.broadcast %get3A_0 : i32 to vector<512x512xi32>
      %lt3A_87 = arith.cmpi slt, %add3A_85, %lt3A_86 : vector<512x512xi32>
      %ge3A = vector.broadcast %bitcast_convert_type3A_74 : vector<1x512xf32> to vector<512x512xf32>
      %ge3A_88 = arith.cmpf oge, %get3A_82, %ge3A : vector<512x512xf32>
      %and3A_89 = arith.andi %lt3A_87, %ge3A_88 : vector<512x512xi1>
      %le3A = vector.broadcast %bitcast_convert_type3A_75 : vector<1x512xf32> to vector<512x512xf32>
      %le3A_90 = arith.cmpf ole, %get3A_82, %le3A : vector<512x512xf32>
      %and3A_91 = arith.andi %and3A_89, %le3A_90 : vector<512x512xi1>
      %jit3A_92 = arith.constant 0.000000e+00 : f32
      %broadcast_in_dim3A_93 = vector.broadcast %jit3A_92 : f32 to vector<512x512xf32>
      %select_n3A_94 = arith.select %and3A_91, %get3A_82, %broadcast_in_dim3A_93 : vector<512x512xi1>, vector<512x512xf32>
      %reduce_sum3A = arith.constant dense<0.000000e+00> : vector<512xf32>
      %reduce_sum3A_95 = vector.multi_reduction <add>, %select_n3A_94, %reduce_sum3A [0] : vector<512x512xf32> to vector<512xf32>
      %broadcast_in_dim3A_96 = vector.shape_cast %reduce_sum3A_95 : vector<512xf32> to vector<1x512xf32>
      %add3A_97 = arith.addf %broadcast_in_dim3A_77, %broadcast_in_dim3A_96 : vector<1x512xf32>
      %jit3A_98 = arith.constant 1.000000e+00 : f32
      %jit3A_99 = arith.constant 0.000000e+00 : f32
      %broadcast_in_dim3A_100 = vector.broadcast %jit3A_98 : f32 to vector<512x512xf32>
      %broadcast_in_dim3A_101 = vector.broadcast %jit3A_99 : f32 to vector<512x512xf32>
      %select_n3A_102 = arith.select %and3A_91, %broadcast_in_dim3A_100, %broadcast_in_dim3A_101 : vector<512x512xi1>, vector<512x512xf32>
      %reduce_sum3A_103 = arith.constant dense<0.000000e+00> : vector<512xf32>
      %reduce_sum3A_104 = vector.multi_reduction <add>, %select_n3A_102, %reduce_sum3A_103 [0] : vector<512x512xf32> to vector<512xf32>
      %broadcast_in_dim3A_105 = vector.shape_cast %reduce_sum3A_104 : vector<512xf32> to vector<1x512xf32>
      %add3A_106 = arith.addf %broadcast_in_dim3A_77, %broadcast_in_dim3A_105 : vector<1x512xf32>
      %div3A_107 = arith.divf %add3A_97, %add3A_106 : vector<1x512xf32>
      %squeeze3A = vector.shape_cast %div3A_107 : vector<1x512xf32> to vector<512xf32>
      %swap3A_108 = arith.constant 0 : index
      %swap3A_109 = arith.constant 0 : index
      %swap3A_110 = arith.constant 0 : index
      %swap3A_111 = arith.constant 0 : index
      %swap3A_112 = vector.load %arg6[%swap3A_108, %swap3A_109, %swap3A_110, %swap3A_111] : memref<1x1x1x512xf32, #tpu.memory_space<vmem>>, vector<1x1x1x512xf32>
      %swap3A_113 = vector.shape_cast %swap3A_112 : vector<1x1x1x512xf32> to vector<512xf32>
      %swap3A_114 = vector.shape_cast %squeeze3A : vector<512xf32> to vector<1x1x1x512xf32>
      tpu.vector_store %arg6[%swap3A_108, %swap3A_109, %swap3A_110, %swap3A_111], %swap3A_114 {strides = array<i32>} : memref<1x1x1x512xf32, #tpu.memory_space<vmem>>, vector<1x1x1x512xf32>,
    }
    return
  }
  func.func @transform_0(%arg0: i32, %arg1: i32, %arg2: memref<16xi32, #tpu.memory_space<smem>>, %arg3: memref<16xi32, #tpu.memory_space<smem>>, %arg4: memref<16xi32, #tpu.memory_space<smem>>) -> (i32, i32, i32) {
    %c0_i32 = arith.constant 0 : i32
    %c0_i32_0 = arith.constant 0 : i32
    return %arg0, %c0_i32, %arg1 : i32, i32, i32
  }
  func.func @transform_1(%arg0: i32, %arg1: i32, %arg2: memref<16xi32, #tpu.memory_space<smem>>, %arg3: memref<16xi32, #tpu.memory_space<smem>>, %arg4: memref<16xi32, #tpu.memory_space<smem>>) -> (i32, i32, i32, i32) {
    %c0_i32 = arith.constant 0 : i32
    %c0_i32_0 = arith.constant 0 : i32
    %c0_i32_1 = arith.constant 0 : i32
    return %arg0, %c0_i32, %c0_i32_0, %arg1 : i32, i32, i32, i32
  }
}

</mosaic_0001>

<sc_bundles>
// kernel: kernel.4.cloned.1.call-start
scs
__scs_entry_jumppad:
0x0: {  	(pc) =	sbr.rel $0x88, $3  }
0x1: {  	(tag) =	ssettag $0x0;
	lr =	simm.s32 $0x1  }
0x2: {  	[smem:$0x3F9F] =	sst lr;
	_ =	strace $0xD0000000  }
0x3: {  	_ = 	snop  }
0x4: {  	_ = 	snop  }
0x5: {  	_ = 	snop  }
0x6: {  	_ = 	snop  }
0x7: {  	_ = 	snop  }
__scs_overlays_trampoline_lowered:
0x8: {  	[smem:$0x3FAE] =	sst s0  }
0x9: {  	[smem:$0x3FAF] =	sst s1  }
0xa: {  	[smem:$0x3FB0] =	sst s2  }
0xb: {  	[smem:$0x3FB1] =	sst s3  }
0xc: {  	[smem:$0x3FB2] =	sst s4  }
0xd: {  	[smem:$0x3FB3] =	sst s5  }
0xe: {  	[smem:$0x3FB4] =	sst s6  }
0xf: {  	[smem:$0x3FB5] =	sst s7  }
0x10: {  	[smem:$0x3FB6] =	sst s8  }
0x11: {  	[smem:$0x3FB7] =	sst s9;
	s0 =	simm.s32 @!p0 $0x0  }
0x12: {  	s1 =	sld [smem:$0x3F9D];
	s0 =	simm.s32 @p0 $0x1  }
0x13: {  	[smem:$0x3FB8] =	sst s0;
	s0 =	simm.s32 @!p1 $0x0  }
0x14: {  	s2 =	sld [smem:$0x3F9C];
	s0 =	simm.s32 @p1 $0x1  }
0x15: {  	[smem:$0x3FB9] =	sst s0;
	s0 =	simm.s32 @!p2 $0x0  }
0x16: {  	s3 =	sld [smem:$0x3FDB];
	s0 =	simm.s32 @p2 $0x1  }
0x17: {  	s4 =	simm.s32 $0x1BF5;
	[smem:$0x3FBB] =	sst s0  }
0x18: {  	s0 =	sld [smem:$0x3F9E];
	_ =	swait.ge [sflag:s4], $0x0  }
0x19: {  	s7 =	sld [smem:$0x3F9F]  }
0x1a: {  	s8 =	sadd.s32 $0xFFFFE003, lr  }
0x1b: {  	s9 =	sadd.s32 $0xFFFFFEF7, lr;
	s5 =	simm.s32 $0xFFFFFFFF;
	p2 =	slt.u32 s8, $0xFFFFF086  }
0x1c: {  	p1 =	slt.u32 s9, $0xF7A;
	s5 =	simm.s32 @!p2 $0x0  }
0x1d: {  	s5 =	simm.s32 @p1 $0x1;
	p0 =	seq.s32 s7, s2  }
0x1e: {  	s7 =	smul.u32 @!p0 $0xF7A, s2;
	p2 =	seq.s32 @!p0 s5, $0x0  }
0x1f: {  	s9 =	smul.u32 $0xF7A, s1;
	s8 =	simm.s32 @!p0 $0x1BF5;
	p2 =	por !p2, p0  }
0x20: {  	[sflag:s8] =	ssyncset.s32 @!p0 $0xFFFFF086;
	s6 =	sadd.s32 @!p0 s3, s7;
	s7 =	simm.s32 @!p0 $0x108  }
0x21: {  	s3 =	sadd.s32 s3, s9;
	s6 =	sadd.s32 @!p0 $0x88, s6;
	s7 =	simm.s32 @p2 $0x1082  }
0x22: {  	[simem:s7], [sflag:s8] =	dma.local @!p0 [hbm:s6], $0xF7A  }
0x23: {  	s9 =	sor.u32 $0xD0000000, s2;
	s6 =	simm.s32 $0x108;
	_ =	swait.ge @!p0 [sflag:s8], $0x0  }
0x24: {  	s3 =	sadd.s32 $0x88, s3;
	s6 =	simm.s32 @!p1 $0x1082;
	[sflag:s4] =	ssyncset.s32 $0xFFFFF086  }
0x25: {  	[simem:s6], [sflag:s4] =	dma.local [hbm:s3], $0xF7A  }
0x26: {  	[smem:$0x3F9F] =	sst s1;
	(tag) =	ssettag s2;
	_ =	strace s9  }
0x27: {  	s1 =	sld [smem:$0x3FAF]  }
0x28: {  	s2 =	sld [smem:$0x3FB0]  }
0x29: {  	s4 =	sld [smem:$0x3FB2]  }
0x2a: {  	p0 =	seq.s32 s5, $0x0;
	s5 =	sld [smem:$0x3FB3]  }
0x2b: {  	s6 =	sld [smem:$0x3FB4]  }
0x2c: {  	s7 =	sld [smem:$0x3FB5]  }
0x2d: {  	s3 =	simm.s32 $0x108;
	s8 =	sld [smem:$0x3FB6]  }
0x2e: {  	s3 =	simm.s32 @!p0 $0x1082;
	s9 =	sld [smem:$0x3FB7]  }
0x2f: {  	lr =	sadd.s32 s0, s3;
	s0 =	sld [smem:$0x3FAE]  }
0x30: {  	s3 =	sld [smem:$0x3FB1]  }
0x31: {  	[smem:$0x3FBA] =	sst s10  }
0x32: {  	s10 =	sld [smem:$0x3FB8];
	_ =	sdelay $0x3  }
0x33: {  	p0 =	seq.s32 s10, $0x1;
	s10 =	sld [smem:$0x3FBA];
	_ =	sdelay $0x3  }
0x34: {  	[smem:$0x3FBA] =	sst s10  }
0x35: {  	s10 =	sld [smem:$0x3FB9];
	_ =	sdelay $0x3  }
0x36: {  	p1 =	seq.s32 s10, $0x1;
	s10 =	sld [smem:$0x3FBA];
	_ =	sdelay $0x3  }
0x37: {  	[smem:$0x3FBA] =	sst s10  }
0x38: {  	s10 =	sld [smem:$0x3FBB]  }
0x39: {  	_ = 	snop;
	(pc) =	sbr.ind lr, $3  }
0x3a: {  	_ = 	snop  }
0x3b: {  	_ = 	snop  }
0x3c: {  	p2 =	seq.s32 s10, $0x1;
	s10 =	sld [smem:$0x3FBA]  }
0x3d: {  	_ =	shalt  }
0x3e: {  	_ =	shalt  }
0x3f: {  	_ =	shalt  }
0x40: {  	_ =	shalt  }
0x41: {  	_ =	shalt  }
0x42: {  	_ =	shalt  }
0x43: {  	_ =	shalt  }
0x44: {  	_ =	shalt  }
0x45: {  	_ =	shalt  }
0x46: {  	_ =	shalt  }
0x47: {  	_ =	shalt  }
0x48: {  	_ =	shalt  }
0x49: {  	_ =	shalt  }
0x4a: {  	_ =	shalt  }
0x4b: {  	_ =	shalt  }
0x4c: {  	_ =	shalt  }
0x4d: {  	_ =	shalt  }
0x4e: {  	_ =	shalt  }
0x4f: {  	_ =	shalt  }
0x50: {  	_ =	shalt  }
0x51: {  	_ =	shalt  }
0x52: {  	_ =	shalt  }
0x53: {  	_ =	shalt  }
0x54: {  	_ =	shalt  }
0x55: {  	_ =	shalt  }
0x56: {  	_ =	shalt  }
0x57: {  	_ =	shalt  }
0x58: {  	_ =	shalt  }
0x59: {  	_ =	shalt  }
0x5a: {  	_ =	shalt  }
0x5b: {  	_ =	shalt  }
0x5c: {  	_ =	shalt  }
0x5d: {  	_ =	shalt  }
0x5e: {  	_ =	shalt  }
0x5f: {  	_ =	shalt  }
0x60: {  	_ =	shalt  }
0x61: {  	_ =	shalt  }
0x62: {  	_ =	shalt  }
0x63: {  	_ =	shalt  }
0x64: {  	_ =	shalt  }
0x65: {  	_ =	shalt  }
0x66: {  	_ =	shalt  }
0x67: {  	_ =	shalt  }
0x68: {  	_ =	shalt  }
0x69: {  	_ =	shalt  }
0x6a: {  	_ =	shalt  }
0x6b: {  	_ =	shalt  }
0x6c: {  	_ =	shalt  }
0x6d: {  	_ =	shalt  }
0x6e: {  	_ =	shalt  }
0x6f: {  	_ =	shalt  }
0x70: {  	_ =	shalt  }
0x71: {  	_ =	shalt  }
0x72: {  	_ =	shalt  }
0x73: {  	_ =	shalt  }
0x74: {  	_ =	shalt  }
0x75: {  	_ =	shalt  }
0x76: {  	_ =	shalt  }
0x77: {  	_ =	shalt  }
0x78: {  	_ =	shalt  }
0x79: {  	_ =	shalt  }
0x7a: {  	_ =	shalt  }
0x7b: {  	_ =	shalt  }
0x7c: {  	_ =	shalt  }
0x7d: {  	_ =	shalt  }
0x7e: {  	_ =	shalt  }
0x7f: {  	_ =	shalt  }
0x80: {  	_ =	shalt  }
0x81: {  	_ =	shalt  }
0x82: {  	_ =	shalt  }
0x83: {  	_ =	shalt  }
0x84: {  	_ =	shalt  }
0x85: {  	_ =	shalt  }
0x86: {  	_ =	shalt  }
0x87: {  	_ =	shalt  }
.Lfunc_end0:
.L_simem_size_0:
called_computation.1_lowered:
.L_overlay_start_0:
0x88: {  	s2 =	sld [smem:$0x3FD9]  }
0x89: {  	s3 =	sld [smem:$0x3FFE];
	_ =	sdelay $0x1  }
0x8a: {  	s1 =	srdreg.scid  }
0x8b: {  	s0 =	sand.u32 $0x1, s1  }
0x8c: {  	s17 =	sshll.u32 s0, $0xA;
	s2 =	sadd.s32 s3, s2  }
0x8d: {  	s2 =	sadd.s32 s2, s17  }
0x8e: {  	[smem:$0x3FC6] =	sst s2  }
0x8f: {  	_ = 	snop  }
0x90: {  	s2 =	sld [smem:$0x3FD0];
	(tm) =	ssettm $0x1  }
0x91: {  	s18 =	sld [smem:$0x3FFB];
	_ =	sdelay $0x3  }
0x92: {  	_ =	strace s18  }
0x93: {  	s3 =	sld [smem:$0x3FFC];
	_ =	sdelay $0x3  }
0x94: {  	_ =	strace s3  }
0x95: {  	s3 =	sld [smem:$0x3FFD];
	_ =	sdelay $0x3  }
0x96: {  	_ =	strace s3  }
0x97: {  	_ =	strace $0x8FFFFFFF  }
0x98: {  	s19 =	sld [smem:$0x3FDB];
	_ =	sdelay $0x1  }
0x99: {  	s4 =	simm.s32 $_scs_section_size  }
0x9a: {  	s5 =	simm.s32 $_size__tile_overlayer_lowered;
	s6 =	simm.s32 $_tile_overlayer_lowered  }
0x9b: {  	s22 =	simm.s32 $0x1BFF;
	s21 =	sshll.u32 s6, $0x1;
	s3 =	sadd.s32 s4, s19  }
0x9c: {  	s7 =	simm.s32 $0x0;
	s20 =	sshll.u32 s5, $0x1;
	s5 =	sadd.s32 s21, s3  }
0x9d: {  	[timem:s7], [sflag:s22] =	dma.local [hbm:s5], s20  }
0x9e: {  	_ =	swait.ge [sflag:s22], s20  }
0x9f: {  	s4 =	ssub.s32 $0x0, s20;
	[sflag:s22] =	ssyncset.done $0x0  }
0xa0: {  	[sflag:s22] =	ssyncadd.s32 s4;
	_ =	sdelay $0x1  }
0xa1: {  	s23 =	simm.s32 $0x1B8B  }
0xa2: {  	_ =	swait.ge [sflag:s23], $0x1  }
0xa3: {  	[sflag:s23] =	ssyncset.done $0x0  }
0xa4: {  	s25 =	simm.s32 $0x1B8E;
	s24 =	sld [smem:$0x3FFE];
	[sflag:s23] =	ssyncadd.s32 $0xFFFFFFFF  }
0xa5: {  	s26 =	simm.s32 $execute0_lowered;
	[smem:$0x3FD2] =	sst s25  }
0xa6: {  	s5 =	sshll.u32 s26, $0x1;
	_ =	strace $0x80000049;
	[dreg:$0x1] =	wrdreg $0xFFFFFFFF  }
0xa7: {  	s28 =	simm.s32 $_size_execute0_lowered;
	s3 =	sadd.s32 s3, s5;
	[dreg:$0x0] =	wrdreg $0x0  }
0xa8: {  	s5 =	sshll.u32 s28, $0x1;
	[dreg:$0x2] =	wrdreg s3  }
0xa9: {  	[dreg:$0x3] =	wrdreg s5  }
0xaa: {  	[dreg:$0x4] =	wrdreg $0xC0  }
0xab: {  	_ =	task [dreg:s7], $0x5FFFF  }
0xac: {  	[dreg:$0x1] =	wrdreg $0xFFFFFFFF  }
0xad: {  	[dreg:$0x0] =	wrdreg $0x60  }
0xae: {  	[dreg:$0x2] =	wrdreg s24  }
0xaf: {  	[dreg:$0x3] =	wrdreg s2  }
0xb0: {  	[dreg:$0x4] =	wrdreg $0x9  }
0xb1: {  	_ =	task.clear_ibuf [dreg:s7], $0x5FFFF;
	_ =	strace $0x90000049  }
0xb2: {  	s29 =	simm.s32 $0x9;
	_ =	strace $0x8000004B  }
0xb3: {  	_ =	swait.ge [sflag:s29], $0x1  }
0xb4: {  	[sflag:s29] =	ssyncadd.s32 $0xFFFFFFFF  }
0xb5: {  	_ =	strace $0x9000004B  }
0xb6: {  	_ =	sfence  }
0xb7: {  	s30 =	sld [smem:$0x0];
	_ =	sdelay $0x2  }
0xb8: {  	s31 =	sshll.u32 s1, $0xD;
	s1 =	sshrl.u32 s1, $0x2  }
0xb9: {  	s3 =	sand.u32 $0x4000, s31;
	s1 =	sadd.s32 s1, s30  }
0xba: {  	s0 =	sor.u32 s3, s0;
	s1 =	sshll.u32 s1, $0x11  }
0xbb: {  	s0 =	sor.u32 s1, s0  }
0xbc: {  	s0 =	sadd.s32 $0x8F2B, s0  }
0xbd: {  	[sflag:s0] =	ssyncadd.remote.s32 $0x1  }
0xbe: {  	_ =	sfence.sel $0xFFFF  }
0xbf: {  	[dreg:$0x0] =	wrdreg $0xFFFFFFFF;
	(pc) =	sbr.abs _section_cstart, $3  }
0xc0: {  	[dreg:$0x1] =	wrdreg $0xFFFFFFFF  }
0xc1: {  	_ =	task.clear_ibuf [dreg:s7], $0x2FFFF;
	_ =	strace $0x9FFFFFFF  }
0xc2: {  	(tm) =	ssettm $0x7FFFFFFF  }
0xc3: {  	_ =	shalt  }
tec
execute0_lowered:
.L_overlay_start_1:
0x0: {  	(tag) =	ssettag $0x1  }
0x1: {  	s1 =	srdreg.scid;
	s6 =	rddreg [dreg:$0x0]  }
0x2: {  	s0 =	stileid.u32;
	s11 =	rddreg [dreg:$0x1]  }
0x3: {  	s16 =	simm.s32 $0x10;
	s17 =	simm.s32 $0x400;
	s1 =	sand.u32 $0x1, s1  }
0x4: {  	s18 =	simm.s32 $0x80000000;
	s19 =	simm.s32 $0x14030;
	s2 =	sor.u32 s1, s0  }
0x5: {  	s20 =	simm.s32 $0x0;
	p1 =	seq.s32 s1, $0x1;
	p0 =	seq.s32 s2, $0x0  }
0x6: {  	s7 =	sshll.u32 s1, $0x4;
	s1 =	ssub.s32 $0x2, s1;
	p0 =	por !p0, !p1  }
0x7: {  	s2 =	simm.s32 $0x1;
	s8 =	sshrl.u32 s1, $0x1;
	p0 =	por !p0, !p0  }
0x8: {  	s5 =	sadd.s32 $0x801800, s6;
	s1 =	ssub.s32 s1, s8;
	s2 =	simm.s32 @!p0 $0x0  }
0x9: {  	s8 =	simm.s32 $0x14010;
	s15 =	ssub.s32 s0, s2;
	s2 =	simm.s32 $0x0  }
0xa: {  	s3 =	sshll.u32 s15, $0x16;
	[smem:$0x7FF] =	sst s2;
	s9 =	sshll.u32 s15, $0x5  }
0xb: {  	v0 =	vmov s15;
	s15 =	simm.s32 $0x14000;
	s4 =	sor.u32 s7, s3;
	_ =	strace $0x8000004A  }
.Ltmp0:
0xc: {  	s9 =	sor.u32 s7, s9;
	s4 =	sshrl.u32 s4, $0x3;
	(pc) =	sbr.rel .LBB2_1-.Ltmp0, $4  }
0xd: {  	v1 =	vlaneseq.u32;
	s3 =	simm.s32 $0x1;
	s12 =	sshrl.u32 s9, $0x3;
	s10 =	sadd.s32 s4, s6  }
0xe: {  	vm0 =	veq.s32 v0, v1;
	v0 =	vimm.s32 $0x0;
	s4 =	sadd.s32 $0x801600, s6;
	s6 =	sadd.s32 $0x801400, s6;
	s11 =	sadd.s32 s11, s12  }
0xf: {  	v0 =	vsel vm0, $0xFFFFFFFF, v0;
	s12 =	smax.u32 s1, $0x1;
	s7 =	sadd.s32 $0x1400, s10;
	s31 =	sadd.s32 $0x61400, s10  }
0x10: {  	v1 =	vimm.f32 $0.0e+00;
	[tilespmem:$0x1FFF0] =	vst v0;
	v0 =	vimm.s32 $0x0;
	s13 =	sadd.s32 $0x21400, s10;
	s14 =	sadd.s32 $0x41400, s10;
	[dreg:$0x3] =	wrdreg s31  }
.LBB2_21:
0x11: {  	v2 =	vimm.f32 $0.0e+00  }
.LBB2_25:
0x12: {  	(erf) = vrcp.f32 v2;
	_ =	sdelay $0x8  }
0x13: {  	v2 =	vpop (erf)  }
0x14: {  	s20 =	sadd.s32 $0x1, s20;
	v2 =	vmul.f32 v2, v4  }
0x15: {  	p0 =	sne.s32 s20, s12  }
.Ltmp1:
0x16: {  	[tilespmem:$0x14030] =	vst v2;
	(pc) =	sbr.rel @!p0 .LBB2_26-.Ltmp1, $4  }
0x17: {  	[hbm4b:s11+s2] =	stream.linear.scatter [tilespmem:s19], [sflag:$0x1], $0x10, $0x38;
	[tilespmem:$0x14040] =	vst v63  }
0x18: {  	_ =	swait.ge [sflag:s3], $0x10  }
0x19: {  	[sflag:s3] =	ssyncset.done $0x0  }
0x1a: {  	[sflag:s3] =	ssyncadd.s32 $0xFFFFFFF0  }
.LBB2_1:
0x1b: {  	[tilespmem:s15], [sflag:$0x1] =	stream.linear.gather [hbm4b:s4+s2], $0x10, $0x38;
	[tilespmem:$0x14040] =	vst v63  }
0x1c: {  	_ =	swait.ge [sflag:s3], $0x10  }
0x1d: {  	[sflag:s3] =	ssyncset.done $0x0  }
0x1e: {  	[sflag:s3] =	ssyncadd.s32 $0xFFFFFFF0  }
0x1f: {  	[tilespmem:s8], [sflag:$0x1] =	stream.linear.gather [hbm4b:s5+s2], $0x10, $0x38;
	[tilespmem:$0x14040] =	vst v63  }
0x20: {  	_ =	swait.ge [sflag:s3], $0x10  }
0x21: {  	[sflag:s3] =	ssyncset.done $0x0  }
0x22: {  	s0 =	simm.s32 $0x14020;
	[sflag:s3] =	ssyncadd.s32 $0xFFFFFFF0  }
0x23: {  	[tilespmem:s0], [sflag:$0x1] =	stream.linear.gather [hbm4b:s6+s2], $0x10, $0x38;
	[tilespmem:$0x14040] =	vst v63  }
0x24: {  	_ =	swait.ge [sflag:s3], $0x10  }
0x25: {  	[sflag:s3] =	ssyncset.done $0x0  }
0x26: {  	v3 =	vld [tilespmem:$0x1FFF0];
	[sflag:s3] =	ssyncadd.s32 $0xFFFFFFF0  }
0x27: {  	v2 =	vld [tilespmem:$0x14000];
	_ =	sdelay $0x4  }
0x28: {  	vm0 =	vnez.u8 v3;
	v2 =	vxor.u32 $0x80000000, v2  }
0x29: {  	v2 =	vnsel vm0, $0x80000000, v2  }
0x2a: {  	(xrf0) =	vmax.scan.msk.u32 $0xffff, v2;
	_ =	sdelay $0x4  }
0x2b: {  	v2 =	vld [tilespmem:$0x14010]  }
0x2c: {  	v3 =	vld [tilespmem:$0x14020];
	v4, _, _ =	vpop (xrf0)  }
0x2d: {  	(v2sf) =	vpush v4, $0xF;
	_ =	sdelay $0x2  }
0x2e: {  	v2 =	vxor.u32 $0x80000000, v2  }
0x2f: {  	v3 =	vxor.u32 $0x80000000, v3;
	v2 =	vnsel vm0, $0x80000000, v2  }
0x30: {  	(xrf0) =	vmax.scan.msk.u32 $0xffff, v2;
	v2 =	vnsel vm0, $0x80000000, v3  }
0x31: {  	(xrf0) =	vmax.scan.msk.u32 $0xffff, v2;
	_ =	sdelay $0x4  }
0x32: {  	v2, _, _ =	vpop (xrf0)  }
0x33: {  	(v2sf) =	vpush v2, $0xF;
	v2, _, _ =	vpop (xrf0)  }
0x34: {  	(v2sf) =	vpush v2, $0xF;
	_ =	sdelay $0x1  }
0x35: {  	s1 =	spop (v2sf)  }
0x36: {  	s21 =	sadd.s32 $0x800003FF, s1  }
0x37: {  	s22 =	sand.u32 $0x3FF, s21  }
0x38: {  	s23 =	sshra.s32 s21, $0x1F;
	p0 =	slt.s32 s21, $0x1;
	p1 =	sne.s32 s22, $0x0  }
0x39: {  	s31 =	sshrl.u32 s23, $0x16;
	p0 =	por !p0, !p1  }
0x3a: {  	s22 =	simm.s32 $0x1;
	s21 =	sadd.s32 s31, s21;
	p0 =	por !p0, !p0  }
0x3b: {  	s21 =	sshra.s32 s21, $0xA;
	s22 =	simm.s32 @!p0 $0x0  }
0x3c: {  	s21 =	ssub.s32 s21, s22  }
0x3d: {  	p0 =	slt.s32 s21, $0x1  }
.Ltmp2:
0x3e: {  	_ = 	snop;
	(pc) =	sbr.rel @p0 .LBB2_14-.Ltmp2, $3  }
0x3f: {  	_ =	sdelay $0x1  }
0x40: {  	s23 =	spop (v2sf)  }
0x41: {  	s22 =	spop (v2sf)  }
0x42: {  	[tilespmem:s2], [sflag:$0x1] =	stream.strided.gather [hbm4b:s7+s16], $0x4000, s17, s16, $0x38;
	[tilespmem:$0x14040] =	vst v63  }
0x43: {  	_ =	swait.ge [sflag:s3], $0x4000  }
0x44: {  	[sflag:s3] =	ssyncset.done $0x0  }
0x45: {  	s25 =	simm.s32 $0x40;
	[sflag:s3] =	ssyncadd.s32 $0xFFFFC000  }
0x46: {  	v2 =	vld [tilespmem:s25+$0xFFFFFFC0];
	_ =	sdelay $0x4  }
0x47: {  	s24 =	sxor.u32 $0x80000000, s1;
	vm1 =	vlt.s32 v2, $0x0;
	v3 =	vxor.u32 $0x7FFFFFFF, v2  }
0x48: {  	p0 =	sgt.s32 s24, $0x0;
	v2 =	vsel vm1, v3, v2  }
0x49: {  	s26 =	simm.s32 $0x4040;
	v2 =	vpsel !p0, $0x7FFFFFFF, v2  }
0x4a: {  	[tilespmem:s26+$0xFFFFFFC0] =	vst v2  }
0x4b: {  	v2 =	vld [tilespmem:s25+$0xFFFFFFD0];
	_ =	sdelay $0x4  }
0x4c: {  	vm9 =	vlt.s32 v2, $0x0;
	v3 =	vxor.u32 $0x7FFFFFFF, v2  }
0x4d: {  	p6 =	sgt.s32 s24, $0x1;
	v2 =	vsel vm9, v3, v2  }
0x4e: {  	v2 =	vpsel !p6, $0x7FFFFFFF, v2  }
0x4f: {  	[tilespmem:s26+$0xFFFFFFD0] =	vst v2  }
0x50: {  	v2 =	vld [tilespmem:s25+$0xFFFFFFE0];
	_ =	sdelay $0x4  }
0x51: {  	vm10 =	vlt.s32 v2, $0x0;
	v3 =	vxor.u32 $0x7FFFFFFF, v2  }
0x52: {  	p1 =	sgt.s32 s24, $0x2;
	v2 =	vsel vm10, v3, v2  }
0x53: {  	v2 =	vpsel !p1, $0x7FFFFFFF, v2  }
0x54: {  	[tilespmem:s26+$0xFFFFFFE0] =	vst v2  }
0x55: {  	v2 =	vld [tilespmem:s25+$0xFFFFFFF0];
	_ =	sdelay $0x4  }
0x56: {  	vm11 =	vlt.s32 v2, $0x0;
	v3 =	vxor.u32 $0x7FFFFFFF, v2  }
0x57: {  	p2 =	sgt.s32 s24, $0x3;
	v2 =	vsel vm11, v3, v2  }
0x58: {  	v2 =	vpsel !p2, $0x7FFFFFFF, v2  }
0x59: {  	[tilespmem:s26+$0xFFFFFFF0] =	vst v2  }
0x5a: {  	v2 =	vld [tilespmem:s25+$0x0];
	_ =	sdelay $0x4  }
0x5b: {  	vm12 =	vlt.s32 v2, $0x0;
	v3 =	vxor.u32 $0x7FFFFFFF, v2  }
0x5c: {  	p3 =	sgt.s32 s24, $0x4;
	v2 =	vsel vm12, v3, v2  }
0x5d: {  	v2 =	vpsel !p3, $0x7FFFFFFF, v2  }
0x5e: {  	[tilespmem:s26+$0x0] =	vst v2  }
0x5f: {  	v2 =	vld [tilespmem:s25+$0x10];
	_ =	sdelay $0x4  }
0x60: {  	vm13 =	vlt.s32 v2, $0x0;
	v3 =	vxor.u32 $0x7FFFFFFF, v2  }
0x61: {  	p4 =	sgt.s32 s24, $0x5;
	v2 =	vsel vm13, v3, v2  }
0x62: {  	v2 =	vpsel !p4, $0x7FFFFFFF, v2  }
0x63: {  	[tilespmem:s26+$0x10] =	vst v2  }
0x64: {  	v2 =	vld [tilespmem:s25+$0x20];
	_ =	sdelay $0x4  }
0x65: {  	vm14 =	vlt.s32 v2, $0x0;
	v3 =	vxor.u32 $0x7FFFFFFF, v2  }
0x66: {  	p5 =	sgt.s32 s24, $0x6;
	v2 =	vsel vm14, v3, v2  }
0x67: {  	v2 =	vpsel !p5, $0x7FFFFFFF, v2  }
0x68: {  	[tilespmem:s26+$0x20] =	vst v2  }
0x69: {  	v2 =	vld [tilespmem:s25+$0x30];
	_ =	sdelay $0x4  }
0x6a: {  	vm15 =	vlt.s32 v2, $0x0;
	v3 =	vxor.u32 $0x7FFFFFFF, v2  }
0x6b: {  	p6 =	sgt.s32 s24, $0x7;
	v2 =	vsel vm15, v3, v2  }
0x6c: {  	v2 =	vpsel !p6, $0x7FFFFFFF, v2  }
0x6d: {  	s28 =	simm.s32 $0xC0;
	[tilespmem:s26+$0x30] =	vst v2  }
0x6e: {  	s29 =	simm.s32 $0x17;
	s25 =	simm.s32 $0xF;
	v2 =	vld [tilespmem:s28+$0xFFFFFFC0]  }
.LBB2_3:
0x6f: {  	p0 =	sne.s32 s29, $0x3FF;
	_ =	sdelay $0x3  }
0x70: {  	s1 =	sadd.s32 $0xFFFFFFF9, s25;
	vm1 =	vlt.s32 v2, $0x0;
	v3 =	vxor.u32 $0x7FFFFFFF, v2  }
0x71: {  	p1 =	slt.s32 s1, s24;
	v2 =	vsel vm1, v3, v2  }
0x72: {  	s26 =	sadd.s32 $0x80, s26;
	v2 =	vpsel !p1, $0x7FFFFFFF, v2  }
0x73: {  	[tilespmem:s26+$0xFFFFFFC0] =	vst v2  }
0x74: {  	v2 =	vld [tilespmem:s28+$0xFFFFFFD0];
	_ =	sdelay $0x4  }
0x75: {  	s1 =	sadd.s32 $0xFFFFFFFA, s25;
	vm1 =	vlt.s32 v2, $0x0;
	v3 =	vxor.u32 $0x7FFFFFFF, v2  }
0x76: {  	p1 =	slt.s32 s1, s24;
	v2 =	vsel vm1, v3, v2  }
0x77: {  	v2 =	vpsel !p1, $0x7FFFFFFF, v2  }
0x78: {  	[tilespmem:s26+$0xFFFFFFD0] =	vst v2  }
0x79: {  	v2 =	vld [tilespmem:s28+$0xFFFFFFE0];
	_ =	sdelay $0x4  }
0x7a: {  	s1 =	sadd.s32 $0xFFFFFFFB, s25;
	vm1 =	vlt.s32 v2, $0x0;
	v3 =	vxor.u32 $0x7FFFFFFF, v2  }
0x7b: {  	p1 =	slt.s32 s1, s24;
	v2 =	vsel vm1, v3, v2  }
0x7c: {  	v2 =	vpsel !p1, $0x7FFFFFFF, v2  }
0x7d: {  	[tilespmem:s26+$0xFFFFFFE0] =	vst v2  }
0x7e: {  	v2 =	vld [tilespmem:s28+$0xFFFFFFF0];
	_ =	sdelay $0x4  }
0x7f: {  	s1 =	sadd.s32 $0xFFFFFFFC, s25;
	vm1 =	vlt.s32 v2, $0x0;
	v3 =	vxor.u32 $0x7FFFFFFF, v2  }
0x80: {  	p1 =	slt.s32 s1, s24;
	v2 =	vsel vm1, v3, v2  }
0x81: {  	v2 =	vpsel !p1, $0x7FFFFFFF, v2  }
0x82: {  	[tilespmem:s26+$0xFFFFFFF0] =	vst v2  }
0x83: {  	v2 =	vld [tilespmem:s28+$0x0];
	_ =	sdelay $0x4  }
0x84: {  	s1 =	sadd.s32 $0xFFFFFFFD, s25;
	vm1 =	vlt.s32 v2, $0x0;
	v3 =	vxor.u32 $0x7FFFFFFF, v2  }
0x85: {  	p1 =	slt.s32 s1, s24;
	v2 =	vsel vm1, v3, v2  }
0x86: {  	v2 =	vpsel !p1, $0x7FFFFFFF, v2  }
0x87: {  	[tilespmem:s26+$0x0] =	vst v2  }
0x88: {  	v2 =	vld [tilespmem:s28+$0x10];
	_ =	sdelay $0x4  }
0x89: {  	s1 =	sadd.s32 $0xFFFFFFFE, s25;
	vm1 =	vlt.s32 v2, $0x0;
	v3 =	vxor.u32 $0x7FFFFFFF, v2  }
0x8a: {  	p1 =	slt.s32 s1, s24;
	v2 =	vsel vm1, v3, v2  }
0x8b: {  	v2 =	vpsel !p1, $0x7FFFFFFF, v2  }
0x8c: {  	[tilespmem:s26+$0x10] =	vst v2  }
0x8d: {  	v2 =	vld [tilespmem:s28+$0x20];
	_ =	sdelay $0x4  }
0x8e: {  	s1 =	sadd.s32 $0xFFFFFFFF, s25;
	vm1 =	vlt.s32 v2, $0x0;
	v3 =	vxor.u32 $0x7FFFFFFF, v2  }
0x8f: {  	p1 =	slt.s32 s1, s24;
	v2 =	vsel vm1, v3, v2  }
0x90: {  	v2 =	vpsel !p1, $0x7FFFFFFF, v2  }
0x91: {  	[tilespmem:s26+$0x20] =	vst v2  }
0x92: {  	v2 =	vld [tilespmem:s28+$0x30];
	_ =	sdelay $0x4  }
.Ltmp3:
0x93: {  	vm1 =	vlt.s32 v2, $0x0;
	v3 =	vxor.u32 $0x7FFFFFFF, v2;
	(pc) =	sbr.rel @p0 .LBB2_3-.Ltmp3, $4  }
0x94: {  	p1 =	slt.s32 s25, s24;
	s25 =	smov.u32 s29;
	v2 =	vsel vm1, v3, v2  }
0x95: {  	v2 =	vpsel !p1, $0x7FFFFFFF, v2  }
0x96: {  	s28 =	sadd.s32 $0x80, s28;
	[tilespmem:s26+$0x30] =	vst v2  }
0x97: {  	s29 =	sadd.s32 $0x8, s29;
	v2 =	vld [tilespmem:s28+$0xFFFFFFC0]  }
0x98: {  	_ =	sdelay $0x3  }
0x99: {  	s1 =	sadd.s32 $0xFFFFFFF9, s25;
	vm1 =	vlt.s32 v2, $0x0;
	v3 =	vxor.u32 $0x7FFFFFFF, v2  }
0x9a: {  	p0 =	slt.s32 s1, s24;
	v2 =	vsel vm1, v3, v2  }
0x9b: {  	s1 =	sadd.s32 $0x80, s26;
	v2 =	vpsel !p0, $0x7FFFFFFF, v2  }
0x9c: {  	[tilespmem:s1+$0xFFFFFFC0] =	vst v2  }
0x9d: {  	v2 =	vld [tilespmem:s28+$0xFFFFFFD0];
	_ =	sdelay $0x4  }
0x9e: {  	s0 =	sadd.s32 $0xFFFFFFFA, s25;
	vm9 =	vlt.s32 v2, $0x0;
	v3 =	vxor.u32 $0x7FFFFFFF, v2  }
0x9f: {  	p6 =	slt.s32 s0, s24;
	v2 =	vsel vm9, v3, v2  }
0xa0: {  	v2 =	vpsel !p6, $0x7FFFFFFF, v2  }
0xa1: {  	[tilespmem:s1+$0xFFFFFFD0] =	vst v2  }
0xa2: {  	v2 =	vld [tilespmem:s28+$0xFFFFFFE0];
	_ =	sdelay $0x4  }
0xa3: {  	s9 =	sadd.s32 $0xFFFFFFFB, s25;
	vm10 =	vlt.s32 v2, $0x0;
	v3 =	vxor.u32 $0x7FFFFFFF, v2  }
0xa4: {  	p1 =	slt.s32 s9, s24;
	v2 =	vsel vm10, v3, v2  }
0xa5: {  	v2 =	vpsel !p1, $0x7FFFFFFF, v2  }
0xa6: {  	[tilespmem:s1+$0xFFFFFFE0] =	vst v2  }
0xa7: {  	v2 =	vld [tilespmem:s28+$0xFFFFFFF0];
	_ =	sdelay $0x4  }
0xa8: {  	s10 =	sadd.s32 $0xFFFFFFFC, s25;
	vm11 =	vlt.s32 v2, $0x0;
	v3 =	vxor.u32 $0x7FFFFFFF, v2  }
0xa9: {  	p2 =	slt.s32 s10, s24;
	v2 =	vsel vm11, v3, v2  }
0xaa: {  	v2 =	vpsel !p2, $0x7FFFFFFF, v2  }
0xab: {  	[tilespmem:s1+$0xFFFFFFF0] =	vst v2  }
0xac: {  	v2 =	vld [tilespmem:s28+$0x0];
	_ =	sdelay $0x4  }
0xad: {  	s29 =	sadd.s32 $0xFFFFFFFD, s25;
	vm12 =	vlt.s32 v2, $0x0;
	v3 =	vxor.u32 $0x7FFFFFFF, v2  }
0xae: {  	p3 =	slt.s32 s29, s24;
	v2 =	vsel vm12, v3, v2  }
0xaf: {  	v2 =	vpsel !p3, $0x7FFFFFFF, v2  }
0xb0: {  	[tilespmem:s1+$0x0] =	vst v2  }
0xb1: {  	v2 =	vld [tilespmem:s28+$0x10];
	_ =	sdelay $0x4  }
0xb2: {  	s30 =	sadd.s32 $0xFFFFFFFE, s25;
	vm13 =	vlt.s32 v2, $0x0;
	v3 =	vxor.u32 $0x7FFFFFFF, v2  }
0xb3: {  	p4 =	slt.s32 s30, s24;
	v2 =	vsel vm13, v3, v2  }
0xb4: {  	v2 =	vpsel !p4, $0x7FFFFFFF, v2  }
0xb5: {  	[tilespmem:s1+$0x10] =	vst v2  }
0xb6: {  	v2 =	vld [tilespmem:s28+$0x20];
	_ =	sdelay $0x4  }
0xb7: {  	s31 =	sadd.s32 $0xFFFFFFFF, s25;
	vm14 =	vlt.s32 v2, $0x0;
	v3 =	vxor.u32 $0x7FFFFFFF, v2  }
0xb8: {  	p5 =	slt.s32 s31, s24;
	v2 =	vsel vm14, v3, v2  }
0xb9: {  	v2 =	vpsel !p5, $0x7FFFFFFF, v2  }
0xba: {  	[tilespmem:s1+$0x20] =	vst v2  }
0xbb: {  	v2 =	vld [tilespmem:s28+$0x30];
	_ =	sdelay $0x2  }
0xbc: {  	p0 =	seq.s32 s21, $0x1  }
.Ltmp4:
0xbd: {  	_ = 	snop;
	(pc) =	sbr.rel @p0 .LBB2_14-.Ltmp4, $4  }
0xbe: {  	vm15 =	vlt.s32 v2, $0x0;
	v3 =	vxor.u32 $0x7FFFFFFF, v2  }
0xbf: {  	p6 =	slt.s32 s25, s24;
	v2 =	vsel vm15, v3, v2  }
0xc0: {  	v2 =	vpsel !p6, $0x7FFFFFFF, v2  }
0xc1: {  	[tilespmem:s1+$0x30] =	vst v2  }
0xc2: {  	s1 =	simm.s32 $0x0  }
0xc3: {  	[tilespmem:s1], [sflag:$0x1] =	stream.strided.gather [hbm4b:s13+s16], $0x4000, s17, s16, $0x38;
	[tilespmem:$0x14040] =	vst v63  }
0xc4: {  	_ =	swait.ge [sflag:s3], $0x4000  }
0xc5: {  	[sflag:s3] =	ssyncset.done $0x0  }
0xc6: {  	s26 =	simm.s32 $0x0;
	[sflag:s3] =	ssyncadd.s32 $0xFFFFC000  }
0xc7: {  	v2 =	vld [tilespmem:s26+$0x70]  }
0xc8: {  	v4 =	vld [tilespmem:s26+$0x10]  }
0xc9: {  	v6 =	vld [tilespmem:s26+$0x30]  }
0xca: {  	v9 =	vld [tilespmem:s26+$0x50];
	_ =	sdelay $0x1  }
0xcb: {  	v3 =	vld [tilespmem:s26+$0x0]  }
0xcc: {  	v5 =	vld [tilespmem:s26+$0x20];
	vm1 =	vlt.s32 v2, $0x0  }
0xcd: {  	v8 =	vxor.u32 $0x7FFFFFFF, v2;
	vm2 =	vlt.s32 v4, $0x0;
	v11 =	vxor.u32 $0x7FFFFFFF, v4  }
0xce: {  	p0 =	sgt.s32 s24, $0x407;
	v7 =	vld [tilespmem:s26+$0x40];
	v13 =	vxor.u32 $0x7FFFFFFF, v6;
	v63 =	vxor.u32 $0x7FFFFFFF, v9;
	v2 =	vsel vm1, v8, v2  }
0xcf: {  	v8 =	vld [tilespmem:s26+$0x60];
	v4 =	vsel vm2, v11, v4;
	vm2 =	vlt.s32 v6, $0x0;
	v2 =	vpsel !p0, $0x7FFFFFFF, v2  }
0xd0: {  	s25 =	simm.s32 $0x80;
	vm1 =	vlt.s32 v3, $0x0;
	v6 =	vsel vm2, v13, v6;
	[tilespmem:s26+$0x8070] =	vst v2;
	v2 =	vxor.u32 $0x7FFFFFFF, v3  }
0xd1: {  	p3 =	sgt.s32 s24, $0x401;
	v10 =	vld [tilespmem:s25+$0x70];
	v2 =	vsel vm1, v2, v3;
	vm1 =	vlt.s32 v5, $0x0;
	v3 =	vxor.u32 $0x7FFFFFFF, v5  }
0xd2: {  	p2 =	sgt.s32 s24, $0x400;
	vm2 =	vlt.s32 v9, $0x0;
	v4 =	vpsel !p3, $0x7FFFFFFF, v4;
	v12 =	vld [tilespmem:s25+$0x0];
	v3 =	vsel vm1, v3, v5  }
0xd3: {  	v11 =	vld [tilespmem:s25+$0x10];
	v2 =	vpsel !p2, $0x7FFFFFFF, v2;
	vm1 =	vlt.s32 v7, $0x0;
	v5 =	vxor.u32 $0x7FFFFFFF, v7  }
0xd4: {  	p4 =	sgt.s32 s24, $0x402;
	p1 =	sgt.s32 s24, $0x403;
	v14 =	vld [tilespmem:s25+$0x20];
	[tilespmem:s26+$0x8000] =	vst v2;
	v5 =	vsel vm1, v5, v7;
	vm1 =	vlt.s32 v8, $0x0;
	v7 =	vxor.u32 $0x7FFFFFFF, v8  }
0xd5: {  	p3 =	sgt.s32 s24, $0x405;
	v6 =	vpsel !p1, $0x7FFFFFFF, v6;
	p2 =	sgt.s32 s24, $0x404;
	v2 =	vld [tilespmem:s25+$0x30];
	[tilespmem:s26+$0x8010] =	vst v4;
	v4 =	vsel vm2, v63, v9;
	v7 =	vsel vm1, v7, v8  }
0xd6: {  	p5 =	sgt.s32 s24, $0x406;
	v8 =	vpsel !p4, $0x7FFFFFFF, v3;
	v9 =	vpsel !p2, $0x7FFFFFFF, v5;
	v13 =	vpsel !p3, $0x7FFFFFFF, v4  }
0xd7: {  	v3 =	vld [tilespmem:s25+$0x40];
	v5 =	vpsel !p5, $0x7FFFFFFF, v7;
	vm1 =	vlt.s32 v10, $0x0;
	v7 =	vxor.u32 $0x7FFFFFFF, v10  }
0xd8: {  	p6 =	sgt.s32 s24, $0x40F;
	s28 =	simm.s32 $0x40F;
	[tilespmem:s26+$0x8020] =	vst v8;
	vm2 =	vlt.s32 v12, $0x0;
	v8 =	vxor.u32 $0x7FFFFFFF, v12;
	v7 =	vsel vm1, v7, v10  }
0xd9: {  	s31 =	simm.s32 $0x40E;
	s30 =	simm.s32 $0x600;
	v4 =	vld [tilespmem:s25+$0x50];
	[tilespmem:s26+$0x8030] =	vst v6;
	v16 =	vxor.u32 $0x7FFFFFFF, v14;
	vm3 =	vlt.s32 v14, $0x0;
	v15 =	vpsel !p6, $0x7FFFFFFF, v7  }
0xda: {  	s1 =	simm.s32 $0x40D;
	p1 =	sgt.s32 s24, $0x40B;
	v10 =	vxor.u32 $0x7FFFFFFF, v11;
	vm1 =	vlt.s32 v11, $0x0;
	v7 =	vsel vm2, v8, v12;
	[tilespmem:s25+$0x8070] =	vst v15  }
0xdb: {  	p2 =	sgt.s32 s24, $0x408;
	p4 =	sgt.s32 s24, $0x40C;
	v6 =	vld [tilespmem:s25+$0x60];
	v8 =	vsel vm1, v10, v11;
	vm2 =	vlt.s32 v2, $0x0;
	v11 =	vxor.u32 $0x7FFFFFFF, v2;
	[tilespmem:s26+$0x8040] =	vst v9  }
0xdc: {  	s29 =	simm.s32 $0x100;
	p5 =	sgt.s32 s24, $0x409;
	p3 =	sgt.s32 s24, $0x40A;
	v9 =	vsel vm3, v16, v14;
	vm1 =	vlt.s32 v3, $0x0;
	v10 =	vxor.u32 $0x7FFFFFFF, v3;
	[tilespmem:s26+$0x8050] =	vst v13  }
.LBB2_6:
0xdd: {  	p0 =	sne.s32 s30, $0xFE00  }
0xde: {  	v12 =	vld [tilespmem:s29+$0x70];
	v2 =	vsel vm2, v11, v2;
	[tilespmem:s26+$0x8060] =	vst v5;
	s26 =	smov.u32 s25;
	s0 =	simm.s32 @!p0 $0x0  }
0xdf: {  	v3 =	vsel vm1, v10, v3;
	s25 =	smov.u32 s29;
	v7 =	vpsel !p2, $0x7FFFFFFF, v7;
	s28 =	sadd.s32 $0x8, s28;
	v13 =	vld [tilespmem:s29+$0x0];
	s0 =	simm.s32 @p0 $0x1;
	vm2 =	vlt.s32 v4, $0x0  }
0xe0: {  	v14 =	vld [tilespmem:s25+$0x20];
	s10 =	sadd.s32 $0xFFFFFFFC, s28;
	v11 =	vxor.u32 $0x7FFFFFFF, v4;
	[smem:$0x7FD] =	sst s0;
	vm1 =	vlt.s32 v6, $0x0;
	v5 =	vxor.u32 $0x7FFFFFFF, v6  }
0xe1: {  	v5 =	vsel vm1, v5, v6;
	v6 =	vpsel !p5, $0x7FFFFFFF, v8;
	v8 =	vpsel !p1, $0x7FFFFFFF, v2;
	p1 =	slt.s32 s10, s24;
	s10 =	sld [smem:$0x7FD]  }
0xe2: {  	p6 =	slt.s32 s1, s24;
	v10 =	vld [tilespmem:s25+$0x10];
	[tilespmem:s26+$0x8000] =	vst v7;
	v4 =	vsel vm2, v11, v4  }
0xe3: {  	v7 =	vpsel !p3, $0x7FFFFFFF, v9;
	v9 =	vpsel !p4, $0x7FFFFFFF, v3;
	p0 =	slt.s32 s31, s24;
	v15 =	vpsel !p6, $0x7FFFFFFF, v4;
	v2 =	vld [tilespmem:s25+$0x30];
	[tilespmem:s26+$0x8010] =	vst v6  }
0xe4: {  	vm1 =	vlt.s32 v12, $0x0;
	v5 =	vpsel !p0, $0x7FFFFFFF, v5;
	v6 =	vxor.u32 $0x7FFFFFFF, v12;
	v3 =	vld [tilespmem:s25+$0x40];
	p0 =	seq.s32 s10, $0x1  }
.Ltmp5:
0xe5: {  	s1 =	sadd.s32 $0xFFFFFFF9, s28;
	p6 =	slt.s32 s28, s24;
	vm2 =	vlt.s32 v13, $0x0;
	vm3 =	vlt.s32 v14, $0x0;
	[tilespmem:s26+$0x8020] =	vst v7;
	v11 =	vsel vm1, v6, v12;
	(pc) =	sbr.rel @p0 .LBB2_6-.Ltmp5, $4  }
0xe6: {  	s29 =	sadd.s32 $0xFFFFFFFA, s28;
	s9 =	sadd.s32 $0xFFFFFFFD, s28;
	v63 =	vxor.u32 $0x7FFFFFFF, v14;
	v7 =	vxor.u32 $0x7FFFFFFF, v13;
	v4 =	vld [tilespmem:s25+$0x50];
	[tilespmem:s26+$0x8030] =	vst v8;
	v11 =	vpsel !p6, $0x7FFFFFFF, v11  }
0xe7: {  	p2 =	slt.s32 s1, s24;
	s1 =	sadd.s32 $0xFFFFFFFE, s28;
	s0 =	sadd.s32 $0xFFFFFFFB, s28;
	vm1 =	vlt.s32 v10, $0x0;
	v8 =	vxor.u32 $0x7FFFFFFF, v10;
	v7 =	vsel vm2, v7, v13;
	[tilespmem:s25+$0x8070] =	vst v11  }
0xe8: {  	s31 =	sadd.s32 $0xFFFFFFFF, s28;
	p4 =	slt.s32 s9, s24;
	p3 =	slt.s32 s0, s24;
	v6 =	vld [tilespmem:s25+$0x60];
	v8 =	vsel vm1, v8, v10;
	vm2 =	vlt.s32 v2, $0x0;
	v11 =	vxor.u32 $0x7FFFFFFF, v2;
	[tilespmem:s26+$0x8040] =	vst v9  }
0xe9: {  	p5 =	slt.s32 s29, s24;
	s29 =	sshra.s32 s30, $0x2;
	s30 =	sadd.s32 $0x200, s30;
	v9 =	vsel vm3, v63, v14;
	[tilespmem:s26+$0x8050] =	vst v15;
	vm1 =	vlt.s32 v3, $0x0;
	v10 =	vxor.u32 $0x7FFFFFFF, v3  }
0xea: {  	v12 =	vld [tilespmem:s29+$0x70]  }
0xeb: {  	[tilespmem:s26+$0x8060] =	vst v5;
	v7 =	vpsel !p2, $0x7FFFFFFF, v7;
	v49 =	vpsel !p5, $0x7FFFFFFF, v8  }
0xec: {  	v2 =	vsel vm2, v11, v2;
	v9 =	vpsel !p3, $0x7FFFFFFF, v9;
	v3 =	vsel vm1, v10, v3;
	v5 =	vld [tilespmem:s29+$0x0]  }
0xed: {  	v13 =	vld [tilespmem:s29+$0x10];
	vm7 =	vlt.s32 v4, $0x0;
	v51 =	vxor.u32 $0x7FFFFFFF, v4;
	v2 =	vpsel !p1, $0x7FFFFFFF, v2  }
0xee: {  	v14 =	vld [tilespmem:s29+$0x20];
	[tilespmem:s25+$0x8000] =	vst v7;
	v3 =	vpsel !p4, $0x7FFFFFFF, v3;
	v4 =	vsel vm7, v51, v4;
	vm3 =	vlt.s32 v6, $0x0  }
0xef: {  	p0 =	slt.s32 s1, s24;
	s0 =	sadd.s32 $0x8, s28;
	v50 =	vld [tilespmem:s29+$0x30];
	[tilespmem:s25+$0x8010] =	vst v49;
	v52 =	vxor.u32 $0x7FFFFFFF, v6;
	vm8 =	vlt.s32 v12, $0x0;
	v53 =	vxor.u32 $0x7FFFFFFF, v12  }
0xf0: {  	p3 =	slt.s32 s31, s24;
	p4 =	slt.s32 s0, s24;
	v15 =	vld [tilespmem:s29+$0x40];
	[tilespmem:s25+$0x8020] =	vst v9;
	v4 =	vpsel !p0, $0x7FFFFFFF, v4;
	v6 =	vsel vm3, v52, v6;
	v7 =	vsel vm8, v53, v12  }
0xf1: {  	v9 =	vld [tilespmem:s29+$0x50];
	[tilespmem:s25+$0x8030] =	vst v2;
	v2 =	vpsel !p3, $0x7FFFFFFF, v6;
	vm9 =	vlt.s32 v5, $0x0;
	v7 =	vpsel !p4, $0x7FFFFFFF, v7  }
0xf2: {  	v55 =	vxor.u32 $0x7FFFFFFF, v5;
	vm10 =	vlt.s32 v13, $0x0;
	v56 =	vxor.u32 $0x7FFFFFFF, v13;
	[tilespmem:s29+$0x8070] =	vst v7  }
0xf3: {  	s10 =	sadd.s32 $0xFFFFFFF9, s0;
	v54 =	vld [tilespmem:s29+$0x60];
	vm11 =	vlt.s32 v14, $0x0;
	v57 =	vxor.u32 $0x7FFFFFFF, v14;
	v5 =	vsel vm9, v55, v5;
	[tilespmem:s25+$0x8040] =	vst v3  }
0xf4: {  	s26 =	sadd.s32 $0xFFFFFFFB, s0;
	p5 =	slt.s32 s10, s24;
	vm12 =	vlt.s32 v50, $0x0;
	v58 =	vxor.u32 $0x7FFFFFFF, v50;
	v59 =	vsel vm11, v57, v14;
	[tilespmem:s25+$0x8050] =	vst v4  }
0xf5: {  	s9 =	sadd.s32 $0xFFFFFFFA, s0;
	s28 =	sadd.s32 $0xFFFFFFFC, s0;
	p2 =	slt.s32 s26, s24;
	vm13 =	vlt.s32 v15, $0x0;
	v60 =	vxor.u32 $0x7FFFFFFF, v15;
	[tilespmem:s25+$0x8060] =	vst v2;
	v2 =	vpsel !p5, $0x7FFFFFFF, v5  }
0xf6: {  	p6 =	slt.s32 s9, s24;
	p3 =	slt.s32 s28, s24;
	v61 =	vsel vm12, v58, v50;
	v3 =	vsel vm10, v56, v13;
	v4 =	vpsel !p2, $0x7FFFFFFF, v59;
	[tilespmem:s29+$0x8000] =	vst v2  }
0xf7: {  	s30 =	sadd.s32 $0xFFFFFFFD, s0;
	p0 =	slt.u32 s21, $0x3;
	vm14 =	vlt.s32 v9, $0x0;
	v62 =	vpsel !p3, $0x7FFFFFFF, v61;
	v2 =	vpsel !p6, $0x7FFFFFFF, v3;
	[tilespmem:s29+$0x8020] =	vst v4  }
.Ltmp6:
0xf8: {  	s31 =	sadd.s32 $0xFFFFFFFE, s0;
	p4 =	slt.s32 s30, s24;
	v3 =	vxor.u32 $0x7FFFFFFF, v9;
	vm15 =	vlt.s32 v54, $0x0;
	[tilespmem:s29+$0x8010] =	vst v2;
	v2 =	vsel vm13, v60, v15;
	(pc) =	sbr.rel @p0 .LBB2_14-.Ltmp6, $4  }
0xf9: {  	s0 =	sadd.s32 $0xFFFFFFFF, s0;
	p5 =	slt.s32 s31, s24;
	v63 =	vxor.u32 $0x7FFFFFFF, v54;
	[tilespmem:s29+$0x8030] =	vst v62;
	v3 =	vsel vm14, v3, v9;
	v2 =	vpsel !p4, $0x7FFFFFFF, v2  }
0xfa: {  	p6 =	slt.s32 s0, s24;
	v4 =	vsel vm15, v63, v54;
	v3 =	vpsel !p5, $0x7FFFFFFF, v3;
	[tilespmem:s29+$0x8040] =	vst v2  }
0xfb: {  	v2 =	vpsel !p6, $0x7FFFFFFF, v4;
	[tilespmem:s29+$0x8050] =	vst v3  }
0xfc: {  	[tilespmem:s29+$0x8060] =	vst v2  }
0xfd: {  	s0 =	simm.s32 $0x0  }
0xfe: {  	[tilespmem:s0], [sflag:$0x1] =	stream.strided.gather [hbm4b:s14+s16], $0x4000, s17, s16, $0x38;
	[tilespmem:$0x14040] =	vst v63  }
0xff: {  	_ =	swait.ge [sflag:s3], $0x4000  }
0x100: {  	[sflag:s3] =	ssyncset.done $0x0  }
0x101: {  	s26 =	simm.s32 $0x0;
	[sflag:s3] =	ssyncadd.s32 $0xFFFFC000  }
0x102: {  	v2 =	vld [tilespmem:s26+$0x70]  }
0x103: {  	v4 =	vld [tilespmem:s26+$0x10]  }
0x104: {  	v6 =	vld [tilespmem:s26+$0x30]  }
0x105: {  	v9 =	vld [tilespmem:s26+$0x50];
	_ =	sdelay $0x1  }
0x106: {  	v3 =	vld [tilespmem:s26+$0x0]  }
0x107: {  	v5 =	vld [tilespmem:s26+$0x20];
	vm1 =	vlt.s32 v2, $0x0  }
0x108: {  	v8 =	vxor.u32 $0x7FFFFFFF, v2;
	vm2 =	vlt.s32 v4, $0x0;
	v11 =	vxor.u32 $0x7FFFFFFF, v4  }
0x109: {  	p0 =	sgt.s32 s24, $0x807;
	v7 =	vld [tilespmem:s26+$0x40];
	v13 =	vxor.u32 $0x7FFFFFFF, v6;
	v63 =	vxor.u32 $0x7FFFFFFF, v9;
	v2 =	vsel vm1, v8, v2  }
0x10a: {  	v8 =	vld [tilespmem:s26+$0x60];
	v4 =	vsel vm2, v11, v4;
	vm2 =	vlt.s32 v6, $0x0;
	v2 =	vpsel !p0, $0x7FFFFFFF, v2  }
0x10b: {  	s25 =	simm.s32 $0x80;
	vm1 =	vlt.s32 v3, $0x0;
	v6 =	vsel vm2, v13, v6;
	[tilespmem:s26+$0xC070] =	vst v2;
	v2 =	vxor.u32 $0x7FFFFFFF, v3  }
0x10c: {  	p3 =	sgt.s32 s24, $0x801;
	v10 =	vld [tilespmem:s25+$0x70];
	v2 =	vsel vm1, v2, v3;
	vm1 =	vlt.s32 v5, $0x0;
	v3 =	vxor.u32 $0x7FFFFFFF, v5  }
0x10d: {  	p2 =	sgt.s32 s24, $0x800;
	vm2 =	vlt.s32 v9, $0x0;
	v4 =	vpsel !p3, $0x7FFFFFFF, v4;
	v12 =	vld [tilespmem:s25+$0x0];
	v3 =	vsel vm1, v3, v5  }
0x10e: {  	v11 =	vld [tilespmem:s25+$0x10];
	v2 =	vpsel !p2, $0x7FFFFFFF, v2;
	vm1 =	vlt.s32 v7, $0x0;
	v5 =	vxor.u32 $0x7FFFFFFF, v7  }
0x10f: {  	p4 =	sgt.s32 s24, $0x802;
	p1 =	sgt.s32 s24, $0x803;
	v14 =	vld [tilespmem:s25+$0x20];
	[tilespmem:s26+$0xC000] =	vst v2;
	v5 =	vsel vm1, v5, v7;
	vm1 =	vlt.s32 v8, $0x0;
	v7 =	vxor.u32 $0x7FFFFFFF, v8  }
0x110: {  	p3 =	sgt.s32 s24, $0x805;
	v6 =	vpsel !p1, $0x7FFFFFFF, v6;
	p2 =	sgt.s32 s24, $0x804;
	v2 =	vld [tilespmem:s25+$0x30];
	[tilespmem:s26+$0xC010] =	vst v4;
	v4 =	vsel vm2, v63, v9;
	v7 =	vsel vm1, v7, v8  }
0x111: {  	p5 =	sgt.s32 s24, $0x806;
	v8 =	vpsel !p4, $0x7FFFFFFF, v3;
	v9 =	vpsel !p2, $0x7FFFFFFF, v5;
	v13 =	vpsel !p3, $0x7FFFFFFF, v4  }
0x112: {  	v3 =	vld [tilespmem:s25+$0x40];
	v5 =	vpsel !p5, $0x7FFFFFFF, v7;
	vm1 =	vlt.s32 v10, $0x0;
	v7 =	vxor.u32 $0x7FFFFFFF, v10  }
0x113: {  	p6 =	sgt.s32 s24, $0x80F;
	s28 =	simm.s32 $0x80F;
	[tilespmem:s26+$0xC020] =	vst v8;
	vm2 =	vlt.s32 v12, $0x0;
	v8 =	vxor.u32 $0x7FFFFFFF, v12;
	v7 =	vsel vm1, v7, v10  }
0x114: {  	s1 =	simm.s32 $0x80D;
	s31 =	simm.s32 $0x80E;
	v4 =	vld [tilespmem:s25+$0x50];
	[tilespmem:s26+$0xC030] =	vst v6;
	v16 =	vxor.u32 $0x7FFFFFFF, v14;
	vm3 =	vlt.s32 v14, $0x0;
	v15 =	vpsel !p6, $0x7FFFFFFF, v7  }
0x115: {  	s30 =	simm.s32 $0x600;
	p1 =	sgt.s32 s24, $0x80B;
	v10 =	vxor.u32 $0x7FFFFFFF, v11;
	vm1 =	vlt.s32 v11, $0x0;
	v7 =	vsel vm2, v8, v12;
	[tilespmem:s25+$0xC070] =	vst v15  }
0x116: {  	p2 =	sgt.s32 s24, $0x808;
	p4 =	sgt.s32 s24, $0x80C;
	v6 =	vld [tilespmem:s25+$0x60];
	v8 =	vsel vm1, v10, v11;
	vm2 =	vlt.s32 v2, $0x0;
	v11 =	vxor.u32 $0x7FFFFFFF, v2;
	[tilespmem:s26+$0xC040] =	vst v9  }
0x117: {  	s29 =	simm.s32 $0x100;
	p5 =	sgt.s32 s24, $0x809;
	p3 =	sgt.s32 s24, $0x80A;
	v9 =	vsel vm3, v16, v14;
	vm1 =	vlt.s32 v3, $0x0;
	v10 =	vxor.u32 $0x7FFFFFFF, v3;
	[tilespmem:s26+$0xC050] =	vst v13  }
.LBB2_9:
0x118: {  	p0 =	sne.s32 s30, $0xFE00;
	v12 =	vld [tilespmem:s29+$0x70];
	[tilespmem:s26+$0xC060] =	vst v5  }
0x119: {  	s26 =	smov.u32 s25;
	s25 =	smov.u32 s29;
	s0 =	simm.s32 @!p0 $0x0;
	v13 =	vld [tilespmem:s29+$0x0]  }
0x11a: {  	v3 =	vsel vm1, v10, v3;
	v7 =	vpsel !p2, $0x7FFFFFFF, v7;
	s28 =	sadd.s32 $0x8, s28;
	v10 =	vld [tilespmem:s25+$0x10];
	s0 =	simm.s32 @p0 $0x1  }
0x11b: {  	v2 =	vsel vm2, v11, v2;
	v14 =	vld [tilespmem:s25+$0x20];
	[tilespmem:s26+$0xC000] =	vst v7;
	v7 =	vpsel !p3, $0x7FFFFFFF, v9;
	s10 =	sadd.s32 $0xFFFFFFFB, s28;
	vm2 =	vlt.s32 v4, $0x0;
	[smem:$0x7FC] =	sst s0  }
0x11c: {  	v11 =	vxor.u32 $0x7FFFFFFF, v4;
	p3 =	slt.s32 s10, s24;
	vm1 =	vlt.s32 v6, $0x0;
	v5 =	vxor.u32 $0x7FFFFFFF, v6;
	s10 =	sld [smem:$0x7FC]  }
0x11d: {  	p6 =	slt.s32 s1, s24;
	v4 =	vsel vm2, v11, v4;
	v5 =	vsel vm1, v5, v6;
	v6 =	vpsel !p5, $0x7FFFFFFF, v8  }
0x11e: {  	v9 =	vpsel !p4, $0x7FFFFFFF, v3;
	p0 =	slt.s32 s31, s24;
	v15 =	vpsel !p6, $0x7FFFFFFF, v4;
	v8 =	vpsel !p1, $0x7FFFFFFF, v2;
	v2 =	vld [tilespmem:s25+$0x30];
	[tilespmem:s26+$0xC010] =	vst v6  }
0x11f: {  	vm1 =	vlt.s32 v12, $0x0;
	v5 =	vpsel !p0, $0x7FFFFFFF, v5;
	v6 =	vxor.u32 $0x7FFFFFFF, v12;
	v3 =	vld [tilespmem:s25+$0x40];
	p0 =	seq.s32 s10, $0x1  }
.Ltmp7:
0x120: {  	s1 =	sadd.s32 $0xFFFFFFF9, s28;
	p6 =	slt.s32 s28, s24;
	vm2 =	vlt.s32 v13, $0x0;
	vm3 =	vlt.s32 v14, $0x0;
	[tilespmem:s26+$0xC020] =	vst v7;
	v11 =	vsel vm1, v6, v12;
	(pc) =	sbr.rel @p0 .LBB2_9-.Ltmp7, $4  }
0x121: {  	s9 =	sadd.s32 $0xFFFFFFFA, s28;
	s29 =	sadd.s32 $0xFFFFFFFC, s28;
	v63 =	vxor.u32 $0x7FFFFFFF, v14;
	v7 =	vxor.u32 $0x7FFFFFFF, v13;
	v4 =	vld [tilespmem:s25+$0x50];
	[tilespmem:s26+$0xC030] =	vst v8;
	v11 =	vpsel !p6, $0x7FFFFFFF, v11  }
0x122: {  	s8 =	sadd.s32 $0xFFFFFFFD, s28;
	p2 =	slt.s32 s1, s24;
	s1 =	sadd.s32 $0xFFFFFFFE, s28;
	vm1 =	vlt.s32 v10, $0x0;
	v8 =	vxor.u32 $0x7FFFFFFF, v10;
	v7 =	vsel vm2, v7, v13;
	[tilespmem:s25+$0xC070] =	vst v11  }
0x123: {  	s31 =	sadd.s32 $0xFFFFFFFF, s28;
	p4 =	slt.s32 s8, s24;
	p5 =	slt.s32 s9, s24;
	v6 =	vld [tilespmem:s25+$0x60];
	v8 =	vsel vm1, v8, v10;
	vm2 =	vlt.s32 v2, $0x0;
	v11 =	vxor.u32 $0x7FFFFFFF, v2;
	[tilespmem:s26+$0xC040] =	vst v9  }
0x124: {  	p1 =	slt.s32 s29, s24;
	s29 =	sshra.s32 s30, $0x2;
	s30 =	sadd.s32 $0x200, s30;
	v9 =	vsel vm3, v63, v14;
	[tilespmem:s26+$0xC050] =	vst v15;
	vm1 =	vlt.s32 v3, $0x0;
	v10 =	vxor.u32 $0x7FFFFFFF, v3  }
0x125: {  	v12 =	vld [tilespmem:s29+$0x70]  }
0x126: {  	[tilespmem:s26+$0xC060] =	vst v5;
	v7 =	vpsel !p2, $0x7FFFFFFF, v7;
	v49 =	vpsel !p5, $0x7FFFFFFF, v8  }
0x127: {  	v2 =	vsel vm2, v11, v2;
	v9 =	vpsel !p3, $0x7FFFFFFF, v9;
	v3 =	vsel vm1, v10, v3;
	v5 =	vld [tilespmem:s29+$0x0]  }
0x128: {  	v13 =	vld [tilespmem:s29+$0x10];
	vm7 =	vlt.s32 v4, $0x0;
	v51 =	vxor.u32 $0x7FFFFFFF, v4;
	v2 =	vpsel !p1, $0x7FFFFFFF, v2  }
0x129: {  	v14 =	vld [tilespmem:s29+$0x20];
	[tilespmem:s25+$0xC000] =	vst v7;
	v3 =	vpsel !p4, $0x7FFFFFFF, v3;
	v4 =	vsel vm7, v51, v4;
	vm3 =	vlt.s32 v6, $0x0  }
0x12a: {  	p0 =	slt.s32 s1, s24;
	s0 =	sadd.s32 $0x8, s28;
	v50 =	vld [tilespmem:s29+$0x30];
	[tilespmem:s25+$0xC010] =	vst v49;
	v52 =	vxor.u32 $0x7FFFFFFF, v6;
	vm8 =	vlt.s32 v12, $0x0;
	v53 =	vxor.u32 $0x7FFFFFFF, v12  }
0x12b: {  	p3 =	slt.s32 s31, s24;
	p4 =	slt.s32 s0, s24;
	v15 =	vld [tilespmem:s29+$0x40];
	[tilespmem:s25+$0xC020] =	vst v9;
	v4 =	vpsel !p0, $0x7FFFFFFF, v4;
	v6 =	vsel vm3, v52, v6;
	v7 =	vsel vm8, v53, v12  }
0x12c: {  	v9 =	vld [tilespmem:s29+$0x50];
	[tilespmem:s25+$0xC030] =	vst v2;
	v2 =	vpsel !p3, $0x7FFFFFFF, v6;
	vm9 =	vlt.s32 v5, $0x0;
	v7 =	vpsel !p4, $0x7FFFFFFF, v7  }
0x12d: {  	v55 =	vxor.u32 $0x7FFFFFFF, v5;
	vm10 =	vlt.s32 v13, $0x0;
	v56 =	vxor.u32 $0x7FFFFFFF, v13;
	[tilespmem:s29+$0xC070] =	vst v7  }
0x12e: {  	s10 =	sadd.s32 $0xFFFFFFF9, s0;
	v54 =	vld [tilespmem:s29+$0x60];
	vm11 =	vlt.s32 v14, $0x0;
	v57 =	vxor.u32 $0x7FFFFFFF, v14;
	v5 =	vsel vm9, v55, v5;
	[tilespmem:s25+$0xC040] =	vst v3  }
0x12f: {  	s26 =	sadd.s32 $0xFFFFFFFB, s0;
	p5 =	slt.s32 s10, s24;
	vm12 =	vlt.s32 v50, $0x0;
	v58 =	vxor.u32 $0x7FFFFFFF, v50;
	v59 =	vsel vm11, v57, v14;
	[tilespmem:s25+$0xC050] =	vst v4  }
0x130: {  	s8 =	sadd.s32 $0xFFFFFFFA, s0;
	s28 =	sadd.s32 $0xFFFFFFFC, s0;
	p2 =	slt.s32 s26, s24;
	vm13 =	vlt.s32 v15, $0x0;
	v60 =	vxor.u32 $0x7FFFFFFF, v15;
	[tilespmem:s25+$0xC060] =	vst v2;
	v2 =	vpsel !p5, $0x7FFFFFFF, v5  }
0x131: {  	p6 =	slt.s32 s8, s24;
	p3 =	slt.s32 s28, s24;
	v61 =	vsel vm12, v58, v50;
	v3 =	vsel vm10, v56, v13;
	v4 =	vpsel !p2, $0x7FFFFFFF, v59;
	[tilespmem:s29+$0xC000] =	vst v2  }
0x132: {  	s30 =	sadd.s32 $0xFFFFFFFD, s0;
	p0 =	seq.s32 s21, $0x3;
	vm14 =	vlt.s32 v9, $0x0;
	v62 =	vpsel !p3, $0x7FFFFFFF, v61;
	v2 =	vpsel !p6, $0x7FFFFFFF, v3;
	[tilespmem:s29+$0xC020] =	vst v4  }
.Ltmp8:
0x133: {  	s31 =	sadd.s32 $0xFFFFFFFE, s0;
	p4 =	slt.s32 s30, s24;
	v3 =	vxor.u32 $0x7FFFFFFF, v9;
	vm15 =	vlt.s32 v54, $0x0;
	[tilespmem:s29+$0xC010] =	vst v2;
	v2 =	vsel vm13, v60, v15;
	(pc) =	sbr.rel @p0 .LBB2_14-.Ltmp8, $4  }
0x134: {  	s0 =	sadd.s32 $0xFFFFFFFF, s0;
	p5 =	slt.s32 s31, s24;
	v63 =	vxor.u32 $0x7FFFFFFF, v54;
	[tilespmem:s29+$0xC030] =	vst v62;
	v3 =	vsel vm14, v3, v9;
	v2 =	vpsel !p4, $0x7FFFFFFF, v2  }
0x135: {  	p6 =	slt.s32 s0, s24;
	v4 =	vsel vm15, v63, v54;
	v3 =	vpsel !p5, $0x7FFFFFFF, v3;
	[tilespmem:s29+$0xC040] =	vst v2  }
0x136: {  	v2 =	vpsel !p6, $0x7FFFFFFF, v4;
	[tilespmem:s29+$0xC050] =	vst v3  }
0x137: {  	s8 =	simm.s32 $0x14010;
	[tilespmem:s29+$0xC060] =	vst v2  }
0x138: {  	s0 =	simm.s32 $0x0;
	s1 =	rddreg [dreg:$0x3]  }
0x139: {  	[tilespmem:s0], [sflag:$0x1] =	stream.strided.gather [hbm4b:s1+s16], $0x4000, s17, s16, $0x38;
	[tilespmem:$0x14040] =	vst v63  }
0x13a: {  	_ =	swait.ge [sflag:s3], $0x4000  }
0x13b: {  	[sflag:s3] =	ssyncset.done $0x0  }
0x13c: {  	s26 =	simm.s32 $0x0;
	[sflag:s3] =	ssyncadd.s32 $0xFFFFC000  }
0x13d: {  	v2 =	vld [tilespmem:s26+$0x70]  }
0x13e: {  	v4 =	vld [tilespmem:s26+$0x10]  }
0x13f: {  	v6 =	vld [tilespmem:s26+$0x30]  }
0x140: {  	v9 =	vld [tilespmem:s26+$0x50];
	_ =	sdelay $0x1  }
0x141: {  	v3 =	vld [tilespmem:s26+$0x0]  }
0x142: {  	v5 =	vld [tilespmem:s26+$0x20];
	vm1 =	vlt.s32 v2, $0x0  }
0x143: {  	v8 =	vxor.u32 $0x7FFFFFFF, v2;
	vm2 =	vlt.s32 v4, $0x0;
	v11 =	vxor.u32 $0x7FFFFFFF, v4  }
0x144: {  	p0 =	sgt.s32 s24, $0xC07;
	v7 =	vld [tilespmem:s26+$0x40];
	v13 =	vxor.u32 $0x7FFFFFFF, v6;
	v63 =	vxor.u32 $0x7FFFFFFF, v9;
	v2 =	vsel vm1, v8, v2  }
0x145: {  	v8 =	vld [tilespmem:s26+$0x60];
	v4 =	vsel vm2, v11, v4;
	vm2 =	vlt.s32 v6, $0x0;
	v2 =	vpsel !p0, $0x7FFFFFFF, v2  }
0x146: {  	s25 =	simm.s32 $0x80;
	vm1 =	vlt.s32 v3, $0x0;
	v6 =	vsel vm2, v13, v6;
	[tilespmem:s26+$0x10070] =	vst v2;
	v2 =	vxor.u32 $0x7FFFFFFF, v3  }
0x147: {  	p3 =	sgt.s32 s24, $0xC01;
	v10 =	vld [tilespmem:s25+$0x70];
	v2 =	vsel vm1, v2, v3;
	vm1 =	vlt.s32 v5, $0x0;
	v3 =	vxor.u32 $0x7FFFFFFF, v5  }
0x148: {  	p2 =	sgt.s32 s24, $0xC00;
	vm2 =	vlt.s32 v9, $0x0;
	v4 =	vpsel !p3, $0x7FFFFFFF, v4;
	v12 =	vld [tilespmem:s25+$0x0];
	v3 =	vsel vm1, v3, v5  }
0x149: {  	v11 =	vld [tilespmem:s25+$0x10];
	v2 =	vpsel !p2, $0x7FFFFFFF, v2;
	vm1 =	vlt.s32 v7, $0x0;
	v5 =	vxor.u32 $0x7FFFFFFF, v7  }
0x14a: {  	p4 =	sgt.s32 s24, $0xC02;
	p1 =	sgt.s32 s24, $0xC03;
	v14 =	vld [tilespmem:s25+$0x20];
	[tilespmem:s26+$0x10000] =	vst v2;
	v5 =	vsel vm1, v5, v7;
	vm1 =	vlt.s32 v8, $0x0;
	v7 =	vxor.u32 $0x7FFFFFFF, v8  }
0x14b: {  	p3 =	sgt.s32 s24, $0xC05;
	v6 =	vpsel !p1, $0x7FFFFFFF, v6;
	p2 =	sgt.s32 s24, $0xC04;
	v2 =	vld [tilespmem:s25+$0x30];
	[tilespmem:s26+$0x10010] =	vst v4;
	v4 =	vsel vm2, v63, v9;
	v7 =	vsel vm1, v7, v8  }
0x14c: {  	p5 =	sgt.s32 s24, $0xC06;
	v8 =	vpsel !p4, $0x7FFFFFFF, v3;
	v9 =	vpsel !p2, $0x7FFFFFFF, v5;
	v13 =	vpsel !p3, $0x7FFFFFFF, v4  }
0x14d: {  	v3 =	vld [tilespmem:s25+$0x40];
	v5 =	vpsel !p5, $0x7FFFFFFF, v7;
	vm1 =	vlt.s32 v10, $0x0;
	v7 =	vxor.u32 $0x7FFFFFFF, v10  }
0x14e: {  	p6 =	sgt.s32 s24, $0xC0F;
	s28 =	simm.s32 $0xC0F;
	[tilespmem:s26+$0x10020] =	vst v8;
	vm2 =	vlt.s32 v12, $0x0;
	v8 =	vxor.u32 $0x7FFFFFFF, v12;
	v7 =	vsel vm1, v7, v10  }
0x14f: {  	s31 =	simm.s32 $0xC0E;
	s30 =	simm.s32 $0x600;
	v4 =	vld [tilespmem:s25+$0x50];
	[tilespmem:s26+$0x10030] =	vst v6;
	v16 =	vxor.u32 $0x7FFFFFFF, v14;
	vm3 =	vlt.s32 v14, $0x0;
	v15 =	vpsel !p6, $0x7FFFFFFF, v7  }
0x150: {  	s15 =	smov.u32 s14;
	s1 =	simm.s32 $0xC0D;
	p1 =	sgt.s32 s24, $0xC0B;
	v10 =	vxor.u32 $0x7FFFFFFF, v11;
	vm1 =	vlt.s32 v11, $0x0;
	v7 =	vsel vm2, v8, v12;
	[tilespmem:s25+$0x10070] =	vst v15  }
0x151: {  	s14 =	smov.u32 s13;
	p2 =	sgt.s32 s24, $0xC08;
	p4 =	sgt.s32 s24, $0xC0C;
	v6 =	vld [tilespmem:s25+$0x60];
	v8 =	vsel vm1, v10, v11;
	vm2 =	vlt.s32 v2, $0x0;
	v11 =	vxor.u32 $0x7FFFFFFF, v2;
	[tilespmem:s26+$0x10040] =	vst v9  }
0x152: {  	s29 =	simm.s32 $0x100;
	p5 =	sgt.s32 s24, $0xC09;
	p3 =	sgt.s32 s24, $0xC0A;
	v9 =	vsel vm3, v16, v14;
	vm1 =	vlt.s32 v3, $0x0;
	v10 =	vxor.u32 $0x7FFFFFFF, v3;
	[tilespmem:s26+$0x10050] =	vst v13  }
.LBB2_12:
0x153: {  	p0 =	sne.s32 s30, $0xFE00;
	v12 =	vld [tilespmem:s29+$0x70];
	[tilespmem:s26+$0x10060] =	vst v5  }
0x154: {  	s26 =	smov.u32 s25;
	s25 =	smov.u32 s29;
	s0 =	simm.s32 @!p0 $0x0;
	v13 =	vld [tilespmem:s29+$0x0]  }
0x155: {  	v2 =	vsel vm2, v11, v2;
	v3 =	vsel vm1, v10, v3;
	v7 =	vpsel !p2, $0x7FFFFFFF, v7;
	s28 =	sadd.s32 $0x8, s28;
	v10 =	vld [tilespmem:s25+$0x10];
	s0 =	simm.s32 @p0 $0x1  }
0x156: {  	v14 =	vld [tilespmem:s25+$0x20];
	[tilespmem:s26+$0x10000] =	vst v7;
	v7 =	vpsel !p3, $0x7FFFFFFF, v9;
	v9 =	vpsel !p4, $0x7FFFFFFF, v3;
	s13 =	sadd.s32 $0xFFFFFFFD, s28;
	vm2 =	vlt.s32 v4, $0x0;
	[smem:$0x7FB] =	sst s0  }
0x157: {  	v11 =	vxor.u32 $0x7FFFFFFF, v4;
	p4 =	slt.s32 s13, s24;
	vm1 =	vlt.s32 v6, $0x0;
	v5 =	vxor.u32 $0x7FFFFFFF, v6;
	s13 =	sld [smem:$0x7FB]  }
0x158: {  	p6 =	slt.s32 s1, s24;
	v4 =	vsel vm2, v11, v4;
	v5 =	vsel vm1, v5, v6;
	v6 =	vpsel !p5, $0x7FFFFFFF, v8  }
0x159: {  	p0 =	slt.s32 s31, s24;
	v15 =	vpsel !p6, $0x7FFFFFFF, v4;
	v8 =	vpsel !p1, $0x7FFFFFFF, v2;
	v2 =	vld [tilespmem:s25+$0x30];
	[tilespmem:s26+$0x10010] =	vst v6  }
0x15a: {  	vm1 =	vlt.s32 v12, $0x0;
	v5 =	vpsel !p0, $0x7FFFFFFF, v5;
	v6 =	vxor.u32 $0x7FFFFFFF, v12;
	v3 =	vld [tilespmem:s25+$0x40];
	p0 =	seq.s32 s13, $0x1  }
.Ltmp9:
0x15b: {  	s1 =	sadd.s32 $0xFFFFFFF9, s28;
	p6 =	slt.s32 s28, s24;
	vm2 =	vlt.s32 v13, $0x0;
	vm3 =	vlt.s32 v14, $0x0;
	[tilespmem:s26+$0x10020] =	vst v7;
	v11 =	vsel vm1, v6, v12;
	(pc) =	sbr.rel @p0 .LBB2_12-.Ltmp9, $4  }
0x15c: {  	s8 =	sadd.s32 $0xFFFFFFFA, s28;
	s9 =	sadd.s32 $0xFFFFFFFB, s28;
	v63 =	vxor.u32 $0x7FFFFFFF, v14;
	v7 =	vxor.u32 $0x7FFFFFFF, v13;
	v4 =	vld [tilespmem:s25+$0x50];
	[tilespmem:s26+$0x10030] =	vst v8;
	v11 =	vpsel !p6, $0x7FFFFFFF, v11  }
0x15d: {  	s10 =	sadd.s32 $0xFFFFFFFC, s28;
	s29 =	sshra.s32 s30, $0x2;
	s30 =	sadd.s32 $0x200, s30;
	vm1 =	vlt.s32 v10, $0x0;
	v8 =	vxor.u32 $0x7FFFFFFF, v10;
	v7 =	vsel vm2, v7, v13;
	[tilespmem:s25+$0x10070] =	vst v11  }
0x15e: {  	p2 =	slt.s32 s1, s24;
	s1 =	sadd.s32 $0xFFFFFFFE, s28;
	s31 =	sadd.s32 $0xFFFFFFFF, s28;
	v6 =	vld [tilespmem:s25+$0x60];
	v8 =	vsel vm1, v8, v10;
	vm2 =	vlt.s32 v2, $0x0;
	v11 =	vxor.u32 $0x7FFFFFFF, v2;
	[tilespmem:s26+$0x10040] =	vst v9  }
0x15f: {  	p3 =	slt.s32 s9, s24;
	p5 =	slt.s32 s8, s24;
	p1 =	slt.s32 s10, s24;
	v9 =	vsel vm3, v63, v14;
	[tilespmem:s26+$0x10050] =	vst v15;
	vm1 =	vlt.s32 v3, $0x0;
	v10 =	vxor.u32 $0x7FFFFFFF, v3  }
0x160: {  	v12 =	vld [tilespmem:s29+$0x70]  }
0x161: {  	[tilespmem:s26+$0x10060] =	vst v5;
	v7 =	vpsel !p2, $0x7FFFFFFF, v7;
	v49 =	vpsel !p5, $0x7FFFFFFF, v8  }
0x162: {  	v2 =	vsel vm2, v11, v2;
	v9 =	vpsel !p3, $0x7FFFFFFF, v9;
	v3 =	vsel vm1, v10, v3;
	v5 =	vld [tilespmem:s29+$0x0]  }
0x163: {  	v13 =	vld [tilespmem:s29+$0x10];
	vm7 =	vlt.s32 v4, $0x0;
	v51 =	vxor.u32 $0x7FFFFFFF, v4;
	v2 =	vpsel !p1, $0x7FFFFFFF, v2  }
0x164: {  	v14 =	vld [tilespmem:s29+$0x20];
	[tilespmem:s25+$0x10000] =	vst v7;
	v3 =	vpsel !p4, $0x7FFFFFFF, v3;
	v4 =	vsel vm7, v51, v4;
	vm3 =	vlt.s32 v6, $0x0  }
0x165: {  	p0 =	slt.s32 s1, s24;
	s0 =	sadd.s32 $0x8, s28;
	v50 =	vld [tilespmem:s29+$0x30];
	[tilespmem:s25+$0x10010] =	vst v49;
	v52 =	vxor.u32 $0x7FFFFFFF, v6;
	vm8 =	vlt.s32 v12, $0x0;
	v53 =	vxor.u32 $0x7FFFFFFF, v12  }
0x166: {  	p3 =	slt.s32 s31, s24;
	p4 =	slt.s32 s0, s24;
	v15 =	vld [tilespmem:s29+$0x40];
	[tilespmem:s25+$0x10020] =	vst v9;
	v4 =	vpsel !p0, $0x7FFFFFFF, v4;
	v6 =	vsel vm3, v52, v6;
	v7 =	vsel vm8, v53, v12  }
0x167: {  	v9 =	vld [tilespmem:s29+$0x50];
	[tilespmem:s25+$0x10030] =	vst v2;
	v2 =	vpsel !p3, $0x7FFFFFFF, v6;
	vm9 =	vlt.s32 v5, $0x0;
	v7 =	vpsel !p4, $0x7FFFFFFF, v7  }
0x168: {  	v55 =	vxor.u32 $0x7FFFFFFF, v5;
	vm10 =	vlt.s32 v13, $0x0;
	v56 =	vxor.u32 $0x7FFFFFFF, v13;
	[tilespmem:s29+$0x10070] =	vst v7  }
0x169: {  	s13 =	sadd.s32 $0xFFFFFFF9, s0;
	v54 =	vld [tilespmem:s29+$0x60];
	vm11 =	vlt.s32 v14, $0x0;
	v57 =	vxor.u32 $0x7FFFFFFF, v14;
	v5 =	vsel vm9, v55, v5;
	[tilespmem:s25+$0x10040] =	vst v3  }
0x16a: {  	s26 =	sadd.s32 $0xFFFFFFFB, s0;
	p5 =	slt.s32 s13, s24;
	vm12 =	vlt.s32 v50, $0x0;
	v58 =	vxor.u32 $0x7FFFFFFF, v50;
	v59 =	vsel vm11, v57, v14;
	[tilespmem:s25+$0x10050] =	vst v4  }
0x16b: {  	s8 =	sadd.s32 $0xFFFFFFFA, s0;
	s28 =	sadd.s32 $0xFFFFFFFC, s0;
	p2 =	slt.s32 s26, s24;
	vm13 =	vlt.s32 v15, $0x0;
	v60 =	vxor.u32 $0x7FFFFFFF, v15;
	[tilespmem:s25+$0x10060] =	vst v2;
	v2 =	vpsel !p5, $0x7FFFFFFF, v5  }
0x16c: {  	p6 =	slt.s32 s8, s24;
	p3 =	slt.s32 s28, s24;
	v61 =	vsel vm12, v58, v50;
	v3 =	vsel vm10, v56, v13;
	v4 =	vpsel !p2, $0x7FFFFFFF, v59;
	[tilespmem:s29+$0x10000] =	vst v2  }
0x16d: {  	s30 =	sadd.s32 $0xFFFFFFFD, s0;
	vm14 =	vlt.s32 v9, $0x0;
	v62 =	vpsel !p3, $0x7FFFFFFF, v61;
	v2 =	vpsel !p6, $0x7FFFFFFF, v3;
	[tilespmem:s29+$0x10020] =	vst v4  }
0x16e: {  	s31 =	sadd.s32 $0xFFFFFFFE, s0;
	p4 =	slt.s32 s30, s24;
	v3 =	vxor.u32 $0x7FFFFFFF, v9;
	vm15 =	vlt.s32 v54, $0x0;
	[tilespmem:s29+$0x10010] =	vst v2;
	v2 =	vsel vm13, v60, v15  }
0x16f: {  	s0 =	sadd.s32 $0xFFFFFFFF, s0;
	p5 =	slt.s32 s31, s24;
	v63 =	vxor.u32 $0x7FFFFFFF, v54;
	[tilespmem:s29+$0x10030] =	vst v62;
	v3 =	vsel vm14, v3, v9;
	v2 =	vpsel !p4, $0x7FFFFFFF, v2  }
0x170: {  	p6 =	slt.s32 s0, s24;
	v4 =	vsel vm15, v63, v54;
	v3 =	vpsel !p5, $0x7FFFFFFF, v3;
	[tilespmem:s29+$0x10040] =	vst v2  }
0x171: {  	s13 =	smov.u32 s14;
	v2 =	vpsel !p6, $0x7FFFFFFF, v4;
	[tilespmem:s29+$0x10050] =	vst v3  }
0x172: {  	s14 =	smov.u32 s15;
	s15 =	simm.s32 $0x14000;
	s8 =	simm.s32 $0x14010;
	[tilespmem:s29+$0x10060] =	vst v2  }
.LBB2_14:
.Ltmp10:
0x173: {  	(pc) =	sbr.rel .LBB2_15-.Ltmp10, $4  }
0x174: {  	_ = 	snop  }
0x175: {  	s1 =	sshll.u32 s21, $0xA  }
0x176: {  	s0 =	sxor.u32 $0x80000000, s23;
	s31 =	sxor.u32 $0x80000000, s22;
	v2 =	vimm.s32 $0x0;
	s21 =	sshra.s32 s1, $0x3  }
0x177: {  	s22 =	simm.s32 $0x0;
	v3 =	vimm.s32 $0x0;
	v4 =	vmov s0;
	v5 =	vmov s31;
	p0 =	slt.s32 s21, $0x1  }
.LBB2_18:
0x178: {  	vm0 =	vlt.s32 v14, v9;
	vm7 =	vlt.s32 v14, v8;
	vm9 =	vlt.s32 v12, v8  }
0x179: {  	vm10 =	vlt.s32 v15, v9;
	vm11 =	vlt.s32 v13, v9;
	vm12 =	vlt.s32 v13, v8  }
0x17a: {  	vm13 =	vlt.s32 v16, v9;
	vm14 =	vlt.s32 v16, v8;
	vm15 =	vlt.s32 v15, v8  }
0x17b: {  	v8 =	vsel vm8, $0x1, v0;
	v9 =	vsel vm5, $0x1, v0;
	v54 =	vsel vm4, $0x1, v0  }
0x17c: {  	v57 =	vsel vm6, $0x1, v0;
	v55 =	vsel vm11, $0x1, v0;
	v56 =	vsel vm0, $0x1, v0  }
0x17d: {  	v58 =	vsel vm13, $0x1, v0;
	v17 =	vsel vm14, $0x1, v0;
	v18 =	vsel vm10, $0x1, v0  }
0x17e: {  	v59 =	vsel vm15, $0x1, v0;
	v10 =	vadd.s32 v58, v10;
	v11 =	vadd.s32 v17, v11  }
0x17f: {  	v60 =	vsel vm12, $0x1, v0;
	v10 =	vadd.s32 v18, v10;
	v11 =	vadd.s32 v59, v11  }
0x180: {  	v61 =	vsel vm7, $0x1, v0;
	v10 =	vadd.s32 v55, v10;
	v11 =	vadd.s32 v60, v11  }
0x181: {  	v62 =	vsel vm9, $0x1, v0;
	v10 =	vadd.s32 v56, v10;
	v11 =	vadd.s32 v61, v11  }
0x182: {  	v63 =	vsel vm3, $0x1, v0;
	v10 =	vadd.s32 v57, v10;
	v11 =	vadd.s32 v62, v11  }
0x183: {  	v8 =	vadd.s32 v8, v10;
	v10 =	vadd.s32 v63, v11;
	v11 =	vsel vm2, $0x1, v0  }
0x184: {  	v8 =	vadd.s32 v9, v8;
	v9 =	vadd.s32 v11, v10;
	v10 =	vsel vm1, $0x1, v0  }
0x185: {  	v8 =	vadd.s32 v54, v8;
	v9 =	vadd.s32 v10, v9  }
.LBB2_19:
0x186: {  	s22 =	sadd.s32 $0x1, s22  }
0x187: {  	p1 =	sne.s32 s22, $0x20  }
.Ltmp11:
0x188: {  	_ = 	snop;
	(pc) =	sbr.rel @!p1 .LBB2_20-.Ltmp11, $3  }
0x189: {  	_ =	sdelay $0x1  }
0x18a: {  	vm0 =	vgt.s32 v8, v4;
	vm1 =	vgt.s32 v9, v5  }
0x18b: {  	v3 =	vsel vm0, v3, v6;
	v2 =	vsel vm1, v2, v7  }
.LBB2_15:
.Ltmp12:
0x18c: {  	(pc) =	sbr.rel @p0 .LBB2_19-.Ltmp12, $3  }
0x18d: {  	_ =	sdelay $0x1  }
0x18e: {  	s0 =	sshrl.u32 s18, s22;
	v8 =	vimm.s32 $0x0  }
0x18f: {  	v9 =	vimm.s32 $0x0;
	v6 =	vor.u32 s0, v3;
	v7 =	vor.u32 s0, v2  }
0x190: {  	s23 =	simm.s32 $0x4040  }
0x191: {  	v10 =	vld [tilespmem:s23+$0x30]  }
0x192: {  	v11 =	vld [tilespmem:s23+$0x20]  }
0x193: {  	v17 =	vld [tilespmem:s23+$0x10]  }
0x194: {  	v12 =	vld [tilespmem:s23+$0x0]  }
0x195: {  	p1 =	sne.s32 s21, $0x1;
	v14 =	vld [tilespmem:s23+$0xFFFFFFF0]  }
.Ltmp13:
0x196: {  	v13 =	vld [tilespmem:s23+$0xFFFFFFE0];
	(pc) =	sbr.rel @!p1 .LBB2_18-.Ltmp13, $4  }
0x197: {  	v9 =	vxor.u32 $0x80000000, v6;
	v8 =	vxor.u32 $0x80000000, v7;
	v15 =	vld [tilespmem:s23+$0xFFFFFFD0]  }
0x198: {  	v16 =	vld [tilespmem:s23+$0xFFFFFFC0];
	vm4 =	vlt.s32 v10, v9;
	vm5 =	vlt.s32 v11, v9;
	vm2 =	vlt.s32 v11, v8  }
0x199: {  	vm1 =	vlt.s32 v10, v8;
	vm6 =	vlt.s32 v12, v9;
	vm8 =	vlt.s32 v17, v9  }
0x19a: {  	s24 =	sadd.s32 $0xFFFFFFFF, s21;
	vm3 =	vlt.s32 v17, v8;
	v10 =	vimm.s32 $0x0;
	v11 =	vimm.s32 $0x0  }
.LBB2_17:
0x19b: {  	p1 =	sne.s32 s24, $0x1;
	vm10 =	vlt.s32 v14, v9;
	vm9 =	vlt.s32 v14, v8;
	vm7 =	vlt.s32 v12, v8  }
0x19c: {  	vm11 =	vlt.s32 v15, v9;
	vm12 =	vlt.s32 v13, v9;
	vm13 =	vlt.s32 v13, v8  }
0x19d: {  	vm14 =	vlt.s32 v16, v9;
	vm15 =	vlt.s32 v16, v8;
	vm0 =	vlt.s32 v15, v8  }
0x19e: {  	v15 =	vsel vm8, $0x1, v0;
	v16 =	vsel vm5, $0x1, v0;
	v17 =	vsel vm4, $0x1, v0  }
0x19f: {  	v18 =	vsel vm6, $0x1, v0;
	v12 =	vsel vm12, $0x1, v0;
	v13 =	vsel vm10, $0x1, v0  }
0x1a0: {  	s23 =	sadd.s32 $0x80, s23;
	v14 =	vsel vm14, $0x1, v0;
	v19 =	vsel vm15, $0x1, v0;
	v20 =	vsel vm11, $0x1, v0  }
0x1a1: {  	v10 =	vadd.s32 v14, v10;
	v11 =	vadd.s32 v19, v11;
	v14 =	vsel vm0, $0x1, v0;
	v21 =	vld [tilespmem:s23+$0x30]  }
0x1a2: {  	v10 =	vadd.s32 v20, v10;
	v11 =	vadd.s32 v14, v11;
	v14 =	vsel vm13, $0x1, v0;
	v19 =	vld [tilespmem:s23+$0x20]  }
0x1a3: {  	v10 =	vadd.s32 v12, v10;
	v11 =	vadd.s32 v14, v11;
	v14 =	vsel vm9, $0x1, v0;
	v20 =	vld [tilespmem:s23+$0x10]  }
0x1a4: {  	v10 =	vadd.s32 v13, v10;
	v11 =	vadd.s32 v14, v11;
	v13 =	vsel vm7, $0x1, v0;
	v12 =	vld [tilespmem:s23+$0x0]  }
0x1a5: {  	v10 =	vadd.s32 v18, v10;
	v11 =	vadd.s32 v13, v11;
	v18 =	vsel vm3, $0x1, v0;
	v14 =	vld [tilespmem:s23+$0xFFFFFFF0]  }
.Ltmp14:
0x1a6: {  	v10 =	vadd.s32 v15, v10;
	v11 =	vadd.s32 v18, v11;
	v18 =	vsel vm2, $0x1, v0;
	v13 =	vld [tilespmem:s23+$0xFFFFFFE0];
	(pc) =	sbr.rel @p1 .LBB2_17-.Ltmp14, $4  }
0x1a7: {  	v10 =	vadd.s32 v16, v10;
	v11 =	vadd.s32 v18, v11;
	v18 =	vsel vm1, $0x1, v0;
	v15 =	vld [tilespmem:s23+$0xFFFFFFD0]  }
0x1a8: {  	v10 =	vadd.s32 v17, v10;
	v11 =	vadd.s32 v18, v11;
	vm4 =	vlt.s32 v21, v9;
	v16 =	vld [tilespmem:s23+$0xFFFFFFC0]  }
0x1a9: {  	vm1 =	vlt.s32 v21, v8;
	vm5 =	vlt.s32 v19, v9;
	vm2 =	vlt.s32 v19, v8  }
0x1aa: {  	s24 =	sadd.s32 $0xFFFFFFFF, s24;
	vm8 =	vlt.s32 v20, v9;
	vm3 =	vlt.s32 v20, v8;
	vm6 =	vlt.s32 v12, v9  }
.Ltmp15:
0x1ab: {  	_ = 	snop;
	(pc) =	sbr.rel .LBB2_18-.Ltmp15, $1  }
0x1ac: {  	_ =	sdelay $0x3  }
.LBB2_20:
.Ltmp16:
0x1ad: {  	(pc) =	sbr.rel @p0 .LBB2_21-.Ltmp16, $2  }
0x1ae: {  	_ =	sdelay $0x2  }
0x1af: {  	v4 =	vimm.f32 $0.0e+00  }
0x1b0: {  	s22 =	simm.s32 $0x4040  }
0x1b1: {  	v5 =	vld [tilespmem:s22+$0x30]  }
0x1b2: {  	v6 =	vld [tilespmem:s22+$0x20]  }
0x1b3: {  	v8 =	vld [tilespmem:s22+$0x10]  }
0x1b4: {  	v7 =	vld [tilespmem:s22+$0x0]  }
0x1b5: {  	vm0 =	vlt.s32 v3, $0x0;
	v9 =	vand.u32 $0x7FFFFFFF, v3;
	v3 =	vxor.u32 $0xFFFFFFFF, v3;
	v10 =	vld [tilespmem:s22+$0xFFFFFFF0]  }
0x1b6: {  	p0 =	sne.s32 s21, $0x1;
	v3 =	vsel vm0, v9, v3;
	v11 =	vld [tilespmem:s22+$0xFFFFFFE0]  }
.Ltmp17:
0x1b7: {  	vm0 =	vlt.s32 v2, $0x0;
	v9 =	vand.u32 $0x7FFFFFFF, v2;
	v2 =	vxor.u32 $0xFFFFFFFF, v2;
	v12 =	vld [tilespmem:s22+$0xFFFFFFD0];
	(pc) =	sbr.rel @!p0 .LBB2_24-.Ltmp17, $4  }
0x1b8: {  	v13 =	vld [tilespmem:s22+$0xFFFFFFC0];
	v2 =	vsel vm0, v9, v2;
	v9 =	vimm.f32 $0.0e+00;
	vm1 =	vlt.s32 v5, $0x0  }
0x1b9: {  	vm3 =	vlt.s32 v6, $0x0;
	v14 =	vxor.u32 $0x7FFFFFFF, v6;
	v15 =	vxor.u32 $0x7FFFFFFF, v5  }
0x1ba: {  	vm2 =	vlt.s32 v7, $0x0;
	vm5 =	vlt.s32 v8, $0x0;
	v18 =	vxor.u32 $0x7FFFFFFF, v8  }
0x1bb: {  	s21 =	sadd.s32 $0xFFFFFFFF, s21;
	vm4 =	vlt.s32 v10, $0x0;
	v16 =	vxor.u32 $0x7FFFFFFF, v10;
	v17 =	vxor.u32 $0x7FFFFFFF, v7  }
.LBB2_23:
0x1bc: {  	p0 =	sne.s32 s21, $0x1;
	vm0 =	vlt.s32 v12, $0x0;
	vm6 =	vlt.s32 v11, $0x0;
	v19 =	vxor.u32 $0x7FFFFFFF, v11  }
0x1bd: {  	v21 =	vxor.u32 $0x7FFFFFFF, v12;
	vm7 =	vlt.s32 v13, $0x0;
	v20 =	vxor.u32 $0x7FFFFFFF, v13  }
0x1be: {  	v18 =	vsel vm5, v18, v8;
	v14 =	vsel vm3, v14, v6;
	v15 =	vsel vm1, v15, v5  }
0x1bf: {  	v6 =	vsel vm4, v16, v10;
	v7 =	vsel vm2, v17, v7;
	v5 =	vsel vm6, v19, v11  }
0x1c0: {  	v10 =	vsel vm0, v21, v12;
	vm1 =	vge.f32 v15, v3;
	v8 =	vsel vm7, v20, v13  }
0x1c1: {  	vm4 =	vge.f32 v7, v3;
	vm3 =	vge.f32 v18, v3;
	vm2 =	vge.f32 v14, v3  }
0x1c2: {  	vm6 =	vge.f32 v6, v3;
	vm0 =	vge.f32 v8, v3;
	vm5 =	vle.f32 v8, v2  }
0x1c3: {  	vm7 =	vge.f32 v5, v3;
	vm0 =	vmand vm0, vm5;
	vm5 =	vge.f32 v10, v3  }
0x1c4: {  	v8 =	vnsel vm0, $0x0, v8;
	v11 =	vsel vm0, $0x3F800000, v1;
	vm0 =	vle.f32 v10, v2  }
0x1c5: {  	v4 =	vadd.f32 v8, v4;
	v8 =	vadd.f32 v11, v9;
	vm0 =	vmand vm5, vm0  }
0x1c6: {  	v9 =	vnsel vm0, $0x0, v10;
	v10 =	vsel vm0, $0x3F800000, v1;
	vm0 =	vle.f32 v5, v2  }
0x1c7: {  	v4 =	vadd.f32 v9, v4;
	v8 =	vadd.f32 v10, v8;
	vm0 =	vmand vm7, vm0  }
0x1c8: {  	v5 =	vnsel vm0, $0x0, v5;
	v9 =	vsel vm0, $0x3F800000, v1;
	vm0 =	vle.f32 v6, v2  }
0x1c9: {  	v4 =	vadd.f32 v5, v4;
	v5 =	vadd.f32 v9, v8;
	vm0 =	vmand vm6, vm0  }
0x1ca: {  	v6 =	vnsel vm0, $0x0, v6;
	v8 =	vsel vm0, $0x3F800000, v1;
	vm0 =	vle.f32 v7, v2  }
0x1cb: {  	s22 =	sadd.s32 $0x80, s22;
	v4 =	vadd.f32 v6, v4;
	v8 =	vadd.f32 v8, v5;
	vm0 =	vmand vm4, vm0  }
0x1cc: {  	v7 =	vnsel vm0, $0x0, v7;
	v9 =	vsel vm0, $0x3F800000, v1;
	vm0 =	vle.f32 v18, v2;
	v5 =	vld [tilespmem:s22+$0x30]  }
0x1cd: {  	v4 =	vadd.f32 v7, v4;
	v9 =	vadd.f32 v9, v8;
	vm0 =	vmand vm3, vm0;
	v6 =	vld [tilespmem:s22+$0x20]  }
0x1ce: {  	v10 =	vnsel vm0, $0x0, v18;
	v11 =	vsel vm0, $0x3F800000, v1;
	vm0 =	vle.f32 v14, v2;
	v8 =	vld [tilespmem:s22+$0x10]  }
0x1cf: {  	v4 =	vadd.f32 v10, v4;
	v9 =	vadd.f32 v11, v9;
	vm0 =	vmand vm2, vm0;
	v7 =	vld [tilespmem:s22+$0x0]  }
0x1d0: {  	v12 =	vnsel vm0, $0x0, v14;
	v13 =	vsel vm0, $0x3F800000, v1;
	vm0 =	vle.f32 v15, v2;
	v10 =	vld [tilespmem:s22+$0xFFFFFFF0]  }
0x1d1: {  	v4 =	vadd.f32 v12, v4;
	v9 =	vadd.f32 v13, v9;
	vm0 =	vmand vm1, vm0;
	v11 =	vld [tilespmem:s22+$0xFFFFFFE0]  }
.Ltmp18:
0x1d2: {  	v14 =	vnsel vm0, $0x0, v15;
	v15 =	vsel vm0, $0x3F800000, v1;
	v12 =	vld [tilespmem:s22+$0xFFFFFFD0];
	(pc) =	sbr.rel @p0 .LBB2_23-.Ltmp18, $4  }
0x1d3: {  	v4 =	vadd.f32 v14, v4;
	v9 =	vadd.f32 v15, v9;
	vm1 =	vlt.s32 v5, $0x0;
	v13 =	vld [tilespmem:s22+$0xFFFFFFC0]  }
0x1d4: {  	v15 =	vxor.u32 $0x7FFFFFFF, v5;
	vm3 =	vlt.s32 v6, $0x0;
	v14 =	vxor.u32 $0x7FFFFFFF, v6  }
0x1d5: {  	vm5 =	vlt.s32 v8, $0x0;
	v18 =	vxor.u32 $0x7FFFFFFF, v8;
	vm2 =	vlt.s32 v7, $0x0  }
0x1d6: {  	s21 =	sadd.s32 $0xFFFFFFFF, s21;
	v17 =	vxor.u32 $0x7FFFFFFF, v7;
	vm4 =	vlt.s32 v10, $0x0;
	v16 =	vxor.u32 $0x7FFFFFFF, v10  }
.LBB2_24:
0x1d7: {  	vm0 =	vlt.s32 v12, $0x0;
	vm6 =	vlt.s32 v11, $0x0;
	v19 =	vxor.u32 $0x7FFFFFFF, v11  }
0x1d8: {  	v21 =	vxor.u32 $0x7FFFFFFF, v12;
	v8 =	vsel vm5, v18, v8;
	v6 =	vsel vm3, v14, v6  }
0x1d9: {  	v5 =	vsel vm1, v15, v5;
	v10 =	vsel vm4, v16, v10;
	v7 =	vsel vm2, v17, v7  }
0x1da: {  	vm7 =	vlt.s32 v13, $0x0;
	v20 =	vxor.u32 $0x7FFFFFFF, v13;
	v11 =	vsel vm6, v19, v11  }
0x1db: {  	v12 =	vsel vm0, v21, v12;
	vm1 =	vge.f32 v5, v3;
	vm0 =	vge.f32 v7, v3  }
0x1dc: {  	vm3 =	vge.f32 v8, v3;
	vm2 =	vge.f32 v6, v3;
	v13 =	vsel vm7, v20, v13  }
0x1dd: {  	vm13 =	vge.f32 v10, v3;
	vm11 =	vge.f32 v13, v3;
	vm12 =	vle.f32 v13, v2  }
0x1de: {  	vm14 =	vge.f32 v12, v3;
	vm15 =	vge.f32 v11, v3;
	vm4 =	vmand vm11, vm12  }
0x1df: {  	vm9 =	vle.f32 v12, v2;
	v3 =	vnsel vm4, $0x0, v13;
	v55 =	vsel vm4, $0x3F800000, v1  }
0x1e0: {  	vm4 =	vmand vm14, vm9;
	v3 =	vadd.f32 v3, v4;
	v4 =	vadd.f32 v55, v9  }
0x1e1: {  	vm10 =	vle.f32 v11, v2;
	v56 =	vnsel vm4, $0x0, v12;
	v57 =	vsel vm4, $0x3F800000, v1  }
0x1e2: {  	vm4 =	vmand vm15, vm10;
	v3 =	vadd.f32 v56, v3;
	v4 =	vadd.f32 v57, v4  }
0x1e3: {  	vm11 =	vle.f32 v10, v2;
	v58 =	vnsel vm4, $0x0, v11;
	v59 =	vsel vm4, $0x3F800000, v1  }
0x1e4: {  	vm4 =	vmand vm13, vm11;
	v3 =	vadd.f32 v58, v3;
	v4 =	vadd.f32 v59, v4  }
0x1e5: {  	vm12 =	vle.f32 v7, v2;
	v60 =	vnsel vm4, $0x0, v10;
	v61 =	vsel vm4, $0x3F800000, v1  }
0x1e6: {  	vm0 =	vmand vm0, vm12;
	v3 =	vadd.f32 v60, v3;
	v4 =	vadd.f32 v61, v4  }
0x1e7: {  	v7 =	vnsel vm0, $0x0, v7;
	v62 =	vsel vm0, $0x3F800000, v1;
	vm13 =	vle.f32 v8, v2  }
0x1e8: {  	vm0 =	vmand vm3, vm13;
	v3 =	vadd.f32 v7, v3;
	v4 =	vadd.f32 v62, v4  }
0x1e9: {  	vm14 =	vle.f32 v6, v2;
	v63 =	vsel vm0, $0x3F800000, v1;
	v7 =	vnsel vm0, $0x0, v8  }
0x1ea: {  	vm0 =	vmand vm2, vm14;
	v3 =	vadd.f32 v7, v3;
	v4 =	vadd.f32 v63, v4  }
.Ltmp19:
0x1eb: {  	vm15 =	vle.f32 v5, v2;
	v6 =	vnsel vm0, $0x0, v6;
	v7 =	vsel vm0, $0x3F800000, v1;
	(pc) =	sbr.rel .LBB2_25-.Ltmp19, $3  }
0x1ec: {  	vm0 =	vmand vm1, vm15;
	v2 =	vadd.f32 v6, v3;
	v3 =	vadd.f32 v7, v4  }
0x1ed: {  	v4 =	vnsel vm0, $0x0, v5;
	v5 =	vsel vm0, $0x3F800000, v1  }
0x1ee: {  	v4 =	vadd.f32 v4, v2;
	v2 =	vadd.f32 v5, v3;
	_ =	sdelay $0x1  }
.LBB2_26:
0x1ef: {  	_ =	sfence.sel $0x180000  }
0x1f0: {  	[bflag:$0x0] =	sbarrier.arrive $0xFFFF  }
0x1f1: {  	_ =	strace $0x9000004A  }
0x1f2: {  	s0 =	stileid.u32;
	[bflag:$0x2] =	sbarrier.arrive $0xFFFF  }
0x1f3: {  	p0 =	sne.s32 s0, $0x0;
	s0 =	rddreg [dreg:$0x2]  }
0x1f4: {  	s0 =	sadd.s32 @!p0 $0x100000, s0  }
0x1f5: {  	[sflag:s0] =	ssyncadd.tile.s32 @!p0 $0x1;
	_ =	shalt  }
.Lfunc_end2:
_tile_overlayer_lowered:
.L_overlay_start_2:
0x1f6: {  	(tag) =	ssettag $0x2  }
0x1f7: {  	s0 =	rddreg [dreg:$0x0];
	s2 =	stileid.u32  }
0x1f8: {  	s1 =	rddreg [dreg:$0x1];
	p0 =	sne.s32 s2, $0x0  }
0x1f9: {  	s3 =	rddreg [dreg:$0x2];
	[bflag:$0x3] =	sbarrier.arrive $0xFFFF;
	s2 =	simm.s32 @!p0 $0x1C01  }
0x1fa: {  	[timem:s3], [sflag:s2] =	dma.local @!p0 [hbm:s0], s1  }
0x1fb: {  	s0 =	simm.s32 @!p0 $0x1  }
0x1fc: {  	_ =	swait.ge @!p0 [sflag:s0], s1  }
0x1fd: {  	s1 =	ssub.s32 @!p0 $0x0, s1;
	[sflag:s0] =	ssyncset.done @!p0 $0x0  }
0x1fe: {  	[sflag:s0] =	ssyncadd.s32 @!p0 s1  }
0x1ff: {  	[bflag:$0x3] =	sbarrier.arrive $0xFFFF  }
0x200: {  	_ =	shalt  }

// kernel: sparse-core-data-format-call.cloned.1.call-start
scs
called_computation_lowered:
.L_overlay_start_0:
0x0: {  	s2 =	sld [smem:$0x3FD9]  }
0x1: {  	s3 =	sld [smem:$0x3FFE];
	_ =	sdelay $0x1  }
0x2: {  	s1 =	srdreg.scid  }
0x3: {  	s0 =	sand.u32 $0x1, s1  }
0x4: {  	s18 =	sshll.u32 s0, $0xA;
	s2 =	sadd.s32 s3, s2  }
0x5: {  	s2 =	sadd.s32 s2, s18  }
0x6: {  	[smem:$0x3FC6] =	sst s2  }
0x7: {  	_ = 	snop  }
0x8: {  	s2 =	sld [smem:$0x3FC9];
	(tm) =	ssettm $0x1  }
0x9: {  	s19 =	sld [smem:$0x3FFB];
	_ =	sdelay $0x3  }
0xa: {  	_ =	strace s19  }
0xb: {  	s3 =	sld [smem:$0x3FFC];
	_ =	sdelay $0x3  }
0xc: {  	_ =	strace s3  }
0xd: {  	s3 =	sld [smem:$0x3FFD];
	_ =	sdelay $0x3  }
0xe: {  	_ =	strace s3  }
0xf: {  	_ =	strace $0x8FFFFFFF  }
0x10: {  	s20 =	sld [smem:$0x3FDB];
	_ =	sdelay $0x1  }
0x11: {  	s4 =	simm.s32 $_scs_section_size  }
0x12: {  	s5 =	simm.s32 $_size__tile_overlayer_lowered;
	s6 =	simm.s32 $_tile_overlayer_lowered  }
0x13: {  	s23 =	simm.s32 $0x1BFF;
	s22 =	sshll.u32 s6, $0x1;
	s3 =	sadd.s32 s4, s20  }
0x14: {  	s7 =	simm.s32 $0x0;
	s21 =	sshll.u32 s5, $0x1;
	s5 =	sadd.s32 s22, s3  }
0x15: {  	[timem:s7], [sflag:s23] =	dma.local [hbm:s5], s21  }
0x16: {  	_ =	swait.ge [sflag:s23], s21  }
0x17: {  	s4 =	ssub.s32 $0x0, s21;
	[sflag:s23] =	ssyncset.done $0x0  }
0x18: {  	[sflag:s23] =	ssyncadd.s32 s4;
	_ =	sdelay $0x1  }
0x19: {  	s24 =	simm.s32 $0x1B8B  }
0x1a: {  	_ =	swait.ge [sflag:s24], $0x1  }
0x1b: {  	[sflag:s24] =	ssyncset.done $0x0  }
0x1c: {  	s26 =	simm.s32 $0x1B8E;
	s25 =	sld [smem:$0x3FFE];
	[sflag:s24] =	ssyncadd.s32 $0xFFFFFFFF  }
0x1d: {  	s27 =	simm.s32 $execute0_lowered;
	[smem:$0x3FD2] =	sst s26  }
0x1e: {  	s5 =	sshll.u32 s27, $0x1;
	_ =	strace $0x80000046;
	[dreg:$0x1] =	wrdreg $0xFFFFFFFF  }
0x1f: {  	s28 =	simm.s32 $_size_execute0_lowered;
	s3 =	sadd.s32 s3, s5;
	[dreg:$0x0] =	wrdreg $0x0  }
0x20: {  	s5 =	sshll.u32 s28, $0x1;
	[dreg:$0x2] =	wrdreg s3  }
0x21: {  	[dreg:$0x3] =	wrdreg s5  }
0x22: {  	[dreg:$0x4] =	wrdreg $0xC0  }
0x23: {  	_ =	task [dreg:s7], $0x5FFFF  }
0x24: {  	[dreg:$0x1] =	wrdreg $0xFFFFFFFF  }
0x25: {  	[dreg:$0x0] =	wrdreg $0x60  }
0x26: {  	[dreg:$0x2] =	wrdreg s2  }
0x27: {  	[dreg:$0x3] =	wrdreg s25  }
0x28: {  	[dreg:$0x4] =	wrdreg $0x9  }
0x29: {  	_ =	task.clear_ibuf [dreg:s7], $0x5FFFF;
	_ =	strace $0x90000046  }
0x2a: {  	s29 =	simm.s32 $0x9;
	_ =	strace $0x80000048  }
0x2b: {  	_ =	swait.ge [sflag:s29], $0x1  }
0x2c: {  	[sflag:s29] =	ssyncadd.s32 $0xFFFFFFFF  }
0x2d: {  	_ =	strace $0x90000048  }
0x2e: {  	_ =	sfence  }
0x2f: {  	s30 =	sld [smem:$0x0];
	_ =	sdelay $0x2  }
0x30: {  	s31 =	sshll.u32 s1, $0xD;
	s1 =	sshrl.u32 s1, $0x2  }
0x31: {  	s3 =	sand.u32 $0x4000, s31;
	s1 =	sadd.s32 s1, s30  }
0x32: {  	s0 =	sor.u32 s3, s0;
	s1 =	sshll.u32 s1, $0x11  }
0x33: {  	s0 =	sor.u32 s1, s0  }
0x34: {  	s0 =	sadd.s32 $0x8F2B, s0  }
0x35: {  	[sflag:s0] =	ssyncadd.remote.s32 $0x1  }
0x36: {  	_ =	sfence.sel $0xFFFF  }
0x37: {  	[dreg:$0x0] =	wrdreg $0xFFFFFFFF;
	(pc) =	sbr.abs _section_cstart, $3  }
0x38: {  	[dreg:$0x1] =	wrdreg $0xFFFFFFFF  }
0x39: {  	_ =	task.clear_ibuf [dreg:s7], $0x2FFFF;
	_ =	strace $0x9FFFFFFF  }
0x3a: {  	(tm) =	ssettm $0x7FFFFFFF  }
0x3b: {  	_ =	shalt  }
tec
execute0_lowered:
.L_overlay_start_1:
0x0: {  	(tag) =	ssettag $0x1  }
0x1: {  	s0 =	srdreg.scid  }
0x2: {  	s1 =	sshll.u32 s0, $0x4  }
0x3: {  	s2 =	rddreg [dreg:$0x0];
	s0 =	stileid.u32;
	s1 =	sand.u32 $0x10, s1  }
0x4: {  	s4 =	rddreg [dreg:$0x1];
	s7 =	simm.s32 $0x1;
	s1 =	sor.u32 s0, s1  }
0x5: {  	s8 =	simm.s32 $0x2;
	s9 =	simm.s32 $0x0;
	s3 =	sshll.u32 s1, $0x1  }
0x6: {  	s12 =	simm.s32 $0x0;
	s11 =	simm.s32 $0x0;
	s6 =	ssub.s32 $0x2000, s3  }
.Ltmp0:
0x7: {  	s4 =	sadd.s32 $0x1400, s4;
	s5 =	sand.u32 $0x3E, s6;
	(pc) =	sbr.rel .LBB1_1-.Ltmp0, $4  }
0x8: {  	s1 =	rddreg [dreg:$0x2];
	_ =	strace $0x80000047;
	p0 =	sne.s32 s5, $0x0  }
0x9: {  	s6 =	sshrl.u32 s6, $0x6;
	s5 =	simm.s32 $0x1;
	s7 =	simm.s32 @!p0 $0x0  }
0xa: {  	s10 =	smov.u32 s3;
	[sflag:s5] =	ssyncpa.u1 $0x0;
	s6 =	sadd.s32 s7, s6  }
0xb: {  	[sflag:s8] =	ssyncpa.u1 $0x0;
	s8 =	simm.s32 $0x0;
	s7 =	sadd.s32 $0x1, s6  }
.LBB1_9:
0xc: {  	s14 =	sadd.s32 $0x40, s10  }
0xd: {  	p1 =	sgt.s32 s14, $0x1FFF  }
0xe: {  	s14 =	smov.u32 @p1 s3;
	p1 =	sne.s32 s11, s7  }
.Ltmp1:
0xf: {  	p0 =	slt.u32 s11, $0x2;
	(pc) =	sbr.rel @!p1 .LBB1_10-.Ltmp1, $4  }
0x10: {  	s13 =	simm.s32 @!p0 $0x2  }
0x11: {  	s15 =	sadd.s32 $0x1, s11;
	_ =	swait.ge @!p0 [sflag:s13], $0x4000  }
0x12: {  	s12 =	smov.u32 s10;
	s9 =	sadd.s32 $0x4000, s9;
	[sflag:s13] =	ssyncset.done @!p0 $0x0  }
0x13: {  	s11 =	smov.u32 s15;
	s10 =	smov.u32 s14;
	[sflag:s13] =	ssyncadd.s32 @!p0 $0xFFFFC000  }
.LBB1_1:
0x14: {  	p0 =	sge.u32 s11, s6  }
0x15: {  	s13 =	sxor.u32 @!p0 $0xFFFFFFFF, s11  }
0x16: {  	s31 =	sadd.s32 $0xFFFFFFFF, s11;
	s14 =	sshll.u32 @!p0 s10, $0xA;
	s13 =	sshll.u32 @!p0 s13, $0xE  }
0x17: {  	s15 =	simm.s32 @!p0 $0x0;
	s14 =	sadd.s32 @!p0 s2, s14;
	s13 =	sand.u32 @!p0 $0x4000, s13  }
0x18: {  	[tilespmem:s13], [sflag:$0x1] =	stream.linear.gather @!p0 [hbm4b:s14+s15], $0x4000, $0x38;
	[tilespmem:$0x10000] =	vst v63  }
0x19: {  	p0 =	sge.u32 s31, s6  }
.Ltmp2:
0x1a: {  	_ = 	snop;
	(pc) =	sbr.rel @p0 .LBB1_9-.Ltmp2, $1  }
0x1b: {  	_ =	sdelay $0x3  }
0x1c: {  	s13 =	sshll.u32 s9, $0x2  }
0x1d: {  	_ =	swait.ge [sflag:s5], $0x4000;
	s14 =	sshll.u32 s11, $0xE;
	s16 =	simm.s32 $0x0  }
0x1e: {  	p1 =	por $0x1, $0x1;
	s13 =	sand.u32 $0x10000, s13;
	[sflag:s5] =	ssyncset.done $0x0  }
0x1f: {  	s14 =	sand.u32 $0x4000, s14;
	s15 =	sshrl.u32 s13, $0x2;
	[sflag:s5] =	ssyncadd.s32 $0xFFFFC000  }
0x20: {  	s13 =	sor.u32 $0x8000, s14;
	s14 =	sadd.s32 $0x8040, s15;
	s15 =	sadd.s32 $0x40, s15  }
.LBB1_3:
0x21: {  	s16 =	sshll.u32 s16, $0x2  }
0x22: {  	p0 =	por p1, p1;
	s17 =	sshra.s32 s16, $0x2  }
0x23: {  	s18 =	simm.s32 $0x0;
	s16 =	sadd.s32 s17, s14;
	s17 =	sadd.s32 s17, s15  }
.LBB1_4:
0x24: {  	v0 =	vmov s17;
	_ =	sdelay $0x3  }
0x25: {  	s20 =	simm.s32 $0x0  }
0x26: {  	v6 =	vld.idx.msk [tilespmem:v0+s20+$0x30 ss:$0x1], $0xffff  }
0x27: {  	v7 =	vld.idx.msk [tilespmem:v0+s20+$0xFFFFFFC0 ss:$0x1], $0xffff  }
0x28: {  	v5 =	vld.idx.msk [tilespmem:v0+s20+$0xFFFFFFD0 ss:$0x1], $0xffff  }
0x29: {  	v4 =	vld.idx.msk [tilespmem:v0+s20+$0xFFFFFFE0 ss:$0x1], $0xffff  }
0x2a: {  	v3 =	vld.idx.msk [tilespmem:v0+s20+$0xFFFFFFF0 ss:$0x1], $0xffff  }
0x2b: {  	v1 =	vld.idx.msk [tilespmem:v0+s20+$0x0 ss:$0x1], $0xffff  }
0x2c: {  	v2 =	vld.idx.msk [tilespmem:v0+s20+$0x10 ss:$0x1], $0xffff;
	[tilespmem:s16+$0x30] =	vst v6  }
0x2d: {  	s19 =	simm.s32 $0x80;
	s21 =	simm.s32 $0x400;
	[tilespmem:s16+$0xFFFFFFC0] =	vst v7;
	v6 =	vld.idx.msk [tilespmem:v0+s20+$0x20 ss:$0x1], $0xffff;
	s20 =	smov.u32 s16  }
.LBB1_5:
0x2e: {  	p1 =	sne.s32 s21, $0xE00;
	v7 =	vld.idx.msk [tilespmem:v0+s19+$0x30 ss:$0x1], $0xffff;
	[tilespmem:s20+$0xFFFFFFD0] =	vst v5  }
0x2f: {  	v8 =	vld.idx.msk [tilespmem:v0+s19+$0xFFFFFFC0 ss:$0x1], $0xffff;
	[tilespmem:s20+$0xFFFFFFE0] =	vst v4  }
0x30: {  	v5 =	vld.idx.msk [tilespmem:v0+s19+$0xFFFFFFD0 ss:$0x1], $0xffff;
	[tilespmem:s20+$0xFFFFFFF0] =	vst v3  }
.Ltmp3:
0x31: {  	v4 =	vld.idx.msk [tilespmem:v0+s19+$0xFFFFFFE0 ss:$0x1], $0xffff;
	[tilespmem:s20+$0x0] =	vst v1;
	(pc) =	sbr.rel @p1 .LBB1_5-.Ltmp3, $4  }
0x32: {  	v3 =	vld.idx.msk [tilespmem:v0+s19+$0xFFFFFFF0 ss:$0x1], $0xffff;
	[tilespmem:s20+$0x10] =	vst v2  }
0x33: {  	v1 =	vld.idx.msk [tilespmem:v0+s19+$0x0 ss:$0x1], $0xffff;
	[tilespmem:s20+$0x20] =	vst v6;
	s20 =	sadd.s32 $0x400, s20  }
0x34: {  	v2 =	vld.idx.msk [tilespmem:v0+s19+$0x10 ss:$0x1], $0xffff;
	[tilespmem:s20+$0x30] =	vst v7  }
0x35: {  	[tilespmem:s20+$0xFFFFFFC0] =	vst v8;
	v6 =	vld.idx.msk [tilespmem:v0+s19+$0x20 ss:$0x1], $0xffff;
	s19 =	sshra.s32 s21, $0x2;
	s21 =	sadd.s32 $0x200, s21  }
0x36: {  	_ =	sdelay $0x2  }
0x37: {  	[tilespmem:s20+$0xFFFFFFD0] =	vst v5  }
0x38: {  	v56 =	vld.idx.msk [tilespmem:v0+s19+$0x30 ss:$0x1], $0xffff;
	[tilespmem:s20+$0xFFFFFFE0] =	vst v4  }
0x39: {  	v57 =	vld.idx.msk [tilespmem:v0+s19+$0xFFFFFFC0 ss:$0x1], $0xffff;
	[tilespmem:s20+$0xFFFFFFF0] =	vst v3  }
0x3a: {  	v58 =	vld.idx.msk [tilespmem:v0+s19+$0xFFFFFFD0 ss:$0x1], $0xffff;
	[tilespmem:s20+$0x0] =	vst v1  }
0x3b: {  	v59 =	vld.idx.msk [tilespmem:v0+s19+$0xFFFFFFE0 ss:$0x1], $0xffff;
	[tilespmem:s20+$0x10] =	vst v2  }
0x3c: {  	v60 =	vld.idx.msk [tilespmem:v0+s19+$0xFFFFFFF0 ss:$0x1], $0xffff;
	s31 =	sadd.s32 $0x400, s20;
	[tilespmem:s20+$0x20] =	vst v6  }
0x3d: {  	v61 =	vld.idx.msk [tilespmem:v0+s19+$0x0 ss:$0x1], $0xffff;
	[tilespmem:s31+$0x30] =	vst v56  }
0x3e: {  	v62 =	vld.idx.msk [tilespmem:v0+s19+$0x10 ss:$0x1], $0xffff;
	s18 =	sadd.s32 $0x1, s18;
	[tilespmem:s31+$0xFFFFFFC0] =	vst v57  }
0x3f: {  	v63 =	vld.idx.msk [tilespmem:v0+s19+$0x20 ss:$0x1], $0xffff;
	p1 =	sne.s32 s18, $0x8;
	[tilespmem:s31+$0xFFFFFFD0] =	vst v58  }
.Ltmp4:
0x40: {  	[tilespmem:s31+$0xFFFFFFE0] =	vst v59;
	(pc) =	sbr.rel @p1 .LBB1_4-.Ltmp4, $4  }
0x41: {  	[tilespmem:s31+$0xFFFFFFF0] =	vst v60  }
0x42: {  	[tilespmem:s31+$0x0] =	vst v61  }
0x43: {  	[tilespmem:s31+$0x10] =	vst v62  }
0x44: {  	s16 =	sadd.s32 $0x80, s16;
	s17 =	sadd.s32 $0x400, s17;
	[tilespmem:s31+$0x20] =	vst v63  }
.Ltmp5:
0x45: {  	(pc) =	sbr.rel @p0 .LBB1_3-.Ltmp5, $2  }
0x46: {  	_ =	sdelay $0x2  }
0x47: {  	s16 =	simm.s32 $0x2000;
	p1 =	por $0x0, $0x0  }
.Ltmp6:
0x48: {  	(pc) =	sbr.rel .LBB1_9-.Ltmp6, $4  }
0x49: {  	_ = 	snop  }
0x4a: {  	s12 =	sshll.u32 s12, $0xA  }
0x4b: {  	s12 =	sadd.s32 s4, s12  }
0x4c: {  	[hbm4b:s12+s8] =	stream.linear.scatter [tilespmem:s13], [sflag:$0x2], $0x4000, $0x38;
	[tilespmem:$0x10000] =	vst v63  }
.LBB1_10:
0x4d: {  	_ =	sfence.sel $0x180000  }
0x4e: {  	s2 =	simm.s32 $0x1;
	[bflag:$0x0] =	sbarrier.arrive $0xFFFF  }
0x4f: {  	s31 =	simm.s32 $0x2;
	[sflag:s2] =	ssyncpa.u1 $0x1  }
0x50: {  	[sflag:s31] =	ssyncpa.u1 $0x1  }
0x51: {  	p0 =	sne.s32 s0, $0x0;
	_ =	strace $0x90000047  }
0x52: {  	s0 =	sadd.s32 @!p0 $0x100000, s1;
	[bflag:$0x2] =	sbarrier.arrive $0xFFFF  }
0x53: {  	[sflag:s0] =	ssyncadd.tile.s32 @!p0 $0x1;
	_ =	shalt  }
.Lfunc_end1:
_tile_overlayer_lowered:
.L_overlay_start_2:
0x54: {  	(tag) =	ssettag $0x2  }
0x55: {  	s0 =	rddreg [dreg:$0x0];
	s2 =	stileid.u32  }
0x56: {  	s1 =	rddreg [dreg:$0x1];
	p0 =	sne.s32 s2, $0x0  }
0x57: {  	s3 =	rddreg [dreg:$0x2];
	[bflag:$0x3] =	sbarrier.arrive $0xFFFF;
	s2 =	simm.s32 @!p0 $0x1C01  }
0x58: {  	[timem:s3], [sflag:s2] =	dma.local @!p0 [hbm:s0], s1  }
0x59: {  	s0 =	simm.s32 @!p0 $0x1  }
0x5a: {  	_ =	swait.ge @!p0 [sflag:s0], s1  }
0x5b: {  	s1 =	ssub.s32 @!p0 $0x0, s1;
	[sflag:s0] =	ssyncset.done @!p0 $0x0  }
0x5c: {  	[sflag:s0] =	ssyncadd.s32 @!p0 s1  }
0x5d: {  	[bflag:$0x3] =	sbarrier.arrive $0xFFFF  }
0x5e: {  	_ =	shalt  }

</sc_bundles>
